<compile_context>
chip_gen: v7x
topology: tpu7x:2x2x1
jax: 0.10.2.dev20260603
libtpu: 0.0.44.dev20260713+nightly
codegen_flags: <defaults>
</compile_context>

<pallas_src>
import functools

import jax
import jax.numpy as jnp
from jax import lax
from jax.experimental import pallas as pl
from jax.experimental.pallas import tpu as pltpu
from jax.experimental.pallas import tpu_sc as plsc

B = 4096
NNEG = 64
D = 64
NREL = 1000
PW = 2 * D

NC = 2
NS = 16
NW = NC * NS
CHUNK = B // NW
KB = 2
NCH = CHUNK // KB
RPC = KB * NNEG

LN2 = 0.6931471805599453


def _log1p(y):
    x = 1.0 + y
    xb = plsc.bitcast(x, jnp.int32)
    e = ((xb >> 23) & 0xFF) - 127
    mb = (xb & 0x7FFFFF) | 0x3F800000
    m = plsc.bitcast(mb, jnp.float32)
    z = (m - 1.0) / (m + 1.0)
    z2 = z * z
    p = 2.0 * z * (1.0 + z2 * (1.0 / 3.0 + z2 * (1.0 / 5.0 + z2 * (1.0 / 7.0 + z2 * (1.0 / 9.0)))))
    return e.astype(jnp.float32) * LN2 + p


def _sqrt(x):
    xb = plsc.bitcast(x, jnp.int32)
    yb = 0x5F3759DF - (xb >> 1)
    y = plsc.bitcast(yb, jnp.float32)
    for _ in range(3):
        y = y * (1.5 - 0.5 * x * y * y)
    return jnp.where(x > 0.0, x * y, 0.0)


def _sc_kernel(heads, rels, tails, negf, counts, ent, relt, cs,
               pos_o, neg_o,
               hidx_v, tidx_v, ridx_v, negidx_v, cnt_v, cs_v, s_v,
               hrow_v, trow_v, rrow_v, nbuf0, nbuf1, sq_v, pos_sq_v,
               pos_stage, neg_stage, sem, sem0, sem1):
    wid = lax.axis_index("s") * NC + lax.axis_index("c")
    base = wid * CHUNK
    nbufs = (nbuf0, nbuf1)
    sems = (sem0, sem1)

    pltpu.sync_copy(heads.at[pl.ds(base, CHUNK)], hidx_v)
    pltpu.sync_copy(tails.at[pl.ds(base, CHUNK)], tidx_v)
    pltpu.sync_copy(rels.at[pl.ds(base, CHUNK)], ridx_v)
    pltpu.sync_copy(negf.at[pl.ds(base * NNEG, CHUNK * NNEG)], negidx_v)
    pltpu.sync_copy(counts.at[pl.ds(base, CHUNK)], cnt_v)
    pltpu.sync_copy(cs, cs_v)

    c1 = pltpu.async_copy(ent.at[hidx_v], hrow_v, sem)
    c2 = pltpu.async_copy(ent.at[tidx_v], trow_v, sem)
    c3 = pltpu.async_copy(relt.at[ridx_v], rrow_v, sem)
    c1.wait()
    c2.wait()
    c3.wait()

    lane = lax.iota(jnp.int32, 16)
    lane0 = lane == 0

    for g in range(CHUNK // 16):
        rv = ridx_v[pl.ds(g * 16, 16)]
        csg = plsc.load_gather(cs_v, [rv])
        cg = cnt_v[pl.ds(g * 16, 16)]
        s_v[pl.ds(g * 16, 16)] = 1.0 + _log1p(cg * csg)

    def neg_copy(c, p):
        return pltpu.make_async_copy(
            ent.at[negidx_v.at[pl.ds(c * RPC, RPC)]], nbufs[p], sems[p])

    neg_copy(0, 0).start()
    neg_copy(1, 1).start()

    def chunk_pair_body(c2, carry):
        for p in range(2):
            _chunk(c2 * 2 + p, nbufs[p], sems[p], p)
        return carry

    def _chunk(c, nbuf, sem2, p):
        neg_copy(c, p).wait()
        for ii in range(KB):
            i = c * KB + ii
            idx16 = jnp.full((16,), i, jnp.int32)
            s_sp = plsc.load_gather(s_v, [idx16])
            z = [hrow_v[i, pl.ds(g * 16, 16)] + s_sp * rrow_v[i, pl.ds(g * 16, 16)]
                 for g in range(4)]
            acc = None
            for g in range(4):
                d = z[g] - trow_v[i, pl.ds(g * 16, 16)]
                acc = d * d if acc is None else acc + d * d
            plsc.store_scatter(pos_sq_v, [idx16],
                               jnp.broadcast_to(jnp.sum(acc), (16,)), mask=lane0)

            def neg_body(jj, _, _z=z, _ii=ii):
                for u in range(16):
                    r = _ii * NNEG + jj * 16 + u
                    a = None
                    for g in range(4):
                        d = _z[g] - nbuf[r, pl.ds(g * 16, 16)]
                        a = d * d if a is None else a + d * d
                    plsc.store_scatter(sq_v, [jnp.full((16,), r, jnp.int32)],
                                       jnp.broadcast_to(jnp.sum(a), (16,)),
                                       mask=lane0)
                return 0

            lax.fori_loop(0, NNEG // 16, neg_body, 0)

        @pl.when(c + 2 < NCH)
        def _():
            neg_copy(c + 2, p).start()

        for g in range(RPC // 16):
            v = sq_v[pl.ds(g * 16, 16)]
            neg_stage[pl.ds(c * RPC + g * 16, 16)] = _sqrt(v)

    lax.fori_loop(0, NCH // 2, chunk_pair_body, 0)

    for g in range(CHUNK // 16):
        pos_stage[pl.ds(g * 16, 16)] = _sqrt(pos_sq_v[pl.ds(g * 16, 16)])

    pltpu.sync_copy(pos_stage, pos_o.at[pl.ds(base, CHUNK)])
    pltpu.sync_copy(neg_stage, neg_o.at[pl.ds(base * NNEG, CHUNK * NNEG)])


@jax.jit
def _run(heads, relations, tails, neg_flat, counts, ent_table, rel_table, count_scale):
    ent_table = jnp.pad(ent_table, ((0, 0), (0, PW - D)))
    rel_table = jnp.pad(rel_table, ((0, 0), (0, PW - D)))
    mesh = plsc.VectorSubcoreMesh(core_axis_name="c", subcore_axis_name="s")
    k = functools.partial(
        pl.kernel,
        mesh=mesh,
        compiler_params=pltpu.CompilerParams(needs_layout_passes=False,
                                             use_tc_tiling_on_sc=False),
        out_type=[
            jax.ShapeDtypeStruct((B,), jnp.float32),
            jax.ShapeDtypeStruct((B * NNEG,), jnp.float32),
        ],
        scratch_types=[
            pltpu.VMEM((CHUNK,), jnp.int32),
            pltpu.VMEM((CHUNK,), jnp.int32),
            pltpu.VMEM((CHUNK,), jnp.int32),
            pltpu.VMEM((CHUNK * NNEG,), jnp.int32),
            pltpu.VMEM((CHUNK,), jnp.float32),
            pltpu.VMEM((NREL,), jnp.float32),
            pltpu.VMEM((CHUNK,), jnp.float32),
            pltpu.VMEM((CHUNK, PW), jnp.float32),
            pltpu.VMEM((CHUNK, PW), jnp.float32),
            pltpu.VMEM((CHUNK, PW), jnp.float32),
            pltpu.VMEM((RPC, PW), jnp.float32),
            pltpu.VMEM((RPC, PW), jnp.float32),
            pltpu.VMEM((RPC,), jnp.float32),
            pltpu.VMEM((CHUNK,), jnp.float32),
            pltpu.VMEM((CHUNK,), jnp.float32),
            pltpu.VMEM((CHUNK * NNEG,), jnp.float32),
            pltpu.SemaphoreType.DMA,
            pltpu.SemaphoreType.DMA,
            pltpu.SemaphoreType.DMA,
        ],
    )(_sc_kernel)
    return k(heads, relations, tails, neg_flat, counts, ent_table, rel_table, count_scale)


def kernel(heads, relations, tails, neg_tails, counts, ent_table, rel_table, count_scale):
    neg_flat = neg_tails.reshape(-1).astype(jnp.int32)
    pos_flat, neg_score_flat = _run(
        heads.astype(jnp.int32), relations.astype(jnp.int32),
        tails.astype(jnp.int32), neg_flat, counts,
        ent_table, rel_table, count_scale)
    return pos_flat.reshape(B, 1), neg_score_flat.reshape(B, NNEG)

# --- scband reference (transcript-rebuilt; emitter-appended) ---
"""Pipeline reference for scband-sakgembedding-85452669321725 (READ-ONLY COPY).

The authoritative reference and input builder live on the scoring server;
editing this copy changes nothing except your own understanding.
"""

import jax, jax.numpy as jnp
import numpy as np

NUM_ENT = 1000000
NUM_REL = 1000
D = 64
B = 4096
NNEG = 64


def setup_inputs(seed: int = 0) -> dict:
    key = jax.random.key(seed)
    ks = jax.random.split(key, 8)
    heads = jax.random.randint(ks[0], (B,), 0, NUM_ENT, dtype=jnp.int64 if jax.config.jax_enable_x64 else jnp.int32)
    relations = jax.random.randint(ks[1], (B,), 0, NUM_REL, dtype=jnp.int64 if jax.config.jax_enable_x64 else jnp.int32)
    tails = jax.random.randint(ks[2], (B,), 0, NUM_ENT, dtype=jnp.int64 if jax.config.jax_enable_x64 else jnp.int32)
    neg_tails = jax.random.randint(ks[3], (B, NNEG), 0, NUM_ENT, dtype=jnp.int64 if jax.config.jax_enable_x64 else jnp.int32)
    counts = jax.random.uniform(ks[4], (B,), dtype=jnp.float32)
    # xavier_uniform bound for [NUM_ENT, D]: sqrt(6/(fan_in+fan_out))
    bound_e = float(np.sqrt(6.0 / (NUM_ENT + D)))
    ent_table = jax.random.uniform(ks[5], (NUM_ENT, D), minval=-bound_e, maxval=bound_e, dtype=jnp.float32)
    bound_r = float(np.sqrt(6.0 / (NUM_REL + D)))
    rel_table = jax.random.uniform(ks[6], (NUM_REL, D), minval=-bound_r, maxval=bound_r, dtype=jnp.float32)
    count_scale = jnp.ones((NUM_REL,), dtype=jnp.float32)
    return {
        "heads": heads,
        "relations": relations,
        "tails": tails,
        "neg_tails": neg_tails,
        "counts": counts,
        "ent_table": ent_table,
        "rel_table": rel_table,
        "count_scale": count_scale,
    }


def reference(heads, relations, tails, neg_tails, counts, ent_table, rel_table, count_scale):
    # embedding lookups (gather)
    head_emb = jnp.take(ent_table, heads, axis=0)            # [B, D]
    tail_emb = jnp.take(ent_table, tails, axis=0)            # [B, D]
    neg_tail_emb = jnp.take(ent_table, neg_tails, axis=0)    # [B, NNEG, D]
    rel_emb = jnp.take(rel_table, relations, axis=0)         # [B, D]
    # count-scaled relation embedding
    scale = jnp.take(count_scale, relations, axis=0)[:, None]  # [B, 1]
    rel_emb = rel_emb * (1.0 + jnp.log1p(counts[:, None] * scale))
    # TransE-style scores
    pos_score = jnp.linalg.norm(head_emb + rel_emb - tail_emb, ord=2, axis=-1)[:, None]  # [B, 1]
    neg_score = jnp.linalg.norm(head_emb[:, None, :] + rel_emb[:, None, :] - neg_tail_emb, ord=2, axis=-1)  # [B, NNEG]
    return (pos_score, neg_score)

if __name__ == "__main__":
    import jax
    _d = setup_inputs()
    print(jax.jit(kernel)(*tuple(_d.values())))

</pallas_src>

<mosaic_0001>
#map = affine_map<(d0, d1) -> (0)>
#map1 = affine_map<(d0, d1) -> (0, 0)>
module attributes {stable_mosaic.version = 14 : i64} {
  func.func @_sc_kernel(%arg0: i32, %arg1: i32, %arg2: memref<4096xi32, #tpu.memory_space<hbm>>, %arg3: memref<4096xi32, #tpu.memory_space<hbm>>, %arg4: memref<4096xi32, #tpu.memory_space<hbm>>, %arg5: memref<262144xi32, #tpu.memory_space<hbm>>, %arg6: memref<4096xf32, #tpu.memory_space<hbm>>, %arg7: memref<1000000x128xf32, #tpu.memory_space<hbm>>, %arg8: memref<1000x128xf32, #tpu.memory_space<hbm>>, %arg9: memref<1000xf32, #tpu.memory_space<hbm>>, %arg10: memref<4096xf32, #tpu.memory_space<hbm>>, %arg11: memref<262144xf32, #tpu.memory_space<hbm>>, %arg12: memref<128xi32, #tpu.memory_space<vmem>>, %arg13: memref<128xi32, #tpu.memory_space<vmem>>, %arg14: memref<128xi32, #tpu.memory_space<vmem>>, %arg15: memref<8192xi32, #tpu.memory_space<vmem>>, %arg16: memref<128xf32, #tpu.memory_space<vmem>>, %arg17: memref<1000xf32, #tpu.memory_space<vmem>>, %arg18: memref<128xf32, #tpu.memory_space<vmem>>, %arg19: memref<128x128xf32, #tpu.memory_space<vmem>>, %arg20: memref<128x128xf32, #tpu.memory_space<vmem>>, %arg21: memref<128x128xf32, #tpu.memory_space<vmem>>, %arg22: memref<128x128xf32, #tpu.memory_space<vmem>>, %arg23: memref<128x128xf32, #tpu.memory_space<vmem>>, %arg24: memref<128xf32, #tpu.memory_space<vmem>>, %arg25: memref<128xf32, #tpu.memory_space<vmem>>, %arg26: memref<128xf32, #tpu.memory_space<vmem>>, %arg27: memref<8192xf32, #tpu.memory_space<vmem>>, %arg28: memref<!tpu.dma_semaphore, #tpu.memory_space<semaphore_mem>>, %arg29: memref<!tpu.dma_semaphore, #tpu.memory_space<semaphore_mem>>, %arg30: memref<!tpu.dma_semaphore, #tpu.memory_space<semaphore_mem>>) attributes {dimension_semantics = [#tpu.dimension_semantics<core_parallel>, #tpu.dimension_semantics<subcore_parallel>], iteration_bounds = array<i64: 2, 16>, scalar_prefetch = 0 : i64, scratch_operands = 19 : i64, tpu.core_type = #tpu.core_type<sc_vector_subcore>, window_params = [{transform_indices = #map}, {transform_indices = #map}, {transform_indices = #map}, {transform_indices = #map}, {transform_indices = #map}, {transform_indices = #map1}, {transform_indices = #map1}, {transform_indices = #map}, {transform_indices = #map}, {transform_indices = #map}]} {
    %mul3A = arith.constant 2 : i32
    %mul3A_0 = arith.muli %arg1, %mul3A : i32
    %add3A = arith.addi %mul3A_0, %arg0 : i32
    %mul3A_1 = arith.constant 128 : i32
    %mul3A_2 = arith.muli %add3A, %mul3A_1 : i32
    "tpu.region"() ({
      %run_scoped3A = tpu.sem_alloc : memref<!tpu.dma_semaphore, #tpu.memory_space<semaphore_mem>>
      %dma_start3A_922 = tpu.memref_slice %arg2[%mul3A_2] : memref<4096xi32, #tpu.memory_space<hbm>> -> memref<128xi32, #tpu.memory_space<hbm>>
      %dma_start3A_923 = tpu.memref_slice %arg2[%mul3A_2] : memref<4096xi32, #tpu.memory_space<hbm>> -> memref<128xi32, #tpu.memory_space<hbm>>
      tpu.enqueue_dma source(%dma_start3A_923 : memref<128xi32, #tpu.memory_space<hbm>>) target(%arg12 : memref<128xi32, #tpu.memory_space<vmem>>) target_semaphore(%run_scoped3A : memref<!tpu.dma_semaphore, #tpu.memory_space<semaphore_mem>>)
      %dma_wait3A_924 = tpu.memref_slice %arg2[%mul3A_2] : memref<4096xi32, #tpu.memory_space<hbm>> -> memref<128xi32, #tpu.memory_space<hbm>>
      %dma_wait3A_925 = tpu.memref_slice %arg2[%mul3A_2] : memref<4096xi32, #tpu.memory_space<hbm>> -> memref<128xi32, #tpu.memory_space<hbm>>
      tpu.wait_dma2 semaphore(%run_scoped3A : memref<!tpu.dma_semaphore, #tpu.memory_space<semaphore_mem>>) src(%dma_wait3A_925 : memref<128xi32, #tpu.memory_space<hbm>>) dst(%arg12 : memref<128xi32, #tpu.memory_space<vmem>>)
      tpu.yield
    }) : () -> ()
    "tpu.region"() ({
      %run_scoped3A = tpu.sem_alloc : memref<!tpu.dma_semaphore, #tpu.memory_space<semaphore_mem>>
      %dma_start3A_922 = tpu.memref_slice %arg4[%mul3A_2] : memref<4096xi32, #tpu.memory_space<hbm>> -> memref<128xi32, #tpu.memory_space<hbm>>
      %dma_start3A_923 = tpu.memref_slice %arg4[%mul3A_2] : memref<4096xi32, #tpu.memory_space<hbm>> -> memref<128xi32, #tpu.memory_space<hbm>>
      tpu.enqueue_dma source(%dma_start3A_923 : memref<128xi32, #tpu.memory_space<hbm>>) target(%arg13 : memref<128xi32, #tpu.memory_space<vmem>>) target_semaphore(%run_scoped3A : memref<!tpu.dma_semaphore, #tpu.memory_space<semaphore_mem>>)
      %dma_wait3A_924 = tpu.memref_slice %arg4[%mul3A_2] : memref<4096xi32, #tpu.memory_space<hbm>> -> memref<128xi32, #tpu.memory_space<hbm>>
      %dma_wait3A_925 = tpu.memref_slice %arg4[%mul3A_2] : memref<4096xi32, #tpu.memory_space<hbm>> -> memref<128xi32, #tpu.memory_space<hbm>>
      tpu.wait_dma2 semaphore(%run_scoped3A : memref<!tpu.dma_semaphore, #tpu.memory_space<semaphore_mem>>) src(%dma_wait3A_925 : memref<128xi32, #tpu.memory_space<hbm>>) dst(%arg13 : memref<128xi32, #tpu.memory_space<vmem>>)
      tpu.yield
    }) : () -> ()
    "tpu.region"() ({
      %run_scoped3A = tpu.sem_alloc : memref<!tpu.dma_semaphore, #tpu.memory_space<semaphore_mem>>
      %dma_start3A_922 = tpu.memref_slice %arg3[%mul3A_2] : memref<4096xi32, #tpu.memory_space<hbm>> -> memref<128xi32, #tpu.memory_space<hbm>>
      %dma_start3A_923 = tpu.memref_slice %arg3[%mul3A_2] : memref<4096xi32, #tpu.memory_space<hbm>> -> memref<128xi32, #tpu.memory_space<hbm>>
      tpu.enqueue_dma source(%dma_start3A_923 : memref<128xi32, #tpu.memory_space<hbm>>) target(%arg14 : memref<128xi32, #tpu.memory_space<vmem>>) target_semaphore(%run_scoped3A : memref<!tpu.dma_semaphore, #tpu.memory_space<semaphore_mem>>)
      %dma_wait3A_924 = tpu.memref_slice %arg3[%mul3A_2] : memref<4096xi32, #tpu.memory_space<hbm>> -> memref<128xi32, #tpu.memory_space<hbm>>
      %dma_wait3A_925 = tpu.memref_slice %arg3[%mul3A_2] : memref<4096xi32, #tpu.memory_space<hbm>> -> memref<128xi32, #tpu.memory_space<hbm>>
      tpu.wait_dma2 semaphore(%run_scoped3A : memref<!tpu.dma_semaphore, #tpu.memory_space<semaphore_mem>>) src(%dma_wait3A_925 : memref<128xi32, #tpu.memory_space<hbm>>) dst(%arg14 : memref<128xi32, #tpu.memory_space<vmem>>)
      tpu.yield
    }) : () -> ()
    %mul3A_3 = arith.constant 64 : i32
    %mul3A_4 = arith.muli %mul3A_2, %mul3A_3 : i32
    "tpu.region"() ({
      %run_scoped3A = tpu.sem_alloc : memref<!tpu.dma_semaphore, #tpu.memory_space<semaphore_mem>>
      %dma_start3A_922 = tpu.memref_slice %arg5[%mul3A_4] : memref<262144xi32, #tpu.memory_space<hbm>> -> memref<8192xi32, #tpu.memory_space<hbm>>
      %dma_start3A_923 = tpu.memref_slice %arg5[%mul3A_4] : memref<262144xi32, #tpu.memory_space<hbm>> -> memref<8192xi32, #tpu.memory_space<hbm>>
      tpu.enqueue_dma source(%dma_start3A_923 : memref<8192xi32, #tpu.memory_space<hbm>>) target(%arg15 : memref<8192xi32, #tpu.memory_space<vmem>>) target_semaphore(%run_scoped3A : memref<!tpu.dma_semaphore, #tpu.memory_space<semaphore_mem>>)
      %dma_wait3A_924 = tpu.memref_slice %arg5[%mul3A_4] : memref<262144xi32, #tpu.memory_space<hbm>> -> memref<8192xi32, #tpu.memory_space<hbm>>
      %dma_wait3A_925 = tpu.memref_slice %arg5[%mul3A_4] : memref<262144xi32, #tpu.memory_space<hbm>> -> memref<8192xi32, #tpu.memory_space<hbm>>
      tpu.wait_dma2 semaphore(%run_scoped3A : memref<!tpu.dma_semaphore, #tpu.memory_space<semaphore_mem>>) src(%dma_wait3A_925 : memref<8192xi32, #tpu.memory_space<hbm>>) dst(%arg15 : memref<8192xi32, #tpu.memory_space<vmem>>)
      tpu.yield
    }) : () -> ()
    "tpu.region"() ({
      %run_scoped3A = tpu.sem_alloc : memref<!tpu.dma_semaphore, #tpu.memory_space<semaphore_mem>>
      %dma_start3A_922 = tpu.memref_slice %arg6[%mul3A_2] : memref<4096xf32, #tpu.memory_space<hbm>> -> memref<128xf32, #tpu.memory_space<hbm>>
      %dma_start3A_923 = tpu.memref_slice %arg6[%mul3A_2] : memref<4096xf32, #tpu.memory_space<hbm>> -> memref<128xf32, #tpu.memory_space<hbm>>
      tpu.enqueue_dma source(%dma_start3A_923 : memref<128xf32, #tpu.memory_space<hbm>>) target(%arg16 : memref<128xf32, #tpu.memory_space<vmem>>) target_semaphore(%run_scoped3A : memref<!tpu.dma_semaphore, #tpu.memory_space<semaphore_mem>>)
      %dma_wait3A_924 = tpu.memref_slice %arg6[%mul3A_2] : memref<4096xf32, #tpu.memory_space<hbm>> -> memref<128xf32, #tpu.memory_space<hbm>>
      %dma_wait3A_925 = tpu.memref_slice %arg6[%mul3A_2] : memref<4096xf32, #tpu.memory_space<hbm>> -> memref<128xf32, #tpu.memory_space<hbm>>
      tpu.wait_dma2 semaphore(%run_scoped3A : memref<!tpu.dma_semaphore, #tpu.memory_space<semaphore_mem>>) src(%dma_wait3A_925 : memref<128xf32, #tpu.memory_space<hbm>>) dst(%arg16 : memref<128xf32, #tpu.memory_space<vmem>>)
      tpu.yield
    }) : () -> ()
    "tpu.region"() ({
      %run_scoped3A = tpu.sem_alloc : memref<!tpu.dma_semaphore, #tpu.memory_space<semaphore_mem>>
      tpu.enqueue_dma source(%arg9 : memref<1000xf32, #tpu.memory_space<hbm>>) target(%arg17 : memref<1000xf32, #tpu.memory_space<vmem>>) target_semaphore(%run_scoped3A : memref<!tpu.dma_semaphore, #tpu.memory_space<semaphore_mem>>)
      tpu.wait_dma2 semaphore(%run_scoped3A : memref<!tpu.dma_semaphore, #tpu.memory_space<semaphore_mem>>) src(%arg9 : memref<1000xf32, #tpu.memory_space<hbm>>) dst(%arg17 : memref<1000xf32, #tpu.memory_space<vmem>>)
      tpu.yield
    }) : () -> ()
    %dma_start3A = arith.constant 0 : i32
    %dma_start3A_5 = arith.constant 0 : i32
    %dma_start3A_6 = tpu.memref_slice %arg7[%dma_start3A, %dma_start3A_5] : memref<1000000x128xf32, #tpu.memory_space<hbm>> -> memref<1000000x128xf32, #tpu.memory_space<hbm>>
    tpu.enqueue_indirect_dma source(%dma_start3A_6 : memref<1000000x128xf32, #tpu.memory_space<hbm>>) target(%arg19 : memref<128x128xf32, #tpu.memory_space<vmem>>) offsets(%arg12 : memref<128xi32, #tpu.memory_space<vmem>>) semaphore(%arg28 : memref<!tpu.dma_semaphore, #tpu.memory_space<semaphore_mem>>)
    %dma_start3A_7 = arith.constant 0 : i32
    %dma_start3A_8 = arith.constant 0 : i32
    %dma_start3A_9 = tpu.memref_slice %arg7[%dma_start3A_7, %dma_start3A_8] : memref<1000000x128xf32, #tpu.memory_space<hbm>> -> memref<1000000x128xf32, #tpu.memory_space<hbm>>
    tpu.enqueue_indirect_dma source(%dma_start3A_9 : memref<1000000x128xf32, #tpu.memory_space<hbm>>) target(%arg20 : memref<128x128xf32, #tpu.memory_space<vmem>>) offsets(%arg13 : memref<128xi32, #tpu.memory_space<vmem>>) semaphore(%arg28 : memref<!tpu.dma_semaphore, #tpu.memory_space<semaphore_mem>>)
    %dma_start3A_10 = arith.constant 0 : i32
    %dma_start3A_11 = arith.constant 0 : i32
    %dma_start3A_12 = tpu.memref_slice %arg8[%dma_start3A_10, %dma_start3A_11] : memref<1000x128xf32, #tpu.memory_space<hbm>> -> memref<1000x128xf32, #tpu.memory_space<hbm>>
    tpu.enqueue_indirect_dma source(%dma_start3A_12 : memref<1000x128xf32, #tpu.memory_space<hbm>>) target(%arg21 : memref<128x128xf32, #tpu.memory_space<vmem>>) offsets(%arg14 : memref<128xi32, #tpu.memory_space<vmem>>) semaphore(%arg28 : memref<!tpu.dma_semaphore, #tpu.memory_space<semaphore_mem>>)
    %dma_wait3A = arith.constant 0 : i32
    %dma_wait3A_13 = arith.constant 0 : i32
    %dma_wait3A_14 = tpu.memref_slice %arg7[%dma_wait3A, %dma_wait3A_13] : memref<1000000x128xf32, #tpu.memory_space<hbm>> -> memref<1000000x128xf32, #tpu.memory_space<hbm>>
    tpu.wait_indirect_dma semaphore(%arg28 : memref<!tpu.dma_semaphore, #tpu.memory_space<semaphore_mem>>) src(%dma_wait3A_14 : memref<1000000x128xf32, #tpu.memory_space<hbm>>) dst(%arg19 : memref<128x128xf32, #tpu.memory_space<vmem>>)
    %dma_wait3A_15 = arith.constant 0 : i32
    %dma_wait3A_16 = arith.constant 0 : i32
    %dma_wait3A_17 = tpu.memref_slice %arg7[%dma_wait3A_15, %dma_wait3A_16] : memref<1000000x128xf32, #tpu.memory_space<hbm>> -> memref<1000000x128xf32, #tpu.memory_space<hbm>>
    tpu.wait_indirect_dma semaphore(%arg28 : memref<!tpu.dma_semaphore, #tpu.memory_space<semaphore_mem>>) src(%dma_wait3A_17 : memref<1000000x128xf32, #tpu.memory_space<hbm>>) dst(%arg20 : memref<128x128xf32, #tpu.memory_space<vmem>>)
    %dma_wait3A_18 = arith.constant 0 : i32
    %dma_wait3A_19 = arith.constant 0 : i32
    %dma_wait3A_20 = tpu.memref_slice %arg8[%dma_wait3A_18, %dma_wait3A_19] : memref<1000x128xf32, #tpu.memory_space<hbm>> -> memref<1000x128xf32, #tpu.memory_space<hbm>>
    tpu.wait_indirect_dma semaphore(%arg28 : memref<!tpu.dma_semaphore, #tpu.memory_space<semaphore_mem>>) src(%dma_wait3A_20 : memref<1000x128xf32, #tpu.memory_space<hbm>>) dst(%arg21 : memref<128x128xf32, #tpu.memory_space<vmem>>)
    %iota3A = tpu.iota {dimensions = array<i32: 0>} : vector<16xi32>
    %eq3A = arith.constant 0 : i32
    %eq3A_21 = vector.broadcast %eq3A : i32 to vector<16xi32>
    %eq3A_22 = arith.cmpi eq, %iota3A, %eq3A_21 : vector<16xi32>
    %get3A = arith.constant 0 : index
    %get3A_23 = tpu.vector_load %arg14[%get3A] {strides = array<i32>} : memref<128xi32, #tpu.memory_space<vmem>>, vector<16xi32>,
    %gather3A = tpu.vector_load_idx %arg17[%get3A_23] : memref<1000xf32, #tpu.memory_space<vmem>>[vector<16xi32>], vector<16xf32>,
    %get3A_24 = arith.constant 0 : index
    %get3A_25 = tpu.vector_load %arg16[%get3A_24] {strides = array<i32>} : memref<128xf32, #tpu.memory_space<vmem>>, vector<16xf32>,
    %mul3A_26 = arith.mulf %get3A_25, %gather3A : vector<16xf32>
    %add3A_27 = arith.constant 1.000000e+00 : f32
    %add3A_28 = vector.broadcast %add3A_27 : f32 to vector<16xf32>
    %add3A_29 = arith.addf %add3A_28, %mul3A_26 : vector<16xf32>
    %bitcast3A = vector.bitcast %add3A_29 : vector<16xf32> to vector<16xi32>
    %shift_right_arithmetic3A = arith.constant 23 : i32
    %shift_right_arithmetic3A_30 = vector.broadcast %shift_right_arithmetic3A : i32 to vector<16xi32>
    %shift_right_arithmetic3A_31 = arith.shrsi %bitcast3A, %shift_right_arithmetic3A_30 : vector<16xi32>
    %and3A = arith.constant 255 : i32
    %and3A_32 = vector.broadcast %and3A : i32 to vector<16xi32>
    %and3A_33 = arith.andi %shift_right_arithmetic3A_31, %and3A_32 : vector<16xi32>
    %sub3A = arith.constant 127 : i32
    %sub3A_34 = vector.broadcast %sub3A : i32 to vector<16xi32>
    %sub3A_35 = arith.subi %and3A_33, %sub3A_34 : vector<16xi32>
    %and3A_36 = arith.constant 8388607 : i32
    %and3A_37 = vector.broadcast %and3A_36 : i32 to vector<16xi32>
    %and3A_38 = arith.andi %bitcast3A, %and3A_37 : vector<16xi32>
    %or3A = arith.constant 1065353216 : i32
    %or3A_39 = vector.broadcast %or3A : i32 to vector<16xi32>
    %or3A_40 = arith.ori %and3A_38, %or3A_39 : vector<16xi32>
    %bitcast3A_41 = vector.bitcast %or3A_40 : vector<16xi32> to vector<16xf32>
    %sub3A_42 = arith.constant 1.000000e+00 : f32
    %sub3A_43 = vector.broadcast %sub3A_42 : f32 to vector<16xf32>
    %sub3A_44 = arith.subf %bitcast3A_41, %sub3A_43 : vector<16xf32>
    %add3A_45 = arith.constant 1.000000e+00 : f32
    %add3A_46 = vector.broadcast %add3A_45 : f32 to vector<16xf32>
    %add3A_47 = arith.addf %bitcast3A_41, %add3A_46 : vector<16xf32>
    %div3A = arith.divf %sub3A_44, %add3A_47 : vector<16xf32>
    %mul3A_48 = arith.mulf %div3A, %div3A : vector<16xf32>
    %mul3A_49 = arith.constant 2.000000e+00 : f32
    %mul3A_50 = vector.broadcast %mul3A_49 : f32 to vector<16xf32>
    %mul3A_51 = arith.mulf %mul3A_50, %div3A : vector<16xf32>
    %mul3A_52 = arith.constant 0.111111112 : f32
    %mul3A_53 = vector.broadcast %mul3A_52 : f32 to vector<16xf32>
    %mul3A_54 = arith.mulf %mul3A_48, %mul3A_53 : vector<16xf32>
    %add3A_55 = arith.constant 0.142857149 : f32
    %add3A_56 = vector.broadcast %add3A_55 : f32 to vector<16xf32>
    %add3A_57 = arith.addf %add3A_56, %mul3A_54 : vector<16xf32>
    %mul3A_58 = arith.mulf %mul3A_48, %add3A_57 : vector<16xf32>
    %add3A_59 = arith.constant 2.000000e-01 : f32
    %add3A_60 = vector.broadcast %add3A_59 : f32 to vector<16xf32>
    %add3A_61 = arith.addf %add3A_60, %mul3A_58 : vector<16xf32>
    %mul3A_62 = arith.mulf %mul3A_48, %add3A_61 : vector<16xf32>
    %add3A_63 = arith.constant 0.333333343 : f32
    %add3A_64 = vector.broadcast %add3A_63 : f32 to vector<16xf32>
    %add3A_65 = arith.addf %add3A_64, %mul3A_62 : vector<16xf32>
    %mul3A_66 = arith.mulf %mul3A_48, %add3A_65 : vector<16xf32>
    %add3A_67 = arith.constant 1.000000e+00 : f32
    %add3A_68 = vector.broadcast %add3A_67 : f32 to vector<16xf32>
    %add3A_69 = arith.addf %add3A_68, %mul3A_66 : vector<16xf32>
    %mul3A_70 = arith.mulf %mul3A_51, %add3A_69 : vector<16xf32>
    %convert_element_type3A = arith.sitofp %sub3A_35 : vector<16xi32> to vector<16xf32>
    %mul3A_71 = arith.constant 0.693147182 : f32
    %mul3A_72 = vector.broadcast %mul3A_71 : f32 to vector<16xf32>
    %mul3A_73 = arith.mulf %convert_element_type3A, %mul3A_72 : vector<16xf32>
    %add3A_74 = arith.addf %mul3A_73, %mul3A_70 : vector<16xf32>
    %add3A_75 = arith.constant 1.000000e+00 : f32
    %add3A_76 = vector.broadcast %add3A_75 : f32 to vector<16xf32>
    %add3A_77 = arith.addf %add3A_76, %add3A_74 : vector<16xf32>
    %swap3A = arith.constant 0 : index
    %swap3A_78 = tpu.vector_load %arg18[%swap3A] {strides = array<i32>} : memref<128xf32, #tpu.memory_space<vmem>>, vector<16xf32>,
    tpu.vector_store %arg18[%swap3A], %add3A_77 {strides = array<i32>} : memref<128xf32, #tpu.memory_space<vmem>>, vector<16xf32>,
    %get3A_79 = arith.constant 16 : index
    %get3A_80 = tpu.vector_load %arg14[%get3A_79] {strides = array<i32>} : memref<128xi32, #tpu.memory_space<vmem>>, vector<16xi32>,
    %gather3A_81 = tpu.vector_load_idx %arg17[%get3A_80] : memref<1000xf32, #tpu.memory_space<vmem>>[vector<16xi32>], vector<16xf32>,
    %get3A_82 = arith.constant 16 : index
    %get3A_83 = tpu.vector_load %arg16[%get3A_82] {strides = array<i32>} : memref<128xf32, #tpu.memory_space<vmem>>, vector<16xf32>,
    %mul3A_84 = arith.mulf %get3A_83, %gather3A_81 : vector<16xf32>
    %add3A_85 = arith.constant 1.000000e+00 : f32
    %add3A_86 = vector.broadcast %add3A_85 : f32 to vector<16xf32>
    %add3A_87 = arith.addf %add3A_86, %mul3A_84 : vector<16xf32>
    %bitcast3A_88 = vector.bitcast %add3A_87 : vector<16xf32> to vector<16xi32>
    %shift_right_arithmetic3A_89 = arith.constant 23 : i32
    %shift_right_arithmetic3A_90 = vector.broadcast %shift_right_arithmetic3A_89 : i32 to vector<16xi32>
    %shift_right_arithmetic3A_91 = arith.shrsi %bitcast3A_88, %shift_right_arithmetic3A_90 : vector<16xi32>
    %and3A_92 = arith.constant 255 : i32
    %and3A_93 = vector.broadcast %and3A_92 : i32 to vector<16xi32>
    %and3A_94 = arith.andi %shift_right_arithmetic3A_91, %and3A_93 : vector<16xi32>
    %sub3A_95 = arith.constant 127 : i32
    %sub3A_96 = vector.broadcast %sub3A_95 : i32 to vector<16xi32>
    %sub3A_97 = arith.subi %and3A_94, %sub3A_96 : vector<16xi32>
    %and3A_98 = arith.constant 8388607 : i32
    %and3A_99 = vector.broadcast %and3A_98 : i32 to vector<16xi32>
    %and3A_100 = arith.andi %bitcast3A_88, %and3A_99 : vector<16xi32>
    %or3A_101 = arith.constant 1065353216 : i32
    %or3A_102 = vector.broadcast %or3A_101 : i32 to vector<16xi32>
    %or3A_103 = arith.ori %and3A_100, %or3A_102 : vector<16xi32>
    %bitcast3A_104 = vector.bitcast %or3A_103 : vector<16xi32> to vector<16xf32>
    %sub3A_105 = arith.constant 1.000000e+00 : f32
    %sub3A_106 = vector.broadcast %sub3A_105 : f32 to vector<16xf32>
    %sub3A_107 = arith.subf %bitcast3A_104, %sub3A_106 : vector<16xf32>
    %add3A_108 = arith.constant 1.000000e+00 : f32
    %add3A_109 = vector.broadcast %add3A_108 : f32 to vector<16xf32>
    %add3A_110 = arith.addf %bitcast3A_104, %add3A_109 : vector<16xf32>
    %div3A_111 = arith.divf %sub3A_107, %add3A_110 : vector<16xf32>
    %mul3A_112 = arith.mulf %div3A_111, %div3A_111 : vector<16xf32>
    %mul3A_113 = arith.constant 2.000000e+00 : f32
    %mul3A_114 = vector.broadcast %mul3A_113 : f32 to vector<16xf32>
    %mul3A_115 = arith.mulf %mul3A_114, %div3A_111 : vector<16xf32>
    %mul3A_116 = arith.constant 0.111111112 : f32
    %mul3A_117 = vector.broadcast %mul3A_116 : f32 to vector<16xf32>
    %mul3A_118 = arith.mulf %mul3A_112, %mul3A_117 : vector<16xf32>
    %add3A_119 = arith.constant 0.142857149 : f32
    %add3A_120 = vector.broadcast %add3A_119 : f32 to vector<16xf32>
    %add3A_121 = arith.addf %add3A_120, %mul3A_118 : vector<16xf32>
    %mul3A_122 = arith.mulf %mul3A_112, %add3A_121 : vector<16xf32>
    %add3A_123 = arith.constant 2.000000e-01 : f32
    %add3A_124 = vector.broadcast %add3A_123 : f32 to vector<16xf32>
    %add3A_125 = arith.addf %add3A_124, %mul3A_122 : vector<16xf32>
    %mul3A_126 = arith.mulf %mul3A_112, %add3A_125 : vector<16xf32>
    %add3A_127 = arith.constant 0.333333343 : f32
    %add3A_128 = vector.broadcast %add3A_127 : f32 to vector<16xf32>
    %add3A_129 = arith.addf %add3A_128, %mul3A_126 : vector<16xf32>
    %mul3A_130 = arith.mulf %mul3A_112, %add3A_129 : vector<16xf32>
    %add3A_131 = arith.constant 1.000000e+00 : f32
    %add3A_132 = vector.broadcast %add3A_131 : f32 to vector<16xf32>
    %add3A_133 = arith.addf %add3A_132, %mul3A_130 : vector<16xf32>
    %mul3A_134 = arith.mulf %mul3A_115, %add3A_133 : vector<16xf32>
    %convert_element_type3A_135 = arith.sitofp %sub3A_97 : vector<16xi32> to vector<16xf32>
    %mul3A_136 = arith.constant 0.693147182 : f32
    %mul3A_137 = vector.broadcast %mul3A_136 : f32 to vector<16xf32>
    %mul3A_138 = arith.mulf %convert_element_type3A_135, %mul3A_137 : vector<16xf32>
    %add3A_139 = arith.addf %mul3A_138, %mul3A_134 : vector<16xf32>
    %add3A_140 = arith.constant 1.000000e+00 : f32
    %add3A_141 = vector.broadcast %add3A_140 : f32 to vector<16xf32>
    %add3A_142 = arith.addf %add3A_141, %add3A_139 : vector<16xf32>
    %swap3A_143 = arith.constant 16 : index
    %swap3A_144 = tpu.vector_load %arg18[%swap3A_143] {strides = array<i32>} : memref<128xf32, #tpu.memory_space<vmem>>, vector<16xf32>,
    tpu.vector_store %arg18[%swap3A_143], %add3A_142 {strides = array<i32>} : memref<128xf32, #tpu.memory_space<vmem>>, vector<16xf32>,
    %get3A_145 = arith.constant 32 : index
    %get3A_146 = tpu.vector_load %arg14[%get3A_145] {strides = array<i32>} : memref<128xi32, #tpu.memory_space<vmem>>, vector<16xi32>,
    %gather3A_147 = tpu.vector_load_idx %arg17[%get3A_146] : memref<1000xf32, #tpu.memory_space<vmem>>[vector<16xi32>], vector<16xf32>,
    %get3A_148 = arith.constant 32 : index
    %get3A_149 = tpu.vector_load %arg16[%get3A_148] {strides = array<i32>} : memref<128xf32, #tpu.memory_space<vmem>>, vector<16xf32>,
    %mul3A_150 = arith.mulf %get3A_149, %gather3A_147 : vector<16xf32>
    %add3A_151 = arith.constant 1.000000e+00 : f32
    %add3A_152 = vector.broadcast %add3A_151 : f32 to vector<16xf32>
    %add3A_153 = arith.addf %add3A_152, %mul3A_150 : vector<16xf32>
    %bitcast3A_154 = vector.bitcast %add3A_153 : vector<16xf32> to vector<16xi32>
    %shift_right_arithmetic3A_155 = arith.constant 23 : i32
    %shift_right_arithmetic3A_156 = vector.broadcast %shift_right_arithmetic3A_155 : i32 to vector<16xi32>
    %shift_right_arithmetic3A_157 = arith.shrsi %bitcast3A_154, %shift_right_arithmetic3A_156 : vector<16xi32>
    %and3A_158 = arith.constant 255 : i32
    %and3A_159 = vector.broadcast %and3A_158 : i32 to vector<16xi32>
    %and3A_160 = arith.andi %shift_right_arithmetic3A_157, %and3A_159 : vector<16xi32>
    %sub3A_161 = arith.constant 127 : i32
    %sub3A_162 = vector.broadcast %sub3A_161 : i32 to vector<16xi32>
    %sub3A_163 = arith.subi %and3A_160, %sub3A_162 : vector<16xi32>
    %and3A_164 = arith.constant 8388607 : i32
    %and3A_165 = vector.broadcast %and3A_164 : i32 to vector<16xi32>
    %and3A_166 = arith.andi %bitcast3A_154, %and3A_165 : vector<16xi32>
    %or3A_167 = arith.constant 1065353216 : i32
    %or3A_168 = vector.broadcast %or3A_167 : i32 to vector<16xi32>
    %or3A_169 = arith.ori %and3A_166, %or3A_168 : vector<16xi32>
    %bitcast3A_170 = vector.bitcast %or3A_169 : vector<16xi32> to vector<16xf32>
    %sub3A_171 = arith.constant 1.000000e+00 : f32
    %sub3A_172 = vector.broadcast %sub3A_171 : f32 to vector<16xf32>
    %sub3A_173 = arith.subf %bitcast3A_170, %sub3A_172 : vector<16xf32>
    %add3A_174 = arith.constant 1.000000e+00 : f32
    %add3A_175 = vector.broadcast %add3A_174 : f32 to vector<16xf32>
    %add3A_176 = arith.addf %bitcast3A_170, %add3A_175 : vector<16xf32>
    %div3A_177 = arith.divf %sub3A_173, %add3A_176 : vector<16xf32>
    %mul3A_178 = arith.mulf %div3A_177, %div3A_177 : vector<16xf32>
    %mul3A_179 = arith.constant 2.000000e+00 : f32
    %mul3A_180 = vector.broadcast %mul3A_179 : f32 to vector<16xf32>
    %mul3A_181 = arith.mulf %mul3A_180, %div3A_177 : vector<16xf32>
    %mul3A_182 = arith.constant 0.111111112 : f32
    %mul3A_183 = vector.broadcast %mul3A_182 : f32 to vector<16xf32>
    %mul3A_184 = arith.mulf %mul3A_178, %mul3A_183 : vector<16xf32>
    %add3A_185 = arith.constant 0.142857149 : f32
    %add3A_186 = vector.broadcast %add3A_185 : f32 to vector<16xf32>
    %add3A_187 = arith.addf %add3A_186, %mul3A_184 : vector<16xf32>
    %mul3A_188 = arith.mulf %mul3A_178, %add3A_187 : vector<16xf32>
    %add3A_189 = arith.constant 2.000000e-01 : f32
    %add3A_190 = vector.broadcast %add3A_189 : f32 to vector<16xf32>
    %add3A_191 = arith.addf %add3A_190, %mul3A_188 : vector<16xf32>
    %mul3A_192 = arith.mulf %mul3A_178, %add3A_191 : vector<16xf32>
    %add3A_193 = arith.constant 0.333333343 : f32
    %add3A_194 = vector.broadcast %add3A_193 : f32 to vector<16xf32>
    %add3A_195 = arith.addf %add3A_194, %mul3A_192 : vector<16xf32>
    %mul3A_196 = arith.mulf %mul3A_178, %add3A_195 : vector<16xf32>
    %add3A_197 = arith.constant 1.000000e+00 : f32
    %add3A_198 = vector.broadcast %add3A_197 : f32 to vector<16xf32>
    %add3A_199 = arith.addf %add3A_198, %mul3A_196 : vector<16xf32>
    %mul3A_200 = arith.mulf %mul3A_181, %add3A_199 : vector<16xf32>
    %convert_element_type3A_201 = arith.sitofp %sub3A_163 : vector<16xi32> to vector<16xf32>
    %mul3A_202 = arith.constant 0.693147182 : f32
    %mul3A_203 = vector.broadcast %mul3A_202 : f32 to vector<16xf32>
    %mul3A_204 = arith.mulf %convert_element_type3A_201, %mul3A_203 : vector<16xf32>
    %add3A_205 = arith.addf %mul3A_204, %mul3A_200 : vector<16xf32>
    %add3A_206 = arith.constant 1.000000e+00 : f32
    %add3A_207 = vector.broadcast %add3A_206 : f32 to vector<16xf32>
    %add3A_208 = arith.addf %add3A_207, %add3A_205 : vector<16xf32>
    %swap3A_209 = arith.constant 32 : index
    %swap3A_210 = tpu.vector_load %arg18[%swap3A_209] {strides = array<i32>} : memref<128xf32, #tpu.memory_space<vmem>>, vector<16xf32>,
    tpu.vector_store %arg18[%swap3A_209], %add3A_208 {strides = array<i32>} : memref<128xf32, #tpu.memory_space<vmem>>, vector<16xf32>,
    %get3A_211 = arith.constant 48 : index
    %get3A_212 = tpu.vector_load %arg14[%get3A_211] {strides = array<i32>} : memref<128xi32, #tpu.memory_space<vmem>>, vector<16xi32>,
    %gather3A_213 = tpu.vector_load_idx %arg17[%get3A_212] : memref<1000xf32, #tpu.memory_space<vmem>>[vector<16xi32>], vector<16xf32>,
    %get3A_214 = arith.constant 48 : index
    %get3A_215 = tpu.vector_load %arg16[%get3A_214] {strides = array<i32>} : memref<128xf32, #tpu.memory_space<vmem>>, vector<16xf32>,
    %mul3A_216 = arith.mulf %get3A_215, %gather3A_213 : vector<16xf32>
    %add3A_217 = arith.constant 1.000000e+00 : f32
    %add3A_218 = vector.broadcast %add3A_217 : f32 to vector<16xf32>
    %add3A_219 = arith.addf %add3A_218, %mul3A_216 : vector<16xf32>
    %bitcast3A_220 = vector.bitcast %add3A_219 : vector<16xf32> to vector<16xi32>
    %shift_right_arithmetic3A_221 = arith.constant 23 : i32
    %shift_right_arithmetic3A_222 = vector.broadcast %shift_right_arithmetic3A_221 : i32 to vector<16xi32>
    %shift_right_arithmetic3A_223 = arith.shrsi %bitcast3A_220, %shift_right_arithmetic3A_222 : vector<16xi32>
    %and3A_224 = arith.constant 255 : i32
    %and3A_225 = vector.broadcast %and3A_224 : i32 to vector<16xi32>
    %and3A_226 = arith.andi %shift_right_arithmetic3A_223, %and3A_225 : vector<16xi32>
    %sub3A_227 = arith.constant 127 : i32
    %sub3A_228 = vector.broadcast %sub3A_227 : i32 to vector<16xi32>
    %sub3A_229 = arith.subi %and3A_226, %sub3A_228 : vector<16xi32>
    %and3A_230 = arith.constant 8388607 : i32
    %and3A_231 = vector.broadcast %and3A_230 : i32 to vector<16xi32>
    %and3A_232 = arith.andi %bitcast3A_220, %and3A_231 : vector<16xi32>
    %or3A_233 = arith.constant 1065353216 : i32
    %or3A_234 = vector.broadcast %or3A_233 : i32 to vector<16xi32>
    %or3A_235 = arith.ori %and3A_232, %or3A_234 : vector<16xi32>
    %bitcast3A_236 = vector.bitcast %or3A_235 : vector<16xi32> to vector<16xf32>
    %sub3A_237 = arith.constant 1.000000e+00 : f32
    %sub3A_238 = vector.broadcast %sub3A_237 : f32 to vector<16xf32>
    %sub3A_239 = arith.subf %bitcast3A_236, %sub3A_238 : vector<16xf32>
    %add3A_240 = arith.constant 1.000000e+00 : f32
    %add3A_241 = vector.broadcast %add3A_240 : f32 to vector<16xf32>
    %add3A_242 = arith.addf %bitcast3A_236, %add3A_241 : vector<16xf32>
    %div3A_243 = arith.divf %sub3A_239, %add3A_242 : vector<16xf32>
    %mul3A_244 = arith.mulf %div3A_243, %div3A_243 : vector<16xf32>
    %mul3A_245 = arith.constant 2.000000e+00 : f32
    %mul3A_246 = vector.broadcast %mul3A_245 : f32 to vector<16xf32>
    %mul3A_247 = arith.mulf %mul3A_246, %div3A_243 : vector<16xf32>
    %mul3A_248 = arith.constant 0.111111112 : f32
    %mul3A_249 = vector.broadcast %mul3A_248 : f32 to vector<16xf32>
    %mul3A_250 = arith.mulf %mul3A_244, %mul3A_249 : vector<16xf32>
    %add3A_251 = arith.constant 0.142857149 : f32
    %add3A_252 = vector.broadcast %add3A_251 : f32 to vector<16xf32>
    %add3A_253 = arith.addf %add3A_252, %mul3A_250 : vector<16xf32>
    %mul3A_254 = arith.mulf %mul3A_244, %add3A_253 : vector<16xf32>
    %add3A_255 = arith.constant 2.000000e-01 : f32
    %add3A_256 = vector.broadcast %add3A_255 : f32 to vector<16xf32>
    %add3A_257 = arith.addf %add3A_256, %mul3A_254 : vector<16xf32>
    %mul3A_258 = arith.mulf %mul3A_244, %add3A_257 : vector<16xf32>
    %add3A_259 = arith.constant 0.333333343 : f32
    %add3A_260 = vector.broadcast %add3A_259 : f32 to vector<16xf32>
    %add3A_261 = arith.addf %add3A_260, %mul3A_258 : vector<16xf32>
    %mul3A_262 = arith.mulf %mul3A_244, %add3A_261 : vector<16xf32>
    %add3A_263 = arith.constant 1.000000e+00 : f32
    %add3A_264 = vector.broadcast %add3A_263 : f32 to vector<16xf32>
    %add3A_265 = arith.addf %add3A_264, %mul3A_262 : vector<16xf32>
    %mul3A_266 = arith.mulf %mul3A_247, %add3A_265 : vector<16xf32>
    %convert_element_type3A_267 = arith.sitofp %sub3A_229 : vector<16xi32> to vector<16xf32>
    %mul3A_268 = arith.constant 0.693147182 : f32
    %mul3A_269 = vector.broadcast %mul3A_268 : f32 to vector<16xf32>
    %mul3A_270 = arith.mulf %convert_element_type3A_267, %mul3A_269 : vector<16xf32>
    %add3A_271 = arith.addf %mul3A_270, %mul3A_266 : vector<16xf32>
    %add3A_272 = arith.constant 1.000000e+00 : f32
    %add3A_273 = vector.broadcast %add3A_272 : f32 to vector<16xf32>
    %add3A_274 = arith.addf %add3A_273, %add3A_271 : vector<16xf32>
    %swap3A_275 = arith.constant 48 : index
    %swap3A_276 = tpu.vector_load %arg18[%swap3A_275] {strides = array<i32>} : memref<128xf32, #tpu.memory_space<vmem>>, vector<16xf32>,
    tpu.vector_store %arg18[%swap3A_275], %add3A_274 {strides = array<i32>} : memref<128xf32, #tpu.memory_space<vmem>>, vector<16xf32>,
    %get3A_277 = arith.constant 64 : index
    %get3A_278 = tpu.vector_load %arg14[%get3A_277] {strides = array<i32>} : memref<128xi32, #tpu.memory_space<vmem>>, vector<16xi32>,
    %gather3A_279 = tpu.vector_load_idx %arg17[%get3A_278] : memref<1000xf32, #tpu.memory_space<vmem>>[vector<16xi32>], vector<16xf32>,
    %get3A_280 = arith.constant 64 : index
    %get3A_281 = tpu.vector_load %arg16[%get3A_280] {strides = array<i32>} : memref<128xf32, #tpu.memory_space<vmem>>, vector<16xf32>,
    %mul3A_282 = arith.mulf %get3A_281, %gather3A_279 : vector<16xf32>
    %add3A_283 = arith.constant 1.000000e+00 : f32
    %add3A_284 = vector.broadcast %add3A_283 : f32 to vector<16xf32>
    %add3A_285 = arith.addf %add3A_284, %mul3A_282 : vector<16xf32>
    %bitcast3A_286 = vector.bitcast %add3A_285 : vector<16xf32> to vector<16xi32>
    %shift_right_arithmetic3A_287 = arith.constant 23 : i32
    %shift_right_arithmetic3A_288 = vector.broadcast %shift_right_arithmetic3A_287 : i32 to vector<16xi32>
    %shift_right_arithmetic3A_289 = arith.shrsi %bitcast3A_286, %shift_right_arithmetic3A_288 : vector<16xi32>
    %and3A_290 = arith.constant 255 : i32
    %and3A_291 = vector.broadcast %and3A_290 : i32 to vector<16xi32>
    %and3A_292 = arith.andi %shift_right_arithmetic3A_289, %and3A_291 : vector<16xi32>
    %sub3A_293 = arith.constant 127 : i32
    %sub3A_294 = vector.broadcast %sub3A_293 : i32 to vector<16xi32>
    %sub3A_295 = arith.subi %and3A_292, %sub3A_294 : vector<16xi32>
    %and3A_296 = arith.constant 8388607 : i32
    %and3A_297 = vector.broadcast %and3A_296 : i32 to vector<16xi32>
    %and3A_298 = arith.andi %bitcast3A_286, %and3A_297 : vector<16xi32>
    %or3A_299 = arith.constant 1065353216 : i32
    %or3A_300 = vector.broadcast %or3A_299 : i32 to vector<16xi32>
    %or3A_301 = arith.ori %and3A_298, %or3A_300 : vector<16xi32>
    %bitcast3A_302 = vector.bitcast %or3A_301 : vector<16xi32> to vector<16xf32>
    %sub3A_303 = arith.constant 1.000000e+00 : f32
    %sub3A_304 = vector.broadcast %sub3A_303 : f32 to vector<16xf32>
    %sub3A_305 = arith.subf %bitcast3A_302, %sub3A_304 : vector<16xf32>
    %add3A_306 = arith.constant 1.000000e+00 : f32
    %add3A_307 = vector.broadcast %add3A_306 : f32 to vector<16xf32>
    %add3A_308 = arith.addf %bitcast3A_302, %add3A_307 : vector<16xf32>
    %div3A_309 = arith.divf %sub3A_305, %add3A_308 : vector<16xf32>
    %mul3A_310 = arith.mulf %div3A_309, %div3A_309 : vector<16xf32>
    %mul3A_311 = arith.constant 2.000000e+00 : f32
    %mul3A_312 = vector.broadcast %mul3A_311 : f32 to vector<16xf32>
    %mul3A_313 = arith.mulf %mul3A_312, %div3A_309 : vector<16xf32>
    %mul3A_314 = arith.constant 0.111111112 : f32
    %mul3A_315 = vector.broadcast %mul3A_314 : f32 to vector<16xf32>
    %mul3A_316 = arith.mulf %mul3A_310, %mul3A_315 : vector<16xf32>
    %add3A_317 = arith.constant 0.142857149 : f32
    %add3A_318 = vector.broadcast %add3A_317 : f32 to vector<16xf32>
    %add3A_319 = arith.addf %add3A_318, %mul3A_316 : vector<16xf32>
    %mul3A_320 = arith.mulf %mul3A_310, %add3A_319 : vector<16xf32>
    %add3A_321 = arith.constant 2.000000e-01 : f32
    %add3A_322 = vector.broadcast %add3A_321 : f32 to vector<16xf32>
    %add3A_323 = arith.addf %add3A_322, %mul3A_320 : vector<16xf32>
    %mul3A_324 = arith.mulf %mul3A_310, %add3A_323 : vector<16xf32>
    %add3A_325 = arith.constant 0.333333343 : f32
    %add3A_326 = vector.broadcast %add3A_325 : f32 to vector<16xf32>
    %add3A_327 = arith.addf %add3A_326, %mul3A_324 : vector<16xf32>
    %mul3A_328 = arith.mulf %mul3A_310, %add3A_327 : vector<16xf32>
    %add3A_329 = arith.constant 1.000000e+00 : f32
    %add3A_330 = vector.broadcast %add3A_329 : f32 to vector<16xf32>
    %add3A_331 = arith.addf %add3A_330, %mul3A_328 : vector<16xf32>
    %mul3A_332 = arith.mulf %mul3A_313, %add3A_331 : vector<16xf32>
    %convert_element_type3A_333 = arith.sitofp %sub3A_295 : vector<16xi32> to vector<16xf32>
    %mul3A_334 = arith.constant 0.693147182 : f32
    %mul3A_335 = vector.broadcast %mul3A_334 : f32 to vector<16xf32>
    %mul3A_336 = arith.mulf %convert_element_type3A_333, %mul3A_335 : vector<16xf32>
    %add3A_337 = arith.addf %mul3A_336, %mul3A_332 : vector<16xf32>
    %add3A_338 = arith.constant 1.000000e+00 : f32
    %add3A_339 = vector.broadcast %add3A_338 : f32 to vector<16xf32>
    %add3A_340 = arith.addf %add3A_339, %add3A_337 : vector<16xf32>
    %swap3A_341 = arith.constant 64 : index
    %swap3A_342 = tpu.vector_load %arg18[%swap3A_341] {strides = array<i32>} : memref<128xf32, #tpu.memory_space<vmem>>, vector<16xf32>,
    tpu.vector_store %arg18[%swap3A_341], %add3A_340 {strides = array<i32>} : memref<128xf32, #tpu.memory_space<vmem>>, vector<16xf32>,
    %get3A_343 = arith.constant 80 : index
    %get3A_344 = tpu.vector_load %arg14[%get3A_343] {strides = array<i32>} : memref<128xi32, #tpu.memory_space<vmem>>, vector<16xi32>,
    %gather3A_345 = tpu.vector_load_idx %arg17[%get3A_344] : memref<1000xf32, #tpu.memory_space<vmem>>[vector<16xi32>], vector<16xf32>,
    %get3A_346 = arith.constant 80 : index
    %get3A_347 = tpu.vector_load %arg16[%get3A_346] {strides = array<i32>} : memref<128xf32, #tpu.memory_space<vmem>>, vector<16xf32>,
    %mul3A_348 = arith.mulf %get3A_347, %gather3A_345 : vector<16xf32>
    %add3A_349 = arith.constant 1.000000e+00 : f32
    %add3A_350 = vector.broadcast %add3A_349 : f32 to vector<16xf32>
    %add3A_351 = arith.addf %add3A_350, %mul3A_348 : vector<16xf32>
    %bitcast3A_352 = vector.bitcast %add3A_351 : vector<16xf32> to vector<16xi32>
    %shift_right_arithmetic3A_353 = arith.constant 23 : i32
    %shift_right_arithmetic3A_354 = vector.broadcast %shift_right_arithmetic3A_353 : i32 to vector<16xi32>
    %shift_right_arithmetic3A_355 = arith.shrsi %bitcast3A_352, %shift_right_arithmetic3A_354 : vector<16xi32>
    %and3A_356 = arith.constant 255 : i32
    %and3A_357 = vector.broadcast %and3A_356 : i32 to vector<16xi32>
    %and3A_358 = arith.andi %shift_right_arithmetic3A_355, %and3A_357 : vector<16xi32>
    %sub3A_359 = arith.constant 127 : i32
    %sub3A_360 = vector.broadcast %sub3A_359 : i32 to vector<16xi32>
    %sub3A_361 = arith.subi %and3A_358, %sub3A_360 : vector<16xi32>
    %and3A_362 = arith.constant 8388607 : i32
    %and3A_363 = vector.broadcast %and3A_362 : i32 to vector<16xi32>
    %and3A_364 = arith.andi %bitcast3A_352, %and3A_363 : vector<16xi32>
    %or3A_365 = arith.constant 1065353216 : i32
    %or3A_366 = vector.broadcast %or3A_365 : i32 to vector<16xi32>
    %or3A_367 = arith.ori %and3A_364, %or3A_366 : vector<16xi32>
    %bitcast3A_368 = vector.bitcast %or3A_367 : vector<16xi32> to vector<16xf32>
    %sub3A_369 = arith.constant 1.000000e+00 : f32
    %sub3A_370 = vector.broadcast %sub3A_369 : f32 to vector<16xf32>
    %sub3A_371 = arith.subf %bitcast3A_368, %sub3A_370 : vector<16xf32>
    %add3A_372 = arith.constant 1.000000e+00 : f32
    %add3A_373 = vector.broadcast %add3A_372 : f32 to vector<16xf32>
    %add3A_374 = arith.addf %bitcast3A_368, %add3A_373 : vector<16xf32>
    %div3A_375 = arith.divf %sub3A_371, %add3A_374 : vector<16xf32>
    %mul3A_376 = arith.mulf %div3A_375, %div3A_375 : vector<16xf32>
    %mul3A_377 = arith.constant 2.000000e+00 : f32
    %mul3A_378 = vector.broadcast %mul3A_377 : f32 to vector<16xf32>
    %mul3A_379 = arith.mulf %mul3A_378, %div3A_375 : vector<16xf32>
    %mul3A_380 = arith.constant 0.111111112 : f32
    %mul3A_381 = vector.broadcast %mul3A_380 : f32 to vector<16xf32>
    %mul3A_382 = arith.mulf %mul3A_376, %mul3A_381 : vector<16xf32>
    %add3A_383 = arith.constant 0.142857149 : f32
    %add3A_384 = vector.broadcast %add3A_383 : f32 to vector<16xf32>
    %add3A_385 = arith.addf %add3A_384, %mul3A_382 : vector<16xf32>
    %mul3A_386 = arith.mulf %mul3A_376, %add3A_385 : vector<16xf32>
    %add3A_387 = arith.constant 2.000000e-01 : f32
    %add3A_388 = vector.broadcast %add3A_387 : f32 to vector<16xf32>
    %add3A_389 = arith.addf %add3A_388, %mul3A_386 : vector<16xf32>
    %mul3A_390 = arith.mulf %mul3A_376, %add3A_389 : vector<16xf32>
    %add3A_391 = arith.constant 0.333333343 : f32
    %add3A_392 = vector.broadcast %add3A_391 : f32 to vector<16xf32>
    %add3A_393 = arith.addf %add3A_392, %mul3A_390 : vector<16xf32>
    %mul3A_394 = arith.mulf %mul3A_376, %add3A_393 : vector<16xf32>
    %add3A_395 = arith.constant 1.000000e+00 : f32
    %add3A_396 = vector.broadcast %add3A_395 : f32 to vector<16xf32>
    %add3A_397 = arith.addf %add3A_396, %mul3A_394 : vector<16xf32>
    %mul3A_398 = arith.mulf %mul3A_379, %add3A_397 : vector<16xf32>
    %convert_element_type3A_399 = arith.sitofp %sub3A_361 : vector<16xi32> to vector<16xf32>
    %mul3A_400 = arith.constant 0.693147182 : f32
    %mul3A_401 = vector.broadcast %mul3A_400 : f32 to vector<16xf32>
    %mul3A_402 = arith.mulf %convert_element_type3A_399, %mul3A_401 : vector<16xf32>
    %add3A_403 = arith.addf %mul3A_402, %mul3A_398 : vector<16xf32>
    %add3A_404 = arith.constant 1.000000e+00 : f32
    %add3A_405 = vector.broadcast %add3A_404 : f32 to vector<16xf32>
    %add3A_406 = arith.addf %add3A_405, %add3A_403 : vector<16xf32>
    %swap3A_407 = arith.constant 80 : index
    %swap3A_408 = tpu.vector_load %arg18[%swap3A_407] {strides = array<i32>} : memref<128xf32, #tpu.memory_space<vmem>>, vector<16xf32>,
    tpu.vector_store %arg18[%swap3A_407], %add3A_406 {strides = array<i32>} : memref<128xf32, #tpu.memory_space<vmem>>, vector<16xf32>,
    %get3A_409 = arith.constant 96 : index
    %get3A_410 = tpu.vector_load %arg14[%get3A_409] {strides = array<i32>} : memref<128xi32, #tpu.memory_space<vmem>>, vector<16xi32>,
    %gather3A_411 = tpu.vector_load_idx %arg17[%get3A_410] : memref<1000xf32, #tpu.memory_space<vmem>>[vector<16xi32>], vector<16xf32>,
    %get3A_412 = arith.constant 96 : index
    %get3A_413 = tpu.vector_load %arg16[%get3A_412] {strides = array<i32>} : memref<128xf32, #tpu.memory_space<vmem>>, vector<16xf32>,
    %mul3A_414 = arith.mulf %get3A_413, %gather3A_411 : vector<16xf32>
    %add3A_415 = arith.constant 1.000000e+00 : f32
    %add3A_416 = vector.broadcast %add3A_415 : f32 to vector<16xf32>
    %add3A_417 = arith.addf %add3A_416, %mul3A_414 : vector<16xf32>
    %bitcast3A_418 = vector.bitcast %add3A_417 : vector<16xf32> to vector<16xi32>
    %shift_right_arithmetic3A_419 = arith.constant 23 : i32
    %shift_right_arithmetic3A_420 = vector.broadcast %shift_right_arithmetic3A_419 : i32 to vector<16xi32>
    %shift_right_arithmetic3A_421 = arith.shrsi %bitcast3A_418, %shift_right_arithmetic3A_420 : vector<16xi32>
    %and3A_422 = arith.constant 255 : i32
    %and3A_423 = vector.broadcast %and3A_422 : i32 to vector<16xi32>
    %and3A_424 = arith.andi %shift_right_arithmetic3A_421, %and3A_423 : vector<16xi32>
    %sub3A_425 = arith.constant 127 : i32
    %sub3A_426 = vector.broadcast %sub3A_425 : i32 to vector<16xi32>
    %sub3A_427 = arith.subi %and3A_424, %sub3A_426 : vector<16xi32>
    %and3A_428 = arith.constant 8388607 : i32
    %and3A_429 = vector.broadcast %and3A_428 : i32 to vector<16xi32>
    %and3A_430 = arith.andi %bitcast3A_418, %and3A_429 : vector<16xi32>
    %or3A_431 = arith.constant 1065353216 : i32
    %or3A_432 = vector.broadcast %or3A_431 : i32 to vector<16xi32>
    %or3A_433 = arith.ori %and3A_430, %or3A_432 : vector<16xi32>
    %bitcast3A_434 = vector.bitcast %or3A_433 : vector<16xi32> to vector<16xf32>
    %sub3A_435 = arith.constant 1.000000e+00 : f32
    %sub3A_436 = vector.broadcast %sub3A_435 : f32 to vector<16xf32>
    %sub3A_437 = arith.subf %bitcast3A_434, %sub3A_436 : vector<16xf32>
    %add3A_438 = arith.constant 1.000000e+00 : f32
    %add3A_439 = vector.broadcast %add3A_438 : f32 to vector<16xf32>
    %add3A_440 = arith.addf %bitcast3A_434, %add3A_439 : vector<16xf32>
    %div3A_441 = arith.divf %sub3A_437, %add3A_440 : vector<16xf32>
    %mul3A_442 = arith.mulf %div3A_441, %div3A_441 : vector<16xf32>
    %mul3A_443 = arith.constant 2.000000e+00 : f32
    %mul3A_444 = vector.broadcast %mul3A_443 : f32 to vector<16xf32>
    %mul3A_445 = arith.mulf %mul3A_444, %div3A_441 : vector<16xf32>
    %mul3A_446 = arith.constant 0.111111112 : f32
    %mul3A_447 = vector.broadcast %mul3A_446 : f32 to vector<16xf32>
    %mul3A_448 = arith.mulf %mul3A_442, %mul3A_447 : vector<16xf32>
    %add3A_449 = arith.constant 0.142857149 : f32
    %add3A_450 = vector.broadcast %add3A_449 : f32 to vector<16xf32>
    %add3A_451 = arith.addf %add3A_450, %mul3A_448 : vector<16xf32>
    %mul3A_452 = arith.mulf %mul3A_442, %add3A_451 : vector<16xf32>
    %add3A_453 = arith.constant 2.000000e-01 : f32
    %add3A_454 = vector.broadcast %add3A_453 : f32 to vector<16xf32>
    %add3A_455 = arith.addf %add3A_454, %mul3A_452 : vector<16xf32>
    %mul3A_456 = arith.mulf %mul3A_442, %add3A_455 : vector<16xf32>
    %add3A_457 = arith.constant 0.333333343 : f32
    %add3A_458 = vector.broadcast %add3A_457 : f32 to vector<16xf32>
    %add3A_459 = arith.addf %add3A_458, %mul3A_456 : vector<16xf32>
    %mul3A_460 = arith.mulf %mul3A_442, %add3A_459 : vector<16xf32>
    %add3A_461 = arith.constant 1.000000e+00 : f32
    %add3A_462 = vector.broadcast %add3A_461 : f32 to vector<16xf32>
    %add3A_463 = arith.addf %add3A_462, %mul3A_460 : vector<16xf32>
    %mul3A_464 = arith.mulf %mul3A_445, %add3A_463 : vector<16xf32>
    %convert_element_type3A_465 = arith.sitofp %sub3A_427 : vector<16xi32> to vector<16xf32>
    %mul3A_466 = arith.constant 0.693147182 : f32
    %mul3A_467 = vector.broadcast %mul3A_466 : f32 to vector<16xf32>
    %mul3A_468 = arith.mulf %convert_element_type3A_465, %mul3A_467 : vector<16xf32>
    %add3A_469 = arith.addf %mul3A_468, %mul3A_464 : vector<16xf32>
    %add3A_470 = arith.constant 1.000000e+00 : f32
    %add3A_471 = vector.broadcast %add3A_470 : f32 to vector<16xf32>
    %add3A_472 = arith.addf %add3A_471, %add3A_469 : vector<16xf32>
    %swap3A_473 = arith.constant 96 : index
    %swap3A_474 = tpu.vector_load %arg18[%swap3A_473] {strides = array<i32>} : memref<128xf32, #tpu.memory_space<vmem>>, vector<16xf32>,
    tpu.vector_store %arg18[%swap3A_473], %add3A_472 {strides = array<i32>} : memref<128xf32, #tpu.memory_space<vmem>>, vector<16xf32>,
    %get3A_475 = arith.constant 112 : index
    %get3A_476 = tpu.vector_load %arg14[%get3A_475] {strides = array<i32>} : memref<128xi32, #tpu.memory_space<vmem>>, vector<16xi32>,
    %gather3A_477 = tpu.vector_load_idx %arg17[%get3A_476] : memref<1000xf32, #tpu.memory_space<vmem>>[vector<16xi32>], vector<16xf32>,
    %get3A_478 = arith.constant 112 : index
    %get3A_479 = tpu.vector_load %arg16[%get3A_478] {strides = array<i32>} : memref<128xf32, #tpu.memory_space<vmem>>, vector<16xf32>,
    %mul3A_480 = arith.mulf %get3A_479, %gather3A_477 : vector<16xf32>
    %add3A_481 = arith.constant 1.000000e+00 : f32
    %add3A_482 = vector.broadcast %add3A_481 : f32 to vector<16xf32>
    %add3A_483 = arith.addf %add3A_482, %mul3A_480 : vector<16xf32>
    %bitcast3A_484 = vector.bitcast %add3A_483 : vector<16xf32> to vector<16xi32>
    %shift_right_arithmetic3A_485 = arith.constant 23 : i32
    %shift_right_arithmetic3A_486 = vector.broadcast %shift_right_arithmetic3A_485 : i32 to vector<16xi32>
    %shift_right_arithmetic3A_487 = arith.shrsi %bitcast3A_484, %shift_right_arithmetic3A_486 : vector<16xi32>
    %and3A_488 = arith.constant 255 : i32
    %and3A_489 = vector.broadcast %and3A_488 : i32 to vector<16xi32>
    %and3A_490 = arith.andi %shift_right_arithmetic3A_487, %and3A_489 : vector<16xi32>
    %sub3A_491 = arith.constant 127 : i32
    %sub3A_492 = vector.broadcast %sub3A_491 : i32 to vector<16xi32>
    %sub3A_493 = arith.subi %and3A_490, %sub3A_492 : vector<16xi32>
    %and3A_494 = arith.constant 8388607 : i32
    %and3A_495 = vector.broadcast %and3A_494 : i32 to vector<16xi32>
    %and3A_496 = arith.andi %bitcast3A_484, %and3A_495 : vector<16xi32>
    %or3A_497 = arith.constant 1065353216 : i32
    %or3A_498 = vector.broadcast %or3A_497 : i32 to vector<16xi32>
    %or3A_499 = arith.ori %and3A_496, %or3A_498 : vector<16xi32>
    %bitcast3A_500 = vector.bitcast %or3A_499 : vector<16xi32> to vector<16xf32>
    %sub3A_501 = arith.constant 1.000000e+00 : f32
    %sub3A_502 = vector.broadcast %sub3A_501 : f32 to vector<16xf32>
    %sub3A_503 = arith.subf %bitcast3A_500, %sub3A_502 : vector<16xf32>
    %add3A_504 = arith.constant 1.000000e+00 : f32
    %add3A_505 = vector.broadcast %add3A_504 : f32 to vector<16xf32>
    %add3A_506 = arith.addf %bitcast3A_500, %add3A_505 : vector<16xf32>
    %div3A_507 = arith.divf %sub3A_503, %add3A_506 : vector<16xf32>
    %mul3A_508 = arith.mulf %div3A_507, %div3A_507 : vector<16xf32>
    %mul3A_509 = arith.constant 2.000000e+00 : f32
    %mul3A_510 = vector.broadcast %mul3A_509 : f32 to vector<16xf32>
    %mul3A_511 = arith.mulf %mul3A_510, %div3A_507 : vector<16xf32>
    %mul3A_512 = arith.constant 0.111111112 : f32
    %mul3A_513 = vector.broadcast %mul3A_512 : f32 to vector<16xf32>
    %mul3A_514 = arith.mulf %mul3A_508, %mul3A_513 : vector<16xf32>
    %add3A_515 = arith.constant 0.142857149 : f32
    %add3A_516 = vector.broadcast %add3A_515 : f32 to vector<16xf32>
    %add3A_517 = arith.addf %add3A_516, %mul3A_514 : vector<16xf32>
    %mul3A_518 = arith.mulf %mul3A_508, %add3A_517 : vector<16xf32>
    %add3A_519 = arith.constant 2.000000e-01 : f32
    %add3A_520 = vector.broadcast %add3A_519 : f32 to vector<16xf32>
    %add3A_521 = arith.addf %add3A_520, %mul3A_518 : vector<16xf32>
    %mul3A_522 = arith.mulf %mul3A_508, %add3A_521 : vector<16xf32>
    %add3A_523 = arith.constant 0.333333343 : f32
    %add3A_524 = vector.broadcast %add3A_523 : f32 to vector<16xf32>
    %add3A_525 = arith.addf %add3A_524, %mul3A_522 : vector<16xf32>
    %mul3A_526 = arith.mulf %mul3A_508, %add3A_525 : vector<16xf32>
    %add3A_527 = arith.constant 1.000000e+00 : f32
    %add3A_528 = vector.broadcast %add3A_527 : f32 to vector<16xf32>
    %add3A_529 = arith.addf %add3A_528, %mul3A_526 : vector<16xf32>
    %mul3A_530 = arith.mulf %mul3A_511, %add3A_529 : vector<16xf32>
    %convert_element_type3A_531 = arith.sitofp %sub3A_493 : vector<16xi32> to vector<16xf32>
    %mul3A_532 = arith.constant 0.693147182 : f32
    %mul3A_533 = vector.broadcast %mul3A_532 : f32 to vector<16xf32>
    %mul3A_534 = arith.mulf %convert_element_type3A_531, %mul3A_533 : vector<16xf32>
    %add3A_535 = arith.addf %mul3A_534, %mul3A_530 : vector<16xf32>
    %add3A_536 = arith.constant 1.000000e+00 : f32
    %add3A_537 = vector.broadcast %add3A_536 : f32 to vector<16xf32>
    %add3A_538 = arith.addf %add3A_537, %add3A_535 : vector<16xf32>
    %swap3A_539 = arith.constant 112 : index
    %swap3A_540 = tpu.vector_load %arg18[%swap3A_539] {strides = array<i32>} : memref<128xf32, #tpu.memory_space<vmem>>, vector<16xf32>,
    tpu.vector_store %arg18[%swap3A_539], %add3A_538 {strides = array<i32>} : memref<128xf32, #tpu.memory_space<vmem>>, vector<16xf32>,
    %dma_start3A_541 = arith.constant 0 : i32
    %dma_start3A_542 = tpu.memref_slice %arg15[%dma_start3A_541] : memref<8192xi32, #tpu.memory_space<vmem>> -> memref<128xi32, #tpu.memory_space<vmem>>
    %dma_start3A_543 = arith.constant 0 : i32
    %dma_start3A_544 = arith.constant 0 : i32
    %dma_start3A_545 = tpu.memref_slice %arg7[%dma_start3A_543, %dma_start3A_544] : memref<1000000x128xf32, #tpu.memory_space<hbm>> -> memref<1000000x128xf32, #tpu.memory_space<hbm>>
    tpu.enqueue_indirect_dma source(%dma_start3A_545 : memref<1000000x128xf32, #tpu.memory_space<hbm>>) target(%arg22 : memref<128x128xf32, #tpu.memory_space<vmem>>) offsets(%dma_start3A_542 : memref<128xi32, #tpu.memory_space<vmem>>) semaphore(%arg29 : memref<!tpu.dma_semaphore, #tpu.memory_space<semaphore_mem>>)
    %dma_start3A_546 = arith.constant 128 : i32
    %dma_start3A_547 = tpu.memref_slice %arg15[%dma_start3A_546] : memref<8192xi32, #tpu.memory_space<vmem>> -> memref<128xi32, #tpu.memory_space<vmem>>
    %dma_start3A_548 = arith.constant 0 : i32
    %dma_start3A_549 = arith.constant 0 : i32
    %dma_start3A_550 = tpu.memref_slice %arg7[%dma_start3A_548, %dma_start3A_549] : memref<1000000x128xf32, #tpu.memory_space<hbm>> -> memref<1000000x128xf32, #tpu.memory_space<hbm>>
    tpu.enqueue_indirect_dma source(%dma_start3A_550 : memref<1000000x128xf32, #tpu.memory_space<hbm>>) target(%arg23 : memref<128x128xf32, #tpu.memory_space<vmem>>) offsets(%dma_start3A_547 : memref<128xi32, #tpu.memory_space<vmem>>) semaphore(%arg30 : memref<!tpu.dma_semaphore, #tpu.memory_space<semaphore_mem>>)
    %scan3A = arith.constant 0 : i32
    %scan3A_551 = arith.constant 0 : i32
    %scan3A_552 = arith.constant 32 : i32
    %scan3A_553 = arith.addi %scan3A_551, %scan3A_552 : i32
    %scan3A_554 = arith.constant 1 : i32
    scf.for %scan3A_922 = %scan3A_551 to %scan3A_553 step %scan3A_554  : i32 {
      %mul3A_923 = arith.constant 2 : i32
      %mul3A_924 = arith.muli %scan3A_922, %mul3A_923 : i32
      %add3A_925 = arith.constant 0 : i32
      %add3A_926 = arith.addi %mul3A_924, %add3A_925 : i32
      %mul3A_927 = arith.constant 128 : i32
      %mul3A_928 = arith.muli %add3A_926, %mul3A_927 : i32
      %dma_wait3A_929 = tpu.memref_slice %arg15[%mul3A_928] : memref<8192xi32, #tpu.memory_space<vmem>> -> memref<128xi32, #tpu.memory_space<vmem>>
      %dma_wait3A_930 = arith.constant 0 : i32
      %dma_wait3A_931 = arith.constant 0 : i32
      %dma_wait3A_932 = tpu.memref_slice %arg7[%dma_wait3A_930, %dma_wait3A_931] : memref<1000000x128xf32, #tpu.memory_space<hbm>> -> memref<1000000x128xf32, #tpu.memory_space<hbm>>
      tpu.wait_indirect_dma semaphore(%arg29 : memref<!tpu.dma_semaphore, #tpu.memory_space<semaphore_mem>>) src(%dma_wait3A_932 : memref<1000000x128xf32, #tpu.memory_space<hbm>>) dst(%arg22 : memref<128x128xf32, #tpu.memory_space<vmem>>)
      %mul3A_933 = arith.constant 2 : i32
      %mul3A_934 = arith.muli %add3A_926, %mul3A_933 : i32
      %add3A_935 = arith.constant 0 : i32
      %add3A_936 = arith.addi %mul3A_934, %add3A_935 : i32
      %broadcast_in_dim3A_937 = vector.broadcast %add3A_936 : i32 to vector<16xi32>
      %gather3A_938 = tpu.vector_load_idx %arg18[%broadcast_in_dim3A_937] : memref<128xf32, #tpu.memory_space<vmem>>[vector<16xi32>], vector<16xf32>,
      %get3A_939 = arith.index_cast %add3A_936 : i32 to index
      %get3A_940 = arith.constant 0 : index
      %get3A_941 = tpu.vector_load %arg19[%get3A_939, %get3A_940] {strides = array<i32>} : memref<128x128xf32, #tpu.memory_space<vmem>>, vector<16xf32>,
      %get3A_942 = arith.index_cast %add3A_936 : i32 to index
      %get3A_943 = arith.constant 0 : index
      %get3A_944 = tpu.vector_load %arg21[%get3A_942, %get3A_943] {strides = array<i32>} : memref<128x128xf32, #tpu.memory_space<vmem>>, vector<16xf32>,
      %mul3A_945 = arith.mulf %gather3A_938, %get3A_944 : vector<16xf32>
      %add3A_946 = arith.addf %get3A_941, %mul3A_945 : vector<16xf32>
      %get3A_947 = arith.index_cast %add3A_936 : i32 to index
      %get3A_948 = arith.constant 16 : index
      %get3A_949 = tpu.vector_load %arg19[%get3A_947, %get3A_948] {strides = array<i32>} : memref<128x128xf32, #tpu.memory_space<vmem>>, vector<16xf32>,
      %get3A_950 = arith.index_cast %add3A_936 : i32 to index
      %get3A_951 = arith.constant 16 : index
      %get3A_952 = tpu.vector_load %arg21[%get3A_950, %get3A_951] {strides = array<i32>} : memref<128x128xf32, #tpu.memory_space<vmem>>, vector<16xf32>,
      %mul3A_953 = arith.mulf %gather3A_938, %get3A_952 : vector<16xf32>
      %add3A_954 = arith.addf %get3A_949, %mul3A_953 : vector<16xf32>
      %get3A_955 = arith.index_cast %add3A_936 : i32 to index
      %get3A_956 = arith.constant 32 : index
      %get3A_957 = tpu.vector_load %arg19[%get3A_955, %get3A_956] {strides = array<i32>} : memref<128x128xf32, #tpu.memory_space<vmem>>, vector<16xf32>,
      %get3A_958 = arith.index_cast %add3A_936 : i32 to index
      %get3A_959 = arith.constant 32 : index
      %get3A_960 = tpu.vector_load %arg21[%get3A_958, %get3A_959] {strides = array<i32>} : memref<128x128xf32, #tpu.memory_space<vmem>>, vector<16xf32>,
      %mul3A_961 = arith.mulf %gather3A_938, %get3A_960 : vector<16xf32>
      %add3A_962 = arith.addf %get3A_957, %mul3A_961 : vector<16xf32>
      %get3A_963 = arith.index_cast %add3A_936 : i32 to index
      %get3A_964 = arith.constant 48 : index
      %get3A_965 = tpu.vector_load %arg19[%get3A_963, %get3A_964] {strides = array<i32>} : memref<128x128xf32, #tpu.memory_space<vmem>>, vector<16xf32>,
      %get3A_966 = arith.index_cast %add3A_936 : i32 to index
      %get3A_967 = arith.constant 48 : index
      %get3A_968 = tpu.vector_load %arg21[%get3A_966, %get3A_967] {strides = array<i32>} : memref<128x128xf32, #tpu.memory_space<vmem>>, vector<16xf32>,
      %mul3A_969 = arith.mulf %gather3A_938, %get3A_968 : vector<16xf32>
      %add3A_970 = arith.addf %get3A_965, %mul3A_969 : vector<16xf32>
      %get3A_971 = arith.index_cast %add3A_936 : i32 to index
      %get3A_972 = arith.constant 0 : index
      %get3A_973 = tpu.vector_load %arg20[%get3A_971, %get3A_972] {strides = array<i32>} : memref<128x128xf32, #tpu.memory_space<vmem>>, vector<16xf32>,
      %sub3A_974 = arith.subf %add3A_946, %get3A_973 : vector<16xf32>
      %mul3A_975 = arith.mulf %sub3A_974, %sub3A_974 : vector<16xf32>
      %get3A_976 = arith.index_cast %add3A_936 : i32 to index
      %get3A_977 = arith.constant 16 : index
      %get3A_978 = tpu.vector_load %arg20[%get3A_976, %get3A_977] {strides = array<i32>} : memref<128x128xf32, #tpu.memory_space<vmem>>, vector<16xf32>,
      %sub3A_979 = arith.subf %add3A_954, %get3A_978 : vector<16xf32>
      %mul3A_980 = arith.mulf %sub3A_979, %sub3A_979 : vector<16xf32>
      %add3A_981 = arith.addf %mul3A_975, %mul3A_980 : vector<16xf32>
      %get3A_982 = arith.index_cast %add3A_936 : i32 to index
      %get3A_983 = arith.constant 32 : index
      %get3A_984 = tpu.vector_load %arg20[%get3A_982, %get3A_983] {strides = array<i32>} : memref<128x128xf32, #tpu.memory_space<vmem>>, vector<16xf32>,
      %sub3A_985 = arith.subf %add3A_962, %get3A_984 : vector<16xf32>
      %mul3A_986 = arith.mulf %sub3A_985, %sub3A_985 : vector<16xf32>
      %add3A_987 = arith.addf %add3A_981, %mul3A_986 : vector<16xf32>
      %get3A_988 = arith.index_cast %add3A_936 : i32 to index
      %get3A_989 = arith.constant 48 : index
      %get3A_990 = tpu.vector_load %arg20[%get3A_988, %get3A_989] {strides = array<i32>} : memref<128x128xf32, #tpu.memory_space<vmem>>, vector<16xf32>,
      %sub3A_991 = arith.subf %add3A_970, %get3A_990 : vector<16xf32>
      %mul3A_992 = arith.mulf %sub3A_991, %sub3A_991 : vector<16xf32>
      %add3A_993 = arith.addf %add3A_987, %mul3A_992 : vector<16xf32>
      %reduce_sum3A = arith.constant true
      %reduce_sum3A_994 = vector.broadcast %reduce_sum3A : i1 to vector<16xi1>
      %reduce_sum3A_995 = tpu.scan <sum>, %add3A_993 masked %reduce_sum3A_994 : vector<16xf32>, vector<16xi1> -> vector<16xf32>
      %reduce_sum3A_996 = vector.extract %reduce_sum3A_995[15] : f32 from vector<16xf32>
      %broadcast_in_dim3A_997 = vector.broadcast %reduce_sum3A_996 : f32 to vector<16xf32>
      tpu.vector_store_idx %arg25[%broadcast_in_dim3A_937], %broadcast_in_dim3A_997 masked %eq3A_22 : memref<128xf32, #tpu.memory_space<vmem>>[vector<16xi32>], vector<16xf32>, vector<16xi1>
      %scan3A_998 = arith.constant 0 : i32
      %scan3A_999 = arith.constant 0 : i32
      %scan3A_1000 = arith.constant 4 : i32
      %scan3A_1001 = arith.addi %scan3A_999, %scan3A_1000 : i32
      %scan3A_1002 = arith.constant 1 : i32
      %scan3A_1003 = scf.for %scan3A_2046 = %scan3A_999 to %scan3A_1001 step %scan3A_1002 iter_args(%scan3A_2047 = %scan3A_998) -> (i32)  : i32 {
        %mul3A_2048 = arith.constant 16 : i32
        %mul3A_2049 = arith.muli %scan3A_2046, %mul3A_2048 : i32
        %add3A_2050 = arith.constant 0 : i32
        %add3A_2051 = arith.addi %add3A_2050, %mul3A_2049 : i32
        %add3A_2052 = arith.constant 0 : i32
        %add3A_2053 = arith.addi %add3A_2051, %add3A_2052 : i32
        %get3A_2054 = arith.index_cast %add3A_2053 : i32 to index
        %get3A_2055 = arith.constant 0 : index
        %get3A_2056 = tpu.vector_load %arg22[%get3A_2054, %get3A_2055] {strides = array<i32>} : memref<128x128xf32, #tpu.memory_space<vmem>>, vector<16xf32>,
        %sub3A_2057 = arith.subf %add3A_946, %get3A_2056 : vector<16xf32>
        %mul3A_2058 = arith.mulf %sub3A_2057, %sub3A_2057 : vector<16xf32>
        %get3A_2059 = arith.index_cast %add3A_2053 : i32 to index
        %get3A_2060 = arith.constant 16 : index
        %get3A_2061 = tpu.vector_load %arg22[%get3A_2059, %get3A_2060] {strides = array<i32>} : memref<128x128xf32, #tpu.memory_space<vmem>>, vector<16xf32>,
        %sub3A_2062 = arith.subf %add3A_954, %get3A_2061 : vector<16xf32>
        %mul3A_2063 = arith.mulf %sub3A_2062, %sub3A_2062 : vector<16xf32>
        %add3A_2064 = arith.addf %mul3A_2058, %mul3A_2063 : vector<16xf32>
        %get3A_2065 = arith.index_cast %add3A_2053 : i32 to index
        %get3A_2066 = arith.constant 32 : index
        %get3A_2067 = tpu.vector_load %arg22[%get3A_2065, %get3A_2066] {strides = array<i32>} : memref<128x128xf32, #tpu.memory_space<vmem>>, vector<16xf32>,
        %sub3A_2068 = arith.subf %add3A_962, %get3A_2067 : vector<16xf32>
        %mul3A_2069 = arith.mulf %sub3A_2068, %sub3A_2068 : vector<16xf32>
        %add3A_2070 = arith.addf %add3A_2064, %mul3A_2069 : vector<16xf32>
        %get3A_2071 = arith.index_cast %add3A_2053 : i32 to index
        %get3A_2072 = arith.constant 48 : index
        %get3A_2073 = tpu.vector_load %arg22[%get3A_2071, %get3A_2072] {strides = array<i32>} : memref<128x128xf32, #tpu.memory_space<vmem>>, vector<16xf32>,
        %sub3A_2074 = arith.subf %add3A_970, %get3A_2073 : vector<16xf32>
        %mul3A_2075 = arith.mulf %sub3A_2074, %sub3A_2074 : vector<16xf32>
        %add3A_2076 = arith.addf %add3A_2070, %mul3A_2075 : vector<16xf32>
        %broadcast_in_dim3A_2077 = vector.broadcast %add3A_2053 : i32 to vector<16xi32>
        %reduce_sum3A_2078 = arith.constant true
        %reduce_sum3A_2079 = vector.broadcast %reduce_sum3A_2078 : i1 to vector<16xi1>
        %reduce_sum3A_2080 = tpu.scan <sum>, %add3A_2076 masked %reduce_sum3A_2079 : vector<16xf32>, vector<16xi1> -> vector<16xf32>
        %reduce_sum3A_2081 = vector.extract %reduce_sum3A_2080[15] : f32 from vector<16xf32>
        %broadcast_in_dim3A_2082 = vector.broadcast %reduce_sum3A_2081 : f32 to vector<16xf32>
        tpu.vector_store_idx %arg24[%broadcast_in_dim3A_2077], %broadcast_in_dim3A_2082 masked %eq3A_22 : memref<128xf32, #tpu.memory_space<vmem>>[vector<16xi32>], vector<16xf32>, vector<16xi1>
        %mul3A_2083 = arith.constant 16 : i32
        %mul3A_2084 = arith.muli %scan3A_2046, %mul3A_2083 : i32
        %add3A_2085 = arith.constant 0 : i32
        %add3A_2086 = arith.addi %add3A_2085, %mul3A_2084 : i32
        %add3A_2087 = arith.constant 1 : i32
        %add3A_2088 = arith.addi %add3A_2086, %add3A_2087 : i32
        %get3A_2089 = arith.index_cast %add3A_2088 : i32 to index
        %get3A_2090 = arith.constant 0 : index
        %get3A_2091 = tpu.vector_load %arg22[%get3A_2089, %get3A_2090] {strides = array<i32>} : memref<128x128xf32, #tpu.memory_space<vmem>>, vector<16xf32>,
        %sub3A_2092 = arith.subf %add3A_946, %get3A_2091 : vector<16xf32>
        %mul3A_2093 = arith.mulf %sub3A_2092, %sub3A_2092 : vector<16xf32>
        %get3A_2094 = arith.index_cast %add3A_2088 : i32 to index
        %get3A_2095 = arith.constant 16 : index
        %get3A_2096 = tpu.vector_load %arg22[%get3A_2094, %get3A_2095] {strides = array<i32>} : memref<128x128xf32, #tpu.memory_space<vmem>>, vector<16xf32>,
        %sub3A_2097 = arith.subf %add3A_954, %get3A_2096 : vector<16xf32>
        %mul3A_2098 = arith.mulf %sub3A_2097, %sub3A_2097 : vector<16xf32>
        %add3A_2099 = arith.addf %mul3A_2093, %mul3A_2098 : vector<16xf32>
        %get3A_2100 = arith.index_cast %add3A_2088 : i32 to index
        %get3A_2101 = arith.constant 32 : index
        %get3A_2102 = tpu.vector_load %arg22[%get3A_2100, %get3A_2101] {strides = array<i32>} : memref<128x128xf32, #tpu.memory_space<vmem>>, vector<16xf32>,
        %sub3A_2103 = arith.subf %add3A_962, %get3A_2102 : vector<16xf32>
        %mul3A_2104 = arith.mulf %sub3A_2103, %sub3A_2103 : vector<16xf32>
        %add3A_2105 = arith.addf %add3A_2099, %mul3A_2104 : vector<16xf32>
        %get3A_2106 = arith.index_cast %add3A_2088 : i32 to index
        %get3A_2107 = arith.constant 48 : index
        %get3A_2108 = tpu.vector_load %arg22[%get3A_2106, %get3A_2107] {strides = array<i32>} : memref<128x128xf32, #tpu.memory_space<vmem>>, vector<16xf32>,
        %sub3A_2109 = arith.subf %add3A_970, %get3A_2108 : vector<16xf32>
        %mul3A_2110 = arith.mulf %sub3A_2109, %sub3A_2109 : vector<16xf32>
        %add3A_2111 = arith.addf %add3A_2105, %mul3A_2110 : vector<16xf32>
        %broadcast_in_dim3A_2112 = vector.broadcast %add3A_2088 : i32 to vector<16xi32>
        %reduce_sum3A_2113 = arith.constant true
        %reduce_sum3A_2114 = vector.broadcast %reduce_sum3A_2113 : i1 to vector<16xi1>
        %reduce_sum3A_2115 = tpu.scan <sum>, %add3A_2111 masked %reduce_sum3A_2114 : vector<16xf32>, vector<16xi1> -> vector<16xf32>
        %reduce_sum3A_2116 = vector.extract %reduce_sum3A_2115[15] : f32 from vector<16xf32>
        %broadcast_in_dim3A_2117 = vector.broadcast %reduce_sum3A_2116 : f32 to vector<16xf32>
        tpu.vector_store_idx %arg24[%broadcast_in_dim3A_2112], %broadcast_in_dim3A_2117 masked %eq3A_22 : memref<128xf32, #tpu.memory_space<vmem>>[vector<16xi32>], vector<16xf32>, vector<16xi1>
        %mul3A_2118 = arith.constant 16 : i32
        %mul3A_2119 = arith.muli %scan3A_2046, %mul3A_2118 : i32
        %add3A_2120 = arith.constant 0 : i32
        %add3A_2121 = arith.addi %add3A_2120, %mul3A_2119 : i32
        %add3A_2122 = arith.constant 2 : i32
        %add3A_2123 = arith.addi %add3A_2121, %add3A_2122 : i32
        %get3A_2124 = arith.index_cast %add3A_2123 : i32 to index
        %get3A_2125 = arith.constant 0 : index
        %get3A_2126 = tpu.vector_load %arg22[%get3A_2124, %get3A_2125] {strides = array<i32>} : memref<128x128xf32, #tpu.memory_space<vmem>>, vector<16xf32>,
        %sub3A_2127 = arith.subf %add3A_946, %get3A_2126 : vector<16xf32>
        %mul3A_2128 = arith.mulf %sub3A_2127, %sub3A_2127 : vector<16xf32>
        %get3A_2129 = arith.index_cast %add3A_2123 : i32 to index
        %get3A_2130 = arith.constant 16 : index
        %get3A_2131 = tpu.vector_load %arg22[%get3A_2129, %get3A_2130] {strides = array<i32>} : memref<128x128xf32, #tpu.memory_space<vmem>>, vector<16xf32>,
        %sub3A_2132 = arith.subf %add3A_954, %get3A_2131 : vector<16xf32>
        %mul3A_2133 = arith.mulf %sub3A_2132, %sub3A_2132 : vector<16xf32>
        %add3A_2134 = arith.addf %mul3A_2128, %mul3A_2133 : vector<16xf32>
        %get3A_2135 = arith.index_cast %add3A_2123 : i32 to index
        %get3A_2136 = arith.constant 32 : index
        %get3A_2137 = tpu.vector_load %arg22[%get3A_2135, %get3A_2136] {strides = array<i32>} : memref<128x128xf32, #tpu.memory_space<vmem>>, vector<16xf32>,
        %sub3A_2138 = arith.subf %add3A_962, %get3A_2137 : vector<16xf32>
        %mul3A_2139 = arith.mulf %sub3A_2138, %sub3A_2138 : vector<16xf32>
        %add3A_2140 = arith.addf %add3A_2134, %mul3A_2139 : vector<16xf32>
        %get3A_2141 = arith.index_cast %add3A_2123 : i32 to index
        %get3A_2142 = arith.constant 48 : index
        %get3A_2143 = tpu.vector_load %arg22[%get3A_2141, %get3A_2142] {strides = array<i32>} : memref<128x128xf32, #tpu.memory_space<vmem>>, vector<16xf32>,
        %sub3A_2144 = arith.subf %add3A_970, %get3A_2143 : vector<16xf32>
        %mul3A_2145 = arith.mulf %sub3A_2144, %sub3A_2144 : vector<16xf32>
        %add3A_2146 = arith.addf %add3A_2140, %mul3A_2145 : vector<16xf32>
        %broadcast_in_dim3A_2147 = vector.broadcast %add3A_2123 : i32 to vector<16xi32>
        %reduce_sum3A_2148 = arith.constant true
        %reduce_sum3A_2149 = vector.broadcast %reduce_sum3A_2148 : i1 to vector<16xi1>
        %reduce_sum3A_2150 = tpu.scan <sum>, %add3A_2146 masked %reduce_sum3A_2149 : vector<16xf32>, vector<16xi1> -> vector<16xf32>
        %reduce_sum3A_2151 = vector.extract %reduce_sum3A_2150[15] : f32 from vector<16xf32>
        %broadcast_in_dim3A_2152 = vector.broadcast %reduce_sum3A_2151 : f32 to vector<16xf32>
        tpu.vector_store_idx %arg24[%broadcast_in_dim3A_2147], %broadcast_in_dim3A_2152 masked %eq3A_22 : memref<128xf32, #tpu.memory_space<vmem>>[vector<16xi32>], vector<16xf32>, vector<16xi1>
        %mul3A_2153 = arith.constant 16 : i32
        %mul3A_2154 = arith.muli %scan3A_2046, %mul3A_2153 : i32
        %add3A_2155 = arith.constant 0 : i32
        %add3A_2156 = arith.addi %add3A_2155, %mul3A_2154 : i32
        %add3A_2157 = arith.constant 3 : i32
        %add3A_2158 = arith.addi %add3A_2156, %add3A_2157 : i32
        %get3A_2159 = arith.index_cast %add3A_2158 : i32 to index
        %get3A_2160 = arith.constant 0 : index
        %get3A_2161 = tpu.vector_load %arg22[%get3A_2159, %get3A_2160] {strides = array<i32>} : memref<128x128xf32, #tpu.memory_space<vmem>>, vector<16xf32>,
        %sub3A_2162 = arith.subf %add3A_946, %get3A_2161 : vector<16xf32>
        %mul3A_2163 = arith.mulf %sub3A_2162, %sub3A_2162 : vector<16xf32>
        %get3A_2164 = arith.index_cast %add3A_2158 : i32 to index
        %get3A_2165 = arith.constant 16 : index
        %get3A_2166 = tpu.vector_load %arg22[%get3A_2164, %get3A_2165] {strides = array<i32>} : memref<128x128xf32, #tpu.memory_space<vmem>>, vector<16xf32>,
        %sub3A_2167 = arith.subf %add3A_954, %get3A_2166 : vector<16xf32>
        %mul3A_2168 = arith.mulf %sub3A_2167, %sub3A_2167 : vector<16xf32>
        %add3A_2169 = arith.addf %mul3A_2163, %mul3A_2168 : vector<16xf32>
        %get3A_2170 = arith.index_cast %add3A_2158 : i32 to index
        %get3A_2171 = arith.constant 32 : index
        %get3A_2172 = tpu.vector_load %arg22[%get3A_2170, %get3A_2171] {strides = array<i32>} : memref<128x128xf32, #tpu.memory_space<vmem>>, vector<16xf32>,
        %sub3A_2173 = arith.subf %add3A_962, %get3A_2172 : vector<16xf32>
        %mul3A_2174 = arith.mulf %sub3A_2173, %sub3A_2173 : vector<16xf32>
        %add3A_2175 = arith.addf %add3A_2169, %mul3A_2174 : vector<16xf32>
        %get3A_2176 = arith.index_cast %add3A_2158 : i32 to index
        %get3A_2177 = arith.constant 48 : index
        %get3A_2178 = tpu.vector_load %arg22[%get3A_2176, %get3A_2177] {strides = array<i32>} : memref<128x128xf32, #tpu.memory_space<vmem>>, vector<16xf32>,
        %sub3A_2179 = arith.subf %add3A_970, %get3A_2178 : vector<16xf32>
        %mul3A_2180 = arith.mulf %sub3A_2179, %sub3A_2179 : vector<16xf32>
        %add3A_2181 = arith.addf %add3A_2175, %mul3A_2180 : vector<16xf32>
        %broadcast_in_dim3A_2182 = vector.broadcast %add3A_2158 : i32 to vector<16xi32>
        %reduce_sum3A_2183 = arith.constant true
        %reduce_sum3A_2184 = vector.broadcast %reduce_sum3A_2183 : i1 to vector<16xi1>
        %reduce_sum3A_2185 = tpu.scan <sum>, %add3A_2181 masked %reduce_sum3A_2184 : vector<16xf32>, vector<16xi1> -> vector<16xf32>
        %reduce_sum3A_2186 = vector.extract %reduce_sum3A_2185[15] : f32 from vector<16xf32>
        %broadcast_in_dim3A_2187 = vector.broadcast %reduce_sum3A_2186 : f32 to vector<16xf32>
        tpu.vector_store_idx %arg24[%broadcast_in_dim3A_2182], %broadcast_in_dim3A_2187 masked %eq3A_22 : memref<128xf32, #tpu.memory_space<vmem>>[vector<16xi32>], vector<16xf32>, vector<16xi1>
        %mul3A_2188 = arith.constant 16 : i32
        %mul3A_2189 = arith.muli %scan3A_2046, %mul3A_2188 : i32
        %add3A_2190 = arith.constant 0 : i32
        %add3A_2191 = arith.addi %add3A_2190, %mul3A_2189 : i32
        %add3A_2192 = arith.constant 4 : i32
        %add3A_2193 = arith.addi %add3A_2191, %add3A_2192 : i32
        %get3A_2194 = arith.index_cast %add3A_2193 : i32 to index
        %get3A_2195 = arith.constant 0 : index
        %get3A_2196 = tpu.vector_load %arg22[%get3A_2194, %get3A_2195] {strides = array<i32>} : memref<128x128xf32, #tpu.memory_space<vmem>>, vector<16xf32>,
        %sub3A_2197 = arith.subf %add3A_946, %get3A_2196 : vector<16xf32>
        %mul3A_2198 = arith.mulf %sub3A_2197, %sub3A_2197 : vector<16xf32>
        %get3A_2199 = arith.index_cast %add3A_2193 : i32 to index
        %get3A_2200 = arith.constant 16 : index
        %get3A_2201 = tpu.vector_load %arg22[%get3A_2199, %get3A_2200] {strides = array<i32>} : memref<128x128xf32, #tpu.memory_space<vmem>>, vector<16xf32>,
        %sub3A_2202 = arith.subf %add3A_954, %get3A_2201 : vector<16xf32>
        %mul3A_2203 = arith.mulf %sub3A_2202, %sub3A_2202 : vector<16xf32>
        %add3A_2204 = arith.addf %mul3A_2198, %mul3A_2203 : vector<16xf32>
        %get3A_2205 = arith.index_cast %add3A_2193 : i32 to index
        %get3A_2206 = arith.constant 32 : index
        %get3A_2207 = tpu.vector_load %arg22[%get3A_2205, %get3A_2206] {strides = array<i32>} : memref<128x128xf32, #tpu.memory_space<vmem>>, vector<16xf32>,
        %sub3A_2208 = arith.subf %add3A_962, %get3A_2207 : vector<16xf32>
        %mul3A_2209 = arith.mulf %sub3A_2208, %sub3A_2208 : vector<16xf32>
        %add3A_2210 = arith.addf %add3A_2204, %mul3A_2209 : vector<16xf32>
        %get3A_2211 = arith.index_cast %add3A_2193 : i32 to index
        %get3A_2212 = arith.constant 48 : index
        %get3A_2213 = tpu.vector_load %arg22[%get3A_2211, %get3A_2212] {strides = array<i32>} : memref<128x128xf32, #tpu.memory_space<vmem>>, vector<16xf32>,
        %sub3A_2214 = arith.subf %add3A_970, %get3A_2213 : vector<16xf32>
        %mul3A_2215 = arith.mulf %sub3A_2214, %sub3A_2214 : vector<16xf32>
        %add3A_2216 = arith.addf %add3A_2210, %mul3A_2215 : vector<16xf32>
        %broadcast_in_dim3A_2217 = vector.broadcast %add3A_2193 : i32 to vector<16xi32>
        %reduce_sum3A_2218 = arith.constant true
        %reduce_sum3A_2219 = vector.broadcast %reduce_sum3A_2218 : i1 to vector<16xi1>
        %reduce_sum3A_2220 = tpu.scan <sum>, %add3A_2216 masked %reduce_sum3A_2219 : vector<16xf32>, vector<16xi1> -> vector<16xf32>
        %reduce_sum3A_2221 = vector.extract %reduce_sum3A_2220[15] : f32 from vector<16xf32>
        %broadcast_in_dim3A_2222 = vector.broadcast %reduce_sum3A_2221 : f32 to vector<16xf32>
        tpu.vector_store_idx %arg24[%broadcast_in_dim3A_2217], %broadcast_in_dim3A_2222 masked %eq3A_22 : memref<128xf32, #tpu.memory_space<vmem>>[vector<16xi32>], vector<16xf32>, vector<16xi1>
        %mul3A_2223 = arith.constant 16 : i32
        %mul3A_2224 = arith.muli %scan3A_2046, %mul3A_2223 : i32
        %add3A_2225 = arith.constant 0 : i32
        %add3A_2226 = arith.addi %add3A_2225, %mul3A_2224 : i32
        %add3A_2227 = arith.constant 5 : i32
        %add3A_2228 = arith.addi %add3A_2226, %add3A_2227 : i32
        %get3A_2229 = arith.index_cast %add3A_2228 : i32 to index
        %get3A_2230 = arith.constant 0 : index
        %get3A_2231 = tpu.vector_load %arg22[%get3A_2229, %get3A_2230] {strides = array<i32>} : memref<128x128xf32, #tpu.memory_space<vmem>>, vector<16xf32>,
        %sub3A_2232 = arith.subf %add3A_946, %get3A_2231 : vector<16xf32>
        %mul3A_2233 = arith.mulf %sub3A_2232, %sub3A_2232 : vector<16xf32>
        %get3A_2234 = arith.index_cast %add3A_2228 : i32 to index
        %get3A_2235 = arith.constant 16 : index
        %get3A_2236 = tpu.vector_load %arg22[%get3A_2234, %get3A_2235] {strides = array<i32>} : memref<128x128xf32, #tpu.memory_space<vmem>>, vector<16xf32>,
        %sub3A_2237 = arith.subf %add3A_954, %get3A_2236 : vector<16xf32>
        %mul3A_2238 = arith.mulf %sub3A_2237, %sub3A_2237 : vector<16xf32>
        %add3A_2239 = arith.addf %mul3A_2233, %mul3A_2238 : vector<16xf32>
        %get3A_2240 = arith.index_cast %add3A_2228 : i32 to index
        %get3A_2241 = arith.constant 32 : index
        %get3A_2242 = tpu.vector_load %arg22[%get3A_2240, %get3A_2241] {strides = array<i32>} : memref<128x128xf32, #tpu.memory_space<vmem>>, vector<16xf32>,
        %sub3A_2243 = arith.subf %add3A_962, %get3A_2242 : vector<16xf32>
        %mul3A_2244 = arith.mulf %sub3A_2243, %sub3A_2243 : vector<16xf32>
        %add3A_2245 = arith.addf %add3A_2239, %mul3A_2244 : vector<16xf32>
        %get3A_2246 = arith.index_cast %add3A_2228 : i32 to index
        %get3A_2247 = arith.constant 48 : index
        %get3A_2248 = tpu.vector_load %arg22[%get3A_2246, %get3A_2247] {strides = array<i32>} : memref<128x128xf32, #tpu.memory_space<vmem>>, vector<16xf32>,
        %sub3A_2249 = arith.subf %add3A_970, %get3A_2248 : vector<16xf32>
        %mul3A_2250 = arith.mulf %sub3A_2249, %sub3A_2249 : vector<16xf32>
        %add3A_2251 = arith.addf %add3A_2245, %mul3A_2250 : vector<16xf32>
        %broadcast_in_dim3A_2252 = vector.broadcast %add3A_2228 : i32 to vector<16xi32>
        %reduce_sum3A_2253 = arith.constant true
        %reduce_sum3A_2254 = vector.broadcast %reduce_sum3A_2253 : i1 to vector<16xi1>
        %reduce_sum3A_2255 = tpu.scan <sum>, %add3A_2251 masked %reduce_sum3A_2254 : vector<16xf32>, vector<16xi1> -> vector<16xf32>
        %reduce_sum3A_2256 = vector.extract %reduce_sum3A_2255[15] : f32 from vector<16xf32>
        %broadcast_in_dim3A_2257 = vector.broadcast %reduce_sum3A_2256 : f32 to vector<16xf32>
        tpu.vector_store_idx %arg24[%broadcast_in_dim3A_2252], %broadcast_in_dim3A_2257 masked %eq3A_22 : memref<128xf32, #tpu.memory_space<vmem>>[vector<16xi32>], vector<16xf32>, vector<16xi1>
        %mul3A_2258 = arith.constant 16 : i32
        %mul3A_2259 = arith.muli %scan3A_2046, %mul3A_2258 : i32
        %add3A_2260 = arith.constant 0 : i32
        %add3A_2261 = arith.addi %add3A_2260, %mul3A_2259 : i32
        %add3A_2262 = arith.constant 6 : i32
        %add3A_2263 = arith.addi %add3A_2261, %add3A_2262 : i32
        %get3A_2264 = arith.index_cast %add3A_2263 : i32 to index
        %get3A_2265 = arith.constant 0 : index
        %get3A_2266 = tpu.vector_load %arg22[%get3A_2264, %get3A_2265] {strides = array<i32>} : memref<128x128xf32, #tpu.memory_space<vmem>>, vector<16xf32>,
        %sub3A_2267 = arith.subf %add3A_946, %get3A_2266 : vector<16xf32>
        %mul3A_2268 = arith.mulf %sub3A_2267, %sub3A_2267 : vector<16xf32>
        %get3A_2269 = arith.index_cast %add3A_2263 : i32 to index
        %get3A_2270 = arith.constant 16 : index
        %get3A_2271 = tpu.vector_load %arg22[%get3A_2269, %get3A_2270] {strides = array<i32>} : memref<128x128xf32, #tpu.memory_space<vmem>>, vector<16xf32>,
        %sub3A_2272 = arith.subf %add3A_954, %get3A_2271 : vector<16xf32>
        %mul3A_2273 = arith.mulf %sub3A_2272, %sub3A_2272 : vector<16xf32>
        %add3A_2274 = arith.addf %mul3A_2268, %mul3A_2273 : vector<16xf32>
        %get3A_2275 = arith.index_cast %add3A_2263 : i32 to index
        %get3A_2276 = arith.constant 32 : index
        %get3A_2277 = tpu.vector_load %arg22[%get3A_2275, %get3A_2276] {strides = array<i32>} : memref<128x128xf32, #tpu.memory_space<vmem>>, vector<16xf32>,
        %sub3A_2278 = arith.subf %add3A_962, %get3A_2277 : vector<16xf32>
        %mul3A_2279 = arith.mulf %sub3A_2278, %sub3A_2278 : vector<16xf32>
        %add3A_2280 = arith.addf %add3A_2274, %mul3A_2279 : vector<16xf32>
        %get3A_2281 = arith.index_cast %add3A_2263 : i32 to index
        %get3A_2282 = arith.constant 48 : index
        %get3A_2283 = tpu.vector_load %arg22[%get3A_2281, %get3A_2282] {strides = array<i32>} : memref<128x128xf32, #tpu.memory_space<vmem>>, vector<16xf32>,
        %sub3A_2284 = arith.subf %add3A_970, %get3A_2283 : vector<16xf32>
        %mul3A_2285 = arith.mulf %sub3A_2284, %sub3A_2284 : vector<16xf32>
        %add3A_2286 = arith.addf %add3A_2280, %mul3A_2285 : vector<16xf32>
        %broadcast_in_dim3A_2287 = vector.broadcast %add3A_2263 : i32 to vector<16xi32>
        %reduce_sum3A_2288 = arith.constant true
        %reduce_sum3A_2289 = vector.broadcast %reduce_sum3A_2288 : i1 to vector<16xi1>
        %reduce_sum3A_2290 = tpu.scan <sum>, %add3A_2286 masked %reduce_sum3A_2289 : vector<16xf32>, vector<16xi1> -> vector<16xf32>
        %reduce_sum3A_2291 = vector.extract %reduce_sum3A_2290[15] : f32 from vector<16xf32>
        %broadcast_in_dim3A_2292 = vector.broadcast %reduce_sum3A_2291 : f32 to vector<16xf32>
        tpu.vector_store_idx %arg24[%broadcast_in_dim3A_2287], %broadcast_in_dim3A_2292 masked %eq3A_22 : memref<128xf32, #tpu.memory_space<vmem>>[vector<16xi32>], vector<16xf32>, vector<16xi1>
        %mul3A_2293 = arith.constant 16 : i32
        %mul3A_2294 = arith.muli %scan3A_2046, %mul3A_2293 : i32
        %add3A_2295 = arith.constant 0 : i32
        %add3A_2296 = arith.addi %add3A_2295, %mul3A_2294 : i32
        %add3A_2297 = arith.constant 7 : i32
        %add3A_2298 = arith.addi %add3A_2296, %add3A_2297 : i32
        %get3A_2299 = arith.index_cast %add3A_2298 : i32 to index
        %get3A_2300 = arith.constant 0 : index
        %get3A_2301 = tpu.vector_load %arg22[%get3A_2299, %get3A_2300] {strides = array<i32>} : memref<128x128xf32, #tpu.memory_space<vmem>>, vector<16xf32>,
        %sub3A_2302 = arith.subf %add3A_946, %get3A_2301 : vector<16xf32>
        %mul3A_2303 = arith.mulf %sub3A_2302, %sub3A_2302 : vector<16xf32>
        %get3A_2304 = arith.index_cast %add3A_2298 : i32 to index
        %get3A_2305 = arith.constant 16 : index
        %get3A_2306 = tpu.vector_load %arg22[%get3A_2304, %get3A_2305] {strides = array<i32>} : memref<128x128xf32, #tpu.memory_space<vmem>>, vector<16xf32>,
        %sub3A_2307 = arith.subf %add3A_954, %get3A_2306 : vector<16xf32>
        %mul3A_2308 = arith.mulf %sub3A_2307, %sub3A_2307 : vector<16xf32>
        %add3A_2309 = arith.addf %mul3A_2303, %mul3A_2308 : vector<16xf32>
        %get3A_2310 = arith.index_cast %add3A_2298 : i32 to index
        %get3A_2311 = arith.constant 32 : index
        %get3A_2312 = tpu.vector_load %arg22[%get3A_2310, %get3A_2311] {strides = array<i32>} : memref<128x128xf32, #tpu.memory_space<vmem>>, vector<16xf32>,
        %sub3A_2313 = arith.subf %add3A_962, %get3A_2312 : vector<16xf32>
        %mul3A_2314 = arith.mulf %sub3A_2313, %sub3A_2313 : vector<16xf32>
        %add3A_2315 = arith.addf %add3A_2309, %mul3A_2314 : vector<16xf32>
        %get3A_2316 = arith.index_cast %add3A_2298 : i32 to index
        %get3A_2317 = arith.constant 48 : index
        %get3A_2318 = tpu.vector_load %arg22[%get3A_2316, %get3A_2317] {strides = array<i32>} : memref<128x128xf32, #tpu.memory_space<vmem>>, vector<16xf32>,
        %sub3A_2319 = arith.subf %add3A_970, %get3A_2318 : vector<16xf32>
        %mul3A_2320 = arith.mulf %sub3A_2319, %sub3A_2319 : vector<16xf32>
        %add3A_2321 = arith.addf %add3A_2315, %mul3A_2320 : vector<16xf32>
        %broadcast_in_dim3A_2322 = vector.broadcast %add3A_2298 : i32 to vector<16xi32>
        %reduce_sum3A_2323 = arith.constant true
        %reduce_sum3A_2324 = vector.broadcast %reduce_sum3A_2323 : i1 to vector<16xi1>
        %reduce_sum3A_2325 = tpu.scan <sum>, %add3A_2321 masked %reduce_sum3A_2324 : vector<16xf32>, vector<16xi1> -> vector<16xf32>
        %reduce_sum3A_2326 = vector.extract %reduce_sum3A_2325[15] : f32 from vector<16xf32>
        %broadcast_in_dim3A_2327 = vector.broadcast %reduce_sum3A_2326 : f32 to vector<16xf32>
        tpu.vector_store_idx %arg24[%broadcast_in_dim3A_2322], %broadcast_in_dim3A_2327 masked %eq3A_22 : memref<128xf32, #tpu.memory_space<vmem>>[vector<16xi32>], vector<16xf32>, vector<16xi1>
        %mul3A_2328 = arith.constant 16 : i32
        %mul3A_2329 = arith.muli %scan3A_2046, %mul3A_2328 : i32
        %add3A_2330 = arith.constant 0 : i32
        %add3A_2331 = arith.addi %add3A_2330, %mul3A_2329 : i32
        %add3A_2332 = arith.constant 8 : i32
        %add3A_2333 = arith.addi %add3A_2331, %add3A_2332 : i32
        %get3A_2334 = arith.index_cast %add3A_2333 : i32 to index
        %get3A_2335 = arith.constant 0 : index
        %get3A_2336 = tpu.vector_load %arg22[%get3A_2334, %get3A_2335] {strides = array<i32>} : memref<128x128xf32, #tpu.memory_space<vmem>>, vector<16xf32>,
        %sub3A_2337 = arith.subf %add3A_946, %get3A_2336 : vector<16xf32>
        %mul3A_2338 = arith.mulf %sub3A_2337, %sub3A_2337 : vector<16xf32>
        %get3A_2339 = arith.index_cast %add3A_2333 : i32 to index
        %get3A_2340 = arith.constant 16 : index
        %get3A_2341 = tpu.vector_load %arg22[%get3A_2339, %get3A_2340] {strides = array<i32>} : memref<128x128xf32, #tpu.memory_space<vmem>>, vector<16xf32>,
        %sub3A_2342 = arith.subf %add3A_954, %get3A_2341 : vector<16xf32>
        %mul3A_2343 = arith.mulf %sub3A_2342, %sub3A_2342 : vector<16xf32>
        %add3A_2344 = arith.addf %mul3A_2338, %mul3A_2343 : vector<16xf32>
        %get3A_2345 = arith.index_cast %add3A_2333 : i32 to index
        %get3A_2346 = arith.constant 32 : index
        %get3A_2347 = tpu.vector_load %arg22[%get3A_2345, %get3A_2346] {strides = array<i32>} : memref<128x128xf32, #tpu.memory_space<vmem>>, vector<16xf32>,
        %sub3A_2348 = arith.subf %add3A_962, %get3A_2347 : vector<16xf32>
        %mul3A_2349 = arith.mulf %sub3A_2348, %sub3A_2348 : vector<16xf32>
        %add3A_2350 = arith.addf %add3A_2344, %mul3A_2349 : vector<16xf32>
        %get3A_2351 = arith.index_cast %add3A_2333 : i32 to index
        %get3A_2352 = arith.constant 48 : index
        %get3A_2353 = tpu.vector_load %arg22[%get3A_2351, %get3A_2352] {strides = array<i32>} : memref<128x128xf32, #tpu.memory_space<vmem>>, vector<16xf32>,
        %sub3A_2354 = arith.subf %add3A_970, %get3A_2353 : vector<16xf32>
        %mul3A_2355 = arith.mulf %sub3A_2354, %sub3A_2354 : vector<16xf32>
        %add3A_2356 = arith.addf %add3A_2350, %mul3A_2355 : vector<16xf32>
        %broadcast_in_dim3A_2357 = vector.broadcast %add3A_2333 : i32 to vector<16xi32>
        %reduce_sum3A_2358 = arith.constant true
        %reduce_sum3A_2359 = vector.broadcast %reduce_sum3A_2358 : i1 to vector<16xi1>
        %reduce_sum3A_2360 = tpu.scan <sum>, %add3A_2356 masked %reduce_sum3A_2359 : vector<16xf32>, vector<16xi1> -> vector<16xf32>
        %reduce_sum3A_2361 = vector.extract %reduce_sum3A_2360[15] : f32 from vector<16xf32>
        %broadcast_in_dim3A_2362 = vector.broadcast %reduce_sum3A_2361 : f32 to vector<16xf32>
        tpu.vector_store_idx %arg24[%broadcast_in_dim3A_2357], %broadcast_in_dim3A_2362 masked %eq3A_22 : memref<128xf32, #tpu.memory_space<vmem>>[vector<16xi32>], vector<16xf32>, vector<16xi1>
        %mul3A_2363 = arith.constant 16 : i32
        %mul3A_2364 = arith.muli %scan3A_2046, %mul3A_2363 : i32
        %add3A_2365 = arith.constant 0 : i32
        %add3A_2366 = arith.addi %add3A_2365, %mul3A_2364 : i32
        %add3A_2367 = arith.constant 9 : i32
        %add3A_2368 = arith.addi %add3A_2366, %add3A_2367 : i32
        %get3A_2369 = arith.index_cast %add3A_2368 : i32 to index
        %get3A_2370 = arith.constant 0 : index
        %get3A_2371 = tpu.vector_load %arg22[%get3A_2369, %get3A_2370] {strides = array<i32>} : memref<128x128xf32, #tpu.memory_space<vmem>>, vector<16xf32>,
        %sub3A_2372 = arith.subf %add3A_946, %get3A_2371 : vector<16xf32>
        %mul3A_2373 = arith.mulf %sub3A_2372, %sub3A_2372 : vector<16xf32>
        %get3A_2374 = arith.index_cast %add3A_2368 : i32 to index
        %get3A_2375 = arith.constant 16 : index
        %get3A_2376 = tpu.vector_load %arg22[%get3A_2374, %get3A_2375] {strides = array<i32>} : memref<128x128xf32, #tpu.memory_space<vmem>>, vector<16xf32>,
        %sub3A_2377 = arith.subf %add3A_954, %get3A_2376 : vector<16xf32>
        %mul3A_2378 = arith.mulf %sub3A_2377, %sub3A_2377 : vector<16xf32>
        %add3A_2379 = arith.addf %mul3A_2373, %mul3A_2378 : vector<16xf32>
        %get3A_2380 = arith.index_cast %add3A_2368 : i32 to index
        %get3A_2381 = arith.constant 32 : index
        %get3A_2382 = tpu.vector_load %arg22[%get3A_2380, %get3A_2381] {strides = array<i32>} : memref<128x128xf32, #tpu.memory_space<vmem>>, vector<16xf32>,
        %sub3A_2383 = arith.subf %add3A_962, %get3A_2382 : vector<16xf32>
        %mul3A_2384 = arith.mulf %sub3A_2383, %sub3A_2383 : vector<16xf32>
        %add3A_2385 = arith.addf %add3A_2379, %mul3A_2384 : vector<16xf32>
        %get3A_2386 = arith.index_cast %add3A_2368 : i32 to index
        %get3A_2387 = arith.constant 48 : index
        %get3A_2388 = tpu.vector_load %arg22[%get3A_2386, %get3A_2387] {strides = array<i32>} : memref<128x128xf32, #tpu.memory_space<vmem>>, vector<16xf32>,
        %sub3A_2389 = arith.subf %add3A_970, %get3A_2388 : vector<16xf32>
        %mul3A_2390 = arith.mulf %sub3A_2389, %sub3A_2389 : vector<16xf32>
        %add3A_2391 = arith.addf %add3A_2385, %mul3A_2390 : vector<16xf32>
        %broadcast_in_dim3A_2392 = vector.broadcast %add3A_2368 : i32 to vector<16xi32>
        %reduce_sum3A_2393 = arith.constant true
        %reduce_sum3A_2394 = vector.broadcast %reduce_sum3A_2393 : i1 to vector<16xi1>
        %reduce_sum3A_2395 = tpu.scan <sum>, %add3A_2391 masked %reduce_sum3A_2394 : vector<16xf32>, vector<16xi1> -> vector<16xf32>
        %reduce_sum3A_2396 = vector.extract %reduce_sum3A_2395[15] : f32 from vector<16xf32>
        %broadcast_in_dim3A_2397 = vector.broadcast %reduce_sum3A_2396 : f32 to vector<16xf32>
        tpu.vector_store_idx %arg24[%broadcast_in_dim3A_2392], %broadcast_in_dim3A_2397 masked %eq3A_22 : memref<128xf32, #tpu.memory_space<vmem>>[vector<16xi32>], vector<16xf32>, vector<16xi1>
        %mul3A_2398 = arith.constant 16 : i32
        %mul3A_2399 = arith.muli %scan3A_2046, %mul3A_2398 : i32
        %add3A_2400 = arith.constant 0 : i32
        %add3A_2401 = arith.addi %add3A_2400, %mul3A_2399 : i32
        %add3A_2402 = arith.constant 10 : i32
        %add3A_2403 = arith.addi %add3A_2401, %add3A_2402 : i32
        %get3A_2404 = arith.index_cast %add3A_2403 : i32 to index
        %get3A_2405 = arith.constant 0 : index
        %get3A_2406 = tpu.vector_load %arg22[%get3A_2404, %get3A_2405] {strides = array<i32>} : memref<128x128xf32, #tpu.memory_space<vmem>>, vector<16xf32>,
        %sub3A_2407 = arith.subf %add3A_946, %get3A_2406 : vector<16xf32>
        %mul3A_2408 = arith.mulf %sub3A_2407, %sub3A_2407 : vector<16xf32>
        %get3A_2409 = arith.index_cast %add3A_2403 : i32 to index
        %get3A_2410 = arith.constant 16 : index
        %get3A_2411 = tpu.vector_load %arg22[%get3A_2409, %get3A_2410] {strides = array<i32>} : memref<128x128xf32, #tpu.memory_space<vmem>>, vector<16xf32>,
        %sub3A_2412 = arith.subf %add3A_954, %get3A_2411 : vector<16xf32>
        %mul3A_2413 = arith.mulf %sub3A_2412, %sub3A_2412 : vector<16xf32>
        %add3A_2414 = arith.addf %mul3A_2408, %mul3A_2413 : vector<16xf32>
        %get3A_2415 = arith.index_cast %add3A_2403 : i32 to index
        %get3A_2416 = arith.constant 32 : index
        %get3A_2417 = tpu.vector_load %arg22[%get3A_2415, %get3A_2416] {strides = array<i32>} : memref<128x128xf32, #tpu.memory_space<vmem>>, vector<16xf32>,
        %sub3A_2418 = arith.subf %add3A_962, %get3A_2417 : vector<16xf32>
        %mul3A_2419 = arith.mulf %sub3A_2418, %sub3A_2418 : vector<16xf32>
        %add3A_2420 = arith.addf %add3A_2414, %mul3A_2419 : vector<16xf32>
        %get3A_2421 = arith.index_cast %add3A_2403 : i32 to index
        %get3A_2422 = arith.constant 48 : index
        %get3A_2423 = tpu.vector_load %arg22[%get3A_2421, %get3A_2422] {strides = array<i32>} : memref<128x128xf32, #tpu.memory_space<vmem>>, vector<16xf32>,
        %sub3A_2424 = arith.subf %add3A_970, %get3A_2423 : vector<16xf32>
        %mul3A_2425 = arith.mulf %sub3A_2424, %sub3A_2424 : vector<16xf32>
        %add3A_2426 = arith.addf %add3A_2420, %mul3A_2425 : vector<16xf32>
        %broadcast_in_dim3A_2427 = vector.broadcast %add3A_2403 : i32 to vector<16xi32>
        %reduce_sum3A_2428 = arith.constant true
        %reduce_sum3A_2429 = vector.broadcast %reduce_sum3A_2428 : i1 to vector<16xi1>
        %reduce_sum3A_2430 = tpu.scan <sum>, %add3A_2426 masked %reduce_sum3A_2429 : vector<16xf32>, vector<16xi1> -> vector<16xf32>
        %reduce_sum3A_2431 = vector.extract %reduce_sum3A_2430[15] : f32 from vector<16xf32>
        %broadcast_in_dim3A_2432 = vector.broadcast %reduce_sum3A_2431 : f32 to vector<16xf32>
        tpu.vector_store_idx %arg24[%broadcast_in_dim3A_2427], %broadcast_in_dim3A_2432 masked %eq3A_22 : memref<128xf32, #tpu.memory_space<vmem>>[vector<16xi32>], vector<16xf32>, vector<16xi1>
        %mul3A_2433 = arith.constant 16 : i32
        %mul3A_2434 = arith.muli %scan3A_2046, %mul3A_2433 : i32
        %add3A_2435 = arith.constant 0 : i32
        %add3A_2436 = arith.addi %add3A_2435, %mul3A_2434 : i32
        %add3A_2437 = arith.constant 11 : i32
        %add3A_2438 = arith.addi %add3A_2436, %add3A_2437 : i32
        %get3A_2439 = arith.index_cast %add3A_2438 : i32 to index
        %get3A_2440 = arith.constant 0 : index
        %get3A_2441 = tpu.vector_load %arg22[%get3A_2439, %get3A_2440] {strides = array<i32>} : memref<128x128xf32, #tpu.memory_space<vmem>>, vector<16xf32>,
        %sub3A_2442 = arith.subf %add3A_946, %get3A_2441 : vector<16xf32>
        %mul3A_2443 = arith.mulf %sub3A_2442, %sub3A_2442 : vector<16xf32>
        %get3A_2444 = arith.index_cast %add3A_2438 : i32 to index
        %get3A_2445 = arith.constant 16 : index
        %get3A_2446 = tpu.vector_load %arg22[%get3A_2444, %get3A_2445] {strides = array<i32>} : memref<128x128xf32, #tpu.memory_space<vmem>>, vector<16xf32>,
        %sub3A_2447 = arith.subf %add3A_954, %get3A_2446 : vector<16xf32>
        %mul3A_2448 = arith.mulf %sub3A_2447, %sub3A_2447 : vector<16xf32>
        %add3A_2449 = arith.addf %mul3A_2443, %mul3A_2448 : vector<16xf32>
        %get3A_2450 = arith.index_cast %add3A_2438 : i32 to index
        %get3A_2451 = arith.constant 32 : index
        %get3A_2452 = tpu.vector_load %arg22[%get3A_2450, %get3A_2451] {strides = array<i32>} : memref<128x128xf32, #tpu.memory_space<vmem>>, vector<16xf32>,
        %sub3A_2453 = arith.subf %add3A_962, %get3A_2452 : vector<16xf32>
        %mul3A_2454 = arith.mulf %sub3A_2453, %sub3A_2453 : vector<16xf32>
        %add3A_2455 = arith.addf %add3A_2449, %mul3A_2454 : vector<16xf32>
        %get3A_2456 = arith.index_cast %add3A_2438 : i32 to index
        %get3A_2457 = arith.constant 48 : index
        %get3A_2458 = tpu.vector_load %arg22[%get3A_2456, %get3A_2457] {strides = array<i32>} : memref<128x128xf32, #tpu.memory_space<vmem>>, vector<16xf32>,
        %sub3A_2459 = arith.subf %add3A_970, %get3A_2458 : vector<16xf32>
        %mul3A_2460 = arith.mulf %sub3A_2459, %sub3A_2459 : vector<16xf32>
        %add3A_2461 = arith.addf %add3A_2455, %mul3A_2460 : vector<16xf32>
        %broadcast_in_dim3A_2462 = vector.broadcast %add3A_2438 : i32 to vector<16xi32>
        %reduce_sum3A_2463 = arith.constant true
        %reduce_sum3A_2464 = vector.broadcast %reduce_sum3A_2463 : i1 to vector<16xi1>
        %reduce_sum3A_2465 = tpu.scan <sum>, %add3A_2461 masked %reduce_sum3A_2464 : vector<16xf32>, vector<16xi1> -> vector<16xf32>
        %reduce_sum3A_2466 = vector.extract %reduce_sum3A_2465[15] : f32 from vector<16xf32>
        %broadcast_in_dim3A_2467 = vector.broadcast %reduce_sum3A_2466 : f32 to vector<16xf32>
        tpu.vector_store_idx %arg24[%broadcast_in_dim3A_2462], %broadcast_in_dim3A_2467 masked %eq3A_22 : memref<128xf32, #tpu.memory_space<vmem>>[vector<16xi32>], vector<16xf32>, vector<16xi1>
        %mul3A_2468 = arith.constant 16 : i32
        %mul3A_2469 = arith.muli %scan3A_2046, %mul3A_2468 : i32
        %add3A_2470 = arith.constant 0 : i32
        %add3A_2471 = arith.addi %add3A_2470, %mul3A_2469 : i32
        %add3A_2472 = arith.constant 12 : i32
        %add3A_2473 = arith.addi %add3A_2471, %add3A_2472 : i32
        %get3A_2474 = arith.index_cast %add3A_2473 : i32 to index
        %get3A_2475 = arith.constant 0 : index
        %get3A_2476 = tpu.vector_load %arg22[%get3A_2474, %get3A_2475] {strides = array<i32>} : memref<128x128xf32, #tpu.memory_space<vmem>>, vector<16xf32>,
        %sub3A_2477 = arith.subf %add3A_946, %get3A_2476 : vector<16xf32>
        %mul3A_2478 = arith.mulf %sub3A_2477, %sub3A_2477 : vector<16xf32>
        %get3A_2479 = arith.index_cast %add3A_2473 : i32 to index
        %get3A_2480 = arith.constant 16 : index
        %get3A_2481 = tpu.vector_load %arg22[%get3A_2479, %get3A_2480] {strides = array<i32>} : memref<128x128xf32, #tpu.memory_space<vmem>>, vector<16xf32>,
        %sub3A_2482 = arith.subf %add3A_954, %get3A_2481 : vector<16xf32>
        %mul3A_2483 = arith.mulf %sub3A_2482, %sub3A_2482 : vector<16xf32>
        %add3A_2484 = arith.addf %mul3A_2478, %mul3A_2483 : vector<16xf32>
        %get3A_2485 = arith.index_cast %add3A_2473 : i32 to index
        %get3A_2486 = arith.constant 32 : index
        %get3A_2487 = tpu.vector_load %arg22[%get3A_2485, %get3A_2486] {strides = array<i32>} : memref<128x128xf32, #tpu.memory_space<vmem>>, vector<16xf32>,
        %sub3A_2488 = arith.subf %add3A_962, %get3A_2487 : vector<16xf32>
        %mul3A_2489 = arith.mulf %sub3A_2488, %sub3A_2488 : vector<16xf32>
        %add3A_2490 = arith.addf %add3A_2484, %mul3A_2489 : vector<16xf32>
        %get3A_2491 = arith.index_cast %add3A_2473 : i32 to index
        %get3A_2492 = arith.constant 48 : index
        %get3A_2493 = tpu.vector_load %arg22[%get3A_2491, %get3A_2492] {strides = array<i32>} : memref<128x128xf32, #tpu.memory_space<vmem>>, vector<16xf32>,
        %sub3A_2494 = arith.subf %add3A_970, %get3A_2493 : vector<16xf32>
        %mul3A_2495 = arith.mulf %sub3A_2494, %sub3A_2494 : vector<16xf32>
        %add3A_2496 = arith.addf %add3A_2490, %mul3A_2495 : vector<16xf32>
        %broadcast_in_dim3A_2497 = vector.broadcast %add3A_2473 : i32 to vector<16xi32>
        %reduce_sum3A_2498 = arith.constant true
        %reduce_sum3A_2499 = vector.broadcast %reduce_sum3A_2498 : i1 to vector<16xi1>
        %reduce_sum3A_2500 = tpu.scan <sum>, %add3A_2496 masked %reduce_sum3A_2499 : vector<16xf32>, vector<16xi1> -> vector<16xf32>
        %reduce_sum3A_2501 = vector.extract %reduce_sum3A_2500[15] : f32 from vector<16xf32>
        %broadcast_in_dim3A_2502 = vector.broadcast %reduce_sum3A_2501 : f32 to vector<16xf32>
        tpu.vector_store_idx %arg24[%broadcast_in_dim3A_2497], %broadcast_in_dim3A_2502 masked %eq3A_22 : memref<128xf32, #tpu.memory_space<vmem>>[vector<16xi32>], vector<16xf32>, vector<16xi1>
        %mul3A_2503 = arith.constant 16 : i32
        %mul3A_2504 = arith.muli %scan3A_2046, %mul3A_2503 : i32
        %add3A_2505 = arith.constant 0 : i32
        %add3A_2506 = arith.addi %add3A_2505, %mul3A_2504 : i32
        %add3A_2507 = arith.constant 13 : i32
        %add3A_2508 = arith.addi %add3A_2506, %add3A_2507 : i32
        %get3A_2509 = arith.index_cast %add3A_2508 : i32 to index
        %get3A_2510 = arith.constant 0 : index
        %get3A_2511 = tpu.vector_load %arg22[%get3A_2509, %get3A_2510] {strides = array<i32>} : memref<128x128xf32, #tpu.memory_space<vmem>>, vector<16xf32>,
        %sub3A_2512 = arith.subf %add3A_946, %get3A_2511 : vector<16xf32>
        %mul3A_2513 = arith.mulf %sub3A_2512, %sub3A_2512 : vector<16xf32>
        %get3A_2514 = arith.index_cast %add3A_2508 : i32 to index
        %get3A_2515 = arith.constant 16 : index
        %get3A_2516 = tpu.vector_load %arg22[%get3A_2514, %get3A_2515] {strides = array<i32>} : memref<128x128xf32, #tpu.memory_space<vmem>>, vector<16xf32>,
        %sub3A_2517 = arith.subf %add3A_954, %get3A_2516 : vector<16xf32>
        %mul3A_2518 = arith.mulf %sub3A_2517, %sub3A_2517 : vector<16xf32>
        %add3A_2519 = arith.addf %mul3A_2513, %mul3A_2518 : vector<16xf32>
        %get3A_2520 = arith.index_cast %add3A_2508 : i32 to index
        %get3A_2521 = arith.constant 32 : index
        %get3A_2522 = tpu.vector_load %arg22[%get3A_2520, %get3A_2521] {strides = array<i32>} : memref<128x128xf32, #tpu.memory_space<vmem>>, vector<16xf32>,
        %sub3A_2523 = arith.subf %add3A_962, %get3A_2522 : vector<16xf32>
        %mul3A_2524 = arith.mulf %sub3A_2523, %sub3A_2523 : vector<16xf32>
        %add3A_2525 = arith.addf %add3A_2519, %mul3A_2524 : vector<16xf32>
        %get3A_2526 = arith.index_cast %add3A_2508 : i32 to index
        %get3A_2527 = arith.constant 48 : index
        %get3A_2528 = tpu.vector_load %arg22[%get3A_2526, %get3A_2527] {strides = array<i32>} : memref<128x128xf32, #tpu.memory_space<vmem>>, vector<16xf32>,
        %sub3A_2529 = arith.subf %add3A_970, %get3A_2528 : vector<16xf32>
        %mul3A_2530 = arith.mulf %sub3A_2529, %sub3A_2529 : vector<16xf32>
        %add3A_2531 = arith.addf %add3A_2525, %mul3A_2530 : vector<16xf32>
        %broadcast_in_dim3A_2532 = vector.broadcast %add3A_2508 : i32 to vector<16xi32>
        %reduce_sum3A_2533 = arith.constant true
        %reduce_sum3A_2534 = vector.broadcast %reduce_sum3A_2533 : i1 to vector<16xi1>
        %reduce_sum3A_2535 = tpu.scan <sum>, %add3A_2531 masked %reduce_sum3A_2534 : vector<16xf32>, vector<16xi1> -> vector<16xf32>
        %reduce_sum3A_2536 = vector.extract %reduce_sum3A_2535[15] : f32 from vector<16xf32>
        %broadcast_in_dim3A_2537 = vector.broadcast %reduce_sum3A_2536 : f32 to vector<16xf32>
        tpu.vector_store_idx %arg24[%broadcast_in_dim3A_2532], %broadcast_in_dim3A_2537 masked %eq3A_22 : memref<128xf32, #tpu.memory_space<vmem>>[vector<16xi32>], vector<16xf32>, vector<16xi1>
        %mul3A_2538 = arith.constant 16 : i32
        %mul3A_2539 = arith.muli %scan3A_2046, %mul3A_2538 : i32
        %add3A_2540 = arith.constant 0 : i32
        %add3A_2541 = arith.addi %add3A_2540, %mul3A_2539 : i32
        %add3A_2542 = arith.constant 14 : i32
        %add3A_2543 = arith.addi %add3A_2541, %add3A_2542 : i32
        %get3A_2544 = arith.index_cast %add3A_2543 : i32 to index
        %get3A_2545 = arith.constant 0 : index
        %get3A_2546 = tpu.vector_load %arg22[%get3A_2544, %get3A_2545] {strides = array<i32>} : memref<128x128xf32, #tpu.memory_space<vmem>>, vector<16xf32>,
        %sub3A_2547 = arith.subf %add3A_946, %get3A_2546 : vector<16xf32>
        %mul3A_2548 = arith.mulf %sub3A_2547, %sub3A_2547 : vector<16xf32>
        %get3A_2549 = arith.index_cast %add3A_2543 : i32 to index
        %get3A_2550 = arith.constant 16 : index
        %get3A_2551 = tpu.vector_load %arg22[%get3A_2549, %get3A_2550] {strides = array<i32>} : memref<128x128xf32, #tpu.memory_space<vmem>>, vector<16xf32>,
        %sub3A_2552 = arith.subf %add3A_954, %get3A_2551 : vector<16xf32>
        %mul3A_2553 = arith.mulf %sub3A_2552, %sub3A_2552 : vector<16xf32>
        %add3A_2554 = arith.addf %mul3A_2548, %mul3A_2553 : vector<16xf32>
        %get3A_2555 = arith.index_cast %add3A_2543 : i32 to index
        %get3A_2556 = arith.constant 32 : index
        %get3A_2557 = tpu.vector_load %arg22[%get3A_2555, %get3A_2556] {strides = array<i32>} : memref<128x128xf32, #tpu.memory_space<vmem>>, vector<16xf32>,
        %sub3A_2558 = arith.subf %add3A_962, %get3A_2557 : vector<16xf32>
        %mul3A_2559 = arith.mulf %sub3A_2558, %sub3A_2558 : vector<16xf32>
        %add3A_2560 = arith.addf %add3A_2554, %mul3A_2559 : vector<16xf32>
        %get3A_2561 = arith.index_cast %add3A_2543 : i32 to index
        %get3A_2562 = arith.constant 48 : index
        %get3A_2563 = tpu.vector_load %arg22[%get3A_2561, %get3A_2562] {strides = array<i32>} : memref<128x128xf32, #tpu.memory_space<vmem>>, vector<16xf32>,
        %sub3A_2564 = arith.subf %add3A_970, %get3A_2563 : vector<16xf32>
        %mul3A_2565 = arith.mulf %sub3A_2564, %sub3A_2564 : vector<16xf32>
        %add3A_2566 = arith.addf %add3A_2560, %mul3A_2565 : vector<16xf32>
        %broadcast_in_dim3A_2567 = vector.broadcast %add3A_2543 : i32 to vector<16xi32>
        %reduce_sum3A_2568 = arith.constant true
        %reduce_sum3A_2569 = vector.broadcast %reduce_sum3A_2568 : i1 to vector<16xi1>
        %reduce_sum3A_2570 = tpu.scan <sum>, %add3A_2566 masked %reduce_sum3A_2569 : vector<16xf32>, vector<16xi1> -> vector<16xf32>
        %reduce_sum3A_2571 = vector.extract %reduce_sum3A_2570[15] : f32 from vector<16xf32>
        %broadcast_in_dim3A_2572 = vector.broadcast %reduce_sum3A_2571 : f32 to vector<16xf32>
        tpu.vector_store_idx %arg24[%broadcast_in_dim3A_2567], %broadcast_in_dim3A_2572 masked %eq3A_22 : memref<128xf32, #tpu.memory_space<vmem>>[vector<16xi32>], vector<16xf32>, vector<16xi1>
        %mul3A_2573 = arith.constant 16 : i32
        %mul3A_2574 = arith.muli %scan3A_2046, %mul3A_2573 : i32
        %add3A_2575 = arith.constant 0 : i32
        %add3A_2576 = arith.addi %add3A_2575, %mul3A_2574 : i32
        %add3A_2577 = arith.constant 15 : i32
        %add3A_2578 = arith.addi %add3A_2576, %add3A_2577 : i32
        %get3A_2579 = arith.index_cast %add3A_2578 : i32 to index
        %get3A_2580 = arith.constant 0 : index
        %get3A_2581 = tpu.vector_load %arg22[%get3A_2579, %get3A_2580] {strides = array<i32>} : memref<128x128xf32, #tpu.memory_space<vmem>>, vector<16xf32>,
        %sub3A_2582 = arith.subf %add3A_946, %get3A_2581 : vector<16xf32>
        %mul3A_2583 = arith.mulf %sub3A_2582, %sub3A_2582 : vector<16xf32>
        %get3A_2584 = arith.index_cast %add3A_2578 : i32 to index
        %get3A_2585 = arith.constant 16 : index
        %get3A_2586 = tpu.vector_load %arg22[%get3A_2584, %get3A_2585] {strides = array<i32>} : memref<128x128xf32, #tpu.memory_space<vmem>>, vector<16xf32>,
        %sub3A_2587 = arith.subf %add3A_954, %get3A_2586 : vector<16xf32>
        %mul3A_2588 = arith.mulf %sub3A_2587, %sub3A_2587 : vector<16xf32>
        %add3A_2589 = arith.addf %mul3A_2583, %mul3A_2588 : vector<16xf32>
        %get3A_2590 = arith.index_cast %add3A_2578 : i32 to index
        %get3A_2591 = arith.constant 32 : index
        %get3A_2592 = tpu.vector_load %arg22[%get3A_2590, %get3A_2591] {strides = array<i32>} : memref<128x128xf32, #tpu.memory_space<vmem>>, vector<16xf32>,
        %sub3A_2593 = arith.subf %add3A_962, %get3A_2592 : vector<16xf32>
        %mul3A_2594 = arith.mulf %sub3A_2593, %sub3A_2593 : vector<16xf32>
        %add3A_2595 = arith.addf %add3A_2589, %mul3A_2594 : vector<16xf32>
        %get3A_2596 = arith.index_cast %add3A_2578 : i32 to index
        %get3A_2597 = arith.constant 48 : index
        %get3A_2598 = tpu.vector_load %arg22[%get3A_2596, %get3A_2597] {strides = array<i32>} : memref<128x128xf32, #tpu.memory_space<vmem>>, vector<16xf32>,
        %sub3A_2599 = arith.subf %add3A_970, %get3A_2598 : vector<16xf32>
        %mul3A_2600 = arith.mulf %sub3A_2599, %sub3A_2599 : vector<16xf32>
        %add3A_2601 = arith.addf %add3A_2595, %mul3A_2600 : vector<16xf32>
        %broadcast_in_dim3A_2602 = vector.broadcast %add3A_2578 : i32 to vector<16xi32>
        %reduce_sum3A_2603 = arith.constant true
        %reduce_sum3A_2604 = vector.broadcast %reduce_sum3A_2603 : i1 to vector<16xi1>
        %reduce_sum3A_2605 = tpu.scan <sum>, %add3A_2601 masked %reduce_sum3A_2604 : vector<16xf32>, vector<16xi1> -> vector<16xf32>
        %reduce_sum3A_2606 = vector.extract %reduce_sum3A_2605[15] : f32 from vector<16xf32>
        %broadcast_in_dim3A_2607 = vector.broadcast %reduce_sum3A_2606 : f32 to vector<16xf32>
        tpu.vector_store_idx %arg24[%broadcast_in_dim3A_2602], %broadcast_in_dim3A_2607 masked %eq3A_22 : memref<128xf32, #tpu.memory_space<vmem>>[vector<16xi32>], vector<16xf32>, vector<16xi1>
        %scan3A_2608 = arith.constant 0 : i32
        scf.yield %scan3A_2608 : i32
      }
      %scan3A_1004 = arith.constant 4 : i32
      %mul3A_1005 = arith.constant 2 : i32
      %mul3A_1006 = arith.muli %add3A_926, %mul3A_1005 : i32
      %add3A_1007 = arith.constant 1 : i32
      %add3A_1008 = arith.addi %mul3A_1006, %add3A_1007 : i32
      %broadcast_in_dim3A_1009 = vector.broadcast %add3A_1008 : i32 to vector<16xi32>
      %gather3A_1010 = tpu.vector_load_idx %arg18[%broadcast_in_dim3A_1009] : memref<128xf32, #tpu.memory_space<vmem>>[vector<16xi32>], vector<16xf32>,
      %get3A_1011 = arith.index_cast %add3A_1008 : i32 to index
      %get3A_1012 = arith.constant 0 : index
      %get3A_1013 = tpu.vector_load %arg19[%get3A_1011, %get3A_1012] {strides = array<i32>} : memref<128x128xf32, #tpu.memory_space<vmem>>, vector<16xf32>,
      %get3A_1014 = arith.index_cast %add3A_1008 : i32 to index
      %get3A_1015 = arith.constant 0 : index
      %get3A_1016 = tpu.vector_load %arg21[%get3A_1014, %get3A_1015] {strides = array<i32>} : memref<128x128xf32, #tpu.memory_space<vmem>>, vector<16xf32>,
      %mul3A_1017 = arith.mulf %gather3A_1010, %get3A_1016 : vector<16xf32>
      %add3A_1018 = arith.addf %get3A_1013, %mul3A_1017 : vector<16xf32>
      %get3A_1019 = arith.index_cast %add3A_1008 : i32 to index
      %get3A_1020 = arith.constant 16 : index
      %get3A_1021 = tpu.vector_load %arg19[%get3A_1019, %get3A_1020] {strides = array<i32>} : memref<128x128xf32, #tpu.memory_space<vmem>>, vector<16xf32>,
      %get3A_1022 = arith.index_cast %add3A_1008 : i32 to index
      %get3A_1023 = arith.constant 16 : index
      %get3A_1024 = tpu.vector_load %arg21[%get3A_1022, %get3A_1023] {strides = array<i32>} : memref<128x128xf32, #tpu.memory_space<vmem>>, vector<16xf32>,
      %mul3A_1025 = arith.mulf %gather3A_1010, %get3A_1024 : vector<16xf32>
      %add3A_1026 = arith.addf %get3A_1021, %mul3A_1025 : vector<16xf32>
      %get3A_1027 = arith.index_cast %add3A_1008 : i32 to index
      %get3A_1028 = arith.constant 32 : index
      %get3A_1029 = tpu.vector_load %arg19[%get3A_1027, %get3A_1028] {strides = array<i32>} : memref<128x128xf32, #tpu.memory_space<vmem>>, vector<16xf32>,
      %get3A_1030 = arith.index_cast %add3A_1008 : i32 to index
      %get3A_1031 = arith.constant 32 : index
      %get3A_1032 = tpu.vector_load %arg21[%get3A_1030, %get3A_1031] {strides = array<i32>} : memref<128x128xf32, #tpu.memory_space<vmem>>, vector<16xf32>,
      %mul3A_1033 = arith.mulf %gather3A_1010, %get3A_1032 : vector<16xf32>
      %add3A_1034 = arith.addf %get3A_1029, %mul3A_1033 : vector<16xf32>
      %get3A_1035 = arith.index_cast %add3A_1008 : i32 to index
      %get3A_1036 = arith.constant 48 : index
      %get3A_1037 = tpu.vector_load %arg19[%get3A_1035, %get3A_1036] {strides = array<i32>} : memref<128x128xf32, #tpu.memory_space<vmem>>, vector<16xf32>,
      %get3A_1038 = arith.index_cast %add3A_1008 : i32 to index
      %get3A_1039 = arith.constant 48 : index
      %get3A_1040 = tpu.vector_load %arg21[%get3A_1038, %get3A_1039] {strides = array<i32>} : memref<128x128xf32, #tpu.memory_space<vmem>>, vector<16xf32>,
      %mul3A_1041 = arith.mulf %gather3A_1010, %get3A_1040 : vector<16xf32>
      %add3A_1042 = arith.addf %get3A_1037, %mul3A_1041 : vector<16xf32>
      %get3A_1043 = arith.index_cast %add3A_1008 : i32 to index
      %get3A_1044 = arith.constant 0 : index
      %get3A_1045 = tpu.vector_load %arg20[%get3A_1043, %get3A_1044] {strides = array<i32>} : memref<128x128xf32, #tpu.memory_space<vmem>>, vector<16xf32>,
      %sub3A_1046 = arith.subf %add3A_1018, %get3A_1045 : vector<16xf32>
      %mul3A_1047 = arith.mulf %sub3A_1046, %sub3A_1046 : vector<16xf32>
      %get3A_1048 = arith.index_cast %add3A_1008 : i32 to index
      %get3A_1049 = arith.constant 16 : index
      %get3A_1050 = tpu.vector_load %arg20[%get3A_1048, %get3A_1049] {strides = array<i32>} : memref<128x128xf32, #tpu.memory_space<vmem>>, vector<16xf32>,
      %sub3A_1051 = arith.subf %add3A_1026, %get3A_1050 : vector<16xf32>
      %mul3A_1052 = arith.mulf %sub3A_1051, %sub3A_1051 : vector<16xf32>
      %add3A_1053 = arith.addf %mul3A_1047, %mul3A_1052 : vector<16xf32>
      %get3A_1054 = arith.index_cast %add3A_1008 : i32 to index
      %get3A_1055 = arith.constant 32 : index
      %get3A_1056 = tpu.vector_load %arg20[%get3A_1054, %get3A_1055] {strides = array<i32>} : memref<128x128xf32, #tpu.memory_space<vmem>>, vector<16xf32>,
      %sub3A_1057 = arith.subf %add3A_1034, %get3A_1056 : vector<16xf32>
      %mul3A_1058 = arith.mulf %sub3A_1057, %sub3A_1057 : vector<16xf32>
      %add3A_1059 = arith.addf %add3A_1053, %mul3A_1058 : vector<16xf32>
      %get3A_1060 = arith.index_cast %add3A_1008 : i32 to index
      %get3A_1061 = arith.constant 48 : index
      %get3A_1062 = tpu.vector_load %arg20[%get3A_1060, %get3A_1061] {strides = array<i32>} : memref<128x128xf32, #tpu.memory_space<vmem>>, vector<16xf32>,
      %sub3A_1063 = arith.subf %add3A_1042, %get3A_1062 : vector<16xf32>
      %mul3A_1064 = arith.mulf %sub3A_1063, %sub3A_1063 : vector<16xf32>
      %add3A_1065 = arith.addf %add3A_1059, %mul3A_1064 : vector<16xf32>
      %reduce_sum3A_1066 = arith.constant true
      %reduce_sum3A_1067 = vector.broadcast %reduce_sum3A_1066 : i1 to vector<16xi1>
      %reduce_sum3A_1068 = tpu.scan <sum>, %add3A_1065 masked %reduce_sum3A_1067 : vector<16xf32>, vector<16xi1> -> vector<16xf32>
      %reduce_sum3A_1069 = vector.extract %reduce_sum3A_1068[15] : f32 from vector<16xf32>
      %broadcast_in_dim3A_1070 = vector.broadcast %reduce_sum3A_1069 : f32 to vector<16xf32>
      tpu.vector_store_idx %arg25[%broadcast_in_dim3A_1009], %broadcast_in_dim3A_1070 masked %eq3A_22 : memref<128xf32, #tpu.memory_space<vmem>>[vector<16xi32>], vector<16xf32>, vector<16xi1>
      %scan3A_1071 = arith.constant 0 : i32
      %scan3A_1072 = arith.constant 0 : i32
      %scan3A_1073 = arith.constant 4 : i32
      %scan3A_1074 = arith.addi %scan3A_1072, %scan3A_1073 : i32
      %scan3A_1075 = arith.constant 1 : i32
      %scan3A_1076 = scf.for %scan3A_2046 = %scan3A_1072 to %scan3A_1074 step %scan3A_1075 iter_args(%scan3A_2047 = %scan3A_1071) -> (i32)  : i32 {
        %mul3A_2048 = arith.constant 16 : i32
        %mul3A_2049 = arith.muli %scan3A_2046, %mul3A_2048 : i32
        %add3A_2050 = arith.constant 64 : i32
        %add3A_2051 = arith.addi %add3A_2050, %mul3A_2049 : i32
        %add3A_2052 = arith.constant 0 : i32
        %add3A_2053 = arith.addi %add3A_2051, %add3A_2052 : i32
        %get3A_2054 = arith.index_cast %add3A_2053 : i32 to index
        %get3A_2055 = arith.constant 0 : index
        %get3A_2056 = tpu.vector_load %arg22[%get3A_2054, %get3A_2055] {strides = array<i32>} : memref<128x128xf32, #tpu.memory_space<vmem>>, vector<16xf32>,
        %sub3A_2057 = arith.subf %add3A_1018, %get3A_2056 : vector<16xf32>
        %mul3A_2058 = arith.mulf %sub3A_2057, %sub3A_2057 : vector<16xf32>
        %get3A_2059 = arith.index_cast %add3A_2053 : i32 to index
        %get3A_2060 = arith.constant 16 : index
        %get3A_2061 = tpu.vector_load %arg22[%get3A_2059, %get3A_2060] {strides = array<i32>} : memref<128x128xf32, #tpu.memory_space<vmem>>, vector<16xf32>,
        %sub3A_2062 = arith.subf %add3A_1026, %get3A_2061 : vector<16xf32>
        %mul3A_2063 = arith.mulf %sub3A_2062, %sub3A_2062 : vector<16xf32>
        %add3A_2064 = arith.addf %mul3A_2058, %mul3A_2063 : vector<16xf32>
        %get3A_2065 = arith.index_cast %add3A_2053 : i32 to index
        %get3A_2066 = arith.constant 32 : index
        %get3A_2067 = tpu.vector_load %arg22[%get3A_2065, %get3A_2066] {strides = array<i32>} : memref<128x128xf32, #tpu.memory_space<vmem>>, vector<16xf32>,
        %sub3A_2068 = arith.subf %add3A_1034, %get3A_2067 : vector<16xf32>
        %mul3A_2069 = arith.mulf %sub3A_2068, %sub3A_2068 : vector<16xf32>
        %add3A_2070 = arith.addf %add3A_2064, %mul3A_2069 : vector<16xf32>
        %get3A_2071 = arith.index_cast %add3A_2053 : i32 to index
        %get3A_2072 = arith.constant 48 : index
        %get3A_2073 = tpu.vector_load %arg22[%get3A_2071, %get3A_2072] {strides = array<i32>} : memref<128x128xf32, #tpu.memory_space<vmem>>, vector<16xf32>,
        %sub3A_2074 = arith.subf %add3A_1042, %get3A_2073 : vector<16xf32>
        %mul3A_2075 = arith.mulf %sub3A_2074, %sub3A_2074 : vector<16xf32>
        %add3A_2076 = arith.addf %add3A_2070, %mul3A_2075 : vector<16xf32>
        %broadcast_in_dim3A_2077 = vector.broadcast %add3A_2053 : i32 to vector<16xi32>
        %reduce_sum3A_2078 = arith.constant true
        %reduce_sum3A_2079 = vector.broadcast %reduce_sum3A_2078 : i1 to vector<16xi1>
        %reduce_sum3A_2080 = tpu.scan <sum>, %add3A_2076 masked %reduce_sum3A_2079 : vector<16xf32>, vector<16xi1> -> vector<16xf32>
        %reduce_sum3A_2081 = vector.extract %reduce_sum3A_2080[15] : f32 from vector<16xf32>
        %broadcast_in_dim3A_2082 = vector.broadcast %reduce_sum3A_2081 : f32 to vector<16xf32>
        tpu.vector_store_idx %arg24[%broadcast_in_dim3A_2077], %broadcast_in_dim3A_2082 masked %eq3A_22 : memref<128xf32, #tpu.memory_space<vmem>>[vector<16xi32>], vector<16xf32>, vector<16xi1>
        %mul3A_2083 = arith.constant 16 : i32
        %mul3A_2084 = arith.muli %scan3A_2046, %mul3A_2083 : i32
        %add3A_2085 = arith.constant 64 : i32
        %add3A_2086 = arith.addi %add3A_2085, %mul3A_2084 : i32
        %add3A_2087 = arith.constant 1 : i32
        %add3A_2088 = arith.addi %add3A_2086, %add3A_2087 : i32
        %get3A_2089 = arith.index_cast %add3A_2088 : i32 to index
        %get3A_2090 = arith.constant 0 : index
        %get3A_2091 = tpu.vector_load %arg22[%get3A_2089, %get3A_2090] {strides = array<i32>} : memref<128x128xf32, #tpu.memory_space<vmem>>, vector<16xf32>,
        %sub3A_2092 = arith.subf %add3A_1018, %get3A_2091 : vector<16xf32>
        %mul3A_2093 = arith.mulf %sub3A_2092, %sub3A_2092 : vector<16xf32>
        %get3A_2094 = arith.index_cast %add3A_2088 : i32 to index
        %get3A_2095 = arith.constant 16 : index
        %get3A_2096 = tpu.vector_load %arg22[%get3A_2094, %get3A_2095] {strides = array<i32>} : memref<128x128xf32, #tpu.memory_space<vmem>>, vector<16xf32>,
        %sub3A_2097 = arith.subf %add3A_1026, %get3A_2096 : vector<16xf32>
        %mul3A_2098 = arith.mulf %sub3A_2097, %sub3A_2097 : vector<16xf32>
        %add3A_2099 = arith.addf %mul3A_2093, %mul3A_2098 : vector<16xf32>
        %get3A_2100 = arith.index_cast %add3A_2088 : i32 to index
        %get3A_2101 = arith.constant 32 : index
        %get3A_2102 = tpu.vector_load %arg22[%get3A_2100, %get3A_2101] {strides = array<i32>} : memref<128x128xf32, #tpu.memory_space<vmem>>, vector<16xf32>,
        %sub3A_2103 = arith.subf %add3A_1034, %get3A_2102 : vector<16xf32>
        %mul3A_2104 = arith.mulf %sub3A_2103, %sub3A_2103 : vector<16xf32>
        %add3A_2105 = arith.addf %add3A_2099, %mul3A_2104 : vector<16xf32>
        %get3A_2106 = arith.index_cast %add3A_2088 : i32 to index
        %get3A_2107 = arith.constant 48 : index
        %get3A_2108 = tpu.vector_load %arg22[%get3A_2106, %get3A_2107] {strides = array<i32>} : memref<128x128xf32, #tpu.memory_space<vmem>>, vector<16xf32>,
        %sub3A_2109 = arith.subf %add3A_1042, %get3A_2108 : vector<16xf32>
        %mul3A_2110 = arith.mulf %sub3A_2109, %sub3A_2109 : vector<16xf32>
        %add3A_2111 = arith.addf %add3A_2105, %mul3A_2110 : vector<16xf32>
        %broadcast_in_dim3A_2112 = vector.broadcast %add3A_2088 : i32 to vector<16xi32>
        %reduce_sum3A_2113 = arith.constant true
        %reduce_sum3A_2114 = vector.broadcast %reduce_sum3A_2113 : i1 to vector<16xi1>
        %reduce_sum3A_2115 = tpu.scan <sum>, %add3A_2111 masked %reduce_sum3A_2114 : vector<16xf32>, vector<16xi1> -> vector<16xf32>
        %reduce_sum3A_2116 = vector.extract %reduce_sum3A_2115[15] : f32 from vector<16xf32>
        %broadcast_in_dim3A_2117 = vector.broadcast %reduce_sum3A_2116 : f32 to vector<16xf32>
        tpu.vector_store_idx %arg24[%broadcast_in_dim3A_2112], %broadcast_in_dim3A_2117 masked %eq3A_22 : memref<128xf32, #tpu.memory_space<vmem>>[vector<16xi32>], vector<16xf32>, vector<16xi1>
        %mul3A_2118 = arith.constant 16 : i32
        %mul3A_2119 = arith.muli %scan3A_2046, %mul3A_2118 : i32
        %add3A_2120 = arith.constant 64 : i32
        %add3A_2121 = arith.addi %add3A_2120, %mul3A_2119 : i32
        %add3A_2122 = arith.constant 2 : i32
        %add3A_2123 = arith.addi %add3A_2121, %add3A_2122 : i32
        %get3A_2124 = arith.index_cast %add3A_2123 : i32 to index
        %get3A_2125 = arith.constant 0 : index
        %get3A_2126 = tpu.vector_load %arg22[%get3A_2124, %get3A_2125] {strides = array<i32>} : memref<128x128xf32, #tpu.memory_space<vmem>>, vector<16xf32>,
        %sub3A_2127 = arith.subf %add3A_1018, %get3A_2126 : vector<16xf32>
        %mul3A_2128 = arith.mulf %sub3A_2127, %sub3A_2127 : vector<16xf32>
        %get3A_2129 = arith.index_cast %add3A_2123 : i32 to index
        %get3A_2130 = arith.constant 16 : index
        %get3A_2131 = tpu.vector_load %arg22[%get3A_2129, %get3A_2130] {strides = array<i32>} : memref<128x128xf32, #tpu.memory_space<vmem>>, vector<16xf32>,
        %sub3A_2132 = arith.subf %add3A_1026, %get3A_2131 : vector<16xf32>
        %mul3A_2133 = arith.mulf %sub3A_2132, %sub3A_2132 : vector<16xf32>
        %add3A_2134 = arith.addf %mul3A_2128, %mul3A_2133 : vector<16xf32>
        %get3A_2135 = arith.index_cast %add3A_2123 : i32 to index
        %get3A_2136 = arith.constant 32 : index
        %get3A_2137 = tpu.vector_load %arg22[%get3A_2135, %get3A_2136] {strides = array<i32>} : memref<128x128xf32, #tpu.memory_space<vmem>>, vector<16xf32>,
        %sub3A_2138 = arith.subf %add3A_1034, %get3A_2137 : vector<16xf32>
        %mul3A_2139 = arith.mulf %sub3A_2138, %sub3A_2138 : vector<16xf32>
        %add3A_2140 = arith.addf %add3A_2134, %mul3A_2139 : vector<16xf32>
        %get3A_2141 = arith.index_cast %add3A_2123 : i32 to index
        %get3A_2142 = arith.constant 48 : index
        %get3A_2143 = tpu.vector_load %arg22[%get3A_2141, %get3A_2142] {strides = array<i32>} : memref<128x128xf32, #tpu.memory_space<vmem>>, vector<16xf32>,
        %sub3A_2144 = arith.subf %add3A_1042, %get3A_2143 : vector<16xf32>
        %mul3A_2145 = arith.mulf %sub3A_2144, %sub3A_2144 : vector<16xf32>
        %add3A_2146 = arith.addf %add3A_2140, %mul3A_2145 : vector<16xf32>
        %broadcast_in_dim3A_2147 = vector.broadcast %add3A_2123 : i32 to vector<16xi32>
        %reduce_sum3A_2148 = arith.constant true
        %reduce_sum3A_2149 = vector.broadcast %reduce_sum3A_2148 : i1 to vector<16xi1>
        %reduce_sum3A_2150 = tpu.scan <sum>, %add3A_2146 masked %reduce_sum3A_2149 : vector<16xf32>, vector<16xi1> -> vector<16xf32>
        %reduce_sum3A_2151 = vector.extract %reduce_sum3A_2150[15] : f32 from vector<16xf32>
        %broadcast_in_dim3A_2152 = vector.broadcast %reduce_sum3A_2151 : f32 to vector<16xf32>
        tpu.vector_store_idx %arg24[%broadcast_in_dim3A_2147], %broadcast_in_dim3A_2152 masked %eq3A_22 : memref<128xf32, #tpu.memory_space<vmem>>[vector<16xi32>], vector<16xf32>, vector<16xi1>
        %mul3A_2153 = arith.constant 16 : i32
        %mul3A_2154 = arith.muli %scan3A_2046, %mul3A_2153 : i32
        %add3A_2155 = arith.constant 64 : i32
        %add3A_2156 = arith.addi %add3A_2155, %mul3A_2154 : i32
        %add3A_2157 = arith.constant 3 : i32
        %add3A_2158 = arith.addi %add3A_2156, %add3A_2157 : i32
        %get3A_2159 = arith.index_cast %add3A_2158 : i32 to index
        %get3A_2160 = arith.constant 0 : index
        %get3A_2161 = tpu.vector_load %arg22[%get3A_2159, %get3A_2160] {strides = array<i32>} : memref<128x128xf32, #tpu.memory_space<vmem>>, vector<16xf32>,
        %sub3A_2162 = arith.subf %add3A_1018, %get3A_2161 : vector<16xf32>
        %mul3A_2163 = arith.mulf %sub3A_2162, %sub3A_2162 : vector<16xf32>
        %get3A_2164 = arith.index_cast %add3A_2158 : i32 to index
        %get3A_2165 = arith.constant 16 : index
        %get3A_2166 = tpu.vector_load %arg22[%get3A_2164, %get3A_2165] {strides = array<i32>} : memref<128x128xf32, #tpu.memory_space<vmem>>, vector<16xf32>,
        %sub3A_2167 = arith.subf %add3A_1026, %get3A_2166 : vector<16xf32>
        %mul3A_2168 = arith.mulf %sub3A_2167, %sub3A_2167 : vector<16xf32>
        %add3A_2169 = arith.addf %mul3A_2163, %mul3A_2168 : vector<16xf32>
        %get3A_2170 = arith.index_cast %add3A_2158 : i32 to index
        %get3A_2171 = arith.constant 32 : index
        %get3A_2172 = tpu.vector_load %arg22[%get3A_2170, %get3A_2171] {strides = array<i32>} : memref<128x128xf32, #tpu.memory_space<vmem>>, vector<16xf32>,
        %sub3A_2173 = arith.subf %add3A_1034, %get3A_2172 : vector<16xf32>
        %mul3A_2174 = arith.mulf %sub3A_2173, %sub3A_2173 : vector<16xf32>
        %add3A_2175 = arith.addf %add3A_2169, %mul3A_2174 : vector<16xf32>
        %get3A_2176 = arith.index_cast %add3A_2158 : i32 to index
        %get3A_2177 = arith.constant 48 : index
        %get3A_2178 = tpu.vector_load %arg22[%get3A_2176, %get3A_2177] {strides = array<i32>} : memref<128x128xf32, #tpu.memory_space<vmem>>, vector<16xf32>,
        %sub3A_2179 = arith.subf %add3A_1042, %get3A_2178 : vector<16xf32>
        %mul3A_2180 = arith.mulf %sub3A_2179, %sub3A_2179 : vector<16xf32>
        %add3A_2181 = arith.addf %add3A_2175, %mul3A_2180 : vector<16xf32>
        %broadcast_in_dim3A_2182 = vector.broadcast %add3A_2158 : i32 to vector<16xi32>
        %reduce_sum3A_2183 = arith.constant true
        %reduce_sum3A_2184 = vector.broadcast %reduce_sum3A_2183 : i1 to vector<16xi1>
        %reduce_sum3A_2185 = tpu.scan <sum>, %add3A_2181 masked %reduce_sum3A_2184 : vector<16xf32>, vector<16xi1> -> vector<16xf32>
        %reduce_sum3A_2186 = vector.extract %reduce_sum3A_2185[15] : f32 from vector<16xf32>
        %broadcast_in_dim3A_2187 = vector.broadcast %reduce_sum3A_2186 : f32 to vector<16xf32>
        tpu.vector_store_idx %arg24[%broadcast_in_dim3A_2182], %broadcast_in_dim3A_2187 masked %eq3A_22 : memref<128xf32, #tpu.memory_space<vmem>>[vector<16xi32>], vector<16xf32>, vector<16xi1>
        %mul3A_2188 = arith.constant 16 : i32
        %mul3A_2189 = arith.muli %scan3A_2046, %mul3A_2188 : i32
        %add3A_2190 = arith.constant 64 : i32
        %add3A_2191 = arith.addi %add3A_2190, %mul3A_2189 : i32
        %add3A_2192 = arith.constant 4 : i32
        %add3A_2193 = arith.addi %add3A_2191, %add3A_2192 : i32
        %get3A_2194 = arith.index_cast %add3A_2193 : i32 to index
        %get3A_2195 = arith.constant 0 : index
        %get3A_2196 = tpu.vector_load %arg22[%get3A_2194, %get3A_2195] {strides = array<i32>} : memref<128x128xf32, #tpu.memory_space<vmem>>, vector<16xf32>,
        %sub3A_2197 = arith.subf %add3A_1018, %get3A_2196 : vector<16xf32>
        %mul3A_2198 = arith.mulf %sub3A_2197, %sub3A_2197 : vector<16xf32>
        %get3A_2199 = arith.index_cast %add3A_2193 : i32 to index
        %get3A_2200 = arith.constant 16 : index
        %get3A_2201 = tpu.vector_load %arg22[%get3A_2199, %get3A_2200] {strides = array<i32>} : memref<128x128xf32, #tpu.memory_space<vmem>>, vector<16xf32>,
        %sub3A_2202 = arith.subf %add3A_1026, %get3A_2201 : vector<16xf32>
        %mul3A_2203 = arith.mulf %sub3A_2202, %sub3A_2202 : vector<16xf32>
        %add3A_2204 = arith.addf %mul3A_2198, %mul3A_2203 : vector<16xf32>
        %get3A_2205 = arith.index_cast %add3A_2193 : i32 to index
        %get3A_2206 = arith.constant 32 : index
        %get3A_2207 = tpu.vector_load %arg22[%get3A_2205, %get3A_2206] {strides = array<i32>} : memref<128x128xf32, #tpu.memory_space<vmem>>, vector<16xf32>,
        %sub3A_2208 = arith.subf %add3A_1034, %get3A_2207 : vector<16xf32>
        %mul3A_2209 = arith.mulf %sub3A_2208, %sub3A_2208 : vector<16xf32>
        %add3A_2210 = arith.addf %add3A_2204, %mul3A_2209 : vector<16xf32>
        %get3A_2211 = arith.index_cast %add3A_2193 : i32 to index
        %get3A_2212 = arith.constant 48 : index
        %get3A_2213 = tpu.vector_load %arg22[%get3A_2211, %get3A_2212] {strides = array<i32>} : memref<128x128xf32, #tpu.memory_space<vmem>>, vector<16xf32>,
        %sub3A_2214 = arith.subf %add3A_1042, %get3A_2213 : vector<16xf32>
        %mul3A_2215 = arith.mulf %sub3A_2214, %sub3A_2214 : vector<16xf32>
        %add3A_2216 = arith.addf %add3A_2210, %mul3A_2215 : vector<16xf32>
        %broadcast_in_dim3A_2217 = vector.broadcast %add3A_2193 : i32 to vector<16xi32>
        %reduce_sum3A_2218 = arith.constant true
        %reduce_sum3A_2219 = vector.broadcast %reduce_sum3A_2218 : i1 to vector<16xi1>
        %reduce_sum3A_2220 = tpu.scan <sum>, %add3A_2216 masked %reduce_sum3A_2219 : vector<16xf32>, vector<16xi1> -> vector<16xf32>
        %reduce_sum3A_2221 = vector.extract %reduce_sum3A_2220[15] : f32 from vector<16xf32>
        %broadcast_in_dim3A_2222 = vector.broadcast %reduce_sum3A_2221 : f32 to vector<16xf32>
        tpu.vector_store_idx %arg24[%broadcast_in_dim3A_2217], %broadcast_in_dim3A_2222 masked %eq3A_22 : memref<128xf32, #tpu.memory_space<vmem>>[vector<16xi32>], vector<16xf32>, vector<16xi1>
        %mul3A_2223 = arith.constant 16 : i32
        %mul3A_2224 = arith.muli %scan3A_2046, %mul3A_2223 : i32
        %add3A_2225 = arith.constant 64 : i32
        %add3A_2226 = arith.addi %add3A_2225, %mul3A_2224 : i32
        %add3A_2227 = arith.constant 5 : i32
        %add3A_2228 = arith.addi %add3A_2226, %add3A_2227 : i32
        %get3A_2229 = arith.index_cast %add3A_2228 : i32 to index
        %get3A_2230 = arith.constant 0 : index
        %get3A_2231 = tpu.vector_load %arg22[%get3A_2229, %get3A_2230] {strides = array<i32>} : memref<128x128xf32, #tpu.memory_space<vmem>>, vector<16xf32>,
        %sub3A_2232 = arith.subf %add3A_1018, %get3A_2231 : vector<16xf32>
        %mul3A_2233 = arith.mulf %sub3A_2232, %sub3A_2232 : vector<16xf32>
        %get3A_2234 = arith.index_cast %add3A_2228 : i32 to index
        %get3A_2235 = arith.constant 16 : index
        %get3A_2236 = tpu.vector_load %arg22[%get3A_2234, %get3A_2235] {strides = array<i32>} : memref<128x128xf32, #tpu.memory_space<vmem>>, vector<16xf32>,
        %sub3A_2237 = arith.subf %add3A_1026, %get3A_2236 : vector<16xf32>
        %mul3A_2238 = arith.mulf %sub3A_2237, %sub3A_2237 : vector<16xf32>
        %add3A_2239 = arith.addf %mul3A_2233, %mul3A_2238 : vector<16xf32>
        %get3A_2240 = arith.index_cast %add3A_2228 : i32 to index
        %get3A_2241 = arith.constant 32 : index
        %get3A_2242 = tpu.vector_load %arg22[%get3A_2240, %get3A_2241] {strides = array<i32>} : memref<128x128xf32, #tpu.memory_space<vmem>>, vector<16xf32>,
        %sub3A_2243 = arith.subf %add3A_1034, %get3A_2242 : vector<16xf32>
        %mul3A_2244 = arith.mulf %sub3A_2243, %sub3A_2243 : vector<16xf32>
        %add3A_2245 = arith.addf %add3A_2239, %mul3A_2244 : vector<16xf32>
        %get3A_2246 = arith.index_cast %add3A_2228 : i32 to index
        %get3A_2247 = arith.constant 48 : index
        %get3A_2248 = tpu.vector_load %arg22[%get3A_2246, %get3A_2247] {strides = array<i32>} : memref<128x128xf32, #tpu.memory_space<vmem>>, vector<16xf32>,
        %sub3A_2249 = arith.subf %add3A_1042, %get3A_2248 : vector<16xf32>
        %mul3A_2250 = arith.mulf %sub3A_2249, %sub3A_2249 : vector<16xf32>
        %add3A_2251 = arith.addf %add3A_2245, %mul3A_2250 : vector<16xf32>
        %broadcast_in_dim3A_2252 = vector.broadcast %add3A_2228 : i32 to vector<16xi32>
        %reduce_sum3A_2253 = arith.constant true
        %reduce_sum3A_2254 = vector.broadcast %reduce_sum3A_2253 : i1 to vector<16xi1>
        %reduce_sum3A_2255 = tpu.scan <sum>, %add3A_2251 masked %reduce_sum3A_2254 : vector<16xf32>, vector<16xi1> -> vector<16xf32>
        %reduce_sum3A_2256 = vector.extract %reduce_sum3A_2255[15] : f32 from vector<16xf32>
        %broadcast_in_dim3A_2257 = vector.broadcast %reduce_sum3A_2256 : f32 to vector<16xf32>
        tpu.vector_store_idx %arg24[%broadcast_in_dim3A_2252], %broadcast_in_dim3A_2257 masked %eq3A_22 : memref<128xf32, #tpu.memory_space<vmem>>[vector<16xi32>], vector<16xf32>, vector<16xi1>
        %mul3A_2258 = arith.constant 16 : i32
        %mul3A_2259 = arith.muli %scan3A_2046, %mul3A_2258 : i32
        %add3A_2260 = arith.constant 64 : i32
        %add3A_2261 = arith.addi %add3A_2260, %mul3A_2259 : i32
        %add3A_2262 = arith.constant 6 : i32
        %add3A_2263 = arith.addi %add3A_2261, %add3A_2262 : i32
        %get3A_2264 = arith.index_cast %add3A_2263 : i32 to index
        %get3A_2265 = arith.constant 0 : index
        %get3A_2266 = tpu.vector_load %arg22[%get3A_2264, %get3A_2265] {strides = array<i32>} : memref<128x128xf32, #tpu.memory_space<vmem>>, vector<16xf32>,
        %sub3A_2267 = arith.subf %add3A_1018, %get3A_2266 : vector<16xf32>
        %mul3A_2268 = arith.mulf %sub3A_2267, %sub3A_2267 : vector<16xf32>
        %get3A_2269 = arith.index_cast %add3A_2263 : i32 to index
        %get3A_2270 = arith.constant 16 : index
        %get3A_2271 = tpu.vector_load %arg22[%get3A_2269, %get3A_2270] {strides = array<i32>} : memref<128x128xf32, #tpu.memory_space<vmem>>, vector<16xf32>,
        %sub3A_2272 = arith.subf %add3A_1026, %get3A_2271 : vector<16xf32>
        %mul3A_2273 = arith.mulf %sub3A_2272, %sub3A_2272 : vector<16xf32>
        %add3A_2274 = arith.addf %mul3A_2268, %mul3A_2273 : vector<16xf32>
        %get3A_2275 = arith.index_cast %add3A_2263 : i32 to index
        %get3A_2276 = arith.constant 32 : index
        %get3A_2277 = tpu.vector_load %arg22[%get3A_2275, %get3A_2276] {strides = array<i32>} : memref<128x128xf32, #tpu.memory_space<vmem>>, vector<16xf32>,
        %sub3A_2278 = arith.subf %add3A_1034, %get3A_2277 : vector<16xf32>
        %mul3A_2279 = arith.mulf %sub3A_2278, %sub3A_2278 : vector<16xf32>
        %add3A_2280 = arith.addf %add3A_2274, %mul3A_2279 : vector<16xf32>
        %get3A_2281 = arith.index_cast %add3A_2263 : i32 to index
        %get3A_2282 = arith.constant 48 : index
        %get3A_2283 = tpu.vector_load %arg22[%get3A_2281, %get3A_2282] {strides = array<i32>} : memref<128x128xf32, #tpu.memory_space<vmem>>, vector<16xf32>,
        %sub3A_2284 = arith.subf %add3A_1042, %get3A_2283 : vector<16xf32>
        %mul3A_2285 = arith.mulf %sub3A_2284, %sub3A_2284 : vector<16xf32>
        %add3A_2286 = arith.addf %add3A_2280, %mul3A_2285 : vector<16xf32>
        %broadcast_in_dim3A_2287 = vector.broadcast %add3A_2263 : i32 to vector<16xi32>
        %reduce_sum3A_2288 = arith.constant true
        %reduce_sum3A_2289 = vector.broadcast %reduce_sum3A_2288 : i1 to vector<16xi1>
        %reduce_sum3A_2290 = tpu.scan <sum>, %add3A_2286 masked %reduce_sum3A_2289 : vector<16xf32>, vector<16xi1> -> vector<16xf32>
        %reduce_sum3A_2291 = vector.extract %reduce_sum3A_2290[15] : f32 from vector<16xf32>
        %broadcast_in_dim3A_2292 = vector.broadcast %reduce_sum3A_2291 : f32 to vector<16xf32>
        tpu.vector_store_idx %arg24[%broadcast_in_dim3A_2287], %broadcast_in_dim3A_2292 masked %eq3A_22 : memref<128xf32, #tpu.memory_space<vmem>>[vector<16xi32>], vector<16xf32>, vector<16xi1>
        %mul3A_2293 = arith.constant 16 : i32
        %mul3A_2294 = arith.muli %scan3A_2046, %mul3A_2293 : i32
        %add3A_2295 = arith.constant 64 : i32
        %add3A_2296 = arith.addi %add3A_2295, %mul3A_2294 : i32
        %add3A_2297 = arith.constant 7 : i32
        %add3A_2298 = arith.addi %add3A_2296, %add3A_2297 : i32
        %get3A_2299 = arith.index_cast %add3A_2298 : i32 to index
        %get3A_2300 = arith.constant 0 : index
        %get3A_2301 = tpu.vector_load %arg22[%get3A_2299, %get3A_2300] {strides = array<i32>} : memref<128x128xf32, #tpu.memory_space<vmem>>, vector<16xf32>,
        %sub3A_2302 = arith.subf %add3A_1018, %get3A_2301 : vector<16xf32>
        %mul3A_2303 = arith.mulf %sub3A_2302, %sub3A_2302 : vector<16xf32>
        %get3A_2304 = arith.index_cast %add3A_2298 : i32 to index
        %get3A_2305 = arith.constant 16 : index
        %get3A_2306 = tpu.vector_load %arg22[%get3A_2304, %get3A_2305] {strides = array<i32>} : memref<128x128xf32, #tpu.memory_space<vmem>>, vector<16xf32>,
        %sub3A_2307 = arith.subf %add3A_1026, %get3A_2306 : vector<16xf32>
        %mul3A_2308 = arith.mulf %sub3A_2307, %sub3A_2307 : vector<16xf32>
        %add3A_2309 = arith.addf %mul3A_2303, %mul3A_2308 : vector<16xf32>
        %get3A_2310 = arith.index_cast %add3A_2298 : i32 to index
        %get3A_2311 = arith.constant 32 : index
        %get3A_2312 = tpu.vector_load %arg22[%get3A_2310, %get3A_2311] {strides = array<i32>} : memref<128x128xf32, #tpu.memory_space<vmem>>, vector<16xf32>,
        %sub3A_2313 = arith.subf %add3A_1034, %get3A_2312 : vector<16xf32>
        %mul3A_2314 = arith.mulf %sub3A_2313, %sub3A_2313 : vector<16xf32>
        %add3A_2315 = arith.addf %add3A_2309, %mul3A_2314 : vector<16xf32>
        %get3A_2316 = arith.index_cast %add3A_2298 : i32 to index
        %get3A_2317 = arith.constant 48 : index
        %get3A_2318 = tpu.vector_load %arg22[%get3A_2316, %get3A_2317] {strides = array<i32>} : memref<128x128xf32, #tpu.memory_space<vmem>>, vector<16xf32>,
        %sub3A_2319 = arith.subf %add3A_1042, %get3A_2318 : vector<16xf32>
        %mul3A_2320 = arith.mulf %sub3A_2319, %sub3A_2319 : vector<16xf32>
        %add3A_2321 = arith.addf %add3A_2315, %mul3A_2320 : vector<16xf32>
        %broadcast_in_dim3A_2322 = vector.broadcast %add3A_2298 : i32 to vector<16xi32>
        %reduce_sum3A_2323 = arith.constant true
        %reduce_sum3A_2324 = vector.broadcast %reduce_sum3A_2323 : i1 to vector<16xi1>
        %reduce_sum3A_2325 = tpu.scan <sum>, %add3A_2321 masked %reduce_sum3A_2324 : vector<16xf32>, vector<16xi1> -> vector<16xf32>
        %reduce_sum3A_2326 = vector.extract %reduce_sum3A_2325[15] : f32 from vector<16xf32>
        %broadcast_in_dim3A_2327 = vector.broadcast %reduce_sum3A_2326 : f32 to vector<16xf32>
        tpu.vector_store_idx %arg24[%broadcast_in_dim3A_2322], %broadcast_in_dim3A_2327 masked %eq3A_22 : memref<128xf32, #tpu.memory_space<vmem>>[vector<16xi32>], vector<16xf32>, vector<16xi1>
        %mul3A_2328 = arith.constant 16 : i32
        %mul3A_2329 = arith.muli %scan3A_2046, %mul3A_2328 : i32
        %add3A_2330 = arith.constant 64 : i32
        %add3A_2331 = arith.addi %add3A_2330, %mul3A_2329 : i32
        %add3A_2332 = arith.constant 8 : i32
        %add3A_2333 = arith.addi %add3A_2331, %add3A_2332 : i32
        %get3A_2334 = arith.index_cast %add3A_2333 : i32 to index
        %get3A_2335 = arith.constant 0 : index
        %get3A_2336 = tpu.vector_load %arg22[%get3A_2334, %get3A_2335] {strides = array<i32>} : memref<128x128xf32, #tpu.memory_space<vmem>>, vector<16xf32>,
        %sub3A_2337 = arith.subf %add3A_1018, %get3A_2336 : vector<16xf32>
        %mul3A_2338 = arith.mulf %sub3A_2337, %sub3A_2337 : vector<16xf32>
        %get3A_2339 = arith.index_cast %add3A_2333 : i32 to index
        %get3A_2340 = arith.constant 16 : index
        %get3A_2341 = tpu.vector_load %arg22[%get3A_2339, %get3A_2340] {strides = array<i32>} : memref<128x128xf32, #tpu.memory_space<vmem>>, vector<16xf32>,
        %sub3A_2342 = arith.subf %add3A_1026, %get3A_2341 : vector<16xf32>
        %mul3A_2343 = arith.mulf %sub3A_2342, %sub3A_2342 : vector<16xf32>
        %add3A_2344 = arith.addf %mul3A_2338, %mul3A_2343 : vector<16xf32>
        %get3A_2345 = arith.index_cast %add3A_2333 : i32 to index
        %get3A_2346 = arith.constant 32 : index
        %get3A_2347 = tpu.vector_load %arg22[%get3A_2345, %get3A_2346] {strides = array<i32>} : memref<128x128xf32, #tpu.memory_space<vmem>>, vector<16xf32>,
        %sub3A_2348 = arith.subf %add3A_1034, %get3A_2347 : vector<16xf32>
        %mul3A_2349 = arith.mulf %sub3A_2348, %sub3A_2348 : vector<16xf32>
        %add3A_2350 = arith.addf %add3A_2344, %mul3A_2349 : vector<16xf32>
        %get3A_2351 = arith.index_cast %add3A_2333 : i32 to index
        %get3A_2352 = arith.constant 48 : index
        %get3A_2353 = tpu.vector_load %arg22[%get3A_2351, %get3A_2352] {strides = array<i32>} : memref<128x128xf32, #tpu.memory_space<vmem>>, vector<16xf32>,
        %sub3A_2354 = arith.subf %add3A_1042, %get3A_2353 : vector<16xf32>
        %mul3A_2355 = arith.mulf %sub3A_2354, %sub3A_2354 : vector<16xf32>
        %add3A_2356 = arith.addf %add3A_2350, %mul3A_2355 : vector<16xf32>
        %broadcast_in_dim3A_2357 = vector.broadcast %add3A_2333 : i32 to vector<16xi32>
        %reduce_sum3A_2358 = arith.constant true
        %reduce_sum3A_2359 = vector.broadcast %reduce_sum3A_2358 : i1 to vector<16xi1>
        %reduce_sum3A_2360 = tpu.scan <sum>, %add3A_2356 masked %reduce_sum3A_2359 : vector<16xf32>, vector<16xi1> -> vector<16xf32>
        %reduce_sum3A_2361 = vector.extract %reduce_sum3A_2360[15] : f32 from vector<16xf32>
        %broadcast_in_dim3A_2362 = vector.broadcast %reduce_sum3A_2361 : f32 to vector<16xf32>
        tpu.vector_store_idx %arg24[%broadcast_in_dim3A_2357], %broadcast_in_dim3A_2362 masked %eq3A_22 : memref<128xf32, #tpu.memory_space<vmem>>[vector<16xi32>], vector<16xf32>, vector<16xi1>
        %mul3A_2363 = arith.constant 16 : i32
        %mul3A_2364 = arith.muli %scan3A_2046, %mul3A_2363 : i32
        %add3A_2365 = arith.constant 64 : i32
        %add3A_2366 = arith.addi %add3A_2365, %mul3A_2364 : i32
        %add3A_2367 = arith.constant 9 : i32
        %add3A_2368 = arith.addi %add3A_2366, %add3A_2367 : i32
        %get3A_2369 = arith.index_cast %add3A_2368 : i32 to index
        %get3A_2370 = arith.constant 0 : index
        %get3A_2371 = tpu.vector_load %arg22[%get3A_2369, %get3A_2370] {strides = array<i32>} : memref<128x128xf32, #tpu.memory_space<vmem>>, vector<16xf32>,
        %sub3A_2372 = arith.subf %add3A_1018, %get3A_2371 : vector<16xf32>
        %mul3A_2373 = arith.mulf %sub3A_2372, %sub3A_2372 : vector<16xf32>
        %get3A_2374 = arith.index_cast %add3A_2368 : i32 to index
        %get3A_2375 = arith.constant 16 : index
        %get3A_2376 = tpu.vector_load %arg22[%get3A_2374, %get3A_2375] {strides = array<i32>} : memref<128x128xf32, #tpu.memory_space<vmem>>, vector<16xf32>,
        %sub3A_2377 = arith.subf %add3A_1026, %get3A_2376 : vector<16xf32>
        %mul3A_2378 = arith.mulf %sub3A_2377, %sub3A_2377 : vector<16xf32>
        %add3A_2379 = arith.addf %mul3A_2373, %mul3A_2378 : vector<16xf32>
        %get3A_2380 = arith.index_cast %add3A_2368 : i32 to index
        %get3A_2381 = arith.constant 32 : index
        %get3A_2382 = tpu.vector_load %arg22[%get3A_2380, %get3A_2381] {strides = array<i32>} : memref<128x128xf32, #tpu.memory_space<vmem>>, vector<16xf32>,
        %sub3A_2383 = arith.subf %add3A_1034, %get3A_2382 : vector<16xf32>
        %mul3A_2384 = arith.mulf %sub3A_2383, %sub3A_2383 : vector<16xf32>
        %add3A_2385 = arith.addf %add3A_2379, %mul3A_2384 : vector<16xf32>
        %get3A_2386 = arith.index_cast %add3A_2368 : i32 to index
        %get3A_2387 = arith.constant 48 : index
        %get3A_2388 = tpu.vector_load %arg22[%get3A_2386, %get3A_2387] {strides = array<i32>} : memref<128x128xf32, #tpu.memory_space<vmem>>, vector<16xf32>,
        %sub3A_2389 = arith.subf %add3A_1042, %get3A_2388 : vector<16xf32>
        %mul3A_2390 = arith.mulf %sub3A_2389, %sub3A_2389 : vector<16xf32>
        %add3A_2391 = arith.addf %add3A_2385, %mul3A_2390 : vector<16xf32>
        %broadcast_in_dim3A_2392 = vector.broadcast %add3A_2368 : i32 to vector<16xi32>
        %reduce_sum3A_2393 = arith.constant true
        %reduce_sum3A_2394 = vector.broadcast %reduce_sum3A_2393 : i1 to vector<16xi1>
        %reduce_sum3A_2395 = tpu.scan <sum>, %add3A_2391 masked %reduce_sum3A_2394 : vector<16xf32>, vector<16xi1> -> vector<16xf32>
        %reduce_sum3A_2396 = vector.extract %reduce_sum3A_2395[15] : f32 from vector<16xf32>
        %broadcast_in_dim3A_2397 = vector.broadcast %reduce_sum3A_2396 : f32 to vector<16xf32>
        tpu.vector_store_idx %arg24[%broadcast_in_dim3A_2392], %broadcast_in_dim3A_2397 masked %eq3A_22 : memref<128xf32, #tpu.memory_space<vmem>>[vector<16xi32>], vector<16xf32>, vector<16xi1>
        %mul3A_2398 = arith.constant 16 : i32
        %mul3A_2399 = arith.muli %scan3A_2046, %mul3A_2398 : i32
        %add3A_2400 = arith.constant 64 : i32
        %add3A_2401 = arith.addi %add3A_2400, %mul3A_2399 : i32
        %add3A_2402 = arith.constant 10 : i32
        %add3A_2403 = arith.addi %add3A_2401, %add3A_2402 : i32
        %get3A_2404 = arith.index_cast %add3A_2403 : i32 to index
        %get3A_2405 = arith.constant 0 : index
        %get3A_2406 = tpu.vector_load %arg22[%get3A_2404, %get3A_2405] {strides = array<i32>} : memref<128x128xf32, #tpu.memory_space<vmem>>, vector<16xf32>,
        %sub3A_2407 = arith.subf %add3A_1018, %get3A_2406 : vector<16xf32>
        %mul3A_2408 = arith.mulf %sub3A_2407, %sub3A_2407 : vector<16xf32>
        %get3A_2409 = arith.index_cast %add3A_2403 : i32 to index
        %get3A_2410 = arith.constant 16 : index
        %get3A_2411 = tpu.vector_load %arg22[%get3A_2409, %get3A_2410] {strides = array<i32>} : memref<128x128xf32, #tpu.memory_space<vmem>>, vector<16xf32>,
        %sub3A_2412 = arith.subf %add3A_1026, %get3A_2411 : vector<16xf32>
        %mul3A_2413 = arith.mulf %sub3A_2412, %sub3A_2412 : vector<16xf32>
        %add3A_2414 = arith.addf %mul3A_2408, %mul3A_2413 : vector<16xf32>
        %get3A_2415 = arith.index_cast %add3A_2403 : i32 to index
        %get3A_2416 = arith.constant 32 : index
        %get3A_2417 = tpu.vector_load %arg22[%get3A_2415, %get3A_2416] {strides = array<i32>} : memref<128x128xf32, #tpu.memory_space<vmem>>, vector<16xf32>,
        %sub3A_2418 = arith.subf %add3A_1034, %get3A_2417 : vector<16xf32>
        %mul3A_2419 = arith.mulf %sub3A_2418, %sub3A_2418 : vector<16xf32>
        %add3A_2420 = arith.addf %add3A_2414, %mul3A_2419 : vector<16xf32>
        %get3A_2421 = arith.index_cast %add3A_2403 : i32 to index
        %get3A_2422 = arith.constant 48 : index
        %get3A_2423 = tpu.vector_load %arg22[%get3A_2421, %get3A_2422] {strides = array<i32>} : memref<128x128xf32, #tpu.memory_space<vmem>>, vector<16xf32>,
        %sub3A_2424 = arith.subf %add3A_1042, %get3A_2423 : vector<16xf32>
        %mul3A_2425 = arith.mulf %sub3A_2424, %sub3A_2424 : vector<16xf32>
        %add3A_2426 = arith.addf %add3A_2420, %mul3A_2425 : vector<16xf32>
        %broadcast_in_dim3A_2427 = vector.broadcast %add3A_2403 : i32 to vector<16xi32>
        %reduce_sum3A_2428 = arith.constant true
        %reduce_sum3A_2429 = vector.broadcast %reduce_sum3A_2428 : i1 to vector<16xi1>
        %reduce_sum3A_2430 = tpu.scan <sum>, %add3A_2426 masked %reduce_sum3A_2429 : vector<16xf32>, vector<16xi1> -> vector<16xf32>
        %reduce_sum3A_2431 = vector.extract %reduce_sum3A_2430[15] : f32 from vector<16xf32>
        %broadcast_in_dim3A_2432 = vector.broadcast %reduce_sum3A_2431 : f32 to vector<16xf32>
        tpu.vector_store_idx %arg24[%broadcast_in_dim3A_2427], %broadcast_in_dim3A_2432 masked %eq3A_22 : memref<128xf32, #tpu.memory_space<vmem>>[vector<16xi32>], vector<16xf32>, vector<16xi1>
        %mul3A_2433 = arith.constant 16 : i32
        %mul3A_2434 = arith.muli %scan3A_2046, %mul3A_2433 : i32
        %add3A_2435 = arith.constant 64 : i32
        %add3A_2436 = arith.addi %add3A_2435, %mul3A_2434 : i32
        %add3A_2437 = arith.constant 11 : i32
        %add3A_2438 = arith.addi %add3A_2436, %add3A_2437 : i32
        %get3A_2439 = arith.index_cast %add3A_2438 : i32 to index
        %get3A_2440 = arith.constant 0 : index
        %get3A_2441 = tpu.vector_load %arg22[%get3A_2439, %get3A_2440] {strides = array<i32>} : memref<128x128xf32, #tpu.memory_space<vmem>>, vector<16xf32>,
        %sub3A_2442 = arith.subf %add3A_1018, %get3A_2441 : vector<16xf32>
        %mul3A_2443 = arith.mulf %sub3A_2442, %sub3A_2442 : vector<16xf32>
        %get3A_2444 = arith.index_cast %add3A_2438 : i32 to index
        %get3A_2445 = arith.constant 16 : index
        %get3A_2446 = tpu.vector_load %arg22[%get3A_2444, %get3A_2445] {strides = array<i32>} : memref<128x128xf32, #tpu.memory_space<vmem>>, vector<16xf32>,
        %sub3A_2447 = arith.subf %add3A_1026, %get3A_2446 : vector<16xf32>
        %mul3A_2448 = arith.mulf %sub3A_2447, %sub3A_2447 : vector<16xf32>
        %add3A_2449 = arith.addf %mul3A_2443, %mul3A_2448 : vector<16xf32>
        %get3A_2450 = arith.index_cast %add3A_2438 : i32 to index
        %get3A_2451 = arith.constant 32 : index
        %get3A_2452 = tpu.vector_load %arg22[%get3A_2450, %get3A_2451] {strides = array<i32>} : memref<128x128xf32, #tpu.memory_space<vmem>>, vector<16xf32>,
        %sub3A_2453 = arith.subf %add3A_1034, %get3A_2452 : vector<16xf32>
        %mul3A_2454 = arith.mulf %sub3A_2453, %sub3A_2453 : vector<16xf32>
        %add3A_2455 = arith.addf %add3A_2449, %mul3A_2454 : vector<16xf32>
        %get3A_2456 = arith.index_cast %add3A_2438 : i32 to index
        %get3A_2457 = arith.constant 48 : index
        %get3A_2458 = tpu.vector_load %arg22[%get3A_2456, %get3A_2457] {strides = array<i32>} : memref<128x128xf32, #tpu.memory_space<vmem>>, vector<16xf32>,
        %sub3A_2459 = arith.subf %add3A_1042, %get3A_2458 : vector<16xf32>
        %mul3A_2460 = arith.mulf %sub3A_2459, %sub3A_2459 : vector<16xf32>
        %add3A_2461 = arith.addf %add3A_2455, %mul3A_2460 : vector<16xf32>
        %broadcast_in_dim3A_2462 = vector.broadcast %add3A_2438 : i32 to vector<16xi32>
        %reduce_sum3A_2463 = arith.constant true
        %reduce_sum3A_2464 = vector.broadcast %reduce_sum3A_2463 : i1 to vector<16xi1>
        %reduce_sum3A_2465 = tpu.scan <sum>, %add3A_2461 masked %reduce_sum3A_2464 : vector<16xf32>, vector<16xi1> -> vector<16xf32>
        %reduce_sum3A_2466 = vector.extract %reduce_sum3A_2465[15] : f32 from vector<16xf32>
        %broadcast_in_dim3A_2467 = vector.broadcast %reduce_sum3A_2466 : f32 to vector<16xf32>
        tpu.vector_store_idx %arg24[%broadcast_in_dim3A_2462], %broadcast_in_dim3A_2467 masked %eq3A_22 : memref<128xf32, #tpu.memory_space<vmem>>[vector<16xi32>], vector<16xf32>, vector<16xi1>
        %mul3A_2468 = arith.constant 16 : i32
        %mul3A_2469 = arith.muli %scan3A_2046, %mul3A_2468 : i32
        %add3A_2470 = arith.constant 64 : i32
        %add3A_2471 = arith.addi %add3A_2470, %mul3A_2469 : i32
        %add3A_2472 = arith.constant 12 : i32
        %add3A_2473 = arith.addi %add3A_2471, %add3A_2472 : i32
        %get3A_2474 = arith.index_cast %add3A_2473 : i32 to index
        %get3A_2475 = arith.constant 0 : index
        %get3A_2476 = tpu.vector_load %arg22[%get3A_2474, %get3A_2475] {strides = array<i32>} : memref<128x128xf32, #tpu.memory_space<vmem>>, vector<16xf32>,
        %sub3A_2477 = arith.subf %add3A_1018, %get3A_2476 : vector<16xf32>
        %mul3A_2478 = arith.mulf %sub3A_2477, %sub3A_2477 : vector<16xf32>
        %get3A_2479 = arith.index_cast %add3A_2473 : i32 to index
        %get3A_2480 = arith.constant 16 : index
        %get3A_2481 = tpu.vector_load %arg22[%get3A_2479, %get3A_2480] {strides = array<i32>} : memref<128x128xf32, #tpu.memory_space<vmem>>, vector<16xf32>,
        %sub3A_2482 = arith.subf %add3A_1026, %get3A_2481 : vector<16xf32>
        %mul3A_2483 = arith.mulf %sub3A_2482, %sub3A_2482 : vector<16xf32>
        %add3A_2484 = arith.addf %mul3A_2478, %mul3A_2483 : vector<16xf32>
        %get3A_2485 = arith.index_cast %add3A_2473 : i32 to index
        %get3A_2486 = arith.constant 32 : index
        %get3A_2487 = tpu.vector_load %arg22[%get3A_2485, %get3A_2486] {strides = array<i32>} : memref<128x128xf32, #tpu.memory_space<vmem>>, vector<16xf32>,
        %sub3A_2488 = arith.subf %add3A_1034, %get3A_2487 : vector<16xf32>
        %mul3A_2489 = arith.mulf %sub3A_2488, %sub3A_2488 : vector<16xf32>
        %add3A_2490 = arith.addf %add3A_2484, %mul3A_2489 : vector<16xf32>
        %get3A_2491 = arith.index_cast %add3A_2473 : i32 to index
        %get3A_2492 = arith.constant 48 : index
        %get3A_2493 = tpu.vector_load %arg22[%get3A_2491, %get3A_2492] {strides = array<i32>} : memref<128x128xf32, #tpu.memory_space<vmem>>, vector<16xf32>,
        %sub3A_2494 = arith.subf %add3A_1042, %get3A_2493 : vector<16xf32>
        %mul3A_2495 = arith.mulf %sub3A_2494, %sub3A_2494 : vector<16xf32>
        %add3A_2496 = arith.addf %add3A_2490, %mul3A_2495 : vector<16xf32>
        %broadcast_in_dim3A_2497 = vector.broadcast %add3A_2473 : i32 to vector<16xi32>
        %reduce_sum3A_2498 = arith.constant true
        %reduce_sum3A_2499 = vector.broadcast %reduce_sum3A_2498 : i1 to vector<16xi1>
        %reduce_sum3A_2500 = tpu.scan <sum>, %add3A_2496 masked %reduce_sum3A_2499 : vector<16xf32>, vector<16xi1> -> vector<16xf32>
        %reduce_sum3A_2501 = vector.extract %reduce_sum3A_2500[15] : f32 from vector<16xf32>
        %broadcast_in_dim3A_2502 = vector.broadcast %reduce_sum3A_2501 : f32 to vector<16xf32>
        tpu.vector_store_idx %arg24[%broadcast_in_dim3A_2497], %broadcast_in_dim3A_2502 masked %eq3A_22 : memref<128xf32, #tpu.memory_space<vmem>>[vector<16xi32>], vector<16xf32>, vector<16xi1>
        %mul3A_2503 = arith.constant 16 : i32
        %mul3A_2504 = arith.muli %scan3A_2046, %mul3A_2503 : i32
        %add3A_2505 = arith.constant 64 : i32
        %add3A_2506 = arith.addi %add3A_2505, %mul3A_2504 : i32
        %add3A_2507 = arith.constant 13 : i32
        %add3A_2508 = arith.addi %add3A_2506, %add3A_2507 : i32
        %get3A_2509 = arith.index_cast %add3A_2508 : i32 to index
        %get3A_2510 = arith.constant 0 : index
        %get3A_2511 = tpu.vector_load %arg22[%get3A_2509, %get3A_2510] {strides = array<i32>} : memref<128x128xf32, #tpu.memory_space<vmem>>, vector<16xf32>,
        %sub3A_2512 = arith.subf %add3A_1018, %get3A_2511 : vector<16xf32>
        %mul3A_2513 = arith.mulf %sub3A_2512, %sub3A_2512 : vector<16xf32>
        %get3A_2514 = arith.index_cast %add3A_2508 : i32 to index
        %get3A_2515 = arith.constant 16 : index
        %get3A_2516 = tpu.vector_load %arg22[%get3A_2514, %get3A_2515] {strides = array<i32>} : memref<128x128xf32, #tpu.memory_space<vmem>>, vector<16xf32>,
        %sub3A_2517 = arith.subf %add3A_1026, %get3A_2516 : vector<16xf32>
        %mul3A_2518 = arith.mulf %sub3A_2517, %sub3A_2517 : vector<16xf32>
        %add3A_2519 = arith.addf %mul3A_2513, %mul3A_2518 : vector<16xf32>
        %get3A_2520 = arith.index_cast %add3A_2508 : i32 to index
        %get3A_2521 = arith.constant 32 : index
        %get3A_2522 = tpu.vector_load %arg22[%get3A_2520, %get3A_2521] {strides = array<i32>} : memref<128x128xf32, #tpu.memory_space<vmem>>, vector<16xf32>,
        %sub3A_2523 = arith.subf %add3A_1034, %get3A_2522 : vector<16xf32>
        %mul3A_2524 = arith.mulf %sub3A_2523, %sub3A_2523 : vector<16xf32>
        %add3A_2525 = arith.addf %add3A_2519, %mul3A_2524 : vector<16xf32>
        %get3A_2526 = arith.index_cast %add3A_2508 : i32 to index
        %get3A_2527 = arith.constant 48 : index
        %get3A_2528 = tpu.vector_load %arg22[%get3A_2526, %get3A_2527] {strides = array<i32>} : memref<128x128xf32, #tpu.memory_space<vmem>>, vector<16xf32>,
        %sub3A_2529 = arith.subf %add3A_1042, %get3A_2528 : vector<16xf32>
        %mul3A_2530 = arith.mulf %sub3A_2529, %sub3A_2529 : vector<16xf32>
        %add3A_2531 = arith.addf %add3A_2525, %mul3A_2530 : vector<16xf32>
        %broadcast_in_dim3A_2532 = vector.broadcast %add3A_2508 : i32 to vector<16xi32>
        %reduce_sum3A_2533 = arith.constant true
        %reduce_sum3A_2534 = vector.broadcast %reduce_sum3A_2533 : i1 to vector<16xi1>
        %reduce_sum3A_2535 = tpu.scan <sum>, %add3A_2531 masked %reduce_sum3A_2534 : vector<16xf32>, vector<16xi1> -> vector<16xf32>
        %reduce_sum3A_2536 = vector.extract %reduce_sum3A_2535[15] : f32 from vector<16xf32>
        %broadcast_in_dim3A_2537 = vector.broadcast %reduce_sum3A_2536 : f32 to vector<16xf32>
        tpu.vector_store_idx %arg24[%broadcast_in_dim3A_2532], %broadcast_in_dim3A_2537 masked %eq3A_22 : memref<128xf32, #tpu.memory_space<vmem>>[vector<16xi32>], vector<16xf32>, vector<16xi1>
        %mul3A_2538 = arith.constant 16 : i32
        %mul3A_2539 = arith.muli %scan3A_2046, %mul3A_2538 : i32
        %add3A_2540 = arith.constant 64 : i32
        %add3A_2541 = arith.addi %add3A_2540, %mul3A_2539 : i32
        %add3A_2542 = arith.constant 14 : i32
        %add3A_2543 = arith.addi %add3A_2541, %add3A_2542 : i32
        %get3A_2544 = arith.index_cast %add3A_2543 : i32 to index
        %get3A_2545 = arith.constant 0 : index
        %get3A_2546 = tpu.vector_load %arg22[%get3A_2544, %get3A_2545] {strides = array<i32>} : memref<128x128xf32, #tpu.memory_space<vmem>>, vector<16xf32>,
        %sub3A_2547 = arith.subf %add3A_1018, %get3A_2546 : vector<16xf32>
        %mul3A_2548 = arith.mulf %sub3A_2547, %sub3A_2547 : vector<16xf32>
        %get3A_2549 = arith.index_cast %add3A_2543 : i32 to index
        %get3A_2550 = arith.constant 16 : index
        %get3A_2551 = tpu.vector_load %arg22[%get3A_2549, %get3A_2550] {strides = array<i32>} : memref<128x128xf32, #tpu.memory_space<vmem>>, vector<16xf32>,
        %sub3A_2552 = arith.subf %add3A_1026, %get3A_2551 : vector<16xf32>
        %mul3A_2553 = arith.mulf %sub3A_2552, %sub3A_2552 : vector<16xf32>
        %add3A_2554 = arith.addf %mul3A_2548, %mul3A_2553 : vector<16xf32>
        %get3A_2555 = arith.index_cast %add3A_2543 : i32 to index
        %get3A_2556 = arith.constant 32 : index
        %get3A_2557 = tpu.vector_load %arg22[%get3A_2555, %get3A_2556] {strides = array<i32>} : memref<128x128xf32, #tpu.memory_space<vmem>>, vector<16xf32>,
        %sub3A_2558 = arith.subf %add3A_1034, %get3A_2557 : vector<16xf32>
        %mul3A_2559 = arith.mulf %sub3A_2558, %sub3A_2558 : vector<16xf32>
        %add3A_2560 = arith.addf %add3A_2554, %mul3A_2559 : vector<16xf32>
        %get3A_2561 = arith.index_cast %add3A_2543 : i32 to index
        %get3A_2562 = arith.constant 48 : index
        %get3A_2563 = tpu.vector_load %arg22[%get3A_2561, %get3A_2562] {strides = array<i32>} : memref<128x128xf32, #tpu.memory_space<vmem>>, vector<16xf32>,
        %sub3A_2564 = arith.subf %add3A_1042, %get3A_2563 : vector<16xf32>
        %mul3A_2565 = arith.mulf %sub3A_2564, %sub3A_2564 : vector<16xf32>
        %add3A_2566 = arith.addf %add3A_2560, %mul3A_2565 : vector<16xf32>
        %broadcast_in_dim3A_2567 = vector.broadcast %add3A_2543 : i32 to vector<16xi32>
        %reduce_sum3A_2568 = arith.constant true
        %reduce_sum3A_2569 = vector.broadcast %reduce_sum3A_2568 : i1 to vector<16xi1>
        %reduce_sum3A_2570 = tpu.scan <sum>, %add3A_2566 masked %reduce_sum3A_2569 : vector<16xf32>, vector<16xi1> -> vector<16xf32>
        %reduce_sum3A_2571 = vector.extract %reduce_sum3A_2570[15] : f32 from vector<16xf32>
        %broadcast_in_dim3A_2572 = vector.broadcast %reduce_sum3A_2571 : f32 to vector<16xf32>
        tpu.vector_store_idx %arg24[%broadcast_in_dim3A_2567], %broadcast_in_dim3A_2572 masked %eq3A_22 : memref<128xf32, #tpu.memory_space<vmem>>[vector<16xi32>], vector<16xf32>, vector<16xi1>
        %mul3A_2573 = arith.constant 16 : i32
        %mul3A_2574 = arith.muli %scan3A_2046, %mul3A_2573 : i32
        %add3A_2575 = arith.constant 64 : i32
        %add3A_2576 = arith.addi %add3A_2575, %mul3A_2574 : i32
        %add3A_2577 = arith.constant 15 : i32
        %add3A_2578 = arith.addi %add3A_2576, %add3A_2577 : i32
        %get3A_2579 = arith.index_cast %add3A_2578 : i32 to index
        %get3A_2580 = arith.constant 0 : index
        %get3A_2581 = tpu.vector_load %arg22[%get3A_2579, %get3A_2580] {strides = array<i32>} : memref<128x128xf32, #tpu.memory_space<vmem>>, vector<16xf32>,
        %sub3A_2582 = arith.subf %add3A_1018, %get3A_2581 : vector<16xf32>
        %mul3A_2583 = arith.mulf %sub3A_2582, %sub3A_2582 : vector<16xf32>
        %get3A_2584 = arith.index_cast %add3A_2578 : i32 to index
        %get3A_2585 = arith.constant 16 : index
        %get3A_2586 = tpu.vector_load %arg22[%get3A_2584, %get3A_2585] {strides = array<i32>} : memref<128x128xf32, #tpu.memory_space<vmem>>, vector<16xf32>,
        %sub3A_2587 = arith.subf %add3A_1026, %get3A_2586 : vector<16xf32>
        %mul3A_2588 = arith.mulf %sub3A_2587, %sub3A_2587 : vector<16xf32>
        %add3A_2589 = arith.addf %mul3A_2583, %mul3A_2588 : vector<16xf32>
        %get3A_2590 = arith.index_cast %add3A_2578 : i32 to index
        %get3A_2591 = arith.constant 32 : index
        %get3A_2592 = tpu.vector_load %arg22[%get3A_2590, %get3A_2591] {strides = array<i32>} : memref<128x128xf32, #tpu.memory_space<vmem>>, vector<16xf32>,
        %sub3A_2593 = arith.subf %add3A_1034, %get3A_2592 : vector<16xf32>
        %mul3A_2594 = arith.mulf %sub3A_2593, %sub3A_2593 : vector<16xf32>
        %add3A_2595 = arith.addf %add3A_2589, %mul3A_2594 : vector<16xf32>
        %get3A_2596 = arith.index_cast %add3A_2578 : i32 to index
        %get3A_2597 = arith.constant 48 : index
        %get3A_2598 = tpu.vector_load %arg22[%get3A_2596, %get3A_2597] {strides = array<i32>} : memref<128x128xf32, #tpu.memory_space<vmem>>, vector<16xf32>,
        %sub3A_2599 = arith.subf %add3A_1042, %get3A_2598 : vector<16xf32>
        %mul3A_2600 = arith.mulf %sub3A_2599, %sub3A_2599 : vector<16xf32>
        %add3A_2601 = arith.addf %add3A_2595, %mul3A_2600 : vector<16xf32>
        %broadcast_in_dim3A_2602 = vector.broadcast %add3A_2578 : i32 to vector<16xi32>
        %reduce_sum3A_2603 = arith.constant true
        %reduce_sum3A_2604 = vector.broadcast %reduce_sum3A_2603 : i1 to vector<16xi1>
        %reduce_sum3A_2605 = tpu.scan <sum>, %add3A_2601 masked %reduce_sum3A_2604 : vector<16xf32>, vector<16xi1> -> vector<16xf32>
        %reduce_sum3A_2606 = vector.extract %reduce_sum3A_2605[15] : f32 from vector<16xf32>
        %broadcast_in_dim3A_2607 = vector.broadcast %reduce_sum3A_2606 : f32 to vector<16xf32>
        tpu.vector_store_idx %arg24[%broadcast_in_dim3A_2602], %broadcast_in_dim3A_2607 masked %eq3A_22 : memref<128xf32, #tpu.memory_space<vmem>>[vector<16xi32>], vector<16xf32>, vector<16xi1>
        %scan3A_2608 = arith.constant 0 : i32
        scf.yield %scan3A_2608 : i32
      }
      %scan3A_1077 = arith.constant 4 : i32
      %add3A_1078 = arith.constant 2 : i32
      %add3A_1079 = arith.addi %add3A_926, %add3A_1078 : i32
      %lt3A = arith.constant 64 : i32
      %lt3A_1080 = arith.cmpi slt, %add3A_1079, %lt3A : i32
      %convert_element_type3A_1081 = arith.extui %lt3A_1080 : i1 to i32
      %cond3A = arith.constant 0 : i32
      %cond3A_1082 = arith.cmpi ne, %convert_element_type3A_1081, %cond3A : i32
      scf.if %cond3A_1082 {
        %add3A_2046 = arith.constant 2 : i32
        %add3A_2047 = arith.addi %add3A_926, %add3A_2046 : i32
        %mul3A_2048 = arith.constant 128 : i32
        %mul3A_2049 = arith.muli %add3A_2047, %mul3A_2048 : i32
        %dma_start3A_2050 = tpu.memref_slice %arg15[%mul3A_2049] : memref<8192xi32, #tpu.memory_space<vmem>> -> memref<128xi32, #tpu.memory_space<vmem>>
        %dma_start3A_2051 = arith.constant 0 : i32
        %dma_start3A_2052 = arith.constant 0 : i32
        %dma_start3A_2053 = tpu.memref_slice %arg7[%dma_start3A_2051, %dma_start3A_2052] : memref<1000000x128xf32, #tpu.memory_space<hbm>> -> memref<1000000x128xf32, #tpu.memory_space<hbm>>
        tpu.enqueue_indirect_dma source(%dma_start3A_2053 : memref<1000000x128xf32, #tpu.memory_space<hbm>>) target(%arg22 : memref<128x128xf32, #tpu.memory_space<vmem>>) offsets(%dma_start3A_2050 : memref<128xi32, #tpu.memory_space<vmem>>) semaphore(%arg29 : memref<!tpu.dma_semaphore, #tpu.memory_space<semaphore_mem>>)
      } else {
      }
      %get3A_1083 = arith.constant 0 : index
      %get3A_1084 = tpu.vector_load %arg24[%get3A_1083] {strides = array<i32>} : memref<128xf32, #tpu.memory_space<vmem>>, vector<16xf32>,
      %bitcast3A_1085 = vector.bitcast %get3A_1084 : vector<16xf32> to vector<16xi32>
      %shift_right_arithmetic3A_1086 = arith.constant 1 : i32
      %shift_right_arithmetic3A_1087 = vector.broadcast %shift_right_arithmetic3A_1086 : i32 to vector<16xi32>
      %shift_right_arithmetic3A_1088 = arith.shrsi %bitcast3A_1085, %shift_right_arithmetic3A_1087 : vector<16xi32>
      %sub3A_1089 = arith.constant 1597463007 : i32
      %sub3A_1090 = vector.broadcast %sub3A_1089 : i32 to vector<16xi32>
      %sub3A_1091 = arith.subi %sub3A_1090, %shift_right_arithmetic3A_1088 : vector<16xi32>
      %bitcast3A_1092 = vector.bitcast %sub3A_1091 : vector<16xi32> to vector<16xf32>
      %mul3A_1093 = arith.constant 5.000000e-01 : f32
      %mul3A_1094 = vector.broadcast %mul3A_1093 : f32 to vector<16xf32>
      %mul3A_1095 = arith.mulf %mul3A_1094, %get3A_1084 : vector<16xf32>
      %mul3A_1096 = arith.mulf %mul3A_1095, %bitcast3A_1092 : vector<16xf32>
      %mul3A_1097 = arith.mulf %mul3A_1096, %bitcast3A_1092 : vector<16xf32>
      %sub3A_1098 = arith.constant 1.500000e+00 : f32
      %sub3A_1099 = vector.broadcast %sub3A_1098 : f32 to vector<16xf32>
      %sub3A_1100 = arith.subf %sub3A_1099, %mul3A_1097 : vector<16xf32>
      %mul3A_1101 = arith.mulf %bitcast3A_1092, %sub3A_1100 : vector<16xf32>
      %mul3A_1102 = arith.constant 5.000000e-01 : f32
      %mul3A_1103 = vector.broadcast %mul3A_1102 : f32 to vector<16xf32>
      %mul3A_1104 = arith.mulf %mul3A_1103, %get3A_1084 : vector<16xf32>
      %mul3A_1105 = arith.mulf %mul3A_1104, %mul3A_1101 : vector<16xf32>
      %mul3A_1106 = arith.mulf %mul3A_1105, %mul3A_1101 : vector<16xf32>
      %sub3A_1107 = arith.constant 1.500000e+00 : f32
      %sub3A_1108 = vector.broadcast %sub3A_1107 : f32 to vector<16xf32>
      %sub3A_1109 = arith.subf %sub3A_1108, %mul3A_1106 : vector<16xf32>
      %mul3A_1110 = arith.mulf %mul3A_1101, %sub3A_1109 : vector<16xf32>
      %mul3A_1111 = arith.constant 5.000000e-01 : f32
      %mul3A_1112 = vector.broadcast %mul3A_1111 : f32 to vector<16xf32>
      %mul3A_1113 = arith.mulf %mul3A_1112, %get3A_1084 : vector<16xf32>
      %mul3A_1114 = arith.mulf %mul3A_1113, %mul3A_1110 : vector<16xf32>
      %mul3A_1115 = arith.mulf %mul3A_1114, %mul3A_1110 : vector<16xf32>
      %sub3A_1116 = arith.constant 1.500000e+00 : f32
      %sub3A_1117 = vector.broadcast %sub3A_1116 : f32 to vector<16xf32>
      %sub3A_1118 = arith.subf %sub3A_1117, %mul3A_1115 : vector<16xf32>
      %mul3A_1119 = arith.mulf %mul3A_1110, %sub3A_1118 : vector<16xf32>
      %gt3A_1120 = arith.constant 0.000000e+00 : f32
      %gt3A_1121 = vector.broadcast %gt3A_1120 : f32 to vector<16xf32>
      %gt3A_1122 = arith.cmpf ogt, %get3A_1084, %gt3A_1121 : vector<16xf32>
      %mul3A_1123 = arith.mulf %get3A_1084, %mul3A_1119 : vector<16xf32>
      %jit3A_1124 = arith.constant 0.000000e+00 : f32
      %broadcast_in_dim3A_1125 = vector.broadcast %jit3A_1124 : f32 to vector<16xf32>
      %select_n3A_1126 = arith.select %gt3A_1122, %mul3A_1123, %broadcast_in_dim3A_1125 : vector<16xi1>, vector<16xf32>
      %mul3A_1127 = arith.constant 128 : i32
      %mul3A_1128 = arith.muli %add3A_926, %mul3A_1127 : i32
      %add3A_1129 = arith.constant 0 : i32
      %add3A_1130 = arith.addi %mul3A_1128, %add3A_1129 : i32
      %swap3A_1131 = arith.index_cast %add3A_1130 : i32 to index
      %swap3A_1132 = tpu.vector_load %arg27[%swap3A_1131] {strides = array<i32>} : memref<8192xf32, #tpu.memory_space<vmem>>, vector<16xf32>,
      tpu.vector_store %arg27[%swap3A_1131], %select_n3A_1126 {strides = array<i32>} : memref<8192xf32, #tpu.memory_space<vmem>>, vector<16xf32>,
      %get3A_1133 = arith.constant 16 : index
      %get3A_1134 = tpu.vector_load %arg24[%get3A_1133] {strides = array<i32>} : memref<128xf32, #tpu.memory_space<vmem>>, vector<16xf32>,
      %bitcast3A_1135 = vector.bitcast %get3A_1134 : vector<16xf32> to vector<16xi32>
      %shift_right_arithmetic3A_1136 = arith.constant 1 : i32
      %shift_right_arithmetic3A_1137 = vector.broadcast %shift_right_arithmetic3A_1136 : i32 to vector<16xi32>
      %shift_right_arithmetic3A_1138 = arith.shrsi %bitcast3A_1135, %shift_right_arithmetic3A_1137 : vector<16xi32>
      %sub3A_1139 = arith.constant 1597463007 : i32
      %sub3A_1140 = vector.broadcast %sub3A_1139 : i32 to vector<16xi32>
      %sub3A_1141 = arith.subi %sub3A_1140, %shift_right_arithmetic3A_1138 : vector<16xi32>
      %bitcast3A_1142 = vector.bitcast %sub3A_1141 : vector<16xi32> to vector<16xf32>
      %mul3A_1143 = arith.constant 5.000000e-01 : f32
      %mul3A_1144 = vector.broadcast %mul3A_1143 : f32 to vector<16xf32>
      %mul3A_1145 = arith.mulf %mul3A_1144, %get3A_1134 : vector<16xf32>
      %mul3A_1146 = arith.mulf %mul3A_1145, %bitcast3A_1142 : vector<16xf32>
      %mul3A_1147 = arith.mulf %mul3A_1146, %bitcast3A_1142 : vector<16xf32>
      %sub3A_1148 = arith.constant 1.500000e+00 : f32
      %sub3A_1149 = vector.broadcast %sub3A_1148 : f32 to vector<16xf32>
      %sub3A_1150 = arith.subf %sub3A_1149, %mul3A_1147 : vector<16xf32>
      %mul3A_1151 = arith.mulf %bitcast3A_1142, %sub3A_1150 : vector<16xf32>
      %mul3A_1152 = arith.constant 5.000000e-01 : f32
      %mul3A_1153 = vector.broadcast %mul3A_1152 : f32 to vector<16xf32>
      %mul3A_1154 = arith.mulf %mul3A_1153, %get3A_1134 : vector<16xf32>
      %mul3A_1155 = arith.mulf %mul3A_1154, %mul3A_1151 : vector<16xf32>
      %mul3A_1156 = arith.mulf %mul3A_1155, %mul3A_1151 : vector<16xf32>
      %sub3A_1157 = arith.constant 1.500000e+00 : f32
      %sub3A_1158 = vector.broadcast %sub3A_1157 : f32 to vector<16xf32>
      %sub3A_1159 = arith.subf %sub3A_1158, %mul3A_1156 : vector<16xf32>
      %mul3A_1160 = arith.mulf %mul3A_1151, %sub3A_1159 : vector<16xf32>
      %mul3A_1161 = arith.constant 5.000000e-01 : f32
      %mul3A_1162 = vector.broadcast %mul3A_1161 : f32 to vector<16xf32>
      %mul3A_1163 = arith.mulf %mul3A_1162, %get3A_1134 : vector<16xf32>
      %mul3A_1164 = arith.mulf %mul3A_1163, %mul3A_1160 : vector<16xf32>
      %mul3A_1165 = arith.mulf %mul3A_1164, %mul3A_1160 : vector<16xf32>
      %sub3A_1166 = arith.constant 1.500000e+00 : f32
      %sub3A_1167 = vector.broadcast %sub3A_1166 : f32 to vector<16xf32>
      %sub3A_1168 = arith.subf %sub3A_1167, %mul3A_1165 : vector<16xf32>
      %mul3A_1169 = arith.mulf %mul3A_1160, %sub3A_1168 : vector<16xf32>
      %gt3A_1170 = arith.constant 0.000000e+00 : f32
      %gt3A_1171 = vector.broadcast %gt3A_1170 : f32 to vector<16xf32>
      %gt3A_1172 = arith.cmpf ogt, %get3A_1134, %gt3A_1171 : vector<16xf32>
      %mul3A_1173 = arith.mulf %get3A_1134, %mul3A_1169 : vector<16xf32>
      %jit3A_1174 = arith.constant 0.000000e+00 : f32
      %broadcast_in_dim3A_1175 = vector.broadcast %jit3A_1174 : f32 to vector<16xf32>
      %select_n3A_1176 = arith.select %gt3A_1172, %mul3A_1173, %broadcast_in_dim3A_1175 : vector<16xi1>, vector<16xf32>
      %mul3A_1177 = arith.constant 128 : i32
      %mul3A_1178 = arith.muli %add3A_926, %mul3A_1177 : i32
      %add3A_1179 = arith.constant 16 : i32
      %add3A_1180 = arith.addi %mul3A_1178, %add3A_1179 : i32
      %swap3A_1181 = arith.index_cast %add3A_1180 : i32 to index
      %swap3A_1182 = tpu.vector_load %arg27[%swap3A_1181] {strides = array<i32>} : memref<8192xf32, #tpu.memory_space<vmem>>, vector<16xf32>,
      tpu.vector_store %arg27[%swap3A_1181], %select_n3A_1176 {strides = array<i32>} : memref<8192xf32, #tpu.memory_space<vmem>>, vector<16xf32>,
      %get3A_1183 = arith.constant 32 : index
      %get3A_1184 = tpu.vector_load %arg24[%get3A_1183] {strides = array<i32>} : memref<128xf32, #tpu.memory_space<vmem>>, vector<16xf32>,
      %bitcast3A_1185 = vector.bitcast %get3A_1184 : vector<16xf32> to vector<16xi32>
      %shift_right_arithmetic3A_1186 = arith.constant 1 : i32
      %shift_right_arithmetic3A_1187 = vector.broadcast %shift_right_arithmetic3A_1186 : i32 to vector<16xi32>
      %shift_right_arithmetic3A_1188 = arith.shrsi %bitcast3A_1185, %shift_right_arithmetic3A_1187 : vector<16xi32>
      %sub3A_1189 = arith.constant 1597463007 : i32
      %sub3A_1190 = vector.broadcast %sub3A_1189 : i32 to vector<16xi32>
      %sub3A_1191 = arith.subi %sub3A_1190, %shift_right_arithmetic3A_1188 : vector<16xi32>
      %bitcast3A_1192 = vector.bitcast %sub3A_1191 : vector<16xi32> to vector<16xf32>
      %mul3A_1193 = arith.constant 5.000000e-01 : f32
      %mul3A_1194 = vector.broadcast %mul3A_1193 : f32 to vector<16xf32>
      %mul3A_1195 = arith.mulf %mul3A_1194, %get3A_1184 : vector<16xf32>
      %mul3A_1196 = arith.mulf %mul3A_1195, %bitcast3A_1192 : vector<16xf32>
      %mul3A_1197 = arith.mulf %mul3A_1196, %bitcast3A_1192 : vector<16xf32>
      %sub3A_1198 = arith.constant 1.500000e+00 : f32
      %sub3A_1199 = vector.broadcast %sub3A_1198 : f32 to vector<16xf32>
      %sub3A_1200 = arith.subf %sub3A_1199, %mul3A_1197 : vector<16xf32>
      %mul3A_1201 = arith.mulf %bitcast3A_1192, %sub3A_1200 : vector<16xf32>
      %mul3A_1202 = arith.constant 5.000000e-01 : f32
      %mul3A_1203 = vector.broadcast %mul3A_1202 : f32 to vector<16xf32>
      %mul3A_1204 = arith.mulf %mul3A_1203, %get3A_1184 : vector<16xf32>
      %mul3A_1205 = arith.mulf %mul3A_1204, %mul3A_1201 : vector<16xf32>
      %mul3A_1206 = arith.mulf %mul3A_1205, %mul3A_1201 : vector<16xf32>
      %sub3A_1207 = arith.constant 1.500000e+00 : f32
      %sub3A_1208 = vector.broadcast %sub3A_1207 : f32 to vector<16xf32>
      %sub3A_1209 = arith.subf %sub3A_1208, %mul3A_1206 : vector<16xf32>
      %mul3A_1210 = arith.mulf %mul3A_1201, %sub3A_1209 : vector<16xf32>
      %mul3A_1211 = arith.constant 5.000000e-01 : f32
      %mul3A_1212 = vector.broadcast %mul3A_1211 : f32 to vector<16xf32>
      %mul3A_1213 = arith.mulf %mul3A_1212, %get3A_1184 : vector<16xf32>
      %mul3A_1214 = arith.mulf %mul3A_1213, %mul3A_1210 : vector<16xf32>
      %mul3A_1215 = arith.mulf %mul3A_1214, %mul3A_1210 : vector<16xf32>
      %sub3A_1216 = arith.constant 1.500000e+00 : f32
      %sub3A_1217 = vector.broadcast %sub3A_1216 : f32 to vector<16xf32>
      %sub3A_1218 = arith.subf %sub3A_1217, %mul3A_1215 : vector<16xf32>
      %mul3A_1219 = arith.mulf %mul3A_1210, %sub3A_1218 : vector<16xf32>
      %gt3A_1220 = arith.constant 0.000000e+00 : f32
      %gt3A_1221 = vector.broadcast %gt3A_1220 : f32 to vector<16xf32>
      %gt3A_1222 = arith.cmpf ogt, %get3A_1184, %gt3A_1221 : vector<16xf32>
      %mul3A_1223 = arith.mulf %get3A_1184, %mul3A_1219 : vector<16xf32>
      %jit3A_1224 = arith.constant 0.000000e+00 : f32
      %broadcast_in_dim3A_1225 = vector.broadcast %jit3A_1224 : f32 to vector<16xf32>
      %select_n3A_1226 = arith.select %gt3A_1222, %mul3A_1223, %broadcast_in_dim3A_1225 : vector<16xi1>, vector<16xf32>
      %mul3A_1227 = arith.constant 128 : i32
      %mul3A_1228 = arith.muli %add3A_926, %mul3A_1227 : i32
      %add3A_1229 = arith.constant 32 : i32
      %add3A_1230 = arith.addi %mul3A_1228, %add3A_1229 : i32
      %swap3A_1231 = arith.index_cast %add3A_1230 : i32 to index
      %swap3A_1232 = tpu.vector_load %arg27[%swap3A_1231] {strides = array<i32>} : memref<8192xf32, #tpu.memory_space<vmem>>, vector<16xf32>,
      tpu.vector_store %arg27[%swap3A_1231], %select_n3A_1226 {strides = array<i32>} : memref<8192xf32, #tpu.memory_space<vmem>>, vector<16xf32>,
      %get3A_1233 = arith.constant 48 : index
      %get3A_1234 = tpu.vector_load %arg24[%get3A_1233] {strides = array<i32>} : memref<128xf32, #tpu.memory_space<vmem>>, vector<16xf32>,
      %bitcast3A_1235 = vector.bitcast %get3A_1234 : vector<16xf32> to vector<16xi32>
      %shift_right_arithmetic3A_1236 = arith.constant 1 : i32
      %shift_right_arithmetic3A_1237 = vector.broadcast %shift_right_arithmetic3A_1236 : i32 to vector<16xi32>
      %shift_right_arithmetic3A_1238 = arith.shrsi %bitcast3A_1235, %shift_right_arithmetic3A_1237 : vector<16xi32>
      %sub3A_1239 = arith.constant 1597463007 : i32
      %sub3A_1240 = vector.broadcast %sub3A_1239 : i32 to vector<16xi32>
      %sub3A_1241 = arith.subi %sub3A_1240, %shift_right_arithmetic3A_1238 : vector<16xi32>
      %bitcast3A_1242 = vector.bitcast %sub3A_1241 : vector<16xi32> to vector<16xf32>
      %mul3A_1243 = arith.constant 5.000000e-01 : f32
      %mul3A_1244 = vector.broadcast %mul3A_1243 : f32 to vector<16xf32>
      %mul3A_1245 = arith.mulf %mul3A_1244, %get3A_1234 : vector<16xf32>
      %mul3A_1246 = arith.mulf %mul3A_1245, %bitcast3A_1242 : vector<16xf32>
      %mul3A_1247 = arith.mulf %mul3A_1246, %bitcast3A_1242 : vector<16xf32>
      %sub3A_1248 = arith.constant 1.500000e+00 : f32
      %sub3A_1249 = vector.broadcast %sub3A_1248 : f32 to vector<16xf32>
      %sub3A_1250 = arith.subf %sub3A_1249, %mul3A_1247 : vector<16xf32>
      %mul3A_1251 = arith.mulf %bitcast3A_1242, %sub3A_1250 : vector<16xf32>
      %mul3A_1252 = arith.constant 5.000000e-01 : f32
      %mul3A_1253 = vector.broadcast %mul3A_1252 : f32 to vector<16xf32>
      %mul3A_1254 = arith.mulf %mul3A_1253, %get3A_1234 : vector<16xf32>
      %mul3A_1255 = arith.mulf %mul3A_1254, %mul3A_1251 : vector<16xf32>
      %mul3A_1256 = arith.mulf %mul3A_1255, %mul3A_1251 : vector<16xf32>
      %sub3A_1257 = arith.constant 1.500000e+00 : f32
      %sub3A_1258 = vector.broadcast %sub3A_1257 : f32 to vector<16xf32>
      %sub3A_1259 = arith.subf %sub3A_1258, %mul3A_1256 : vector<16xf32>
      %mul3A_1260 = arith.mulf %mul3A_1251, %sub3A_1259 : vector<16xf32>
      %mul3A_1261 = arith.constant 5.000000e-01 : f32
      %mul3A_1262 = vector.broadcast %mul3A_1261 : f32 to vector<16xf32>
      %mul3A_1263 = arith.mulf %mul3A_1262, %get3A_1234 : vector<16xf32>
      %mul3A_1264 = arith.mulf %mul3A_1263, %mul3A_1260 : vector<16xf32>
      %mul3A_1265 = arith.mulf %mul3A_1264, %mul3A_1260 : vector<16xf32>
      %sub3A_1266 = arith.constant 1.500000e+00 : f32
      %sub3A_1267 = vector.broadcast %sub3A_1266 : f32 to vector<16xf32>
      %sub3A_1268 = arith.subf %sub3A_1267, %mul3A_1265 : vector<16xf32>
      %mul3A_1269 = arith.mulf %mul3A_1260, %sub3A_1268 : vector<16xf32>
      %gt3A_1270 = arith.constant 0.000000e+00 : f32
      %gt3A_1271 = vector.broadcast %gt3A_1270 : f32 to vector<16xf32>
      %gt3A_1272 = arith.cmpf ogt, %get3A_1234, %gt3A_1271 : vector<16xf32>
      %mul3A_1273 = arith.mulf %get3A_1234, %mul3A_1269 : vector<16xf32>
      %jit3A_1274 = arith.constant 0.000000e+00 : f32
      %broadcast_in_dim3A_1275 = vector.broadcast %jit3A_1274 : f32 to vector<16xf32>
      %select_n3A_1276 = arith.select %gt3A_1272, %mul3A_1273, %broadcast_in_dim3A_1275 : vector<16xi1>, vector<16xf32>
      %mul3A_1277 = arith.constant 128 : i32
      %mul3A_1278 = arith.muli %add3A_926, %mul3A_1277 : i32
      %add3A_1279 = arith.constant 48 : i32
      %add3A_1280 = arith.addi %mul3A_1278, %add3A_1279 : i32
      %swap3A_1281 = arith.index_cast %add3A_1280 : i32 to index
      %swap3A_1282 = tpu.vector_load %arg27[%swap3A_1281] {strides = array<i32>} : memref<8192xf32, #tpu.memory_space<vmem>>, vector<16xf32>,
      tpu.vector_store %arg27[%swap3A_1281], %select_n3A_1276 {strides = array<i32>} : memref<8192xf32, #tpu.memory_space<vmem>>, vector<16xf32>,
      %get3A_1283 = arith.constant 64 : index
      %get3A_1284 = tpu.vector_load %arg24[%get3A_1283] {strides = array<i32>} : memref<128xf32, #tpu.memory_space<vmem>>, vector<16xf32>,
      %bitcast3A_1285 = vector.bitcast %get3A_1284 : vector<16xf32> to vector<16xi32>
      %shift_right_arithmetic3A_1286 = arith.constant 1 : i32
      %shift_right_arithmetic3A_1287 = vector.broadcast %shift_right_arithmetic3A_1286 : i32 to vector<16xi32>
      %shift_right_arithmetic3A_1288 = arith.shrsi %bitcast3A_1285, %shift_right_arithmetic3A_1287 : vector<16xi32>
      %sub3A_1289 = arith.constant 1597463007 : i32
      %sub3A_1290 = vector.broadcast %sub3A_1289 : i32 to vector<16xi32>
      %sub3A_1291 = arith.subi %sub3A_1290, %shift_right_arithmetic3A_1288 : vector<16xi32>
      %bitcast3A_1292 = vector.bitcast %sub3A_1291 : vector<16xi32> to vector<16xf32>
      %mul3A_1293 = arith.constant 5.000000e-01 : f32
      %mul3A_1294 = vector.broadcast %mul3A_1293 : f32 to vector<16xf32>
      %mul3A_1295 = arith.mulf %mul3A_1294, %get3A_1284 : vector<16xf32>
      %mul3A_1296 = arith.mulf %mul3A_1295, %bitcast3A_1292 : vector<16xf32>
      %mul3A_1297 = arith.mulf %mul3A_1296, %bitcast3A_1292 : vector<16xf32>
      %sub3A_1298 = arith.constant 1.500000e+00 : f32
      %sub3A_1299 = vector.broadcast %sub3A_1298 : f32 to vector<16xf32>
      %sub3A_1300 = arith.subf %sub3A_1299, %mul3A_1297 : vector<16xf32>
      %mul3A_1301 = arith.mulf %bitcast3A_1292, %sub3A_1300 : vector<16xf32>
      %mul3A_1302 = arith.constant 5.000000e-01 : f32
      %mul3A_1303 = vector.broadcast %mul3A_1302 : f32 to vector<16xf32>
      %mul3A_1304 = arith.mulf %mul3A_1303, %get3A_1284 : vector<16xf32>
      %mul3A_1305 = arith.mulf %mul3A_1304, %mul3A_1301 : vector<16xf32>
      %mul3A_1306 = arith.mulf %mul3A_1305, %mul3A_1301 : vector<16xf32>
      %sub3A_1307 = arith.constant 1.500000e+00 : f32
      %sub3A_1308 = vector.broadcast %sub3A_1307 : f32 to vector<16xf32>
      %sub3A_1309 = arith.subf %sub3A_1308, %mul3A_1306 : vector<16xf32>
      %mul3A_1310 = arith.mulf %mul3A_1301, %sub3A_1309 : vector<16xf32>
      %mul3A_1311 = arith.constant 5.000000e-01 : f32
      %mul3A_1312 = vector.broadcast %mul3A_1311 : f32 to vector<16xf32>
      %mul3A_1313 = arith.mulf %mul3A_1312, %get3A_1284 : vector<16xf32>
      %mul3A_1314 = arith.mulf %mul3A_1313, %mul3A_1310 : vector<16xf32>
      %mul3A_1315 = arith.mulf %mul3A_1314, %mul3A_1310 : vector<16xf32>
      %sub3A_1316 = arith.constant 1.500000e+00 : f32
      %sub3A_1317 = vector.broadcast %sub3A_1316 : f32 to vector<16xf32>
      %sub3A_1318 = arith.subf %sub3A_1317, %mul3A_1315 : vector<16xf32>
      %mul3A_1319 = arith.mulf %mul3A_1310, %sub3A_1318 : vector<16xf32>
      %gt3A_1320 = arith.constant 0.000000e+00 : f32
      %gt3A_1321 = vector.broadcast %gt3A_1320 : f32 to vector<16xf32>
      %gt3A_1322 = arith.cmpf ogt, %get3A_1284, %gt3A_1321 : vector<16xf32>
      %mul3A_1323 = arith.mulf %get3A_1284, %mul3A_1319 : vector<16xf32>
      %jit3A_1324 = arith.constant 0.000000e+00 : f32
      %broadcast_in_dim3A_1325 = vector.broadcast %jit3A_1324 : f32 to vector<16xf32>
      %select_n3A_1326 = arith.select %gt3A_1322, %mul3A_1323, %broadcast_in_dim3A_1325 : vector<16xi1>, vector<16xf32>
      %mul3A_1327 = arith.constant 128 : i32
      %mul3A_1328 = arith.muli %add3A_926, %mul3A_1327 : i32
      %add3A_1329 = arith.constant 64 : i32
      %add3A_1330 = arith.addi %mul3A_1328, %add3A_1329 : i32
      %swap3A_1331 = arith.index_cast %add3A_1330 : i32 to index
      %swap3A_1332 = tpu.vector_load %arg27[%swap3A_1331] {strides = array<i32>} : memref<8192xf32, #tpu.memory_space<vmem>>, vector<16xf32>,
      tpu.vector_store %arg27[%swap3A_1331], %select_n3A_1326 {strides = array<i32>} : memref<8192xf32, #tpu.memory_space<vmem>>, vector<16xf32>,
      %get3A_1333 = arith.constant 80 : index
      %get3A_1334 = tpu.vector_load %arg24[%get3A_1333] {strides = array<i32>} : memref<128xf32, #tpu.memory_space<vmem>>, vector<16xf32>,
      %bitcast3A_1335 = vector.bitcast %get3A_1334 : vector<16xf32> to vector<16xi32>
      %shift_right_arithmetic3A_1336 = arith.constant 1 : i32
      %shift_right_arithmetic3A_1337 = vector.broadcast %shift_right_arithmetic3A_1336 : i32 to vector<16xi32>
      %shift_right_arithmetic3A_1338 = arith.shrsi %bitcast3A_1335, %shift_right_arithmetic3A_1337 : vector<16xi32>
      %sub3A_1339 = arith.constant 1597463007 : i32
      %sub3A_1340 = vector.broadcast %sub3A_1339 : i32 to vector<16xi32>
      %sub3A_1341 = arith.subi %sub3A_1340, %shift_right_arithmetic3A_1338 : vector<16xi32>
      %bitcast3A_1342 = vector.bitcast %sub3A_1341 : vector<16xi32> to vector<16xf32>
      %mul3A_1343 = arith.constant 5.000000e-01 : f32
      %mul3A_1344 = vector.broadcast %mul3A_1343 : f32 to vector<16xf32>
      %mul3A_1345 = arith.mulf %mul3A_1344, %get3A_1334 : vector<16xf32>
      %mul3A_1346 = arith.mulf %mul3A_1345, %bitcast3A_1342 : vector<16xf32>
      %mul3A_1347 = arith.mulf %mul3A_1346, %bitcast3A_1342 : vector<16xf32>
      %sub3A_1348 = arith.constant 1.500000e+00 : f32
      %sub3A_1349 = vector.broadcast %sub3A_1348 : f32 to vector<16xf32>
      %sub3A_1350 = arith.subf %sub3A_1349, %mul3A_1347 : vector<16xf32>
      %mul3A_1351 = arith.mulf %bitcast3A_1342, %sub3A_1350 : vector<16xf32>
      %mul3A_1352 = arith.constant 5.000000e-01 : f32
      %mul3A_1353 = vector.broadcast %mul3A_1352 : f32 to vector<16xf32>
      %mul3A_1354 = arith.mulf %mul3A_1353, %get3A_1334 : vector<16xf32>
      %mul3A_1355 = arith.mulf %mul3A_1354, %mul3A_1351 : vector<16xf32>
      %mul3A_1356 = arith.mulf %mul3A_1355, %mul3A_1351 : vector<16xf32>
      %sub3A_1357 = arith.constant 1.500000e+00 : f32
      %sub3A_1358 = vector.broadcast %sub3A_1357 : f32 to vector<16xf32>
      %sub3A_1359 = arith.subf %sub3A_1358, %mul3A_1356 : vector<16xf32>
      %mul3A_1360 = arith.mulf %mul3A_1351, %sub3A_1359 : vector<16xf32>
      %mul3A_1361 = arith.constant 5.000000e-01 : f32
      %mul3A_1362 = vector.broadcast %mul3A_1361 : f32 to vector<16xf32>
      %mul3A_1363 = arith.mulf %mul3A_1362, %get3A_1334 : vector<16xf32>
      %mul3A_1364 = arith.mulf %mul3A_1363, %mul3A_1360 : vector<16xf32>
      %mul3A_1365 = arith.mulf %mul3A_1364, %mul3A_1360 : vector<16xf32>
      %sub3A_1366 = arith.constant 1.500000e+00 : f32
      %sub3A_1367 = vector.broadcast %sub3A_1366 : f32 to vector<16xf32>
      %sub3A_1368 = arith.subf %sub3A_1367, %mul3A_1365 : vector<16xf32>
      %mul3A_1369 = arith.mulf %mul3A_1360, %sub3A_1368 : vector<16xf32>
      %gt3A_1370 = arith.constant 0.000000e+00 : f32
      %gt3A_1371 = vector.broadcast %gt3A_1370 : f32 to vector<16xf32>
      %gt3A_1372 = arith.cmpf ogt, %get3A_1334, %gt3A_1371 : vector<16xf32>
      %mul3A_1373 = arith.mulf %get3A_1334, %mul3A_1369 : vector<16xf32>
      %jit3A_1374 = arith.constant 0.000000e+00 : f32
      %broadcast_in_dim3A_1375 = vector.broadcast %jit3A_1374 : f32 to vector<16xf32>
      %select_n3A_1376 = arith.select %gt3A_1372, %mul3A_1373, %broadcast_in_dim3A_1375 : vector<16xi1>, vector<16xf32>
      %mul3A_1377 = arith.constant 128 : i32
      %mul3A_1378 = arith.muli %add3A_926, %mul3A_1377 : i32
      %add3A_1379 = arith.constant 80 : i32
      %add3A_1380 = arith.addi %mul3A_1378, %add3A_1379 : i32
      %swap3A_1381 = arith.index_cast %add3A_1380 : i32 to index
      %swap3A_1382 = tpu.vector_load %arg27[%swap3A_1381] {strides = array<i32>} : memref<8192xf32, #tpu.memory_space<vmem>>, vector<16xf32>,
      tpu.vector_store %arg27[%swap3A_1381], %select_n3A_1376 {strides = array<i32>} : memref<8192xf32, #tpu.memory_space<vmem>>, vector<16xf32>,
      %get3A_1383 = arith.constant 96 : index
      %get3A_1384 = tpu.vector_load %arg24[%get3A_1383] {strides = array<i32>} : memref<128xf32, #tpu.memory_space<vmem>>, vector<16xf32>,
      %bitcast3A_1385 = vector.bitcast %get3A_1384 : vector<16xf32> to vector<16xi32>
      %shift_right_arithmetic3A_1386 = arith.constant 1 : i32
      %shift_right_arithmetic3A_1387 = vector.broadcast %shift_right_arithmetic3A_1386 : i32 to vector<16xi32>
      %shift_right_arithmetic3A_1388 = arith.shrsi %bitcast3A_1385, %shift_right_arithmetic3A_1387 : vector<16xi32>
      %sub3A_1389 = arith.constant 1597463007 : i32
      %sub3A_1390 = vector.broadcast %sub3A_1389 : i32 to vector<16xi32>
      %sub3A_1391 = arith.subi %sub3A_1390, %shift_right_arithmetic3A_1388 : vector<16xi32>
      %bitcast3A_1392 = vector.bitcast %sub3A_1391 : vector<16xi32> to vector<16xf32>
      %mul3A_1393 = arith.constant 5.000000e-01 : f32
      %mul3A_1394 = vector.broadcast %mul3A_1393 : f32 to vector<16xf32>
      %mul3A_1395 = arith.mulf %mul3A_1394, %get3A_1384 : vector<16xf32>
      %mul3A_1396 = arith.mulf %mul3A_1395, %bitcast3A_1392 : vector<16xf32>
      %mul3A_1397 = arith.mulf %mul3A_1396, %bitcast3A_1392 : vector<16xf32>
      %sub3A_1398 = arith.constant 1.500000e+00 : f32
      %sub3A_1399 = vector.broadcast %sub3A_1398 : f32 to vector<16xf32>
      %sub3A_1400 = arith.subf %sub3A_1399, %mul3A_1397 : vector<16xf32>
      %mul3A_1401 = arith.mulf %bitcast3A_1392, %sub3A_1400 : vector<16xf32>
      %mul3A_1402 = arith.constant 5.000000e-01 : f32
      %mul3A_1403 = vector.broadcast %mul3A_1402 : f32 to vector<16xf32>
      %mul3A_1404 = arith.mulf %mul3A_1403, %get3A_1384 : vector<16xf32>
      %mul3A_1405 = arith.mulf %mul3A_1404, %mul3A_1401 : vector<16xf32>
      %mul3A_1406 = arith.mulf %mul3A_1405, %mul3A_1401 : vector<16xf32>
      %sub3A_1407 = arith.constant 1.500000e+00 : f32
      %sub3A_1408 = vector.broadcast %sub3A_1407 : f32 to vector<16xf32>
      %sub3A_1409 = arith.subf %sub3A_1408, %mul3A_1406 : vector<16xf32>
      %mul3A_1410 = arith.mulf %mul3A_1401, %sub3A_1409 : vector<16xf32>
      %mul3A_1411 = arith.constant 5.000000e-01 : f32
      %mul3A_1412 = vector.broadcast %mul3A_1411 : f32 to vector<16xf32>
      %mul3A_1413 = arith.mulf %mul3A_1412, %get3A_1384 : vector<16xf32>
      %mul3A_1414 = arith.mulf %mul3A_1413, %mul3A_1410 : vector<16xf32>
      %mul3A_1415 = arith.mulf %mul3A_1414, %mul3A_1410 : vector<16xf32>
      %sub3A_1416 = arith.constant 1.500000e+00 : f32
      %sub3A_1417 = vector.broadcast %sub3A_1416 : f32 to vector<16xf32>
      %sub3A_1418 = arith.subf %sub3A_1417, %mul3A_1415 : vector<16xf32>
      %mul3A_1419 = arith.mulf %mul3A_1410, %sub3A_1418 : vector<16xf32>
      %gt3A_1420 = arith.constant 0.000000e+00 : f32
      %gt3A_1421 = vector.broadcast %gt3A_1420 : f32 to vector<16xf32>
      %gt3A_1422 = arith.cmpf ogt, %get3A_1384, %gt3A_1421 : vector<16xf32>
      %mul3A_1423 = arith.mulf %get3A_1384, %mul3A_1419 : vector<16xf32>
      %jit3A_1424 = arith.constant 0.000000e+00 : f32
      %broadcast_in_dim3A_1425 = vector.broadcast %jit3A_1424 : f32 to vector<16xf32>
      %select_n3A_1426 = arith.select %gt3A_1422, %mul3A_1423, %broadcast_in_dim3A_1425 : vector<16xi1>, vector<16xf32>
      %mul3A_1427 = arith.constant 128 : i32
      %mul3A_1428 = arith.muli %add3A_926, %mul3A_1427 : i32
      %add3A_1429 = arith.constant 96 : i32
      %add3A_1430 = arith.addi %mul3A_1428, %add3A_1429 : i32
      %swap3A_1431 = arith.index_cast %add3A_1430 : i32 to index
      %swap3A_1432 = tpu.vector_load %arg27[%swap3A_1431] {strides = array<i32>} : memref<8192xf32, #tpu.memory_space<vmem>>, vector<16xf32>,
      tpu.vector_store %arg27[%swap3A_1431], %select_n3A_1426 {strides = array<i32>} : memref<8192xf32, #tpu.memory_space<vmem>>, vector<16xf32>,
      %get3A_1433 = arith.constant 112 : index
      %get3A_1434 = tpu.vector_load %arg24[%get3A_1433] {strides = array<i32>} : memref<128xf32, #tpu.memory_space<vmem>>, vector<16xf32>,
      %bitcast3A_1435 = vector.bitcast %get3A_1434 : vector<16xf32> to vector<16xi32>
      %shift_right_arithmetic3A_1436 = arith.constant 1 : i32
      %shift_right_arithmetic3A_1437 = vector.broadcast %shift_right_arithmetic3A_1436 : i32 to vector<16xi32>
      %shift_right_arithmetic3A_1438 = arith.shrsi %bitcast3A_1435, %shift_right_arithmetic3A_1437 : vector<16xi32>
      %sub3A_1439 = arith.constant 1597463007 : i32
      %sub3A_1440 = vector.broadcast %sub3A_1439 : i32 to vector<16xi32>
      %sub3A_1441 = arith.subi %sub3A_1440, %shift_right_arithmetic3A_1438 : vector<16xi32>
      %bitcast3A_1442 = vector.bitcast %sub3A_1441 : vector<16xi32> to vector<16xf32>
      %mul3A_1443 = arith.constant 5.000000e-01 : f32
      %mul3A_1444 = vector.broadcast %mul3A_1443 : f32 to vector<16xf32>
      %mul3A_1445 = arith.mulf %mul3A_1444, %get3A_1434 : vector<16xf32>
      %mul3A_1446 = arith.mulf %mul3A_1445, %bitcast3A_1442 : vector<16xf32>
      %mul3A_1447 = arith.mulf %mul3A_1446, %bitcast3A_1442 : vector<16xf32>
      %sub3A_1448 = arith.constant 1.500000e+00 : f32
      %sub3A_1449 = vector.broadcast %sub3A_1448 : f32 to vector<16xf32>
      %sub3A_1450 = arith.subf %sub3A_1449, %mul3A_1447 : vector<16xf32>
      %mul3A_1451 = arith.mulf %bitcast3A_1442, %sub3A_1450 : vector<16xf32>
      %mul3A_1452 = arith.constant 5.000000e-01 : f32
      %mul3A_1453 = vector.broadcast %mul3A_1452 : f32 to vector<16xf32>
      %mul3A_1454 = arith.mulf %mul3A_1453, %get3A_1434 : vector<16xf32>
      %mul3A_1455 = arith.mulf %mul3A_1454, %mul3A_1451 : vector<16xf32>
      %mul3A_1456 = arith.mulf %mul3A_1455, %mul3A_1451 : vector<16xf32>
      %sub3A_1457 = arith.constant 1.500000e+00 : f32
      %sub3A_1458 = vector.broadcast %sub3A_1457 : f32 to vector<16xf32>
      %sub3A_1459 = arith.subf %sub3A_1458, %mul3A_1456 : vector<16xf32>
      %mul3A_1460 = arith.mulf %mul3A_1451, %sub3A_1459 : vector<16xf32>
      %mul3A_1461 = arith.constant 5.000000e-01 : f32
      %mul3A_1462 = vector.broadcast %mul3A_1461 : f32 to vector<16xf32>
      %mul3A_1463 = arith.mulf %mul3A_1462, %get3A_1434 : vector<16xf32>
      %mul3A_1464 = arith.mulf %mul3A_1463, %mul3A_1460 : vector<16xf32>
      %mul3A_1465 = arith.mulf %mul3A_1464, %mul3A_1460 : vector<16xf32>
      %sub3A_1466 = arith.constant 1.500000e+00 : f32
      %sub3A_1467 = vector.broadcast %sub3A_1466 : f32 to vector<16xf32>
      %sub3A_1468 = arith.subf %sub3A_1467, %mul3A_1465 : vector<16xf32>
      %mul3A_1469 = arith.mulf %mul3A_1460, %sub3A_1468 : vector<16xf32>
      %gt3A_1470 = arith.constant 0.000000e+00 : f32
      %gt3A_1471 = vector.broadcast %gt3A_1470 : f32 to vector<16xf32>
      %gt3A_1472 = arith.cmpf ogt, %get3A_1434, %gt3A_1471 : vector<16xf32>
      %mul3A_1473 = arith.mulf %get3A_1434, %mul3A_1469 : vector<16xf32>
      %jit3A_1474 = arith.constant 0.000000e+00 : f32
      %broadcast_in_dim3A_1475 = vector.broadcast %jit3A_1474 : f32 to vector<16xf32>
      %select_n3A_1476 = arith.select %gt3A_1472, %mul3A_1473, %broadcast_in_dim3A_1475 : vector<16xi1>, vector<16xf32>
      %mul3A_1477 = arith.constant 128 : i32
      %mul3A_1478 = arith.muli %add3A_926, %mul3A_1477 : i32
      %add3A_1479 = arith.constant 112 : i32
      %add3A_1480 = arith.addi %mul3A_1478, %add3A_1479 : i32
      %swap3A_1481 = arith.index_cast %add3A_1480 : i32 to index
      %swap3A_1482 = tpu.vector_load %arg27[%swap3A_1481] {strides = array<i32>} : memref<8192xf32, #tpu.memory_space<vmem>>, vector<16xf32>,
      tpu.vector_store %arg27[%swap3A_1481], %select_n3A_1476 {strides = array<i32>} : memref<8192xf32, #tpu.memory_space<vmem>>, vector<16xf32>,
      %mul3A_1483 = arith.constant 2 : i32
      %mul3A_1484 = arith.muli %scan3A_922, %mul3A_1483 : i32
      %add3A_1485 = arith.constant 1 : i32
      %add3A_1486 = arith.addi %mul3A_1484, %add3A_1485 : i32
      %mul3A_1487 = arith.constant 128 : i32
      %mul3A_1488 = arith.muli %add3A_1486, %mul3A_1487 : i32
      %dma_wait3A_1489 = tpu.memref_slice %arg15[%mul3A_1488] : memref<8192xi32, #tpu.memory_space<vmem>> -> memref<128xi32, #tpu.memory_space<vmem>>
      %dma_wait3A_1490 = arith.constant 0 : i32
      %dma_wait3A_1491 = arith.constant 0 : i32
      %dma_wait3A_1492 = tpu.memref_slice %arg7[%dma_wait3A_1490, %dma_wait3A_1491] : memref<1000000x128xf32, #tpu.memory_space<hbm>> -> memref<1000000x128xf32, #tpu.memory_space<hbm>>
      tpu.wait_indirect_dma semaphore(%arg30 : memref<!tpu.dma_semaphore, #tpu.memory_space<semaphore_mem>>) src(%dma_wait3A_1492 : memref<1000000x128xf32, #tpu.memory_space<hbm>>) dst(%arg23 : memref<128x128xf32, #tpu.memory_space<vmem>>)
      %mul3A_1493 = arith.constant 2 : i32
      %mul3A_1494 = arith.muli %add3A_1486, %mul3A_1493 : i32
      %add3A_1495 = arith.constant 0 : i32
      %add3A_1496 = arith.addi %mul3A_1494, %add3A_1495 : i32
      %broadcast_in_dim3A_1497 = vector.broadcast %add3A_1496 : i32 to vector<16xi32>
      %gather3A_1498 = tpu.vector_load_idx %arg18[%broadcast_in_dim3A_1497] : memref<128xf32, #tpu.memory_space<vmem>>[vector<16xi32>], vector<16xf32>,
      %get3A_1499 = arith.index_cast %add3A_1496 : i32 to index
      %get3A_1500 = arith.constant 0 : index
      %get3A_1501 = tpu.vector_load %arg19[%get3A_1499, %get3A_1500] {strides = array<i32>} : memref<128x128xf32, #tpu.memory_space<vmem>>, vector<16xf32>,
      %get3A_1502 = arith.index_cast %add3A_1496 : i32 to index
      %get3A_1503 = arith.constant 0 : index
      %get3A_1504 = tpu.vector_load %arg21[%get3A_1502, %get3A_1503] {strides = array<i32>} : memref<128x128xf32, #tpu.memory_space<vmem>>, vector<16xf32>,
      %mul3A_1505 = arith.mulf %gather3A_1498, %get3A_1504 : vector<16xf32>
      %add3A_1506 = arith.addf %get3A_1501, %mul3A_1505 : vector<16xf32>
      %get3A_1507 = arith.index_cast %add3A_1496 : i32 to index
      %get3A_1508 = arith.constant 16 : index
      %get3A_1509 = tpu.vector_load %arg19[%get3A_1507, %get3A_1508] {strides = array<i32>} : memref<128x128xf32, #tpu.memory_space<vmem>>, vector<16xf32>,
      %get3A_1510 = arith.index_cast %add3A_1496 : i32 to index
      %get3A_1511 = arith.constant 16 : index
      %get3A_1512 = tpu.vector_load %arg21[%get3A_1510, %get3A_1511] {strides = array<i32>} : memref<128x128xf32, #tpu.memory_space<vmem>>, vector<16xf32>,
      %mul3A_1513 = arith.mulf %gather3A_1498, %get3A_1512 : vector<16xf32>
      %add3A_1514 = arith.addf %get3A_1509, %mul3A_1513 : vector<16xf32>
      %get3A_1515 = arith.index_cast %add3A_1496 : i32 to index
      %get3A_1516 = arith.constant 32 : index
      %get3A_1517 = tpu.vector_load %arg19[%get3A_1515, %get3A_1516] {strides = array<i32>} : memref<128x128xf32, #tpu.memory_space<vmem>>, vector<16xf32>,
      %get3A_1518 = arith.index_cast %add3A_1496 : i32 to index
      %get3A_1519 = arith.constant 32 : index
      %get3A_1520 = tpu.vector_load %arg21[%get3A_1518, %get3A_1519] {strides = array<i32>} : memref<128x128xf32, #tpu.memory_space<vmem>>, vector<16xf32>,
      %mul3A_1521 = arith.mulf %gather3A_1498, %get3A_1520 : vector<16xf32>
      %add3A_1522 = arith.addf %get3A_1517, %mul3A_1521 : vector<16xf32>
      %get3A_1523 = arith.index_cast %add3A_1496 : i32 to index
      %get3A_1524 = arith.constant 48 : index
      %get3A_1525 = tpu.vector_load %arg19[%get3A_1523, %get3A_1524] {strides = array<i32>} : memref<128x128xf32, #tpu.memory_space<vmem>>, vector<16xf32>,
      %get3A_1526 = arith.index_cast %add3A_1496 : i32 to index
      %get3A_1527 = arith.constant 48 : index
      %get3A_1528 = tpu.vector_load %arg21[%get3A_1526, %get3A_1527] {strides = array<i32>} : memref<128x128xf32, #tpu.memory_space<vmem>>, vector<16xf32>,
      %mul3A_1529 = arith.mulf %gather3A_1498, %get3A_1528 : vector<16xf32>
      %add3A_1530 = arith.addf %get3A_1525, %mul3A_1529 : vector<16xf32>
      %get3A_1531 = arith.index_cast %add3A_1496 : i32 to index
      %get3A_1532 = arith.constant 0 : index
      %get3A_1533 = tpu.vector_load %arg20[%get3A_1531, %get3A_1532] {strides = array<i32>} : memref<128x128xf32, #tpu.memory_space<vmem>>, vector<16xf32>,
      %sub3A_1534 = arith.subf %add3A_1506, %get3A_1533 : vector<16xf32>
      %mul3A_1535 = arith.mulf %sub3A_1534, %sub3A_1534 : vector<16xf32>
      %get3A_1536 = arith.index_cast %add3A_1496 : i32 to index
      %get3A_1537 = arith.constant 16 : index
      %get3A_1538 = tpu.vector_load %arg20[%get3A_1536, %get3A_1537] {strides = array<i32>} : memref<128x128xf32, #tpu.memory_space<vmem>>, vector<16xf32>,
      %sub3A_1539 = arith.subf %add3A_1514, %get3A_1538 : vector<16xf32>
      %mul3A_1540 = arith.mulf %sub3A_1539, %sub3A_1539 : vector<16xf32>
      %add3A_1541 = arith.addf %mul3A_1535, %mul3A_1540 : vector<16xf32>
      %get3A_1542 = arith.index_cast %add3A_1496 : i32 to index
      %get3A_1543 = arith.constant 32 : index
      %get3A_1544 = tpu.vector_load %arg20[%get3A_1542, %get3A_1543] {strides = array<i32>} : memref<128x128xf32, #tpu.memory_space<vmem>>, vector<16xf32>,
      %sub3A_1545 = arith.subf %add3A_1522, %get3A_1544 : vector<16xf32>
      %mul3A_1546 = arith.mulf %sub3A_1545, %sub3A_1545 : vector<16xf32>
      %add3A_1547 = arith.addf %add3A_1541, %mul3A_1546 : vector<16xf32>
      %get3A_1548 = arith.index_cast %add3A_1496 : i32 to index
      %get3A_1549 = arith.constant 48 : index
      %get3A_1550 = tpu.vector_load %arg20[%get3A_1548, %get3A_1549] {strides = array<i32>} : memref<128x128xf32, #tpu.memory_space<vmem>>, vector<16xf32>,
      %sub3A_1551 = arith.subf %add3A_1530, %get3A_1550 : vector<16xf32>
      %mul3A_1552 = arith.mulf %sub3A_1551, %sub3A_1551 : vector<16xf32>
      %add3A_1553 = arith.addf %add3A_1547, %mul3A_1552 : vector<16xf32>
      %reduce_sum3A_1554 = arith.constant true
      %reduce_sum3A_1555 = vector.broadcast %reduce_sum3A_1554 : i1 to vector<16xi1>
      %reduce_sum3A_1556 = tpu.scan <sum>, %add3A_1553 masked %reduce_sum3A_1555 : vector<16xf32>, vector<16xi1> -> vector<16xf32>
      %reduce_sum3A_1557 = vector.extract %reduce_sum3A_1556[15] : f32 from vector<16xf32>
      %broadcast_in_dim3A_1558 = vector.broadcast %reduce_sum3A_1557 : f32 to vector<16xf32>
      tpu.vector_store_idx %arg25[%broadcast_in_dim3A_1497], %broadcast_in_dim3A_1558 masked %eq3A_22 : memref<128xf32, #tpu.memory_space<vmem>>[vector<16xi32>], vector<16xf32>, vector<16xi1>
      %scan3A_1559 = arith.constant 0 : i32
      %scan3A_1560 = arith.constant 0 : i32
      %scan3A_1561 = arith.constant 4 : i32
      %scan3A_1562 = arith.addi %scan3A_1560, %scan3A_1561 : i32
      %scan3A_1563 = arith.constant 1 : i32
      %scan3A_1564 = scf.for %scan3A_2046 = %scan3A_1560 to %scan3A_1562 step %scan3A_1563 iter_args(%scan3A_2047 = %scan3A_1559) -> (i32)  : i32 {
        %mul3A_2048 = arith.constant 16 : i32
        %mul3A_2049 = arith.muli %scan3A_2046, %mul3A_2048 : i32
        %add3A_2050 = arith.constant 0 : i32
        %add3A_2051 = arith.addi %add3A_2050, %mul3A_2049 : i32
        %add3A_2052 = arith.constant 0 : i32
        %add3A_2053 = arith.addi %add3A_2051, %add3A_2052 : i32
        %get3A_2054 = arith.index_cast %add3A_2053 : i32 to index
        %get3A_2055 = arith.constant 0 : index
        %get3A_2056 = tpu.vector_load %arg23[%get3A_2054, %get3A_2055] {strides = array<i32>} : memref<128x128xf32, #tpu.memory_space<vmem>>, vector<16xf32>,
        %sub3A_2057 = arith.subf %add3A_1506, %get3A_2056 : vector<16xf32>
        %mul3A_2058 = arith.mulf %sub3A_2057, %sub3A_2057 : vector<16xf32>
        %get3A_2059 = arith.index_cast %add3A_2053 : i32 to index
        %get3A_2060 = arith.constant 16 : index
        %get3A_2061 = tpu.vector_load %arg23[%get3A_2059, %get3A_2060] {strides = array<i32>} : memref<128x128xf32, #tpu.memory_space<vmem>>, vector<16xf32>,
        %sub3A_2062 = arith.subf %add3A_1514, %get3A_2061 : vector<16xf32>
        %mul3A_2063 = arith.mulf %sub3A_2062, %sub3A_2062 : vector<16xf32>
        %add3A_2064 = arith.addf %mul3A_2058, %mul3A_2063 : vector<16xf32>
        %get3A_2065 = arith.index_cast %add3A_2053 : i32 to index
        %get3A_2066 = arith.constant 32 : index
        %get3A_2067 = tpu.vector_load %arg23[%get3A_2065, %get3A_2066] {strides = array<i32>} : memref<128x128xf32, #tpu.memory_space<vmem>>, vector<16xf32>,
        %sub3A_2068 = arith.subf %add3A_1522, %get3A_2067 : vector<16xf32>
        %mul3A_2069 = arith.mulf %sub3A_2068, %sub3A_2068 : vector<16xf32>
        %add3A_2070 = arith.addf %add3A_2064, %mul3A_2069 : vector<16xf32>
        %get3A_2071 = arith.index_cast %add3A_2053 : i32 to index
        %get3A_2072 = arith.constant 48 : index
        %get3A_2073 = tpu.vector_load %arg23[%get3A_2071, %get3A_2072] {strides = array<i32>} : memref<128x128xf32, #tpu.memory_space<vmem>>, vector<16xf32>,
        %sub3A_2074 = arith.subf %add3A_1530, %get3A_2073 : vector<16xf32>
        %mul3A_2075 = arith.mulf %sub3A_2074, %sub3A_2074 : vector<16xf32>
        %add3A_2076 = arith.addf %add3A_2070, %mul3A_2075 : vector<16xf32>
        %broadcast_in_dim3A_2077 = vector.broadcast %add3A_2053 : i32 to vector<16xi32>
        %reduce_sum3A_2078 = arith.constant true
        %reduce_sum3A_2079 = vector.broadcast %reduce_sum3A_2078 : i1 to vector<16xi1>
        %reduce_sum3A_2080 = tpu.scan <sum>, %add3A_2076 masked %reduce_sum3A_2079 : vector<16xf32>, vector<16xi1> -> vector<16xf32>
        %reduce_sum3A_2081 = vector.extract %reduce_sum3A_2080[15] : f32 from vector<16xf32>
        %broadcast_in_dim3A_2082 = vector.broadcast %reduce_sum3A_2081 : f32 to vector<16xf32>
        tpu.vector_store_idx %arg24[%broadcast_in_dim3A_2077], %broadcast_in_dim3A_2082 masked %eq3A_22 : memref<128xf32, #tpu.memory_space<vmem>>[vector<16xi32>], vector<16xf32>, vector<16xi1>
        %mul3A_2083 = arith.constant 16 : i32
        %mul3A_2084 = arith.muli %scan3A_2046, %mul3A_2083 : i32
        %add3A_2085 = arith.constant 0 : i32
        %add3A_2086 = arith.addi %add3A_2085, %mul3A_2084 : i32
        %add3A_2087 = arith.constant 1 : i32
        %add3A_2088 = arith.addi %add3A_2086, %add3A_2087 : i32
        %get3A_2089 = arith.index_cast %add3A_2088 : i32 to index
        %get3A_2090 = arith.constant 0 : index
        %get3A_2091 = tpu.vector_load %arg23[%get3A_2089, %get3A_2090] {strides = array<i32>} : memref<128x128xf32, #tpu.memory_space<vmem>>, vector<16xf32>,
        %sub3A_2092 = arith.subf %add3A_1506, %get3A_2091 : vector<16xf32>
        %mul3A_2093 = arith.mulf %sub3A_2092, %sub3A_2092 : vector<16xf32>
        %get3A_2094 = arith.index_cast %add3A_2088 : i32 to index
        %get3A_2095 = arith.constant 16 : index
        %get3A_2096 = tpu.vector_load %arg23[%get3A_2094, %get3A_2095] {strides = array<i32>} : memref<128x128xf32, #tpu.memory_space<vmem>>, vector<16xf32>,
        %sub3A_2097 = arith.subf %add3A_1514, %get3A_2096 : vector<16xf32>
        %mul3A_2098 = arith.mulf %sub3A_2097, %sub3A_2097 : vector<16xf32>
        %add3A_2099 = arith.addf %mul3A_2093, %mul3A_2098 : vector<16xf32>
        %get3A_2100 = arith.index_cast %add3A_2088 : i32 to index
        %get3A_2101 = arith.constant 32 : index
        %get3A_2102 = tpu.vector_load %arg23[%get3A_2100, %get3A_2101] {strides = array<i32>} : memref<128x128xf32, #tpu.memory_space<vmem>>, vector<16xf32>,
        %sub3A_2103 = arith.subf %add3A_1522, %get3A_2102 : vector<16xf32>
        %mul3A_2104 = arith.mulf %sub3A_2103, %sub3A_2103 : vector<16xf32>
        %add3A_2105 = arith.addf %add3A_2099, %mul3A_2104 : vector<16xf32>
        %get3A_2106 = arith.index_cast %add3A_2088 : i32 to index
        %get3A_2107 = arith.constant 48 : index
        %get3A_2108 = tpu.vector_load %arg23[%get3A_2106, %get3A_2107] {strides = array<i32>} : memref<128x128xf32, #tpu.memory_space<vmem>>, vector<16xf32>,
        %sub3A_2109 = arith.subf %add3A_1530, %get3A_2108 : vector<16xf32>
        %mul3A_2110 = arith.mulf %sub3A_2109, %sub3A_2109 : vector<16xf32>
        %add3A_2111 = arith.addf %add3A_2105, %mul3A_2110 : vector<16xf32>
        %broadcast_in_dim3A_2112 = vector.broadcast %add3A_2088 : i32 to vector<16xi32>
        %reduce_sum3A_2113 = arith.constant true
        %reduce_sum3A_2114 = vector.broadcast %reduce_sum3A_2113 : i1 to vector<16xi1>
        %reduce_sum3A_2115 = tpu.scan <sum>, %add3A_2111 masked %reduce_sum3A_2114 : vector<16xf32>, vector<16xi1> -> vector<16xf32>
        %reduce_sum3A_2116 = vector.extract %reduce_sum3A_2115[15] : f32 from vector<16xf32>
        %broadcast_in_dim3A_2117 = vector.broadcast %reduce_sum3A_2116 : f32 to vector<16xf32>
        tpu.vector_store_idx %arg24[%broadcast_in_dim3A_2112], %broadcast_in_dim3A_2117 masked %eq3A_22 : memref<128xf32, #tpu.memory_space<vmem>>[vector<16xi32>], vector<16xf32>, vector<16xi1>
        %mul3A_2118 = arith.constant 16 : i32
        %mul3A_2119 = arith.muli %scan3A_2046, %mul3A_2118 : i32
        %add3A_2120 = arith.constant 0 : i32
        %add3A_2121 = arith.addi %add3A_2120, %mul3A_2119 : i32
        %add3A_2122 = arith.constant 2 : i32
        %add3A_2123 = arith.addi %add3A_2121, %add3A_2122 : i32
        %get3A_2124 = arith.index_cast %add3A_2123 : i32 to index
        %get3A_2125 = arith.constant 0 : index
        %get3A_2126 = tpu.vector_load %arg23[%get3A_2124, %get3A_2125] {strides = array<i32>} : memref<128x128xf32, #tpu.memory_space<vmem>>, vector<16xf32>,
        %sub3A_2127 = arith.subf %add3A_1506, %get3A_2126 : vector<16xf32>
        %mul3A_2128 = arith.mulf %sub3A_2127, %sub3A_2127 : vector<16xf32>
        %get3A_2129 = arith.index_cast %add3A_2123 : i32 to index
        %get3A_2130 = arith.constant 16 : index
        %get3A_2131 = tpu.vector_load %arg23[%get3A_2129, %get3A_2130] {strides = array<i32>} : memref<128x128xf32, #tpu.memory_space<vmem>>, vector<16xf32>,
        %sub3A_2132 = arith.subf %add3A_1514, %get3A_2131 : vector<16xf32>
        %mul3A_2133 = arith.mulf %sub3A_2132, %sub3A_2132 : vector<16xf32>
        %add3A_2134 = arith.addf %mul3A_2128, %mul3A_2133 : vector<16xf32>
        %get3A_2135 = arith.index_cast %add3A_2123 : i32 to index
        %get3A_2136 = arith.constant 32 : index
        %get3A_2137 = tpu.vector_load %arg23[%get3A_2135, %get3A_2136] {strides = array<i32>} : memref<128x128xf32, #tpu.memory_space<vmem>>, vector<16xf32>,
        %sub3A_2138 = arith.subf %add3A_1522, %get3A_2137 : vector<16xf32>
        %mul3A_2139 = arith.mulf %sub3A_2138, %sub3A_2138 : vector<16xf32>
        %add3A_2140 = arith.addf %add3A_2134, %mul3A_2139 : vector<16xf32>
        %get3A_2141 = arith.index_cast %add3A_2123 : i32 to index
        %get3A_2142 = arith.constant 48 : index
        %get3A_2143 = tpu.vector_load %arg23[%get3A_2141, %get3A_2142] {strides = array<i32>} : memref<128x128xf32, #tpu.memory_space<vmem>>, vector<16xf32>,
        %sub3A_2144 = arith.subf %add3A_1530, %get3A_2143 : vector<16xf32>
        %mul3A_2145 = arith.mulf %sub3A_2144, %sub3A_2144 : vector<16xf32>
        %add3A_2146 = arith.addf %add3A_2140, %mul3A_2145 : vector<16xf32>
        %broadcast_in_dim3A_2147 = vector.broadcast %add3A_2123 : i32 to vector<16xi32>
        %reduce_sum3A_2148 = arith.constant true
        %reduce_sum3A_2149 = vector.broadcast %reduce_sum3A_2148 : i1 to vector<16xi1>
        %reduce_sum3A_2150 = tpu.scan <sum>, %add3A_2146 masked %reduce_sum3A_2149 : vector<16xf32>, vector<16xi1> -> vector<16xf32>
        %reduce_sum3A_2151 = vector.extract %reduce_sum3A_2150[15] : f32 from vector<16xf32>
        %broadcast_in_dim3A_2152 = vector.broadcast %reduce_sum3A_2151 : f32 to vector<16xf32>
        tpu.vector_store_idx %arg24[%broadcast_in_dim3A_2147], %broadcast_in_dim3A_2152 masked %eq3A_22 : memref<128xf32, #tpu.memory_space<vmem>>[vector<16xi32>], vector<16xf32>, vector<16xi1>
        %mul3A_2153 = arith.constant 16 : i32
        %mul3A_2154 = arith.muli %scan3A_2046, %mul3A_2153 : i32
        %add3A_2155 = arith.constant 0 : i32
        %add3A_2156 = arith.addi %add3A_2155, %mul3A_2154 : i32
        %add3A_2157 = arith.constant 3 : i32
        %add3A_2158 = arith.addi %add3A_2156, %add3A_2157 : i32
        %get3A_2159 = arith.index_cast %add3A_2158 : i32 to index
        %get3A_2160 = arith.constant 0 : index
        %get3A_2161 = tpu.vector_load %arg23[%get3A_2159, %get3A_2160] {strides = array<i32>} : memref<128x128xf32, #tpu.memory_space<vmem>>, vector<16xf32>,
        %sub3A_2162 = arith.subf %add3A_1506, %get3A_2161 : vector<16xf32>
        %mul3A_2163 = arith.mulf %sub3A_2162, %sub3A_2162 : vector<16xf32>
        %get3A_2164 = arith.index_cast %add3A_2158 : i32 to index
        %get3A_2165 = arith.constant 16 : index
        %get3A_2166 = tpu.vector_load %arg23[%get3A_2164, %get3A_2165] {strides = array<i32>} : memref<128x128xf32, #tpu.memory_space<vmem>>, vector<16xf32>,
        %sub3A_2167 = arith.subf %add3A_1514, %get3A_2166 : vector<16xf32>
        %mul3A_2168 = arith.mulf %sub3A_2167, %sub3A_2167 : vector<16xf32>
        %add3A_2169 = arith.addf %mul3A_2163, %mul3A_2168 : vector<16xf32>
        %get3A_2170 = arith.index_cast %add3A_2158 : i32 to index
        %get3A_2171 = arith.constant 32 : index
        %get3A_2172 = tpu.vector_load %arg23[%get3A_2170, %get3A_2171] {strides = array<i32>} : memref<128x128xf32, #tpu.memory_space<vmem>>, vector<16xf32>,
        %sub3A_2173 = arith.subf %add3A_1522, %get3A_2172 : vector<16xf32>
        %mul3A_2174 = arith.mulf %sub3A_2173, %sub3A_2173 : vector<16xf32>
        %add3A_2175 = arith.addf %add3A_2169, %mul3A_2174 : vector<16xf32>
        %get3A_2176 = arith.index_cast %add3A_2158 : i32 to index
        %get3A_2177 = arith.constant 48 : index
        %get3A_2178 = tpu.vector_load %arg23[%get3A_2176, %get3A_2177] {strides = array<i32>} : memref<128x128xf32, #tpu.memory_space<vmem>>, vector<16xf32>,
        %sub3A_2179 = arith.subf %add3A_1530, %get3A_2178 : vector<16xf32>
        %mul3A_2180 = arith.mulf %sub3A_2179, %sub3A_2179 : vector<16xf32>
        %add3A_2181 = arith.addf %add3A_2175, %mul3A_2180 : vector<16xf32>
        %broadcast_in_dim3A_2182 = vector.broadcast %add3A_2158 : i32 to vector<16xi32>
        %reduce_sum3A_2183 = arith.constant true
        %reduce_sum3A_2184 = vector.broadcast %reduce_sum3A_2183 : i1 to vector<16xi1>
        %reduce_sum3A_2185 = tpu.scan <sum>, %add3A_2181 masked %reduce_sum3A_2184 : vector<16xf32>, vector<16xi1> -> vector<16xf32>
        %reduce_sum3A_2186 = vector.extract %reduce_sum3A_2185[15] : f32 from vector<16xf32>
        %broadcast_in_dim3A_2187 = vector.broadcast %reduce_sum3A_2186 : f32 to vector<16xf32>
        tpu.vector_store_idx %arg24[%broadcast_in_dim3A_2182], %broadcast_in_dim3A_2187 masked %eq3A_22 : memref<128xf32, #tpu.memory_space<vmem>>[vector<16xi32>], vector<16xf32>, vector<16xi1>
        %mul3A_2188 = arith.constant 16 : i32
        %mul3A_2189 = arith.muli %scan3A_2046, %mul3A_2188 : i32
        %add3A_2190 = arith.constant 0 : i32
        %add3A_2191 = arith.addi %add3A_2190, %mul3A_2189 : i32
        %add3A_2192 = arith.constant 4 : i32
        %add3A_2193 = arith.addi %add3A_2191, %add3A_2192 : i32
        %get3A_2194 = arith.index_cast %add3A_2193 : i32 to index
        %get3A_2195 = arith.constant 0 : index
        %get3A_2196 = tpu.vector_load %arg23[%get3A_2194, %get3A_2195] {strides = array<i32>} : memref<128x128xf32, #tpu.memory_space<vmem>>, vector<16xf32>,
        %sub3A_2197 = arith.subf %add3A_1506, %get3A_2196 : vector<16xf32>
        %mul3A_2198 = arith.mulf %sub3A_2197, %sub3A_2197 : vector<16xf32>
        %get3A_2199 = arith.index_cast %add3A_2193 : i32 to index
        %get3A_2200 = arith.constant 16 : index
        %get3A_2201 = tpu.vector_load %arg23[%get3A_2199, %get3A_2200] {strides = array<i32>} : memref<128x128xf32, #tpu.memory_space<vmem>>, vector<16xf32>,
        %sub3A_2202 = arith.subf %add3A_1514, %get3A_2201 : vector<16xf32>
        %mul3A_2203 = arith.mulf %sub3A_2202, %sub3A_2202 : vector<16xf32>
        %add3A_2204 = arith.addf %mul3A_2198, %mul3A_2203 : vector<16xf32>
        %get3A_2205 = arith.index_cast %add3A_2193 : i32 to index
        %get3A_2206 = arith.constant 32 : index
        %get3A_2207 = tpu.vector_load %arg23[%get3A_2205, %get3A_2206] {strides = array<i32>} : memref<128x128xf32, #tpu.memory_space<vmem>>, vector<16xf32>,
        %sub3A_2208 = arith.subf %add3A_1522, %get3A_2207 : vector<16xf32>
        %mul3A_2209 = arith.mulf %sub3A_2208, %sub3A_2208 : vector<16xf32>
        %add3A_2210 = arith.addf %add3A_2204, %mul3A_2209 : vector<16xf32>
        %get3A_2211 = arith.index_cast %add3A_2193 : i32 to index
        %get3A_2212 = arith.constant 48 : index
        %get3A_2213 = tpu.vector_load %arg23[%get3A_2211, %get3A_2212] {strides = array<i32>} : memref<128x128xf32, #tpu.memory_space<vmem>>, vector<16xf32>,
        %sub3A_2214 = arith.subf %add3A_1530, %get3A_2213 : vector<16xf32>
        %mul3A_2215 = arith.mulf %sub3A_2214, %sub3A_2214 : vector<16xf32>
        %add3A_2216 = arith.addf %add3A_2210, %mul3A_2215 : vector<16xf32>
        %broadcast_in_dim3A_2217 = vector.broadcast %add3A_2193 : i32 to vector<16xi32>
        %reduce_sum3A_2218 = arith.constant true
        %reduce_sum3A_2219 = vector.broadcast %reduce_sum3A_2218 : i1 to vector<16xi1>
        %reduce_sum3A_2220 = tpu.scan <sum>, %add3A_2216 masked %reduce_sum3A_2219 : vector<16xf32>, vector<16xi1> -> vector<16xf32>
        %reduce_sum3A_2221 = vector.extract %reduce_sum3A_2220[15] : f32 from vector<16xf32>
        %broadcast_in_dim3A_2222 = vector.broadcast %reduce_sum3A_2221 : f32 to vector<16xf32>
        tpu.vector_store_idx %arg24[%broadcast_in_dim3A_2217], %broadcast_in_dim3A_2222 masked %eq3A_22 : memref<128xf32, #tpu.memory_space<vmem>>[vector<16xi32>], vector<16xf32>, vector<16xi1>
        %mul3A_2223 = arith.constant 16 : i32
        %mul3A_2224 = arith.muli %scan3A_2046, %mul3A_2223 : i32
        %add3A_2225 = arith.constant 0 : i32
        %add3A_2226 = arith.addi %add3A_2225, %mul3A_2224 : i32
        %add3A_2227 = arith.constant 5 : i32
        %add3A_2228 = arith.addi %add3A_2226, %add3A_2227 : i32
        %get3A_2229 = arith.index_cast %add3A_2228 : i32 to index
        %get3A_2230 = arith.constant 0 : index
        %get3A_2231 = tpu.vector_load %arg23[%get3A_2229, %get3A_2230] {strides = array<i32>} : memref<128x128xf32, #tpu.memory_space<vmem>>, vector<16xf32>,
        %sub3A_2232 = arith.subf %add3A_1506, %get3A_2231 : vector<16xf32>
        %mul3A_2233 = arith.mulf %sub3A_2232, %sub3A_2232 : vector<16xf32>
        %get3A_2234 = arith.index_cast %add3A_2228 : i32 to index
        %get3A_2235 = arith.constant 16 : index
        %get3A_2236 = tpu.vector_load %arg23[%get3A_2234, %get3A_2235] {strides = array<i32>} : memref<128x128xf32, #tpu.memory_space<vmem>>, vector<16xf32>,
        %sub3A_2237 = arith.subf %add3A_1514, %get3A_2236 : vector<16xf32>
        %mul3A_2238 = arith.mulf %sub3A_2237, %sub3A_2237 : vector<16xf32>
        %add3A_2239 = arith.addf %mul3A_2233, %mul3A_2238 : vector<16xf32>
        %get3A_2240 = arith.index_cast %add3A_2228 : i32 to index
        %get3A_2241 = arith.constant 32 : index
        %get3A_2242 = tpu.vector_load %arg23[%get3A_2240, %get3A_2241] {strides = array<i32>} : memref<128x128xf32, #tpu.memory_space<vmem>>, vector<16xf32>,
        %sub3A_2243 = arith.subf %add3A_1522, %get3A_2242 : vector<16xf32>
        %mul3A_2244 = arith.mulf %sub3A_2243, %sub3A_2243 : vector<16xf32>
        %add3A_2245 = arith.addf %add3A_2239, %mul3A_2244 : vector<16xf32>
        %get3A_2246 = arith.index_cast %add3A_2228 : i32 to index
        %get3A_2247 = arith.constant 48 : index
        %get3A_2248 = tpu.vector_load %arg23[%get3A_2246, %get3A_2247] {strides = array<i32>} : memref<128x128xf32, #tpu.memory_space<vmem>>, vector<16xf32>,
        %sub3A_2249 = arith.subf %add3A_1530, %get3A_2248 : vector<16xf32>
        %mul3A_2250 = arith.mulf %sub3A_2249, %sub3A_2249 : vector<16xf32>
        %add3A_2251 = arith.addf %add3A_2245, %mul3A_2250 : vector<16xf32>
        %broadcast_in_dim3A_2252 = vector.broadcast %add3A_2228 : i32 to vector<16xi32>
        %reduce_sum3A_2253 = arith.constant true
        %reduce_sum3A_2254 = vector.broadcast %reduce_sum3A_2253 : i1 to vector<16xi1>
        %reduce_sum3A_2255 = tpu.scan <sum>, %add3A_2251 masked %reduce_sum3A_2254 : vector<16xf32>, vector<16xi1> -> vector<16xf32>
        %reduce_sum3A_2256 = vector.extract %reduce_sum3A_2255[15] : f32 from vector<16xf32>
        %broadcast_in_dim3A_2257 = vector.broadcast %reduce_sum3A_2256 : f32 to vector<16xf32>
        tpu.vector_store_idx %arg24[%broadcast_in_dim3A_2252], %broadcast_in_dim3A_2257 masked %eq3A_22 : memref<128xf32, #tpu.memory_space<vmem>>[vector<16xi32>], vector<16xf32>, vector<16xi1>
        %mul3A_2258 = arith.constant 16 : i32
        %mul3A_2259 = arith.muli %scan3A_2046, %mul3A_2258 : i32
        %add3A_2260 = arith.constant 0 : i32
        %add3A_2261 = arith.addi %add3A_2260, %mul3A_2259 : i32
        %add3A_2262 = arith.constant 6 : i32
        %add3A_2263 = arith.addi %add3A_2261, %add3A_2262 : i32
        %get3A_2264 = arith.index_cast %add3A_2263 : i32 to index
        %get3A_2265 = arith.constant 0 : index
        %get3A_2266 = tpu.vector_load %arg23[%get3A_2264, %get3A_2265] {strides = array<i32>} : memref<128x128xf32, #tpu.memory_space<vmem>>, vector<16xf32>,
        %sub3A_2267 = arith.subf %add3A_1506, %get3A_2266 : vector<16xf32>
        %mul3A_2268 = arith.mulf %sub3A_2267, %sub3A_2267 : vector<16xf32>
        %get3A_2269 = arith.index_cast %add3A_2263 : i32 to index
        %get3A_2270 = arith.constant 16 : index
        %get3A_2271 = tpu.vector_load %arg23[%get3A_2269, %get3A_2270] {strides = array<i32>} : memref<128x128xf32, #tpu.memory_space<vmem>>, vector<16xf32>,
        %sub3A_2272 = arith.subf %add3A_1514, %get3A_2271 : vector<16xf32>
        %mul3A_2273 = arith.mulf %sub3A_2272, %sub3A_2272 : vector<16xf32>
        %add3A_2274 = arith.addf %mul3A_2268, %mul3A_2273 : vector<16xf32>
        %get3A_2275 = arith.index_cast %add3A_2263 : i32 to index
        %get3A_2276 = arith.constant 32 : index
        %get3A_2277 = tpu.vector_load %arg23[%get3A_2275, %get3A_2276] {strides = array<i32>} : memref<128x128xf32, #tpu.memory_space<vmem>>, vector<16xf32>,
        %sub3A_2278 = arith.subf %add3A_1522, %get3A_2277 : vector<16xf32>
        %mul3A_2279 = arith.mulf %sub3A_2278, %sub3A_2278 : vector<16xf32>
        %add3A_2280 = arith.addf %add3A_2274, %mul3A_2279 : vector<16xf32>
        %get3A_2281 = arith.index_cast %add3A_2263 : i32 to index
        %get3A_2282 = arith.constant 48 : index
        %get3A_2283 = tpu.vector_load %arg23[%get3A_2281, %get3A_2282] {strides = array<i32>} : memref<128x128xf32, #tpu.memory_space<vmem>>, vector<16xf32>,
        %sub3A_2284 = arith.subf %add3A_1530, %get3A_2283 : vector<16xf32>
        %mul3A_2285 = arith.mulf %sub3A_2284, %sub3A_2284 : vector<16xf32>
        %add3A_2286 = arith.addf %add3A_2280, %mul3A_2285 : vector<16xf32>
        %broadcast_in_dim3A_2287 = vector.broadcast %add3A_2263 : i32 to vector<16xi32>
        %reduce_sum3A_2288 = arith.constant true
        %reduce_sum3A_2289 = vector.broadcast %reduce_sum3A_2288 : i1 to vector<16xi1>
        %reduce_sum3A_2290 = tpu.scan <sum>, %add3A_2286 masked %reduce_sum3A_2289 : vector<16xf32>, vector<16xi1> -> vector<16xf32>
        %reduce_sum3A_2291 = vector.extract %reduce_sum3A_2290[15] : f32 from vector<16xf32>
        %broadcast_in_dim3A_2292 = vector.broadcast %reduce_sum3A_2291 : f32 to vector<16xf32>
        tpu.vector_store_idx %arg24[%broadcast_in_dim3A_2287], %broadcast_in_dim3A_2292 masked %eq3A_22 : memref<128xf32, #tpu.memory_space<vmem>>[vector<16xi32>], vector<16xf32>, vector<16xi1>
        %mul3A_2293 = arith.constant 16 : i32
        %mul3A_2294 = arith.muli %scan3A_2046, %mul3A_2293 : i32
        %add3A_2295 = arith.constant 0 : i32
        %add3A_2296 = arith.addi %add3A_2295, %mul3A_2294 : i32
        %add3A_2297 = arith.constant 7 : i32
        %add3A_2298 = arith.addi %add3A_2296, %add3A_2297 : i32
        %get3A_2299 = arith.index_cast %add3A_2298 : i32 to index
        %get3A_2300 = arith.constant 0 : index
        %get3A_2301 = tpu.vector_load %arg23[%get3A_2299, %get3A_2300] {strides = array<i32>} : memref<128x128xf32, #tpu.memory_space<vmem>>, vector<16xf32>,
        %sub3A_2302 = arith.subf %add3A_1506, %get3A_2301 : vector<16xf32>
        %mul3A_2303 = arith.mulf %sub3A_2302, %sub3A_2302 : vector<16xf32>
        %get3A_2304 = arith.index_cast %add3A_2298 : i32 to index
        %get3A_2305 = arith.constant 16 : index
        %get3A_2306 = tpu.vector_load %arg23[%get3A_2304, %get3A_2305] {strides = array<i32>} : memref<128x128xf32, #tpu.memory_space<vmem>>, vector<16xf32>,
        %sub3A_2307 = arith.subf %add3A_1514, %get3A_2306 : vector<16xf32>
        %mul3A_2308 = arith.mulf %sub3A_2307, %sub3A_2307 : vector<16xf32>
        %add3A_2309 = arith.addf %mul3A_2303, %mul3A_2308 : vector<16xf32>
        %get3A_2310 = arith.index_cast %add3A_2298 : i32 to index
        %get3A_2311 = arith.constant 32 : index
        %get3A_2312 = tpu.vector_load %arg23[%get3A_2310, %get3A_2311] {strides = array<i32>} : memref<128x128xf32, #tpu.memory_space<vmem>>, vector<16xf32>,
        %sub3A_2313 = arith.subf %add3A_1522, %get3A_2312 : vector<16xf32>
        %mul3A_2314 = arith.mulf %sub3A_2313, %sub3A_2313 : vector<16xf32>
        %add3A_2315 = arith.addf %add3A_2309, %mul3A_2314 : vector<16xf32>
        %get3A_2316 = arith.index_cast %add3A_2298 : i32 to index
        %get3A_2317 = arith.constant 48 : index
        %get3A_2318 = tpu.vector_load %arg23[%get3A_2316, %get3A_2317] {strides = array<i32>} : memref<128x128xf32, #tpu.memory_space<vmem>>, vector<16xf32>,
        %sub3A_2319 = arith.subf %add3A_1530, %get3A_2318 : vector<16xf32>
        %mul3A_2320 = arith.mulf %sub3A_2319, %sub3A_2319 : vector<16xf32>
        %add3A_2321 = arith.addf %add3A_2315, %mul3A_2320 : vector<16xf32>
        %broadcast_in_dim3A_2322 = vector.broadcast %add3A_2298 : i32 to vector<16xi32>
        %reduce_sum3A_2323 = arith.constant true
        %reduce_sum3A_2324 = vector.broadcast %reduce_sum3A_2323 : i1 to vector<16xi1>
        %reduce_sum3A_2325 = tpu.scan <sum>, %add3A_2321 masked %reduce_sum3A_2324 : vector<16xf32>, vector<16xi1> -> vector<16xf32>
        %reduce_sum3A_2326 = vector.extract %reduce_sum3A_2325[15] : f32 from vector<16xf32>
        %broadcast_in_dim3A_2327 = vector.broadcast %reduce_sum3A_2326 : f32 to vector<16xf32>
        tpu.vector_store_idx %arg24[%broadcast_in_dim3A_2322], %broadcast_in_dim3A_2327 masked %eq3A_22 : memref<128xf32, #tpu.memory_space<vmem>>[vector<16xi32>], vector<16xf32>, vector<16xi1>
        %mul3A_2328 = arith.constant 16 : i32
        %mul3A_2329 = arith.muli %scan3A_2046, %mul3A_2328 : i32
        %add3A_2330 = arith.constant 0 : i32
        %add3A_2331 = arith.addi %add3A_2330, %mul3A_2329 : i32
        %add3A_2332 = arith.constant 8 : i32
        %add3A_2333 = arith.addi %add3A_2331, %add3A_2332 : i32
        %get3A_2334 = arith.index_cast %add3A_2333 : i32 to index
        %get3A_2335 = arith.constant 0 : index
        %get3A_2336 = tpu.vector_load %arg23[%get3A_2334, %get3A_2335] {strides = array<i32>} : memref<128x128xf32, #tpu.memory_space<vmem>>, vector<16xf32>,
        %sub3A_2337 = arith.subf %add3A_1506, %get3A_2336 : vector<16xf32>
        %mul3A_2338 = arith.mulf %sub3A_2337, %sub3A_2337 : vector<16xf32>
        %get3A_2339 = arith.index_cast %add3A_2333 : i32 to index
        %get3A_2340 = arith.constant 16 : index
        %get3A_2341 = tpu.vector_load %arg23[%get3A_2339, %get3A_2340] {strides = array<i32>} : memref<128x128xf32, #tpu.memory_space<vmem>>, vector<16xf32>,
        %sub3A_2342 = arith.subf %add3A_1514, %get3A_2341 : vector<16xf32>
        %mul3A_2343 = arith.mulf %sub3A_2342, %sub3A_2342 : vector<16xf32>
        %add3A_2344 = arith.addf %mul3A_2338, %mul3A_2343 : vector<16xf32>
        %get3A_2345 = arith.index_cast %add3A_2333 : i32 to index
        %get3A_2346 = arith.constant 32 : index
        %get3A_2347 = tpu.vector_load %arg23[%get3A_2345, %get3A_2346] {strides = array<i32>} : memref<128x128xf32, #tpu.memory_space<vmem>>, vector<16xf32>,
        %sub3A_2348 = arith.subf %add3A_1522, %get3A_2347 : vector<16xf32>
        %mul3A_2349 = arith.mulf %sub3A_2348, %sub3A_2348 : vector<16xf32>
        %add3A_2350 = arith.addf %add3A_2344, %mul3A_2349 : vector<16xf32>
        %get3A_2351 = arith.index_cast %add3A_2333 : i32 to index
        %get3A_2352 = arith.constant 48 : index
        %get3A_2353 = tpu.vector_load %arg23[%get3A_2351, %get3A_2352] {strides = array<i32>} : memref<128x128xf32, #tpu.memory_space<vmem>>, vector<16xf32>,
        %sub3A_2354 = arith.subf %add3A_1530, %get3A_2353 : vector<16xf32>
        %mul3A_2355 = arith.mulf %sub3A_2354, %sub3A_2354 : vector<16xf32>
        %add3A_2356 = arith.addf %add3A_2350, %mul3A_2355 : vector<16xf32>
        %broadcast_in_dim3A_2357 = vector.broadcast %add3A_2333 : i32 to vector<16xi32>
        %reduce_sum3A_2358 = arith.constant true
        %reduce_sum3A_2359 = vector.broadcast %reduce_sum3A_2358 : i1 to vector<16xi1>
        %reduce_sum3A_2360 = tpu.scan <sum>, %add3A_2356 masked %reduce_sum3A_2359 : vector<16xf32>, vector<16xi1> -> vector<16xf32>
        %reduce_sum3A_2361 = vector.extract %reduce_sum3A_2360[15] : f32 from vector<16xf32>
        %broadcast_in_dim3A_2362 = vector.broadcast %reduce_sum3A_2361 : f32 to vector<16xf32>
        tpu.vector_store_idx %arg24[%broadcast_in_dim3A_2357], %broadcast_in_dim3A_2362 masked %eq3A_22 : memref<128xf32, #tpu.memory_space<vmem>>[vector<16xi32>], vector<16xf32>, vector<16xi1>
        %mul3A_2363 = arith.constant 16 : i32
        %mul3A_2364 = arith.muli %scan3A_2046, %mul3A_2363 : i32
        %add3A_2365 = arith.constant 0 : i32
        %add3A_2366 = arith.addi %add3A_2365, %mul3A_2364 : i32
        %add3A_2367 = arith.constant 9 : i32
        %add3A_2368 = arith.addi %add3A_2366, %add3A_2367 : i32
        %get3A_2369 = arith.index_cast %add3A_2368 : i32 to index
        %get3A_2370 = arith.constant 0 : index
        %get3A_2371 = tpu.vector_load %arg23[%get3A_2369, %get3A_2370] {strides = array<i32>} : memref<128x128xf32, #tpu.memory_space<vmem>>, vector<16xf32>,
        %sub3A_2372 = arith.subf %add3A_1506, %get3A_2371 : vector<16xf32>
        %mul3A_2373 = arith.mulf %sub3A_2372, %sub3A_2372 : vector<16xf32>
        %get3A_2374 = arith.index_cast %add3A_2368 : i32 to index
        %get3A_2375 = arith.constant 16 : index
        %get3A_2376 = tpu.vector_load %arg23[%get3A_2374, %get3A_2375] {strides = array<i32>} : memref<128x128xf32, #tpu.memory_space<vmem>>, vector<16xf32>,
        %sub3A_2377 = arith.subf %add3A_1514, %get3A_2376 : vector<16xf32>
        %mul3A_2378 = arith.mulf %sub3A_2377, %sub3A_2377 : vector<16xf32>
        %add3A_2379 = arith.addf %mul3A_2373, %mul3A_2378 : vector<16xf32>
        %get3A_2380 = arith.index_cast %add3A_2368 : i32 to index
        %get3A_2381 = arith.constant 32 : index
        %get3A_2382 = tpu.vector_load %arg23[%get3A_2380, %get3A_2381] {strides = array<i32>} : memref<128x128xf32, #tpu.memory_space<vmem>>, vector<16xf32>,
        %sub3A_2383 = arith.subf %add3A_1522, %get3A_2382 : vector<16xf32>
        %mul3A_2384 = arith.mulf %sub3A_2383, %sub3A_2383 : vector<16xf32>
        %add3A_2385 = arith.addf %add3A_2379, %mul3A_2384 : vector<16xf32>
        %get3A_2386 = arith.index_cast %add3A_2368 : i32 to index
        %get3A_2387 = arith.constant 48 : index
        %get3A_2388 = tpu.vector_load %arg23[%get3A_2386, %get3A_2387] {strides = array<i32>} : memref<128x128xf32, #tpu.memory_space<vmem>>, vector<16xf32>,
        %sub3A_2389 = arith.subf %add3A_1530, %get3A_2388 : vector<16xf32>
        %mul3A_2390 = arith.mulf %sub3A_2389, %sub3A_2389 : vector<16xf32>
        %add3A_2391 = arith.addf %add3A_2385, %mul3A_2390 : vector<16xf32>
        %broadcast_in_dim3A_2392 = vector.broadcast %add3A_2368 : i32 to vector<16xi32>
        %reduce_sum3A_2393 = arith.constant true
        %reduce_sum3A_2394 = vector.broadcast %reduce_sum3A_2393 : i1 to vector<16xi1>
        %reduce_sum3A_2395 = tpu.scan <sum>, %add3A_2391 masked %reduce_sum3A_2394 : vector<16xf32>, vector<16xi1> -> vector<16xf32>
        %reduce_sum3A_2396 = vector.extract %reduce_sum3A_2395[15] : f32 from vector<16xf32>
        %broadcast_in_dim3A_2397 = vector.broadcast %reduce_sum3A_2396 : f32 to vector<16xf32>
        tpu.vector_store_idx %arg24[%broadcast_in_dim3A_2392], %broadcast_in_dim3A_2397 masked %eq3A_22 : memref<128xf32, #tpu.memory_space<vmem>>[vector<16xi32>], vector<16xf32>, vector<16xi1>
        %mul3A_2398 = arith.constant 16 : i32
        %mul3A_2399 = arith.muli %scan3A_2046, %mul3A_2398 : i32
        %add3A_2400 = arith.constant 0 : i32
        %add3A_2401 = arith.addi %add3A_2400, %mul3A_2399 : i32
        %add3A_2402 = arith.constant 10 : i32
        %add3A_2403 = arith.addi %add3A_2401, %add3A_2402 : i32
        %get3A_2404 = arith.index_cast %add3A_2403 : i32 to index
        %get3A_2405 = arith.constant 0 : index
        %get3A_2406 = tpu.vector_load %arg23[%get3A_2404, %get3A_2405] {strides = array<i32>} : memref<128x128xf32, #tpu.memory_space<vmem>>, vector<16xf32>,
        %sub3A_2407 = arith.subf %add3A_1506, %get3A_2406 : vector<16xf32>
        %mul3A_2408 = arith.mulf %sub3A_2407, %sub3A_2407 : vector<16xf32>
        %get3A_2409 = arith.index_cast %add3A_2403 : i32 to index
        %get3A_2410 = arith.constant 16 : index
        %get3A_2411 = tpu.vector_load %arg23[%get3A_2409, %get3A_2410] {strides = array<i32>} : memref<128x128xf32, #tpu.memory_space<vmem>>, vector<16xf32>,
        %sub3A_2412 = arith.subf %add3A_1514, %get3A_2411 : vector<16xf32>
        %mul3A_2413 = arith.mulf %sub3A_2412, %sub3A_2412 : vector<16xf32>
        %add3A_2414 = arith.addf %mul3A_2408, %mul3A_2413 : vector<16xf32>
        %get3A_2415 = arith.index_cast %add3A_2403 : i32 to index
        %get3A_2416 = arith.constant 32 : index
        %get3A_2417 = tpu.vector_load %arg23[%get3A_2415, %get3A_2416] {strides = array<i32>} : memref<128x128xf32, #tpu.memory_space<vmem>>, vector<16xf32>,
        %sub3A_2418 = arith.subf %add3A_1522, %get3A_2417 : vector<16xf32>
        %mul3A_2419 = arith.mulf %sub3A_2418, %sub3A_2418 : vector<16xf32>
        %add3A_2420 = arith.addf %add3A_2414, %mul3A_2419 : vector<16xf32>
        %get3A_2421 = arith.index_cast %add3A_2403 : i32 to index
        %get3A_2422 = arith.constant 48 : index
        %get3A_2423 = tpu.vector_load %arg23[%get3A_2421, %get3A_2422] {strides = array<i32>} : memref<128x128xf32, #tpu.memory_space<vmem>>, vector<16xf32>,
        %sub3A_2424 = arith.subf %add3A_1530, %get3A_2423 : vector<16xf32>
        %mul3A_2425 = arith.mulf %sub3A_2424, %sub3A_2424 : vector<16xf32>
        %add3A_2426 = arith.addf %add3A_2420, %mul3A_2425 : vector<16xf32>
        %broadcast_in_dim3A_2427 = vector.broadcast %add3A_2403 : i32 to vector<16xi32>
        %reduce_sum3A_2428 = arith.constant true
        %reduce_sum3A_2429 = vector.broadcast %reduce_sum3A_2428 : i1 to vector<16xi1>
        %reduce_sum3A_2430 = tpu.scan <sum>, %add3A_2426 masked %reduce_sum3A_2429 : vector<16xf32>, vector<16xi1> -> vector<16xf32>
        %reduce_sum3A_2431 = vector.extract %reduce_sum3A_2430[15] : f32 from vector<16xf32>
        %broadcast_in_dim3A_2432 = vector.broadcast %reduce_sum3A_2431 : f32 to vector<16xf32>
        tpu.vector_store_idx %arg24[%broadcast_in_dim3A_2427], %broadcast_in_dim3A_2432 masked %eq3A_22 : memref<128xf32, #tpu.memory_space<vmem>>[vector<16xi32>], vector<16xf32>, vector<16xi1>
        %mul3A_2433 = arith.constant 16 : i32
        %mul3A_2434 = arith.muli %scan3A_2046, %mul3A_2433 : i32
        %add3A_2435 = arith.constant 0 : i32
        %add3A_2436 = arith.addi %add3A_2435, %mul3A_2434 : i32
        %add3A_2437 = arith.constant 11 : i32
        %add3A_2438 = arith.addi %add3A_2436, %add3A_2437 : i32
        %get3A_2439 = arith.index_cast %add3A_2438 : i32 to index
        %get3A_2440 = arith.constant 0 : index
        %get3A_2441 = tpu.vector_load %arg23[%get3A_2439, %get3A_2440] {strides = array<i32>} : memref<128x128xf32, #tpu.memory_space<vmem>>, vector<16xf32>,
        %sub3A_2442 = arith.subf %add3A_1506, %get3A_2441 : vector<16xf32>
        %mul3A_2443 = arith.mulf %sub3A_2442, %sub3A_2442 : vector<16xf32>
        %get3A_2444 = arith.index_cast %add3A_2438 : i32 to index
        %get3A_2445 = arith.constant 16 : index
        %get3A_2446 = tpu.vector_load %arg23[%get3A_2444, %get3A_2445] {strides = array<i32>} : memref<128x128xf32, #tpu.memory_space<vmem>>, vector<16xf32>,
        %sub3A_2447 = arith.subf %add3A_1514, %get3A_2446 : vector<16xf32>
        %mul3A_2448 = arith.mulf %sub3A_2447, %sub3A_2447 : vector<16xf32>
        %add3A_2449 = arith.addf %mul3A_2443, %mul3A_2448 : vector<16xf32>
        %get3A_2450 = arith.index_cast %add3A_2438 : i32 to index
        %get3A_2451 = arith.constant 32 : index
        %get3A_2452 = tpu.vector_load %arg23[%get3A_2450, %get3A_2451] {strides = array<i32>} : memref<128x128xf32, #tpu.memory_space<vmem>>, vector<16xf32>,
        %sub3A_2453 = arith.subf %add3A_1522, %get3A_2452 : vector<16xf32>
        %mul3A_2454 = arith.mulf %sub3A_2453, %sub3A_2453 : vector<16xf32>
        %add3A_2455 = arith.addf %add3A_2449, %mul3A_2454 : vector<16xf32>
        %get3A_2456 = arith.index_cast %add3A_2438 : i32 to index
        %get3A_2457 = arith.constant 48 : index
        %get3A_2458 = tpu.vector_load %arg23[%get3A_2456, %get3A_2457] {strides = array<i32>} : memref<128x128xf32, #tpu.memory_space<vmem>>, vector<16xf32>,
        %sub3A_2459 = arith.subf %add3A_1530, %get3A_2458 : vector<16xf32>
        %mul3A_2460 = arith.mulf %sub3A_2459, %sub3A_2459 : vector<16xf32>
        %add3A_2461 = arith.addf %add3A_2455, %mul3A_2460 : vector<16xf32>
        %broadcast_in_dim3A_2462 = vector.broadcast %add3A_2438 : i32 to vector<16xi32>
        %reduce_sum3A_2463 = arith.constant true
        %reduce_sum3A_2464 = vector.broadcast %reduce_sum3A_2463 : i1 to vector<16xi1>
        %reduce_sum3A_2465 = tpu.scan <sum>, %add3A_2461 masked %reduce_sum3A_2464 : vector<16xf32>, vector<16xi1> -> vector<16xf32>
        %reduce_sum3A_2466 = vector.extract %reduce_sum3A_2465[15] : f32 from vector<16xf32>
        %broadcast_in_dim3A_2467 = vector.broadcast %reduce_sum3A_2466 : f32 to vector<16xf32>
        tpu.vector_store_idx %arg24[%broadcast_in_dim3A_2462], %broadcast_in_dim3A_2467 masked %eq3A_22 : memref<128xf32, #tpu.memory_space<vmem>>[vector<16xi32>], vector<16xf32>, vector<16xi1>
        %mul3A_2468 = arith.constant 16 : i32
        %mul3A_2469 = arith.muli %scan3A_2046, %mul3A_2468 : i32
        %add3A_2470 = arith.constant 0 : i32
        %add3A_2471 = arith.addi %add3A_2470, %mul3A_2469 : i32
        %add3A_2472 = arith.constant 12 : i32
        %add3A_2473 = arith.addi %add3A_2471, %add3A_2472 : i32
        %get3A_2474 = arith.index_cast %add3A_2473 : i32 to index
        %get3A_2475 = arith.constant 0 : index
        %get3A_2476 = tpu.vector_load %arg23[%get3A_2474, %get3A_2475] {strides = array<i32>} : memref<128x128xf32, #tpu.memory_space<vmem>>, vector<16xf32>,
        %sub3A_2477 = arith.subf %add3A_1506, %get3A_2476 : vector<16xf32>
        %mul3A_2478 = arith.mulf %sub3A_2477, %sub3A_2477 : vector<16xf32>
        %get3A_2479 = arith.index_cast %add3A_2473 : i32 to index
        %get3A_2480 = arith.constant 16 : index
        %get3A_2481 = tpu.vector_load %arg23[%get3A_2479, %get3A_2480] {strides = array<i32>} : memref<128x128xf32, #tpu.memory_space<vmem>>, vector<16xf32>,
        %sub3A_2482 = arith.subf %add3A_1514, %get3A_2481 : vector<16xf32>
        %mul3A_2483 = arith.mulf %sub3A_2482, %sub3A_2482 : vector<16xf32>
        %add3A_2484 = arith.addf %mul3A_2478, %mul3A_2483 : vector<16xf32>
        %get3A_2485 = arith.index_cast %add3A_2473 : i32 to index
        %get3A_2486 = arith.constant 32 : index
        %get3A_2487 = tpu.vector_load %arg23[%get3A_2485, %get3A_2486] {strides = array<i32>} : memref<128x128xf32, #tpu.memory_space<vmem>>, vector<16xf32>,
        %sub3A_2488 = arith.subf %add3A_1522, %get3A_2487 : vector<16xf32>
        %mul3A_2489 = arith.mulf %sub3A_2488, %sub3A_2488 : vector<16xf32>
        %add3A_2490 = arith.addf %add3A_2484, %mul3A_2489 : vector<16xf32>
        %get3A_2491 = arith.index_cast %add3A_2473 : i32 to index
        %get3A_2492 = arith.constant 48 : index
        %get3A_2493 = tpu.vector_load %arg23[%get3A_2491, %get3A_2492] {strides = array<i32>} : memref<128x128xf32, #tpu.memory_space<vmem>>, vector<16xf32>,
        %sub3A_2494 = arith.subf %add3A_1530, %get3A_2493 : vector<16xf32>
        %mul3A_2495 = arith.mulf %sub3A_2494, %sub3A_2494 : vector<16xf32>
        %add3A_2496 = arith.addf %add3A_2490, %mul3A_2495 : vector<16xf32>
        %broadcast_in_dim3A_2497 = vector.broadcast %add3A_2473 : i32 to vector<16xi32>
        %reduce_sum3A_2498 = arith.constant true
        %reduce_sum3A_2499 = vector.broadcast %reduce_sum3A_2498 : i1 to vector<16xi1>
        %reduce_sum3A_2500 = tpu.scan <sum>, %add3A_2496 masked %reduce_sum3A_2499 : vector<16xf32>, vector<16xi1> -> vector<16xf32>
        %reduce_sum3A_2501 = vector.extract %reduce_sum3A_2500[15] : f32 from vector<16xf32>
        %broadcast_in_dim3A_2502 = vector.broadcast %reduce_sum3A_2501 : f32 to vector<16xf32>
        tpu.vector_store_idx %arg24[%broadcast_in_dim3A_2497], %broadcast_in_dim3A_2502 masked %eq3A_22 : memref<128xf32, #tpu.memory_space<vmem>>[vector<16xi32>], vector<16xf32>, vector<16xi1>
        %mul3A_2503 = arith.constant 16 : i32
        %mul3A_2504 = arith.muli %scan3A_2046, %mul3A_2503 : i32
        %add3A_2505 = arith.constant 0 : i32
        %add3A_2506 = arith.addi %add3A_2505, %mul3A_2504 : i32
        %add3A_2507 = arith.constant 13 : i32
        %add3A_2508 = arith.addi %add3A_2506, %add3A_2507 : i32
        %get3A_2509 = arith.index_cast %add3A_2508 : i32 to index
        %get3A_2510 = arith.constant 0 : index
        %get3A_2511 = tpu.vector_load %arg23[%get3A_2509, %get3A_2510] {strides = array<i32>} : memref<128x128xf32, #tpu.memory_space<vmem>>, vector<16xf32>,
        %sub3A_2512 = arith.subf %add3A_1506, %get3A_2511 : vector<16xf32>
        %mul3A_2513 = arith.mulf %sub3A_2512, %sub3A_2512 : vector<16xf32>
        %get3A_2514 = arith.index_cast %add3A_2508 : i32 to index
        %get3A_2515 = arith.constant 16 : index
        %get3A_2516 = tpu.vector_load %arg23[%get3A_2514, %get3A_2515] {strides = array<i32>} : memref<128x128xf32, #tpu.memory_space<vmem>>, vector<16xf32>,
        %sub3A_2517 = arith.subf %add3A_1514, %get3A_2516 : vector<16xf32>
        %mul3A_2518 = arith.mulf %sub3A_2517, %sub3A_2517 : vector<16xf32>
        %add3A_2519 = arith.addf %mul3A_2513, %mul3A_2518 : vector<16xf32>
        %get3A_2520 = arith.index_cast %add3A_2508 : i32 to index
        %get3A_2521 = arith.constant 32 : index
        %get3A_2522 = tpu.vector_load %arg23[%get3A_2520, %get3A_2521] {strides = array<i32>} : memref<128x128xf32, #tpu.memory_space<vmem>>, vector<16xf32>,
        %sub3A_2523 = arith.subf %add3A_1522, %get3A_2522 : vector<16xf32>
        %mul3A_2524 = arith.mulf %sub3A_2523, %sub3A_2523 : vector<16xf32>
        %add3A_2525 = arith.addf %add3A_2519, %mul3A_2524 : vector<16xf32>
        %get3A_2526 = arith.index_cast %add3A_2508 : i32 to index
        %get3A_2527 = arith.constant 48 : index
        %get3A_2528 = tpu.vector_load %arg23[%get3A_2526, %get3A_2527] {strides = array<i32>} : memref<128x128xf32, #tpu.memory_space<vmem>>, vector<16xf32>,
        %sub3A_2529 = arith.subf %add3A_1530, %get3A_2528 : vector<16xf32>
        %mul3A_2530 = arith.mulf %sub3A_2529, %sub3A_2529 : vector<16xf32>
        %add3A_2531 = arith.addf %add3A_2525, %mul3A_2530 : vector<16xf32>
        %broadcast_in_dim3A_2532 = vector.broadcast %add3A_2508 : i32 to vector<16xi32>
        %reduce_sum3A_2533 = arith.constant true
        %reduce_sum3A_2534 = vector.broadcast %reduce_sum3A_2533 : i1 to vector<16xi1>
        %reduce_sum3A_2535 = tpu.scan <sum>, %add3A_2531 masked %reduce_sum3A_2534 : vector<16xf32>, vector<16xi1> -> vector<16xf32>
        %reduce_sum3A_2536 = vector.extract %reduce_sum3A_2535[15] : f32 from vector<16xf32>
        %broadcast_in_dim3A_2537 = vector.broadcast %reduce_sum3A_2536 : f32 to vector<16xf32>
        tpu.vector_store_idx %arg24[%broadcast_in_dim3A_2532], %broadcast_in_dim3A_2537 masked %eq3A_22 : memref<128xf32, #tpu.memory_space<vmem>>[vector<16xi32>], vector<16xf32>, vector<16xi1>
        %mul3A_2538 = arith.constant 16 : i32
        %mul3A_2539 = arith.muli %scan3A_2046, %mul3A_2538 : i32
        %add3A_2540 = arith.constant 0 : i32
        %add3A_2541 = arith.addi %add3A_2540, %mul3A_2539 : i32
        %add3A_2542 = arith.constant 14 : i32
        %add3A_2543 = arith.addi %add3A_2541, %add3A_2542 : i32
        %get3A_2544 = arith.index_cast %add3A_2543 : i32 to index
        %get3A_2545 = arith.constant 0 : index
        %get3A_2546 = tpu.vector_load %arg23[%get3A_2544, %get3A_2545] {strides = array<i32>} : memref<128x128xf32, #tpu.memory_space<vmem>>, vector<16xf32>,
        %sub3A_2547 = arith.subf %add3A_1506, %get3A_2546 : vector<16xf32>
        %mul3A_2548 = arith.mulf %sub3A_2547, %sub3A_2547 : vector<16xf32>
        %get3A_2549 = arith.index_cast %add3A_2543 : i32 to index
        %get3A_2550 = arith.constant 16 : index
        %get3A_2551 = tpu.vector_load %arg23[%get3A_2549, %get3A_2550] {strides = array<i32>} : memref<128x128xf32, #tpu.memory_space<vmem>>, vector<16xf32>,
        %sub3A_2552 = arith.subf %add3A_1514, %get3A_2551 : vector<16xf32>
        %mul3A_2553 = arith.mulf %sub3A_2552, %sub3A_2552 : vector<16xf32>
        %add3A_2554 = arith.addf %mul3A_2548, %mul3A_2553 : vector<16xf32>
        %get3A_2555 = arith.index_cast %add3A_2543 : i32 to index
        %get3A_2556 = arith.constant 32 : index
        %get3A_2557 = tpu.vector_load %arg23[%get3A_2555, %get3A_2556] {strides = array<i32>} : memref<128x128xf32, #tpu.memory_space<vmem>>, vector<16xf32>,
        %sub3A_2558 = arith.subf %add3A_1522, %get3A_2557 : vector<16xf32>
        %mul3A_2559 = arith.mulf %sub3A_2558, %sub3A_2558 : vector<16xf32>
        %add3A_2560 = arith.addf %add3A_2554, %mul3A_2559 : vector<16xf32>
        %get3A_2561 = arith.index_cast %add3A_2543 : i32 to index
        %get3A_2562 = arith.constant 48 : index
        %get3A_2563 = tpu.vector_load %arg23[%get3A_2561, %get3A_2562] {strides = array<i32>} : memref<128x128xf32, #tpu.memory_space<vmem>>, vector<16xf32>,
        %sub3A_2564 = arith.subf %add3A_1530, %get3A_2563 : vector<16xf32>
        %mul3A_2565 = arith.mulf %sub3A_2564, %sub3A_2564 : vector<16xf32>
        %add3A_2566 = arith.addf %add3A_2560, %mul3A_2565 : vector<16xf32>
        %broadcast_in_dim3A_2567 = vector.broadcast %add3A_2543 : i32 to vector<16xi32>
        %reduce_sum3A_2568 = arith.constant true
        %reduce_sum3A_2569 = vector.broadcast %reduce_sum3A_2568 : i1 to vector<16xi1>
        %reduce_sum3A_2570 = tpu.scan <sum>, %add3A_2566 masked %reduce_sum3A_2569 : vector<16xf32>, vector<16xi1> -> vector<16xf32>
        %reduce_sum3A_2571 = vector.extract %reduce_sum3A_2570[15] : f32 from vector<16xf32>
        %broadcast_in_dim3A_2572 = vector.broadcast %reduce_sum3A_2571 : f32 to vector<16xf32>
        tpu.vector_store_idx %arg24[%broadcast_in_dim3A_2567], %broadcast_in_dim3A_2572 masked %eq3A_22 : memref<128xf32, #tpu.memory_space<vmem>>[vector<16xi32>], vector<16xf32>, vector<16xi1>
        %mul3A_2573 = arith.constant 16 : i32
        %mul3A_2574 = arith.muli %scan3A_2046, %mul3A_2573 : i32
        %add3A_2575 = arith.constant 0 : i32
        %add3A_2576 = arith.addi %add3A_2575, %mul3A_2574 : i32
        %add3A_2577 = arith.constant 15 : i32
        %add3A_2578 = arith.addi %add3A_2576, %add3A_2577 : i32
        %get3A_2579 = arith.index_cast %add3A_2578 : i32 to index
        %get3A_2580 = arith.constant 0 : index
        %get3A_2581 = tpu.vector_load %arg23[%get3A_2579, %get3A_2580] {strides = array<i32>} : memref<128x128xf32, #tpu.memory_space<vmem>>, vector<16xf32>,
        %sub3A_2582 = arith.subf %add3A_1506, %get3A_2581 : vector<16xf32>
        %mul3A_2583 = arith.mulf %sub3A_2582, %sub3A_2582 : vector<16xf32>
        %get3A_2584 = arith.index_cast %add3A_2578 : i32 to index
        %get3A_2585 = arith.constant 16 : index
        %get3A_2586 = tpu.vector_load %arg23[%get3A_2584, %get3A_2585] {strides = array<i32>} : memref<128x128xf32, #tpu.memory_space<vmem>>, vector<16xf32>,
        %sub3A_2587 = arith.subf %add3A_1514, %get3A_2586 : vector<16xf32>
        %mul3A_2588 = arith.mulf %sub3A_2587, %sub3A_2587 : vector<16xf32>
        %add3A_2589 = arith.addf %mul3A_2583, %mul3A_2588 : vector<16xf32>
        %get3A_2590 = arith.index_cast %add3A_2578 : i32 to index
        %get3A_2591 = arith.constant 32 : index
        %get3A_2592 = tpu.vector_load %arg23[%get3A_2590, %get3A_2591] {strides = array<i32>} : memref<128x128xf32, #tpu.memory_space<vmem>>, vector<16xf32>,
        %sub3A_2593 = arith.subf %add3A_1522, %get3A_2592 : vector<16xf32>
        %mul3A_2594 = arith.mulf %sub3A_2593, %sub3A_2593 : vector<16xf32>
        %add3A_2595 = arith.addf %add3A_2589, %mul3A_2594 : vector<16xf32>
        %get3A_2596 = arith.index_cast %add3A_2578 : i32 to index
        %get3A_2597 = arith.constant 48 : index
        %get3A_2598 = tpu.vector_load %arg23[%get3A_2596, %get3A_2597] {strides = array<i32>} : memref<128x128xf32, #tpu.memory_space<vmem>>, vector<16xf32>,
        %sub3A_2599 = arith.subf %add3A_1530, %get3A_2598 : vector<16xf32>
        %mul3A_2600 = arith.mulf %sub3A_2599, %sub3A_2599 : vector<16xf32>
        %add3A_2601 = arith.addf %add3A_2595, %mul3A_2600 : vector<16xf32>
        %broadcast_in_dim3A_2602 = vector.broadcast %add3A_2578 : i32 to vector<16xi32>
        %reduce_sum3A_2603 = arith.constant true
        %reduce_sum3A_2604 = vector.broadcast %reduce_sum3A_2603 : i1 to vector<16xi1>
        %reduce_sum3A_2605 = tpu.scan <sum>, %add3A_2601 masked %reduce_sum3A_2604 : vector<16xf32>, vector<16xi1> -> vector<16xf32>
        %reduce_sum3A_2606 = vector.extract %reduce_sum3A_2605[15] : f32 from vector<16xf32>
        %broadcast_in_dim3A_2607 = vector.broadcast %reduce_sum3A_2606 : f32 to vector<16xf32>
        tpu.vector_store_idx %arg24[%broadcast_in_dim3A_2602], %broadcast_in_dim3A_2607 masked %eq3A_22 : memref<128xf32, #tpu.memory_space<vmem>>[vector<16xi32>], vector<16xf32>, vector<16xi1>
        %scan3A_2608 = arith.constant 0 : i32
        scf.yield %scan3A_2608 : i32
      }
      %scan3A_1565 = arith.constant 4 : i32
      %mul3A_1566 = arith.constant 2 : i32
      %mul3A_1567 = arith.muli %add3A_1486, %mul3A_1566 : i32
      %add3A_1568 = arith.constant 1 : i32
      %add3A_1569 = arith.addi %mul3A_1567, %add3A_1568 : i32
      %broadcast_in_dim3A_1570 = vector.broadcast %add3A_1569 : i32 to vector<16xi32>
      %gather3A_1571 = tpu.vector_load_idx %arg18[%broadcast_in_dim3A_1570] : memref<128xf32, #tpu.memory_space<vmem>>[vector<16xi32>], vector<16xf32>,
      %get3A_1572 = arith.index_cast %add3A_1569 : i32 to index
      %get3A_1573 = arith.constant 0 : index
      %get3A_1574 = tpu.vector_load %arg19[%get3A_1572, %get3A_1573] {strides = array<i32>} : memref<128x128xf32, #tpu.memory_space<vmem>>, vector<16xf32>,
      %get3A_1575 = arith.index_cast %add3A_1569 : i32 to index
      %get3A_1576 = arith.constant 0 : index
      %get3A_1577 = tpu.vector_load %arg21[%get3A_1575, %get3A_1576] {strides = array<i32>} : memref<128x128xf32, #tpu.memory_space<vmem>>, vector<16xf32>,
      %mul3A_1578 = arith.mulf %gather3A_1571, %get3A_1577 : vector<16xf32>
      %add3A_1579 = arith.addf %get3A_1574, %mul3A_1578 : vector<16xf32>
      %get3A_1580 = arith.index_cast %add3A_1569 : i32 to index
      %get3A_1581 = arith.constant 16 : index
      %get3A_1582 = tpu.vector_load %arg19[%get3A_1580, %get3A_1581] {strides = array<i32>} : memref<128x128xf32, #tpu.memory_space<vmem>>, vector<16xf32>,
      %get3A_1583 = arith.index_cast %add3A_1569 : i32 to index
      %get3A_1584 = arith.constant 16 : index
      %get3A_1585 = tpu.vector_load %arg21[%get3A_1583, %get3A_1584] {strides = array<i32>} : memref<128x128xf32, #tpu.memory_space<vmem>>, vector<16xf32>,
      %mul3A_1586 = arith.mulf %gather3A_1571, %get3A_1585 : vector<16xf32>
      %add3A_1587 = arith.addf %get3A_1582, %mul3A_1586 : vector<16xf32>
      %get3A_1588 = arith.index_cast %add3A_1569 : i32 to index
      %get3A_1589 = arith.constant 32 : index
      %get3A_1590 = tpu.vector_load %arg19[%get3A_1588, %get3A_1589] {strides = array<i32>} : memref<128x128xf32, #tpu.memory_space<vmem>>, vector<16xf32>,
      %get3A_1591 = arith.index_cast %add3A_1569 : i32 to index
      %get3A_1592 = arith.constant 32 : index
      %get3A_1593 = tpu.vector_load %arg21[%get3A_1591, %get3A_1592] {strides = array<i32>} : memref<128x128xf32, #tpu.memory_space<vmem>>, vector<16xf32>,
      %mul3A_1594 = arith.mulf %gather3A_1571, %get3A_1593 : vector<16xf32>
      %add3A_1595 = arith.addf %get3A_1590, %mul3A_1594 : vector<16xf32>
      %get3A_1596 = arith.index_cast %add3A_1569 : i32 to index
      %get3A_1597 = arith.constant 48 : index
      %get3A_1598 = tpu.vector_load %arg19[%get3A_1596, %get3A_1597] {strides = array<i32>} : memref<128x128xf32, #tpu.memory_space<vmem>>, vector<16xf32>,
      %get3A_1599 = arith.index_cast %add3A_1569 : i32 to index
      %get3A_1600 = arith.constant 48 : index
      %get3A_1601 = tpu.vector_load %arg21[%get3A_1599, %get3A_1600] {strides = array<i32>} : memref<128x128xf32, #tpu.memory_space<vmem>>, vector<16xf32>,
      %mul3A_1602 = arith.mulf %gather3A_1571, %get3A_1601 : vector<16xf32>
      %add3A_1603 = arith.addf %get3A_1598, %mul3A_1602 : vector<16xf32>
      %get3A_1604 = arith.index_cast %add3A_1569 : i32 to index
      %get3A_1605 = arith.constant 0 : index
      %get3A_1606 = tpu.vector_load %arg20[%get3A_1604, %get3A_1605] {strides = array<i32>} : memref<128x128xf32, #tpu.memory_space<vmem>>, vector<16xf32>,
      %sub3A_1607 = arith.subf %add3A_1579, %get3A_1606 : vector<16xf32>
      %mul3A_1608 = arith.mulf %sub3A_1607, %sub3A_1607 : vector<16xf32>
      %get3A_1609 = arith.index_cast %add3A_1569 : i32 to index
      %get3A_1610 = arith.constant 16 : index
      %get3A_1611 = tpu.vector_load %arg20[%get3A_1609, %get3A_1610] {strides = array<i32>} : memref<128x128xf32, #tpu.memory_space<vmem>>, vector<16xf32>,
      %sub3A_1612 = arith.subf %add3A_1587, %get3A_1611 : vector<16xf32>
      %mul3A_1613 = arith.mulf %sub3A_1612, %sub3A_1612 : vector<16xf32>
      %add3A_1614 = arith.addf %mul3A_1608, %mul3A_1613 : vector<16xf32>
      %get3A_1615 = arith.index_cast %add3A_1569 : i32 to index
      %get3A_1616 = arith.constant 32 : index
      %get3A_1617 = tpu.vector_load %arg20[%get3A_1615, %get3A_1616] {strides = array<i32>} : memref<128x128xf32, #tpu.memory_space<vmem>>, vector<16xf32>,
      %sub3A_1618 = arith.subf %add3A_1595, %get3A_1617 : vector<16xf32>
      %mul3A_1619 = arith.mulf %sub3A_1618, %sub3A_1618 : vector<16xf32>
      %add3A_1620 = arith.addf %add3A_1614, %mul3A_1619 : vector<16xf32>
      %get3A_1621 = arith.index_cast %add3A_1569 : i32 to index
      %get3A_1622 = arith.constant 48 : index
      %get3A_1623 = tpu.vector_load %arg20[%get3A_1621, %get3A_1622] {strides = array<i32>} : memref<128x128xf32, #tpu.memory_space<vmem>>, vector<16xf32>,
      %sub3A_1624 = arith.subf %add3A_1603, %get3A_1623 : vector<16xf32>
      %mul3A_1625 = arith.mulf %sub3A_1624, %sub3A_1624 : vector<16xf32>
      %add3A_1626 = arith.addf %add3A_1620, %mul3A_1625 : vector<16xf32>
      %reduce_sum3A_1627 = arith.constant true
      %reduce_sum3A_1628 = vector.broadcast %reduce_sum3A_1627 : i1 to vector<16xi1>
      %reduce_sum3A_1629 = tpu.scan <sum>, %add3A_1626 masked %reduce_sum3A_1628 : vector<16xf32>, vector<16xi1> -> vector<16xf32>
      %reduce_sum3A_1630 = vector.extract %reduce_sum3A_1629[15] : f32 from vector<16xf32>
      %broadcast_in_dim3A_1631 = vector.broadcast %reduce_sum3A_1630 : f32 to vector<16xf32>
      tpu.vector_store_idx %arg25[%broadcast_in_dim3A_1570], %broadcast_in_dim3A_1631 masked %eq3A_22 : memref<128xf32, #tpu.memory_space<vmem>>[vector<16xi32>], vector<16xf32>, vector<16xi1>
      %scan3A_1632 = arith.constant 0 : i32
      %scan3A_1633 = arith.constant 0 : i32
      %scan3A_1634 = arith.constant 4 : i32
      %scan3A_1635 = arith.addi %scan3A_1633, %scan3A_1634 : i32
      %scan3A_1636 = arith.constant 1 : i32
      %scan3A_1637 = scf.for %scan3A_2046 = %scan3A_1633 to %scan3A_1635 step %scan3A_1636 iter_args(%scan3A_2047 = %scan3A_1632) -> (i32)  : i32 {
        %mul3A_2048 = arith.constant 16 : i32
        %mul3A_2049 = arith.muli %scan3A_2046, %mul3A_2048 : i32
        %add3A_2050 = arith.constant 64 : i32
        %add3A_2051 = arith.addi %add3A_2050, %mul3A_2049 : i32
        %add3A_2052 = arith.constant 0 : i32
        %add3A_2053 = arith.addi %add3A_2051, %add3A_2052 : i32
        %get3A_2054 = arith.index_cast %add3A_2053 : i32 to index
        %get3A_2055 = arith.constant 0 : index
        %get3A_2056 = tpu.vector_load %arg23[%get3A_2054, %get3A_2055] {strides = array<i32>} : memref<128x128xf32, #tpu.memory_space<vmem>>, vector<16xf32>,
        %sub3A_2057 = arith.subf %add3A_1579, %get3A_2056 : vector<16xf32>
        %mul3A_2058 = arith.mulf %sub3A_2057, %sub3A_2057 : vector<16xf32>
        %get3A_2059 = arith.index_cast %add3A_2053 : i32 to index
        %get3A_2060 = arith.constant 16 : index
        %get3A_2061 = tpu.vector_load %arg23[%get3A_2059, %get3A_2060] {strides = array<i32>} : memref<128x128xf32, #tpu.memory_space<vmem>>, vector<16xf32>,
        %sub3A_2062 = arith.subf %add3A_1587, %get3A_2061 : vector<16xf32>
        %mul3A_2063 = arith.mulf %sub3A_2062, %sub3A_2062 : vector<16xf32>
        %add3A_2064 = arith.addf %mul3A_2058, %mul3A_2063 : vector<16xf32>
        %get3A_2065 = arith.index_cast %add3A_2053 : i32 to index
        %get3A_2066 = arith.constant 32 : index
        %get3A_2067 = tpu.vector_load %arg23[%get3A_2065, %get3A_2066] {strides = array<i32>} : memref<128x128xf32, #tpu.memory_space<vmem>>, vector<16xf32>,
        %sub3A_2068 = arith.subf %add3A_1595, %get3A_2067 : vector<16xf32>
        %mul3A_2069 = arith.mulf %sub3A_2068, %sub3A_2068 : vector<16xf32>
        %add3A_2070 = arith.addf %add3A_2064, %mul3A_2069 : vector<16xf32>
        %get3A_2071 = arith.index_cast %add3A_2053 : i32 to index
        %get3A_2072 = arith.constant 48 : index
        %get3A_2073 = tpu.vector_load %arg23[%get3A_2071, %get3A_2072] {strides = array<i32>} : memref<128x128xf32, #tpu.memory_space<vmem>>, vector<16xf32>,
        %sub3A_2074 = arith.subf %add3A_1603, %get3A_2073 : vector<16xf32>
        %mul3A_2075 = arith.mulf %sub3A_2074, %sub3A_2074 : vector<16xf32>
        %add3A_2076 = arith.addf %add3A_2070, %mul3A_2075 : vector<16xf32>
        %broadcast_in_dim3A_2077 = vector.broadcast %add3A_2053 : i32 to vector<16xi32>
        %reduce_sum3A_2078 = arith.constant true
        %reduce_sum3A_2079 = vector.broadcast %reduce_sum3A_2078 : i1 to vector<16xi1>
        %reduce_sum3A_2080 = tpu.scan <sum>, %add3A_2076 masked %reduce_sum3A_2079 : vector<16xf32>, vector<16xi1> -> vector<16xf32>
        %reduce_sum3A_2081 = vector.extract %reduce_sum3A_2080[15] : f32 from vector<16xf32>
        %broadcast_in_dim3A_2082 = vector.broadcast %reduce_sum3A_2081 : f32 to vector<16xf32>
        tpu.vector_store_idx %arg24[%broadcast_in_dim3A_2077], %broadcast_in_dim3A_2082 masked %eq3A_22 : memref<128xf32, #tpu.memory_space<vmem>>[vector<16xi32>], vector<16xf32>, vector<16xi1>
        %mul3A_2083 = arith.constant 16 : i32
        %mul3A_2084 = arith.muli %scan3A_2046, %mul3A_2083 : i32
        %add3A_2085 = arith.constant 64 : i32
        %add3A_2086 = arith.addi %add3A_2085, %mul3A_2084 : i32
        %add3A_2087 = arith.constant 1 : i32
        %add3A_2088 = arith.addi %add3A_2086, %add3A_2087 : i32
        %get3A_2089 = arith.index_cast %add3A_2088 : i32 to index
        %get3A_2090 = arith.constant 0 : index
        %get3A_2091 = tpu.vector_load %arg23[%get3A_2089, %get3A_2090] {strides = array<i32>} : memref<128x128xf32, #tpu.memory_space<vmem>>, vector<16xf32>,
        %sub3A_2092 = arith.subf %add3A_1579, %get3A_2091 : vector<16xf32>
        %mul3A_2093 = arith.mulf %sub3A_2092, %sub3A_2092 : vector<16xf32>
        %get3A_2094 = arith.index_cast %add3A_2088 : i32 to index
        %get3A_2095 = arith.constant 16 : index
        %get3A_2096 = tpu.vector_load %arg23[%get3A_2094, %get3A_2095] {strides = array<i32>} : memref<128x128xf32, #tpu.memory_space<vmem>>, vector<16xf32>,
        %sub3A_2097 = arith.subf %add3A_1587, %get3A_2096 : vector<16xf32>
        %mul3A_2098 = arith.mulf %sub3A_2097, %sub3A_2097 : vector<16xf32>
        %add3A_2099 = arith.addf %mul3A_2093, %mul3A_2098 : vector<16xf32>
        %get3A_2100 = arith.index_cast %add3A_2088 : i32 to index
        %get3A_2101 = arith.constant 32 : index
        %get3A_2102 = tpu.vector_load %arg23[%get3A_2100, %get3A_2101] {strides = array<i32>} : memref<128x128xf32, #tpu.memory_space<vmem>>, vector<16xf32>,
        %sub3A_2103 = arith.subf %add3A_1595, %get3A_2102 : vector<16xf32>
        %mul3A_2104 = arith.mulf %sub3A_2103, %sub3A_2103 : vector<16xf32>
        %add3A_2105 = arith.addf %add3A_2099, %mul3A_2104 : vector<16xf32>
        %get3A_2106 = arith.index_cast %add3A_2088 : i32 to index
        %get3A_2107 = arith.constant 48 : index
        %get3A_2108 = tpu.vector_load %arg23[%get3A_2106, %get3A_2107] {strides = array<i32>} : memref<128x128xf32, #tpu.memory_space<vmem>>, vector<16xf32>,
        %sub3A_2109 = arith.subf %add3A_1603, %get3A_2108 : vector<16xf32>
        %mul3A_2110 = arith.mulf %sub3A_2109, %sub3A_2109 : vector<16xf32>
        %add3A_2111 = arith.addf %add3A_2105, %mul3A_2110 : vector<16xf32>
        %broadcast_in_dim3A_2112 = vector.broadcast %add3A_2088 : i32 to vector<16xi32>
        %reduce_sum3A_2113 = arith.constant true
        %reduce_sum3A_2114 = vector.broadcast %reduce_sum3A_2113 : i1 to vector<16xi1>
        %reduce_sum3A_2115 = tpu.scan <sum>, %add3A_2111 masked %reduce_sum3A_2114 : vector<16xf32>, vector<16xi1> -> vector<16xf32>
        %reduce_sum3A_2116 = vector.extract %reduce_sum3A_2115[15] : f32 from vector<16xf32>
        %broadcast_in_dim3A_2117 = vector.broadcast %reduce_sum3A_2116 : f32 to vector<16xf32>
        tpu.vector_store_idx %arg24[%broadcast_in_dim3A_2112], %broadcast_in_dim3A_2117 masked %eq3A_22 : memref<128xf32, #tpu.memory_space<vmem>>[vector<16xi32>], vector<16xf32>, vector<16xi1>
        %mul3A_2118 = arith.constant 16 : i32
        %mul3A_2119 = arith.muli %scan3A_2046, %mul3A_2118 : i32
        %add3A_2120 = arith.constant 64 : i32
        %add3A_2121 = arith.addi %add3A_2120, %mul3A_2119 : i32
        %add3A_2122 = arith.constant 2 : i32
        %add3A_2123 = arith.addi %add3A_2121, %add3A_2122 : i32
        %get3A_2124 = arith.index_cast %add3A_2123 : i32 to index
        %get3A_2125 = arith.constant 0 : index
        %get3A_2126 = tpu.vector_load %arg23[%get3A_2124, %get3A_2125] {strides = array<i32>} : memref<128x128xf32, #tpu.memory_space<vmem>>, vector<16xf32>,
        %sub3A_2127 = arith.subf %add3A_1579, %get3A_2126 : vector<16xf32>
        %mul3A_2128 = arith.mulf %sub3A_2127, %sub3A_2127 : vector<16xf32>
        %get3A_2129 = arith.index_cast %add3A_2123 : i32 to index
        %get3A_2130 = arith.constant 16 : index
        %get3A_2131 = tpu.vector_load %arg23[%get3A_2129, %get3A_2130] {strides = array<i32>} : memref<128x128xf32, #tpu.memory_space<vmem>>, vector<16xf32>,
        %sub3A_2132 = arith.subf %add3A_1587, %get3A_2131 : vector<16xf32>
        %mul3A_2133 = arith.mulf %sub3A_2132, %sub3A_2132 : vector<16xf32>
        %add3A_2134 = arith.addf %mul3A_2128, %mul3A_2133 : vector<16xf32>
        %get3A_2135 = arith.index_cast %add3A_2123 : i32 to index
        %get3A_2136 = arith.constant 32 : index
        %get3A_2137 = tpu.vector_load %arg23[%get3A_2135, %get3A_2136] {strides = array<i32>} : memref<128x128xf32, #tpu.memory_space<vmem>>, vector<16xf32>,
        %sub3A_2138 = arith.subf %add3A_1595, %get3A_2137 : vector<16xf32>
        %mul3A_2139 = arith.mulf %sub3A_2138, %sub3A_2138 : vector<16xf32>
        %add3A_2140 = arith.addf %add3A_2134, %mul3A_2139 : vector<16xf32>
        %get3A_2141 = arith.index_cast %add3A_2123 : i32 to index
        %get3A_2142 = arith.constant 48 : index
        %get3A_2143 = tpu.vector_load %arg23[%get3A_2141, %get3A_2142] {strides = array<i32>} : memref<128x128xf32, #tpu.memory_space<vmem>>, vector<16xf32>,
        %sub3A_2144 = arith.subf %add3A_1603, %get3A_2143 : vector<16xf32>
        %mul3A_2145 = arith.mulf %sub3A_2144, %sub3A_2144 : vector<16xf32>
        %add3A_2146 = arith.addf %add3A_2140, %mul3A_2145 : vector<16xf32>
        %broadcast_in_dim3A_2147 = vector.broadcast %add3A_2123 : i32 to vector<16xi32>
        %reduce_sum3A_2148 = arith.constant true
        %reduce_sum3A_2149 = vector.broadcast %reduce_sum3A_2148 : i1 to vector<16xi1>
        %reduce_sum3A_2150 = tpu.scan <sum>, %add3A_2146 masked %reduce_sum3A_2149 : vector<16xf32>, vector<16xi1> -> vector<16xf32>
        %reduce_sum3A_2151 = vector.extract %reduce_sum3A_2150[15] : f32 from vector<16xf32>
        %broadcast_in_dim3A_2152 = vector.broadcast %reduce_sum3A_2151 : f32 to vector<16xf32>
        tpu.vector_store_idx %arg24[%broadcast_in_dim3A_2147], %broadcast_in_dim3A_2152 masked %eq3A_22 : memref<128xf32, #tpu.memory_space<vmem>>[vector<16xi32>], vector<16xf32>, vector<16xi1>
        %mul3A_2153 = arith.constant 16 : i32
        %mul3A_2154 = arith.muli %scan3A_2046, %mul3A_2153 : i32
        %add3A_2155 = arith.constant 64 : i32
        %add3A_2156 = arith.addi %add3A_2155, %mul3A_2154 : i32
        %add3A_2157 = arith.constant 3 : i32
        %add3A_2158 = arith.addi %add3A_2156, %add3A_2157 : i32
        %get3A_2159 = arith.index_cast %add3A_2158 : i32 to index
        %get3A_2160 = arith.constant 0 : index
        %get3A_2161 = tpu.vector_load %arg23[%get3A_2159, %get3A_2160] {strides = array<i32>} : memref<128x128xf32, #tpu.memory_space<vmem>>, vector<16xf32>,
        %sub3A_2162 = arith.subf %add3A_1579, %get3A_2161 : vector<16xf32>
        %mul3A_2163 = arith.mulf %sub3A_2162, %sub3A_2162 : vector<16xf32>
        %get3A_2164 = arith.index_cast %add3A_2158 : i32 to index
        %get3A_2165 = arith.constant 16 : index
        %get3A_2166 = tpu.vector_load %arg23[%get3A_2164, %get3A_2165] {strides = array<i32>} : memref<128x128xf32, #tpu.memory_space<vmem>>, vector<16xf32>,
        %sub3A_2167 = arith.subf %add3A_1587, %get3A_2166 : vector<16xf32>
        %mul3A_2168 = arith.mulf %sub3A_2167, %sub3A_2167 : vector<16xf32>
        %add3A_2169 = arith.addf %mul3A_2163, %mul3A_2168 : vector<16xf32>
        %get3A_2170 = arith.index_cast %add3A_2158 : i32 to index
        %get3A_2171 = arith.constant 32 : index
        %get3A_2172 = tpu.vector_load %arg23[%get3A_2170, %get3A_2171] {strides = array<i32>} : memref<128x128xf32, #tpu.memory_space<vmem>>, vector<16xf32>,
        %sub3A_2173 = arith.subf %add3A_1595, %get3A_2172 : vector<16xf32>
        %mul3A_2174 = arith.mulf %sub3A_2173, %sub3A_2173 : vector<16xf32>
        %add3A_2175 = arith.addf %add3A_2169, %mul3A_2174 : vector<16xf32>
        %get3A_2176 = arith.index_cast %add3A_2158 : i32 to index
        %get3A_2177 = arith.constant 48 : index
        %get3A_2178 = tpu.vector_load %arg23[%get3A_2176, %get3A_2177] {strides = array<i32>} : memref<128x128xf32, #tpu.memory_space<vmem>>, vector<16xf32>,
        %sub3A_2179 = arith.subf %add3A_1603, %get3A_2178 : vector<16xf32>
        %mul3A_2180 = arith.mulf %sub3A_2179, %sub3A_2179 : vector<16xf32>
        %add3A_2181 = arith.addf %add3A_2175, %mul3A_2180 : vector<16xf32>
        %broadcast_in_dim3A_2182 = vector.broadcast %add3A_2158 : i32 to vector<16xi32>
        %reduce_sum3A_2183 = arith.constant true
        %reduce_sum3A_2184 = vector.broadcast %reduce_sum3A_2183 : i1 to vector<16xi1>
        %reduce_sum3A_2185 = tpu.scan <sum>, %add3A_2181 masked %reduce_sum3A_2184 : vector<16xf32>, vector<16xi1> -> vector<16xf32>
        %reduce_sum3A_2186 = vector.extract %reduce_sum3A_2185[15] : f32 from vector<16xf32>
        %broadcast_in_dim3A_2187 = vector.broadcast %reduce_sum3A_2186 : f32 to vector<16xf32>
        tpu.vector_store_idx %arg24[%broadcast_in_dim3A_2182], %broadcast_in_dim3A_2187 masked %eq3A_22 : memref<128xf32, #tpu.memory_space<vmem>>[vector<16xi32>], vector<16xf32>, vector<16xi1>
        %mul3A_2188 = arith.constant 16 : i32
        %mul3A_2189 = arith.muli %scan3A_2046, %mul3A_2188 : i32
        %add3A_2190 = arith.constant 64 : i32
        %add3A_2191 = arith.addi %add3A_2190, %mul3A_2189 : i32
        %add3A_2192 = arith.constant 4 : i32
        %add3A_2193 = arith.addi %add3A_2191, %add3A_2192 : i32
        %get3A_2194 = arith.index_cast %add3A_2193 : i32 to index
        %get3A_2195 = arith.constant 0 : index
        %get3A_2196 = tpu.vector_load %arg23[%get3A_2194, %get3A_2195] {strides = array<i32>} : memref<128x128xf32, #tpu.memory_space<vmem>>, vector<16xf32>,
        %sub3A_2197 = arith.subf %add3A_1579, %get3A_2196 : vector<16xf32>
        %mul3A_2198 = arith.mulf %sub3A_2197, %sub3A_2197 : vector<16xf32>
        %get3A_2199 = arith.index_cast %add3A_2193 : i32 to index
        %get3A_2200 = arith.constant 16 : index
        %get3A_2201 = tpu.vector_load %arg23[%get3A_2199, %get3A_2200] {strides = array<i32>} : memref<128x128xf32, #tpu.memory_space<vmem>>, vector<16xf32>,
        %sub3A_2202 = arith.subf %add3A_1587, %get3A_2201 : vector<16xf32>
        %mul3A_2203 = arith.mulf %sub3A_2202, %sub3A_2202 : vector<16xf32>
        %add3A_2204 = arith.addf %mul3A_2198, %mul3A_2203 : vector<16xf32>
        %get3A_2205 = arith.index_cast %add3A_2193 : i32 to index
        %get3A_2206 = arith.constant 32 : index
        %get3A_2207 = tpu.vector_load %arg23[%get3A_2205, %get3A_2206] {strides = array<i32>} : memref<128x128xf32, #tpu.memory_space<vmem>>, vector<16xf32>,
        %sub3A_2208 = arith.subf %add3A_1595, %get3A_2207 : vector<16xf32>
        %mul3A_2209 = arith.mulf %sub3A_2208, %sub3A_2208 : vector<16xf32>
        %add3A_2210 = arith.addf %add3A_2204, %mul3A_2209 : vector<16xf32>
        %get3A_2211 = arith.index_cast %add3A_2193 : i32 to index
        %get3A_2212 = arith.constant 48 : index
        %get3A_2213 = tpu.vector_load %arg23[%get3A_2211, %get3A_2212] {strides = array<i32>} : memref<128x128xf32, #tpu.memory_space<vmem>>, vector<16xf32>,
        %sub3A_2214 = arith.subf %add3A_1603, %get3A_2213 : vector<16xf32>
        %mul3A_2215 = arith.mulf %sub3A_2214, %sub3A_2214 : vector<16xf32>
        %add3A_2216 = arith.addf %add3A_2210, %mul3A_2215 : vector<16xf32>
        %broadcast_in_dim3A_2217 = vector.broadcast %add3A_2193 : i32 to vector<16xi32>
        %reduce_sum3A_2218 = arith.constant true
        %reduce_sum3A_2219 = vector.broadcast %reduce_sum3A_2218 : i1 to vector<16xi1>
        %reduce_sum3A_2220 = tpu.scan <sum>, %add3A_2216 masked %reduce_sum3A_2219 : vector<16xf32>, vector<16xi1> -> vector<16xf32>
        %reduce_sum3A_2221 = vector.extract %reduce_sum3A_2220[15] : f32 from vector<16xf32>
        %broadcast_in_dim3A_2222 = vector.broadcast %reduce_sum3A_2221 : f32 to vector<16xf32>
        tpu.vector_store_idx %arg24[%broadcast_in_dim3A_2217], %broadcast_in_dim3A_2222 masked %eq3A_22 : memref<128xf32, #tpu.memory_space<vmem>>[vector<16xi32>], vector<16xf32>, vector<16xi1>
        %mul3A_2223 = arith.constant 16 : i32
        %mul3A_2224 = arith.muli %scan3A_2046, %mul3A_2223 : i32
        %add3A_2225 = arith.constant 64 : i32
        %add3A_2226 = arith.addi %add3A_2225, %mul3A_2224 : i32
        %add3A_2227 = arith.constant 5 : i32
        %add3A_2228 = arith.addi %add3A_2226, %add3A_2227 : i32
        %get3A_2229 = arith.index_cast %add3A_2228 : i32 to index
        %get3A_2230 = arith.constant 0 : index
        %get3A_2231 = tpu.vector_load %arg23[%get3A_2229, %get3A_2230] {strides = array<i32>} : memref<128x128xf32, #tpu.memory_space<vmem>>, vector<16xf32>,
        %sub3A_2232 = arith.subf %add3A_1579, %get3A_2231 : vector<16xf32>
        %mul3A_2233 = arith.mulf %sub3A_2232, %sub3A_2232 : vector<16xf32>
        %get3A_2234 = arith.index_cast %add3A_2228 : i32 to index
        %get3A_2235 = arith.constant 16 : index
        %get3A_2236 = tpu.vector_load %arg23[%get3A_2234, %get3A_2235] {strides = array<i32>} : memref<128x128xf32, #tpu.memory_space<vmem>>, vector<16xf32>,
        %sub3A_2237 = arith.subf %add3A_1587, %get3A_2236 : vector<16xf32>
        %mul3A_2238 = arith.mulf %sub3A_2237, %sub3A_2237 : vector<16xf32>
        %add3A_2239 = arith.addf %mul3A_2233, %mul3A_2238 : vector<16xf32>
        %get3A_2240 = arith.index_cast %add3A_2228 : i32 to index
        %get3A_2241 = arith.constant 32 : index
        %get3A_2242 = tpu.vector_load %arg23[%get3A_2240, %get3A_2241] {strides = array<i32>} : memref<128x128xf32, #tpu.memory_space<vmem>>, vector<16xf32>,
        %sub3A_2243 = arith.subf %add3A_1595, %get3A_2242 : vector<16xf32>
        %mul3A_2244 = arith.mulf %sub3A_2243, %sub3A_2243 : vector<16xf32>
        %add3A_2245 = arith.addf %add3A_2239, %mul3A_2244 : vector<16xf32>
        %get3A_2246 = arith.index_cast %add3A_2228 : i32 to index
        %get3A_2247 = arith.constant 48 : index
        %get3A_2248 = tpu.vector_load %arg23[%get3A_2246, %get3A_2247] {strides = array<i32>} : memref<128x128xf32, #tpu.memory_space<vmem>>, vector<16xf32>,
        %sub3A_2249 = arith.subf %add3A_1603, %get3A_2248 : vector<16xf32>
        %mul3A_2250 = arith.mulf %sub3A_2249, %sub3A_2249 : vector<16xf32>
        %add3A_2251 = arith.addf %add3A_2245, %mul3A_2250 : vector<16xf32>
        %broadcast_in_dim3A_2252 = vector.broadcast %add3A_2228 : i32 to vector<16xi32>
        %reduce_sum3A_2253 = arith.constant true
        %reduce_sum3A_2254 = vector.broadcast %reduce_sum3A_2253 : i1 to vector<16xi1>
        %reduce_sum3A_2255 = tpu.scan <sum>, %add3A_2251 masked %reduce_sum3A_2254 : vector<16xf32>, vector<16xi1> -> vector<16xf32>
        %reduce_sum3A_2256 = vector.extract %reduce_sum3A_2255[15] : f32 from vector<16xf32>
        %broadcast_in_dim3A_2257 = vector.broadcast %reduce_sum3A_2256 : f32 to vector<16xf32>
        tpu.vector_store_idx %arg24[%broadcast_in_dim3A_2252], %broadcast_in_dim3A_2257 masked %eq3A_22 : memref<128xf32, #tpu.memory_space<vmem>>[vector<16xi32>], vector<16xf32>, vector<16xi1>
        %mul3A_2258 = arith.constant 16 : i32
        %mul3A_2259 = arith.muli %scan3A_2046, %mul3A_2258 : i32
        %add3A_2260 = arith.constant 64 : i32
        %add3A_2261 = arith.addi %add3A_2260, %mul3A_2259 : i32
        %add3A_2262 = arith.constant 6 : i32
        %add3A_2263 = arith.addi %add3A_2261, %add3A_2262 : i32
        %get3A_2264 = arith.index_cast %add3A_2263 : i32 to index
        %get3A_2265 = arith.constant 0 : index
        %get3A_2266 = tpu.vector_load %arg23[%get3A_2264, %get3A_2265] {strides = array<i32>} : memref<128x128xf32, #tpu.memory_space<vmem>>, vector<16xf32>,
        %sub3A_2267 = arith.subf %add3A_1579, %get3A_2266 : vector<16xf32>
        %mul3A_2268 = arith.mulf %sub3A_2267, %sub3A_2267 : vector<16xf32>
        %get3A_2269 = arith.index_cast %add3A_2263 : i32 to index
        %get3A_2270 = arith.constant 16 : index
        %get3A_2271 = tpu.vector_load %arg23[%get3A_2269, %get3A_2270] {strides = array<i32>} : memref<128x128xf32, #tpu.memory_space<vmem>>, vector<16xf32>,
        %sub3A_2272 = arith.subf %add3A_1587, %get3A_2271 : vector<16xf32>
        %mul3A_2273 = arith.mulf %sub3A_2272, %sub3A_2272 : vector<16xf32>
        %add3A_2274 = arith.addf %mul3A_2268, %mul3A_2273 : vector<16xf32>
        %get3A_2275 = arith.index_cast %add3A_2263 : i32 to index
        %get3A_2276 = arith.constant 32 : index
        %get3A_2277 = tpu.vector_load %arg23[%get3A_2275, %get3A_2276] {strides = array<i32>} : memref<128x128xf32, #tpu.memory_space<vmem>>, vector<16xf32>,
        %sub3A_2278 = arith.subf %add3A_1595, %get3A_2277 : vector<16xf32>
        %mul3A_2279 = arith.mulf %sub3A_2278, %sub3A_2278 : vector<16xf32>
        %add3A_2280 = arith.addf %add3A_2274, %mul3A_2279 : vector<16xf32>
        %get3A_2281 = arith.index_cast %add3A_2263 : i32 to index
        %get3A_2282 = arith.constant 48 : index
        %get3A_2283 = tpu.vector_load %arg23[%get3A_2281, %get3A_2282] {strides = array<i32>} : memref<128x128xf32, #tpu.memory_space<vmem>>, vector<16xf32>,
        %sub3A_2284 = arith.subf %add3A_1603, %get3A_2283 : vector<16xf32>
        %mul3A_2285 = arith.mulf %sub3A_2284, %sub3A_2284 : vector<16xf32>
        %add3A_2286 = arith.addf %add3A_2280, %mul3A_2285 : vector<16xf32>
        %broadcast_in_dim3A_2287 = vector.broadcast %add3A_2263 : i32 to vector<16xi32>
        %reduce_sum3A_2288 = arith.constant true
        %reduce_sum3A_2289 = vector.broadcast %reduce_sum3A_2288 : i1 to vector<16xi1>
        %reduce_sum3A_2290 = tpu.scan <sum>, %add3A_2286 masked %reduce_sum3A_2289 : vector<16xf32>, vector<16xi1> -> vector<16xf32>
        %reduce_sum3A_2291 = vector.extract %reduce_sum3A_2290[15] : f32 from vector<16xf32>
        %broadcast_in_dim3A_2292 = vector.broadcast %reduce_sum3A_2291 : f32 to vector<16xf32>
        tpu.vector_store_idx %arg24[%broadcast_in_dim3A_2287], %broadcast_in_dim3A_2292 masked %eq3A_22 : memref<128xf32, #tpu.memory_space<vmem>>[vector<16xi32>], vector<16xf32>, vector<16xi1>
        %mul3A_2293 = arith.constant 16 : i32
        %mul3A_2294 = arith.muli %scan3A_2046, %mul3A_2293 : i32
        %add3A_2295 = arith.constant 64 : i32
        %add3A_2296 = arith.addi %add3A_2295, %mul3A_2294 : i32
        %add3A_2297 = arith.constant 7 : i32
        %add3A_2298 = arith.addi %add3A_2296, %add3A_2297 : i32
        %get3A_2299 = arith.index_cast %add3A_2298 : i32 to index
        %get3A_2300 = arith.constant 0 : index
        %get3A_2301 = tpu.vector_load %arg23[%get3A_2299, %get3A_2300] {strides = array<i32>} : memref<128x128xf32, #tpu.memory_space<vmem>>, vector<16xf32>,
        %sub3A_2302 = arith.subf %add3A_1579, %get3A_2301 : vector<16xf32>
        %mul3A_2303 = arith.mulf %sub3A_2302, %sub3A_2302 : vector<16xf32>
        %get3A_2304 = arith.index_cast %add3A_2298 : i32 to index
        %get3A_2305 = arith.constant 16 : index
        %get3A_2306 = tpu.vector_load %arg23[%get3A_2304, %get3A_2305] {strides = array<i32>} : memref<128x128xf32, #tpu.memory_space<vmem>>, vector<16xf32>,
        %sub3A_2307 = arith.subf %add3A_1587, %get3A_2306 : vector<16xf32>
        %mul3A_2308 = arith.mulf %sub3A_2307, %sub3A_2307 : vector<16xf32>
        %add3A_2309 = arith.addf %mul3A_2303, %mul3A_2308 : vector<16xf32>
        %get3A_2310 = arith.index_cast %add3A_2298 : i32 to index
        %get3A_2311 = arith.constant 32 : index
        %get3A_2312 = tpu.vector_load %arg23[%get3A_2310, %get3A_2311] {strides = array<i32>} : memref<128x128xf32, #tpu.memory_space<vmem>>, vector<16xf32>,
        %sub3A_2313 = arith.subf %add3A_1595, %get3A_2312 : vector<16xf32>
        %mul3A_2314 = arith.mulf %sub3A_2313, %sub3A_2313 : vector<16xf32>
        %add3A_2315 = arith.addf %add3A_2309, %mul3A_2314 : vector<16xf32>
        %get3A_2316 = arith.index_cast %add3A_2298 : i32 to index
        %get3A_2317 = arith.constant 48 : index
        %get3A_2318 = tpu.vector_load %arg23[%get3A_2316, %get3A_2317] {strides = array<i32>} : memref<128x128xf32, #tpu.memory_space<vmem>>, vector<16xf32>,
        %sub3A_2319 = arith.subf %add3A_1603, %get3A_2318 : vector<16xf32>
        %mul3A_2320 = arith.mulf %sub3A_2319, %sub3A_2319 : vector<16xf32>
        %add3A_2321 = arith.addf %add3A_2315, %mul3A_2320 : vector<16xf32>
        %broadcast_in_dim3A_2322 = vector.broadcast %add3A_2298 : i32 to vector<16xi32>
        %reduce_sum3A_2323 = arith.constant true
        %reduce_sum3A_2324 = vector.broadcast %reduce_sum3A_2323 : i1 to vector<16xi1>
        %reduce_sum3A_2325 = tpu.scan <sum>, %add3A_2321 masked %reduce_sum3A_2324 : vector<16xf32>, vector<16xi1> -> vector<16xf32>
        %reduce_sum3A_2326 = vector.extract %reduce_sum3A_2325[15] : f32 from vector<16xf32>
        %broadcast_in_dim3A_2327 = vector.broadcast %reduce_sum3A_2326 : f32 to vector<16xf32>
        tpu.vector_store_idx %arg24[%broadcast_in_dim3A_2322], %broadcast_in_dim3A_2327 masked %eq3A_22 : memref<128xf32, #tpu.memory_space<vmem>>[vector<16xi32>], vector<16xf32>, vector<16xi1>
        %mul3A_2328 = arith.constant 16 : i32
        %mul3A_2329 = arith.muli %scan3A_2046, %mul3A_2328 : i32
        %add3A_2330 = arith.constant 64 : i32
        %add3A_2331 = arith.addi %add3A_2330, %mul3A_2329 : i32
        %add3A_2332 = arith.constant 8 : i32
        %add3A_2333 = arith.addi %add3A_2331, %add3A_2332 : i32
        %get3A_2334 = arith.index_cast %add3A_2333 : i32 to index
        %get3A_2335 = arith.constant 0 : index
        %get3A_2336 = tpu.vector_load %arg23[%get3A_2334, %get3A_2335] {strides = array<i32>} : memref<128x128xf32, #tpu.memory_space<vmem>>, vector<16xf32>,
        %sub3A_2337 = arith.subf %add3A_1579, %get3A_2336 : vector<16xf32>
        %mul3A_2338 = arith.mulf %sub3A_2337, %sub3A_2337 : vector<16xf32>
        %get3A_2339 = arith.index_cast %add3A_2333 : i32 to index
        %get3A_2340 = arith.constant 16 : index
        %get3A_2341 = tpu.vector_load %arg23[%get3A_2339, %get3A_2340] {strides = array<i32>} : memref<128x128xf32, #tpu.memory_space<vmem>>, vector<16xf32>,
        %sub3A_2342 = arith.subf %add3A_1587, %get3A_2341 : vector<16xf32>
        %mul3A_2343 = arith.mulf %sub3A_2342, %sub3A_2342 : vector<16xf32>
        %add3A_2344 = arith.addf %mul3A_2338, %mul3A_2343 : vector<16xf32>
        %get3A_2345 = arith.index_cast %add3A_2333 : i32 to index
        %get3A_2346 = arith.constant 32 : index
        %get3A_2347 = tpu.vector_load %arg23[%get3A_2345, %get3A_2346] {strides = array<i32>} : memref<128x128xf32, #tpu.memory_space<vmem>>, vector<16xf32>,
        %sub3A_2348 = arith.subf %add3A_1595, %get3A_2347 : vector<16xf32>
        %mul3A_2349 = arith.mulf %sub3A_2348, %sub3A_2348 : vector<16xf32>
        %add3A_2350 = arith.addf %add3A_2344, %mul3A_2349 : vector<16xf32>
        %get3A_2351 = arith.index_cast %add3A_2333 : i32 to index
        %get3A_2352 = arith.constant 48 : index
        %get3A_2353 = tpu.vector_load %arg23[%get3A_2351, %get3A_2352] {strides = array<i32>} : memref<128x128xf32, #tpu.memory_space<vmem>>, vector<16xf32>,
        %sub3A_2354 = arith.subf %add3A_1603, %get3A_2353 : vector<16xf32>
        %mul3A_2355 = arith.mulf %sub3A_2354, %sub3A_2354 : vector<16xf32>
        %add3A_2356 = arith.addf %add3A_2350, %mul3A_2355 : vector<16xf32>
        %broadcast_in_dim3A_2357 = vector.broadcast %add3A_2333 : i32 to vector<16xi32>
        %reduce_sum3A_2358 = arith.constant true
        %reduce_sum3A_2359 = vector.broadcast %reduce_sum3A_2358 : i1 to vector<16xi1>
        %reduce_sum3A_2360 = tpu.scan <sum>, %add3A_2356 masked %reduce_sum3A_2359 : vector<16xf32>, vector<16xi1> -> vector<16xf32>
        %reduce_sum3A_2361 = vector.extract %reduce_sum3A_2360[15] : f32 from vector<16xf32>
        %broadcast_in_dim3A_2362 = vector.broadcast %reduce_sum3A_2361 : f32 to vector<16xf32>
        tpu.vector_store_idx %arg24[%broadcast_in_dim3A_2357], %broadcast_in_dim3A_2362 masked %eq3A_22 : memref<128xf32, #tpu.memory_space<vmem>>[vector<16xi32>], vector<16xf32>, vector<16xi1>
        %mul3A_2363 = arith.constant 16 : i32
        %mul3A_2364 = arith.muli %scan3A_2046, %mul3A_2363 : i32
        %add3A_2365 = arith.constant 64 : i32
        %add3A_2366 = arith.addi %add3A_2365, %mul3A_2364 : i32
        %add3A_2367 = arith.constant 9 : i32
        %add3A_2368 = arith.addi %add3A_2366, %add3A_2367 : i32
        %get3A_2369 = arith.index_cast %add3A_2368 : i32 to index
        %get3A_2370 = arith.constant 0 : index
        %get3A_2371 = tpu.vector_load %arg23[%get3A_2369, %get3A_2370] {strides = array<i32>} : memref<128x128xf32, #tpu.memory_space<vmem>>, vector<16xf32>,
        %sub3A_2372 = arith.subf %add3A_1579, %get3A_2371 : vector<16xf32>
        %mul3A_2373 = arith.mulf %sub3A_2372, %sub3A_2372 : vector<16xf32>
        %get3A_2374 = arith.index_cast %add3A_2368 : i32 to index
        %get3A_2375 = arith.constant 16 : index
        %get3A_2376 = tpu.vector_load %arg23[%get3A_2374, %get3A_2375] {strides = array<i32>} : memref<128x128xf32, #tpu.memory_space<vmem>>, vector<16xf32>,
        %sub3A_2377 = arith.subf %add3A_1587, %get3A_2376 : vector<16xf32>
        %mul3A_2378 = arith.mulf %sub3A_2377, %sub3A_2377 : vector<16xf32>
        %add3A_2379 = arith.addf %mul3A_2373, %mul3A_2378 : vector<16xf32>
        %get3A_2380 = arith.index_cast %add3A_2368 : i32 to index
        %get3A_2381 = arith.constant 32 : index
        %get3A_2382 = tpu.vector_load %arg23[%get3A_2380, %get3A_2381] {strides = array<i32>} : memref<128x128xf32, #tpu.memory_space<vmem>>, vector<16xf32>,
        %sub3A_2383 = arith.subf %add3A_1595, %get3A_2382 : vector<16xf32>
        %mul3A_2384 = arith.mulf %sub3A_2383, %sub3A_2383 : vector<16xf32>
        %add3A_2385 = arith.addf %add3A_2379, %mul3A_2384 : vector<16xf32>
        %get3A_2386 = arith.index_cast %add3A_2368 : i32 to index
        %get3A_2387 = arith.constant 48 : index
        %get3A_2388 = tpu.vector_load %arg23[%get3A_2386, %get3A_2387] {strides = array<i32>} : memref<128x128xf32, #tpu.memory_space<vmem>>, vector<16xf32>,
        %sub3A_2389 = arith.subf %add3A_1603, %get3A_2388 : vector<16xf32>
        %mul3A_2390 = arith.mulf %sub3A_2389, %sub3A_2389 : vector<16xf32>
        %add3A_2391 = arith.addf %add3A_2385, %mul3A_2390 : vector<16xf32>
        %broadcast_in_dim3A_2392 = vector.broadcast %add3A_2368 : i32 to vector<16xi32>
        %reduce_sum3A_2393 = arith.constant true
        %reduce_sum3A_2394 = vector.broadcast %reduce_sum3A_2393 : i1 to vector<16xi1>
        %reduce_sum3A_2395 = tpu.scan <sum>, %add3A_2391 masked %reduce_sum3A_2394 : vector<16xf32>, vector<16xi1> -> vector<16xf32>
        %reduce_sum3A_2396 = vector.extract %reduce_sum3A_2395[15] : f32 from vector<16xf32>
        %broadcast_in_dim3A_2397 = vector.broadcast %reduce_sum3A_2396 : f32 to vector<16xf32>
        tpu.vector_store_idx %arg24[%broadcast_in_dim3A_2392], %broadcast_in_dim3A_2397 masked %eq3A_22 : memref<128xf32, #tpu.memory_space<vmem>>[vector<16xi32>], vector<16xf32>, vector<16xi1>
        %mul3A_2398 = arith.constant 16 : i32
        %mul3A_2399 = arith.muli %scan3A_2046, %mul3A_2398 : i32
        %add3A_2400 = arith.constant 64 : i32
        %add3A_2401 = arith.addi %add3A_2400, %mul3A_2399 : i32
        %add3A_2402 = arith.constant 10 : i32
        %add3A_2403 = arith.addi %add3A_2401, %add3A_2402 : i32
        %get3A_2404 = arith.index_cast %add3A_2403 : i32 to index
        %get3A_2405 = arith.constant 0 : index
        %get3A_2406 = tpu.vector_load %arg23[%get3A_2404, %get3A_2405] {strides = array<i32>} : memref<128x128xf32, #tpu.memory_space<vmem>>, vector<16xf32>,
        %sub3A_2407 = arith.subf %add3A_1579, %get3A_2406 : vector<16xf32>
        %mul3A_2408 = arith.mulf %sub3A_2407, %sub3A_2407 : vector<16xf32>
        %get3A_2409 = arith.index_cast %add3A_2403 : i32 to index
        %get3A_2410 = arith.constant 16 : index
        %get3A_2411 = tpu.vector_load %arg23[%get3A_2409, %get3A_2410] {strides = array<i32>} : memref<128x128xf32, #tpu.memory_space<vmem>>, vector<16xf32>,
        %sub3A_2412 = arith.subf %add3A_1587, %get3A_2411 : vector<16xf32>
        %mul3A_2413 = arith.mulf %sub3A_2412, %sub3A_2412 : vector<16xf32>
        %add3A_2414 = arith.addf %mul3A_2408, %mul3A_2413 : vector<16xf32>
        %get3A_2415 = arith.index_cast %add3A_2403 : i32 to index
        %get3A_2416 = arith.constant 32 : index
        %get3A_2417 = tpu.vector_load %arg23[%get3A_2415, %get3A_2416] {strides = array<i32>} : memref<128x128xf32, #tpu.memory_space<vmem>>, vector<16xf32>,
        %sub3A_2418 = arith.subf %add3A_1595, %get3A_2417 : vector<16xf32>
        %mul3A_2419 = arith.mulf %sub3A_2418, %sub3A_2418 : vector<16xf32>
        %add3A_2420 = arith.addf %add3A_2414, %mul3A_2419 : vector<16xf32>
        %get3A_2421 = arith.index_cast %add3A_2403 : i32 to index
        %get3A_2422 = arith.constant 48 : index
        %get3A_2423 = tpu.vector_load %arg23[%get3A_2421, %get3A_2422] {strides = array<i32>} : memref<128x128xf32, #tpu.memory_space<vmem>>, vector<16xf32>,
        %sub3A_2424 = arith.subf %add3A_1603, %get3A_2423 : vector<16xf32>
        %mul3A_2425 = arith.mulf %sub3A_2424, %sub3A_2424 : vector<16xf32>
        %add3A_2426 = arith.addf %add3A_2420, %mul3A_2425 : vector<16xf32>
        %broadcast_in_dim3A_2427 = vector.broadcast %add3A_2403 : i32 to vector<16xi32>
        %reduce_sum3A_2428 = arith.constant true
        %reduce_sum3A_2429 = vector.broadcast %reduce_sum3A_2428 : i1 to vector<16xi1>
        %reduce_sum3A_2430 = tpu.scan <sum>, %add3A_2426 masked %reduce_sum3A_2429 : vector<16xf32>, vector<16xi1> -> vector<16xf32>
        %reduce_sum3A_2431 = vector.extract %reduce_sum3A_2430[15] : f32 from vector<16xf32>
        %broadcast_in_dim3A_2432 = vector.broadcast %reduce_sum3A_2431 : f32 to vector<16xf32>
        tpu.vector_store_idx %arg24[%broadcast_in_dim3A_2427], %broadcast_in_dim3A_2432 masked %eq3A_22 : memref<128xf32, #tpu.memory_space<vmem>>[vector<16xi32>], vector<16xf32>, vector<16xi1>
        %mul3A_2433 = arith.constant 16 : i32
        %mul3A_2434 = arith.muli %scan3A_2046, %mul3A_2433 : i32
        %add3A_2435 = arith.constant 64 : i32
        %add3A_2436 = arith.addi %add3A_2435, %mul3A_2434 : i32
        %add3A_2437 = arith.constant 11 : i32
        %add3A_2438 = arith.addi %add3A_2436, %add3A_2437 : i32
        %get3A_2439 = arith.index_cast %add3A_2438 : i32 to index
        %get3A_2440 = arith.constant 0 : index
        %get3A_2441 = tpu.vector_load %arg23[%get3A_2439, %get3A_2440] {strides = array<i32>} : memref<128x128xf32, #tpu.memory_space<vmem>>, vector<16xf32>,
        %sub3A_2442 = arith.subf %add3A_1579, %get3A_2441 : vector<16xf32>
        %mul3A_2443 = arith.mulf %sub3A_2442, %sub3A_2442 : vector<16xf32>
        %get3A_2444 = arith.index_cast %add3A_2438 : i32 to index
        %get3A_2445 = arith.constant 16 : index
        %get3A_2446 = tpu.vector_load %arg23[%get3A_2444, %get3A_2445] {strides = array<i32>} : memref<128x128xf32, #tpu.memory_space<vmem>>, vector<16xf32>,
        %sub3A_2447 = arith.subf %add3A_1587, %get3A_2446 : vector<16xf32>
        %mul3A_2448 = arith.mulf %sub3A_2447, %sub3A_2447 : vector<16xf32>
        %add3A_2449 = arith.addf %mul3A_2443, %mul3A_2448 : vector<16xf32>
        %get3A_2450 = arith.index_cast %add3A_2438 : i32 to index
        %get3A_2451 = arith.constant 32 : index
        %get3A_2452 = tpu.vector_load %arg23[%get3A_2450, %get3A_2451] {strides = array<i32>} : memref<128x128xf32, #tpu.memory_space<vmem>>, vector<16xf32>,
        %sub3A_2453 = arith.subf %add3A_1595, %get3A_2452 : vector<16xf32>
        %mul3A_2454 = arith.mulf %sub3A_2453, %sub3A_2453 : vector<16xf32>
        %add3A_2455 = arith.addf %add3A_2449, %mul3A_2454 : vector<16xf32>
        %get3A_2456 = arith.index_cast %add3A_2438 : i32 to index
        %get3A_2457 = arith.constant 48 : index
        %get3A_2458 = tpu.vector_load %arg23[%get3A_2456, %get3A_2457] {strides = array<i32>} : memref<128x128xf32, #tpu.memory_space<vmem>>, vector<16xf32>,
        %sub3A_2459 = arith.subf %add3A_1603, %get3A_2458 : vector<16xf32>
        %mul3A_2460 = arith.mulf %sub3A_2459, %sub3A_2459 : vector<16xf32>
        %add3A_2461 = arith.addf %add3A_2455, %mul3A_2460 : vector<16xf32>
        %broadcast_in_dim3A_2462 = vector.broadcast %add3A_2438 : i32 to vector<16xi32>
        %reduce_sum3A_2463 = arith.constant true
        %reduce_sum3A_2464 = vector.broadcast %reduce_sum3A_2463 : i1 to vector<16xi1>
        %reduce_sum3A_2465 = tpu.scan <sum>, %add3A_2461 masked %reduce_sum3A_2464 : vector<16xf32>, vector<16xi1> -> vector<16xf32>
        %reduce_sum3A_2466 = vector.extract %reduce_sum3A_2465[15] : f32 from vector<16xf32>
        %broadcast_in_dim3A_2467 = vector.broadcast %reduce_sum3A_2466 : f32 to vector<16xf32>
        tpu.vector_store_idx %arg24[%broadcast_in_dim3A_2462], %broadcast_in_dim3A_2467 masked %eq3A_22 : memref<128xf32, #tpu.memory_space<vmem>>[vector<16xi32>], vector<16xf32>, vector<16xi1>
        %mul3A_2468 = arith.constant 16 : i32
        %mul3A_2469 = arith.muli %scan3A_2046, %mul3A_2468 : i32
        %add3A_2470 = arith.constant 64 : i32
        %add3A_2471 = arith.addi %add3A_2470, %mul3A_2469 : i32
        %add3A_2472 = arith.constant 12 : i32
        %add3A_2473 = arith.addi %add3A_2471, %add3A_2472 : i32
        %get3A_2474 = arith.index_cast %add3A_2473 : i32 to index
        %get3A_2475 = arith.constant 0 : index
        %get3A_2476 = tpu.vector_load %arg23[%get3A_2474, %get3A_2475] {strides = array<i32>} : memref<128x128xf32, #tpu.memory_space<vmem>>, vector<16xf32>,
        %sub3A_2477 = arith.subf %add3A_1579, %get3A_2476 : vector<16xf32>
        %mul3A_2478 = arith.mulf %sub3A_2477, %sub3A_2477 : vector<16xf32>
        %get3A_2479 = arith.index_cast %add3A_2473 : i32 to index
        %get3A_2480 = arith.constant 16 : index
        %get3A_2481 = tpu.vector_load %arg23[%get3A_2479, %get3A_2480] {strides = array<i32>} : memref<128x128xf32, #tpu.memory_space<vmem>>, vector<16xf32>,
        %sub3A_2482 = arith.subf %add3A_1587, %get3A_2481 : vector<16xf32>
        %mul3A_2483 = arith.mulf %sub3A_2482, %sub3A_2482 : vector<16xf32>
        %add3A_2484 = arith.addf %mul3A_2478, %mul3A_2483 : vector<16xf32>
        %get3A_2485 = arith.index_cast %add3A_2473 : i32 to index
        %get3A_2486 = arith.constant 32 : index
        %get3A_2487 = tpu.vector_load %arg23[%get3A_2485, %get3A_2486] {strides = array<i32>} : memref<128x128xf32, #tpu.memory_space<vmem>>, vector<16xf32>,
        %sub3A_2488 = arith.subf %add3A_1595, %get3A_2487 : vector<16xf32>
        %mul3A_2489 = arith.mulf %sub3A_2488, %sub3A_2488 : vector<16xf32>
        %add3A_2490 = arith.addf %add3A_2484, %mul3A_2489 : vector<16xf32>
        %get3A_2491 = arith.index_cast %add3A_2473 : i32 to index
        %get3A_2492 = arith.constant 48 : index
        %get3A_2493 = tpu.vector_load %arg23[%get3A_2491, %get3A_2492] {strides = array<i32>} : memref<128x128xf32, #tpu.memory_space<vmem>>, vector<16xf32>,
        %sub3A_2494 = arith.subf %add3A_1603, %get3A_2493 : vector<16xf32>
        %mul3A_2495 = arith.mulf %sub3A_2494, %sub3A_2494 : vector<16xf32>
        %add3A_2496 = arith.addf %add3A_2490, %mul3A_2495 : vector<16xf32>
        %broadcast_in_dim3A_2497 = vector.broadcast %add3A_2473 : i32 to vector<16xi32>
        %reduce_sum3A_2498 = arith.constant true
        %reduce_sum3A_2499 = vector.broadcast %reduce_sum3A_2498 : i1 to vector<16xi1>
        %reduce_sum3A_2500 = tpu.scan <sum>, %add3A_2496 masked %reduce_sum3A_2499 : vector<16xf32>, vector<16xi1> -> vector<16xf32>
        %reduce_sum3A_2501 = vector.extract %reduce_sum3A_2500[15] : f32 from vector<16xf32>
        %broadcast_in_dim3A_2502 = vector.broadcast %reduce_sum3A_2501 : f32 to vector<16xf32>
        tpu.vector_store_idx %arg24[%broadcast_in_dim3A_2497], %broadcast_in_dim3A_2502 masked %eq3A_22 : memref<128xf32, #tpu.memory_space<vmem>>[vector<16xi32>], vector<16xf32>, vector<16xi1>
        %mul3A_2503 = arith.constant 16 : i32
        %mul3A_2504 = arith.muli %scan3A_2046, %mul3A_2503 : i32
        %add3A_2505 = arith.constant 64 : i32
        %add3A_2506 = arith.addi %add3A_2505, %mul3A_2504 : i32
        %add3A_2507 = arith.constant 13 : i32
        %add3A_2508 = arith.addi %add3A_2506, %add3A_2507 : i32
        %get3A_2509 = arith.index_cast %add3A_2508 : i32 to index
        %get3A_2510 = arith.constant 0 : index
        %get3A_2511 = tpu.vector_load %arg23[%get3A_2509, %get3A_2510] {strides = array<i32>} : memref<128x128xf32, #tpu.memory_space<vmem>>, vector<16xf32>,
        %sub3A_2512 = arith.subf %add3A_1579, %get3A_2511 : vector<16xf32>
        %mul3A_2513 = arith.mulf %sub3A_2512, %sub3A_2512 : vector<16xf32>
        %get3A_2514 = arith.index_cast %add3A_2508 : i32 to index
        %get3A_2515 = arith.constant 16 : index
        %get3A_2516 = tpu.vector_load %arg23[%get3A_2514, %get3A_2515] {strides = array<i32>} : memref<128x128xf32, #tpu.memory_space<vmem>>, vector<16xf32>,
        %sub3A_2517 = arith.subf %add3A_1587, %get3A_2516 : vector<16xf32>
        %mul3A_2518 = arith.mulf %sub3A_2517, %sub3A_2517 : vector<16xf32>
        %add3A_2519 = arith.addf %mul3A_2513, %mul3A_2518 : vector<16xf32>
        %get3A_2520 = arith.index_cast %add3A_2508 : i32 to index
        %get3A_2521 = arith.constant 32 : index
        %get3A_2522 = tpu.vector_load %arg23[%get3A_2520, %get3A_2521] {strides = array<i32>} : memref<128x128xf32, #tpu.memory_space<vmem>>, vector<16xf32>,
        %sub3A_2523 = arith.subf %add3A_1595, %get3A_2522 : vector<16xf32>
        %mul3A_2524 = arith.mulf %sub3A_2523, %sub3A_2523 : vector<16xf32>
        %add3A_2525 = arith.addf %add3A_2519, %mul3A_2524 : vector<16xf32>
        %get3A_2526 = arith.index_cast %add3A_2508 : i32 to index
        %get3A_2527 = arith.constant 48 : index
        %get3A_2528 = tpu.vector_load %arg23[%get3A_2526, %get3A_2527] {strides = array<i32>} : memref<128x128xf32, #tpu.memory_space<vmem>>, vector<16xf32>,
        %sub3A_2529 = arith.subf %add3A_1603, %get3A_2528 : vector<16xf32>
        %mul3A_2530 = arith.mulf %sub3A_2529, %sub3A_2529 : vector<16xf32>
        %add3A_2531 = arith.addf %add3A_2525, %mul3A_2530 : vector<16xf32>
        %broadcast_in_dim3A_2532 = vector.broadcast %add3A_2508 : i32 to vector<16xi32>
        %reduce_sum3A_2533 = arith.constant true
        %reduce_sum3A_2534 = vector.broadcast %reduce_sum3A_2533 : i1 to vector<16xi1>
        %reduce_sum3A_2535 = tpu.scan <sum>, %add3A_2531 masked %reduce_sum3A_2534 : vector<16xf32>, vector<16xi1> -> vector<16xf32>
        %reduce_sum3A_2536 = vector.extract %reduce_sum3A_2535[15] : f32 from vector<16xf32>
        %broadcast_in_dim3A_2537 = vector.broadcast %reduce_sum3A_2536 : f32 to vector<16xf32>
        tpu.vector_store_idx %arg24[%broadcast_in_dim3A_2532], %broadcast_in_dim3A_2537 masked %eq3A_22 : memref<128xf32, #tpu.memory_space<vmem>>[vector<16xi32>], vector<16xf32>, vector<16xi1>
        %mul3A_2538 = arith.constant 16 : i32
        %mul3A_2539 = arith.muli %scan3A_2046, %mul3A_2538 : i32
        %add3A_2540 = arith.constant 64 : i32
        %add3A_2541 = arith.addi %add3A_2540, %mul3A_2539 : i32
        %add3A_2542 = arith.constant 14 : i32
        %add3A_2543 = arith.addi %add3A_2541, %add3A_2542 : i32
        %get3A_2544 = arith.index_cast %add3A_2543 : i32 to index
        %get3A_2545 = arith.constant 0 : index
        %get3A_2546 = tpu.vector_load %arg23[%get3A_2544, %get3A_2545] {strides = array<i32>} : memref<128x128xf32, #tpu.memory_space<vmem>>, vector<16xf32>,
        %sub3A_2547 = arith.subf %add3A_1579, %get3A_2546 : vector<16xf32>
        %mul3A_2548 = arith.mulf %sub3A_2547, %sub3A_2547 : vector<16xf32>
        %get3A_2549 = arith.index_cast %add3A_2543 : i32 to index
        %get3A_2550 = arith.constant 16 : index
        %get3A_2551 = tpu.vector_load %arg23[%get3A_2549, %get3A_2550] {strides = array<i32>} : memref<128x128xf32, #tpu.memory_space<vmem>>, vector<16xf32>,
        %sub3A_2552 = arith.subf %add3A_1587, %get3A_2551 : vector<16xf32>
        %mul3A_2553 = arith.mulf %sub3A_2552, %sub3A_2552 : vector<16xf32>
        %add3A_2554 = arith.addf %mul3A_2548, %mul3A_2553 : vector<16xf32>
        %get3A_2555 = arith.index_cast %add3A_2543 : i32 to index
        %get3A_2556 = arith.constant 32 : index
        %get3A_2557 = tpu.vector_load %arg23[%get3A_2555, %get3A_2556] {strides = array<i32>} : memref<128x128xf32, #tpu.memory_space<vmem>>, vector<16xf32>,
        %sub3A_2558 = arith.subf %add3A_1595, %get3A_2557 : vector<16xf32>
        %mul3A_2559 = arith.mulf %sub3A_2558, %sub3A_2558 : vector<16xf32>
        %add3A_2560 = arith.addf %add3A_2554, %mul3A_2559 : vector<16xf32>
        %get3A_2561 = arith.index_cast %add3A_2543 : i32 to index
        %get3A_2562 = arith.constant 48 : index
        %get3A_2563 = tpu.vector_load %arg23[%get3A_2561, %get3A_2562] {strides = array<i32>} : memref<128x128xf32, #tpu.memory_space<vmem>>, vector<16xf32>,
        %sub3A_2564 = arith.subf %add3A_1603, %get3A_2563 : vector<16xf32>
        %mul3A_2565 = arith.mulf %sub3A_2564, %sub3A_2564 : vector<16xf32>
        %add3A_2566 = arith.addf %add3A_2560, %mul3A_2565 : vector<16xf32>
        %broadcast_in_dim3A_2567 = vector.broadcast %add3A_2543 : i32 to vector<16xi32>
        %reduce_sum3A_2568 = arith.constant true
        %reduce_sum3A_2569 = vector.broadcast %reduce_sum3A_2568 : i1 to vector<16xi1>
        %reduce_sum3A_2570 = tpu.scan <sum>, %add3A_2566 masked %reduce_sum3A_2569 : vector<16xf32>, vector<16xi1> -> vector<16xf32>
        %reduce_sum3A_2571 = vector.extract %reduce_sum3A_2570[15] : f32 from vector<16xf32>
        %broadcast_in_dim3A_2572 = vector.broadcast %reduce_sum3A_2571 : f32 to vector<16xf32>
        tpu.vector_store_idx %arg24[%broadcast_in_dim3A_2567], %broadcast_in_dim3A_2572 masked %eq3A_22 : memref<128xf32, #tpu.memory_space<vmem>>[vector<16xi32>], vector<16xf32>, vector<16xi1>
        %mul3A_2573 = arith.constant 16 : i32
        %mul3A_2574 = arith.muli %scan3A_2046, %mul3A_2573 : i32
        %add3A_2575 = arith.constant 64 : i32
        %add3A_2576 = arith.addi %add3A_2575, %mul3A_2574 : i32
        %add3A_2577 = arith.constant 15 : i32
        %add3A_2578 = arith.addi %add3A_2576, %add3A_2577 : i32
        %get3A_2579 = arith.index_cast %add3A_2578 : i32 to index
        %get3A_2580 = arith.constant 0 : index
        %get3A_2581 = tpu.vector_load %arg23[%get3A_2579, %get3A_2580] {strides = array<i32>} : memref<128x128xf32, #tpu.memory_space<vmem>>, vector<16xf32>,
        %sub3A_2582 = arith.subf %add3A_1579, %get3A_2581 : vector<16xf32>
        %mul3A_2583 = arith.mulf %sub3A_2582, %sub3A_2582 : vector<16xf32>
        %get3A_2584 = arith.index_cast %add3A_2578 : i32 to index
        %get3A_2585 = arith.constant 16 : index
        %get3A_2586 = tpu.vector_load %arg23[%get3A_2584, %get3A_2585] {strides = array<i32>} : memref<128x128xf32, #tpu.memory_space<vmem>>, vector<16xf32>,
        %sub3A_2587 = arith.subf %add3A_1587, %get3A_2586 : vector<16xf32>
        %mul3A_2588 = arith.mulf %sub3A_2587, %sub3A_2587 : vector<16xf32>
        %add3A_2589 = arith.addf %mul3A_2583, %mul3A_2588 : vector<16xf32>
        %get3A_2590 = arith.index_cast %add3A_2578 : i32 to index
        %get3A_2591 = arith.constant 32 : index
        %get3A_2592 = tpu.vector_load %arg23[%get3A_2590, %get3A_2591] {strides = array<i32>} : memref<128x128xf32, #tpu.memory_space<vmem>>, vector<16xf32>,
        %sub3A_2593 = arith.subf %add3A_1595, %get3A_2592 : vector<16xf32>
        %mul3A_2594 = arith.mulf %sub3A_2593, %sub3A_2593 : vector<16xf32>
        %add3A_2595 = arith.addf %add3A_2589, %mul3A_2594 : vector<16xf32>
        %get3A_2596 = arith.index_cast %add3A_2578 : i32 to index
        %get3A_2597 = arith.constant 48 : index
        %get3A_2598 = tpu.vector_load %arg23[%get3A_2596, %get3A_2597] {strides = array<i32>} : memref<128x128xf32, #tpu.memory_space<vmem>>, vector<16xf32>,
        %sub3A_2599 = arith.subf %add3A_1603, %get3A_2598 : vector<16xf32>
        %mul3A_2600 = arith.mulf %sub3A_2599, %sub3A_2599 : vector<16xf32>
        %add3A_2601 = arith.addf %add3A_2595, %mul3A_2600 : vector<16xf32>
        %broadcast_in_dim3A_2602 = vector.broadcast %add3A_2578 : i32 to vector<16xi32>
        %reduce_sum3A_2603 = arith.constant true
        %reduce_sum3A_2604 = vector.broadcast %reduce_sum3A_2603 : i1 to vector<16xi1>
        %reduce_sum3A_2605 = tpu.scan <sum>, %add3A_2601 masked %reduce_sum3A_2604 : vector<16xf32>, vector<16xi1> -> vector<16xf32>
        %reduce_sum3A_2606 = vector.extract %reduce_sum3A_2605[15] : f32 from vector<16xf32>
        %broadcast_in_dim3A_2607 = vector.broadcast %reduce_sum3A_2606 : f32 to vector<16xf32>
        tpu.vector_store_idx %arg24[%broadcast_in_dim3A_2602], %broadcast_in_dim3A_2607 masked %eq3A_22 : memref<128xf32, #tpu.memory_space<vmem>>[vector<16xi32>], vector<16xf32>, vector<16xi1>
        %scan3A_2608 = arith.constant 0 : i32
        scf.yield %scan3A_2608 : i32
      }
      %scan3A_1638 = arith.constant 4 : i32
      %add3A_1639 = arith.constant 2 : i32
      %add3A_1640 = arith.addi %add3A_1486, %add3A_1639 : i32
      %lt3A_1641 = arith.constant 64 : i32
      %lt3A_1642 = arith.cmpi slt, %add3A_1640, %lt3A_1641 : i32
      %convert_element_type3A_1643 = arith.extui %lt3A_1642 : i1 to i32
      %cond3A_1644 = arith.constant 0 : i32
      %cond3A_1645 = arith.cmpi ne, %convert_element_type3A_1643, %cond3A_1644 : i32
      scf.if %cond3A_1645 {
        %add3A_2046 = arith.constant 2 : i32
        %add3A_2047 = arith.addi %add3A_1486, %add3A_2046 : i32
        %mul3A_2048 = arith.constant 128 : i32
        %mul3A_2049 = arith.muli %add3A_2047, %mul3A_2048 : i32
        %dma_start3A_2050 = tpu.memref_slice %arg15[%mul3A_2049] : memref<8192xi32, #tpu.memory_space<vmem>> -> memref<128xi32, #tpu.memory_space<vmem>>
        %dma_start3A_2051 = arith.constant 0 : i32
        %dma_start3A_2052 = arith.constant 0 : i32
        %dma_start3A_2053 = tpu.memref_slice %arg7[%dma_start3A_2051, %dma_start3A_2052] : memref<1000000x128xf32, #tpu.memory_space<hbm>> -> memref<1000000x128xf32, #tpu.memory_space<hbm>>
        tpu.enqueue_indirect_dma source(%dma_start3A_2053 : memref<1000000x128xf32, #tpu.memory_space<hbm>>) target(%arg23 : memref<128x128xf32, #tpu.memory_space<vmem>>) offsets(%dma_start3A_2050 : memref<128xi32, #tpu.memory_space<vmem>>) semaphore(%arg30 : memref<!tpu.dma_semaphore, #tpu.memory_space<semaphore_mem>>)
      } else {
      }
      %get3A_1646 = arith.constant 0 : index
      %get3A_1647 = tpu.vector_load %arg24[%get3A_1646] {strides = array<i32>} : memref<128xf32, #tpu.memory_space<vmem>>, vector<16xf32>,
      %bitcast3A_1648 = vector.bitcast %get3A_1647 : vector<16xf32> to vector<16xi32>
      %shift_right_arithmetic3A_1649 = arith.constant 1 : i32
      %shift_right_arithmetic3A_1650 = vector.broadcast %shift_right_arithmetic3A_1649 : i32 to vector<16xi32>
      %shift_right_arithmetic3A_1651 = arith.shrsi %bitcast3A_1648, %shift_right_arithmetic3A_1650 : vector<16xi32>
      %sub3A_1652 = arith.constant 1597463007 : i32
      %sub3A_1653 = vector.broadcast %sub3A_1652 : i32 to vector<16xi32>
      %sub3A_1654 = arith.subi %sub3A_1653, %shift_right_arithmetic3A_1651 : vector<16xi32>
      %bitcast3A_1655 = vector.bitcast %sub3A_1654 : vector<16xi32> to vector<16xf32>
      %mul3A_1656 = arith.constant 5.000000e-01 : f32
      %mul3A_1657 = vector.broadcast %mul3A_1656 : f32 to vector<16xf32>
      %mul3A_1658 = arith.mulf %mul3A_1657, %get3A_1647 : vector<16xf32>
      %mul3A_1659 = arith.mulf %mul3A_1658, %bitcast3A_1655 : vector<16xf32>
      %mul3A_1660 = arith.mulf %mul3A_1659, %bitcast3A_1655 : vector<16xf32>
      %sub3A_1661 = arith.constant 1.500000e+00 : f32
      %sub3A_1662 = vector.broadcast %sub3A_1661 : f32 to vector<16xf32>
      %sub3A_1663 = arith.subf %sub3A_1662, %mul3A_1660 : vector<16xf32>
      %mul3A_1664 = arith.mulf %bitcast3A_1655, %sub3A_1663 : vector<16xf32>
      %mul3A_1665 = arith.constant 5.000000e-01 : f32
      %mul3A_1666 = vector.broadcast %mul3A_1665 : f32 to vector<16xf32>
      %mul3A_1667 = arith.mulf %mul3A_1666, %get3A_1647 : vector<16xf32>
      %mul3A_1668 = arith.mulf %mul3A_1667, %mul3A_1664 : vector<16xf32>
      %mul3A_1669 = arith.mulf %mul3A_1668, %mul3A_1664 : vector<16xf32>
      %sub3A_1670 = arith.constant 1.500000e+00 : f32
      %sub3A_1671 = vector.broadcast %sub3A_1670 : f32 to vector<16xf32>
      %sub3A_1672 = arith.subf %sub3A_1671, %mul3A_1669 : vector<16xf32>
      %mul3A_1673 = arith.mulf %mul3A_1664, %sub3A_1672 : vector<16xf32>
      %mul3A_1674 = arith.constant 5.000000e-01 : f32
      %mul3A_1675 = vector.broadcast %mul3A_1674 : f32 to vector<16xf32>
      %mul3A_1676 = arith.mulf %mul3A_1675, %get3A_1647 : vector<16xf32>
      %mul3A_1677 = arith.mulf %mul3A_1676, %mul3A_1673 : vector<16xf32>
      %mul3A_1678 = arith.mulf %mul3A_1677, %mul3A_1673 : vector<16xf32>
      %sub3A_1679 = arith.constant 1.500000e+00 : f32
      %sub3A_1680 = vector.broadcast %sub3A_1679 : f32 to vector<16xf32>
      %sub3A_1681 = arith.subf %sub3A_1680, %mul3A_1678 : vector<16xf32>
      %mul3A_1682 = arith.mulf %mul3A_1673, %sub3A_1681 : vector<16xf32>
      %gt3A_1683 = arith.constant 0.000000e+00 : f32
      %gt3A_1684 = vector.broadcast %gt3A_1683 : f32 to vector<16xf32>
      %gt3A_1685 = arith.cmpf ogt, %get3A_1647, %gt3A_1684 : vector<16xf32>
      %mul3A_1686 = arith.mulf %get3A_1647, %mul3A_1682 : vector<16xf32>
      %jit3A_1687 = arith.constant 0.000000e+00 : f32
      %broadcast_in_dim3A_1688 = vector.broadcast %jit3A_1687 : f32 to vector<16xf32>
      %select_n3A_1689 = arith.select %gt3A_1685, %mul3A_1686, %broadcast_in_dim3A_1688 : vector<16xi1>, vector<16xf32>
      %mul3A_1690 = arith.constant 128 : i32
      %mul3A_1691 = arith.muli %add3A_1486, %mul3A_1690 : i32
      %add3A_1692 = arith.constant 0 : i32
      %add3A_1693 = arith.addi %mul3A_1691, %add3A_1692 : i32
      %swap3A_1694 = arith.index_cast %add3A_1693 : i32 to index
      %swap3A_1695 = tpu.vector_load %arg27[%swap3A_1694] {strides = array<i32>} : memref<8192xf32, #tpu.memory_space<vmem>>, vector<16xf32>,
      tpu.vector_store %arg27[%swap3A_1694], %select_n3A_1689 {strides = array<i32>} : memref<8192xf32, #tpu.memory_space<vmem>>, vector<16xf32>,
      %get3A_1696 = arith.constant 16 : index
      %get3A_1697 = tpu.vector_load %arg24[%get3A_1696] {strides = array<i32>} : memref<128xf32, #tpu.memory_space<vmem>>, vector<16xf32>,
      %bitcast3A_1698 = vector.bitcast %get3A_1697 : vector<16xf32> to vector<16xi32>
      %shift_right_arithmetic3A_1699 = arith.constant 1 : i32
      %shift_right_arithmetic3A_1700 = vector.broadcast %shift_right_arithmetic3A_1699 : i32 to vector<16xi32>
      %shift_right_arithmetic3A_1701 = arith.shrsi %bitcast3A_1698, %shift_right_arithmetic3A_1700 : vector<16xi32>
      %sub3A_1702 = arith.constant 1597463007 : i32
      %sub3A_1703 = vector.broadcast %sub3A_1702 : i32 to vector<16xi32>
      %sub3A_1704 = arith.subi %sub3A_1703, %shift_right_arithmetic3A_1701 : vector<16xi32>
      %bitcast3A_1705 = vector.bitcast %sub3A_1704 : vector<16xi32> to vector<16xf32>
      %mul3A_1706 = arith.constant 5.000000e-01 : f32
      %mul3A_1707 = vector.broadcast %mul3A_1706 : f32 to vector<16xf32>
      %mul3A_1708 = arith.mulf %mul3A_1707, %get3A_1697 : vector<16xf32>
      %mul3A_1709 = arith.mulf %mul3A_1708, %bitcast3A_1705 : vector<16xf32>
      %mul3A_1710 = arith.mulf %mul3A_1709, %bitcast3A_1705 : vector<16xf32>
      %sub3A_1711 = arith.constant 1.500000e+00 : f32
      %sub3A_1712 = vector.broadcast %sub3A_1711 : f32 to vector<16xf32>
      %sub3A_1713 = arith.subf %sub3A_1712, %mul3A_1710 : vector<16xf32>
      %mul3A_1714 = arith.mulf %bitcast3A_1705, %sub3A_1713 : vector<16xf32>
      %mul3A_1715 = arith.constant 5.000000e-01 : f32
      %mul3A_1716 = vector.broadcast %mul3A_1715 : f32 to vector<16xf32>
      %mul3A_1717 = arith.mulf %mul3A_1716, %get3A_1697 : vector<16xf32>
      %mul3A_1718 = arith.mulf %mul3A_1717, %mul3A_1714 : vector<16xf32>
      %mul3A_1719 = arith.mulf %mul3A_1718, %mul3A_1714 : vector<16xf32>
      %sub3A_1720 = arith.constant 1.500000e+00 : f32
      %sub3A_1721 = vector.broadcast %sub3A_1720 : f32 to vector<16xf32>
      %sub3A_1722 = arith.subf %sub3A_1721, %mul3A_1719 : vector<16xf32>
      %mul3A_1723 = arith.mulf %mul3A_1714, %sub3A_1722 : vector<16xf32>
      %mul3A_1724 = arith.constant 5.000000e-01 : f32
      %mul3A_1725 = vector.broadcast %mul3A_1724 : f32 to vector<16xf32>
      %mul3A_1726 = arith.mulf %mul3A_1725, %get3A_1697 : vector<16xf32>
      %mul3A_1727 = arith.mulf %mul3A_1726, %mul3A_1723 : vector<16xf32>
      %mul3A_1728 = arith.mulf %mul3A_1727, %mul3A_1723 : vector<16xf32>
      %sub3A_1729 = arith.constant 1.500000e+00 : f32
      %sub3A_1730 = vector.broadcast %sub3A_1729 : f32 to vector<16xf32>
      %sub3A_1731 = arith.subf %sub3A_1730, %mul3A_1728 : vector<16xf32>
      %mul3A_1732 = arith.mulf %mul3A_1723, %sub3A_1731 : vector<16xf32>
      %gt3A_1733 = arith.constant 0.000000e+00 : f32
      %gt3A_1734 = vector.broadcast %gt3A_1733 : f32 to vector<16xf32>
      %gt3A_1735 = arith.cmpf ogt, %get3A_1697, %gt3A_1734 : vector<16xf32>
      %mul3A_1736 = arith.mulf %get3A_1697, %mul3A_1732 : vector<16xf32>
      %jit3A_1737 = arith.constant 0.000000e+00 : f32
      %broadcast_in_dim3A_1738 = vector.broadcast %jit3A_1737 : f32 to vector<16xf32>
      %select_n3A_1739 = arith.select %gt3A_1735, %mul3A_1736, %broadcast_in_dim3A_1738 : vector<16xi1>, vector<16xf32>
      %mul3A_1740 = arith.constant 128 : i32
      %mul3A_1741 = arith.muli %add3A_1486, %mul3A_1740 : i32
      %add3A_1742 = arith.constant 16 : i32
      %add3A_1743 = arith.addi %mul3A_1741, %add3A_1742 : i32
      %swap3A_1744 = arith.index_cast %add3A_1743 : i32 to index
      %swap3A_1745 = tpu.vector_load %arg27[%swap3A_1744] {strides = array<i32>} : memref<8192xf32, #tpu.memory_space<vmem>>, vector<16xf32>,
      tpu.vector_store %arg27[%swap3A_1744], %select_n3A_1739 {strides = array<i32>} : memref<8192xf32, #tpu.memory_space<vmem>>, vector<16xf32>,
      %get3A_1746 = arith.constant 32 : index
      %get3A_1747 = tpu.vector_load %arg24[%get3A_1746] {strides = array<i32>} : memref<128xf32, #tpu.memory_space<vmem>>, vector<16xf32>,
      %bitcast3A_1748 = vector.bitcast %get3A_1747 : vector<16xf32> to vector<16xi32>
      %shift_right_arithmetic3A_1749 = arith.constant 1 : i32
      %shift_right_arithmetic3A_1750 = vector.broadcast %shift_right_arithmetic3A_1749 : i32 to vector<16xi32>
      %shift_right_arithmetic3A_1751 = arith.shrsi %bitcast3A_1748, %shift_right_arithmetic3A_1750 : vector<16xi32>
      %sub3A_1752 = arith.constant 1597463007 : i32
      %sub3A_1753 = vector.broadcast %sub3A_1752 : i32 to vector<16xi32>
      %sub3A_1754 = arith.subi %sub3A_1753, %shift_right_arithmetic3A_1751 : vector<16xi32>
      %bitcast3A_1755 = vector.bitcast %sub3A_1754 : vector<16xi32> to vector<16xf32>
      %mul3A_1756 = arith.constant 5.000000e-01 : f32
      %mul3A_1757 = vector.broadcast %mul3A_1756 : f32 to vector<16xf32>
      %mul3A_1758 = arith.mulf %mul3A_1757, %get3A_1747 : vector<16xf32>
      %mul3A_1759 = arith.mulf %mul3A_1758, %bitcast3A_1755 : vector<16xf32>
      %mul3A_1760 = arith.mulf %mul3A_1759, %bitcast3A_1755 : vector<16xf32>
      %sub3A_1761 = arith.constant 1.500000e+00 : f32
      %sub3A_1762 = vector.broadcast %sub3A_1761 : f32 to vector<16xf32>
      %sub3A_1763 = arith.subf %sub3A_1762, %mul3A_1760 : vector<16xf32>
      %mul3A_1764 = arith.mulf %bitcast3A_1755, %sub3A_1763 : vector<16xf32>
      %mul3A_1765 = arith.constant 5.000000e-01 : f32
      %mul3A_1766 = vector.broadcast %mul3A_1765 : f32 to vector<16xf32>
      %mul3A_1767 = arith.mulf %mul3A_1766, %get3A_1747 : vector<16xf32>
      %mul3A_1768 = arith.mulf %mul3A_1767, %mul3A_1764 : vector<16xf32>
      %mul3A_1769 = arith.mulf %mul3A_1768, %mul3A_1764 : vector<16xf32>
      %sub3A_1770 = arith.constant 1.500000e+00 : f32
      %sub3A_1771 = vector.broadcast %sub3A_1770 : f32 to vector<16xf32>
      %sub3A_1772 = arith.subf %sub3A_1771, %mul3A_1769 : vector<16xf32>
      %mul3A_1773 = arith.mulf %mul3A_1764, %sub3A_1772 : vector<16xf32>
      %mul3A_1774 = arith.constant 5.000000e-01 : f32
      %mul3A_1775 = vector.broadcast %mul3A_1774 : f32 to vector<16xf32>
      %mul3A_1776 = arith.mulf %mul3A_1775, %get3A_1747 : vector<16xf32>
      %mul3A_1777 = arith.mulf %mul3A_1776, %mul3A_1773 : vector<16xf32>
      %mul3A_1778 = arith.mulf %mul3A_1777, %mul3A_1773 : vector<16xf32>
      %sub3A_1779 = arith.constant 1.500000e+00 : f32
      %sub3A_1780 = vector.broadcast %sub3A_1779 : f32 to vector<16xf32>
      %sub3A_1781 = arith.subf %sub3A_1780, %mul3A_1778 : vector<16xf32>
      %mul3A_1782 = arith.mulf %mul3A_1773, %sub3A_1781 : vector<16xf32>
      %gt3A_1783 = arith.constant 0.000000e+00 : f32
      %gt3A_1784 = vector.broadcast %gt3A_1783 : f32 to vector<16xf32>
      %gt3A_1785 = arith.cmpf ogt, %get3A_1747, %gt3A_1784 : vector<16xf32>
      %mul3A_1786 = arith.mulf %get3A_1747, %mul3A_1782 : vector<16xf32>
      %jit3A_1787 = arith.constant 0.000000e+00 : f32
      %broadcast_in_dim3A_1788 = vector.broadcast %jit3A_1787 : f32 to vector<16xf32>
      %select_n3A_1789 = arith.select %gt3A_1785, %mul3A_1786, %broadcast_in_dim3A_1788 : vector<16xi1>, vector<16xf32>
      %mul3A_1790 = arith.constant 128 : i32
      %mul3A_1791 = arith.muli %add3A_1486, %mul3A_1790 : i32
      %add3A_1792 = arith.constant 32 : i32
      %add3A_1793 = arith.addi %mul3A_1791, %add3A_1792 : i32
      %swap3A_1794 = arith.index_cast %add3A_1793 : i32 to index
      %swap3A_1795 = tpu.vector_load %arg27[%swap3A_1794] {strides = array<i32>} : memref<8192xf32, #tpu.memory_space<vmem>>, vector<16xf32>,
      tpu.vector_store %arg27[%swap3A_1794], %select_n3A_1789 {strides = array<i32>} : memref<8192xf32, #tpu.memory_space<vmem>>, vector<16xf32>,
      %get3A_1796 = arith.constant 48 : index
      %get3A_1797 = tpu.vector_load %arg24[%get3A_1796] {strides = array<i32>} : memref<128xf32, #tpu.memory_space<vmem>>, vector<16xf32>,
      %bitcast3A_1798 = vector.bitcast %get3A_1797 : vector<16xf32> to vector<16xi32>
      %shift_right_arithmetic3A_1799 = arith.constant 1 : i32
      %shift_right_arithmetic3A_1800 = vector.broadcast %shift_right_arithmetic3A_1799 : i32 to vector<16xi32>
      %shift_right_arithmetic3A_1801 = arith.shrsi %bitcast3A_1798, %shift_right_arithmetic3A_1800 : vector<16xi32>
      %sub3A_1802 = arith.constant 1597463007 : i32
      %sub3A_1803 = vector.broadcast %sub3A_1802 : i32 to vector<16xi32>
      %sub3A_1804 = arith.subi %sub3A_1803, %shift_right_arithmetic3A_1801 : vector<16xi32>
      %bitcast3A_1805 = vector.bitcast %sub3A_1804 : vector<16xi32> to vector<16xf32>
      %mul3A_1806 = arith.constant 5.000000e-01 : f32
      %mul3A_1807 = vector.broadcast %mul3A_1806 : f32 to vector<16xf32>
      %mul3A_1808 = arith.mulf %mul3A_1807, %get3A_1797 : vector<16xf32>
      %mul3A_1809 = arith.mulf %mul3A_1808, %bitcast3A_1805 : vector<16xf32>
      %mul3A_1810 = arith.mulf %mul3A_1809, %bitcast3A_1805 : vector<16xf32>
      %sub3A_1811 = arith.constant 1.500000e+00 : f32
      %sub3A_1812 = vector.broadcast %sub3A_1811 : f32 to vector<16xf32>
      %sub3A_1813 = arith.subf %sub3A_1812, %mul3A_1810 : vector<16xf32>
      %mul3A_1814 = arith.mulf %bitcast3A_1805, %sub3A_1813 : vector<16xf32>
      %mul3A_1815 = arith.constant 5.000000e-01 : f32
      %mul3A_1816 = vector.broadcast %mul3A_1815 : f32 to vector<16xf32>
      %mul3A_1817 = arith.mulf %mul3A_1816, %get3A_1797 : vector<16xf32>
      %mul3A_1818 = arith.mulf %mul3A_1817, %mul3A_1814 : vector<16xf32>
      %mul3A_1819 = arith.mulf %mul3A_1818, %mul3A_1814 : vector<16xf32>
      %sub3A_1820 = arith.constant 1.500000e+00 : f32
      %sub3A_1821 = vector.broadcast %sub3A_1820 : f32 to vector<16xf32>
      %sub3A_1822 = arith.subf %sub3A_1821, %mul3A_1819 : vector<16xf32>
      %mul3A_1823 = arith.mulf %mul3A_1814, %sub3A_1822 : vector<16xf32>
      %mul3A_1824 = arith.constant 5.000000e-01 : f32
      %mul3A_1825 = vector.broadcast %mul3A_1824 : f32 to vector<16xf32>
      %mul3A_1826 = arith.mulf %mul3A_1825, %get3A_1797 : vector<16xf32>
      %mul3A_1827 = arith.mulf %mul3A_1826, %mul3A_1823 : vector<16xf32>
      %mul3A_1828 = arith.mulf %mul3A_1827, %mul3A_1823 : vector<16xf32>
      %sub3A_1829 = arith.constant 1.500000e+00 : f32
      %sub3A_1830 = vector.broadcast %sub3A_1829 : f32 to vector<16xf32>
      %sub3A_1831 = arith.subf %sub3A_1830, %mul3A_1828 : vector<16xf32>
      %mul3A_1832 = arith.mulf %mul3A_1823, %sub3A_1831 : vector<16xf32>
      %gt3A_1833 = arith.constant 0.000000e+00 : f32
      %gt3A_1834 = vector.broadcast %gt3A_1833 : f32 to vector<16xf32>
      %gt3A_1835 = arith.cmpf ogt, %get3A_1797, %gt3A_1834 : vector<16xf32>
      %mul3A_1836 = arith.mulf %get3A_1797, %mul3A_1832 : vector<16xf32>
      %jit3A_1837 = arith.constant 0.000000e+00 : f32
      %broadcast_in_dim3A_1838 = vector.broadcast %jit3A_1837 : f32 to vector<16xf32>
      %select_n3A_1839 = arith.select %gt3A_1835, %mul3A_1836, %broadcast_in_dim3A_1838 : vector<16xi1>, vector<16xf32>
      %mul3A_1840 = arith.constant 128 : i32
      %mul3A_1841 = arith.muli %add3A_1486, %mul3A_1840 : i32
      %add3A_1842 = arith.constant 48 : i32
      %add3A_1843 = arith.addi %mul3A_1841, %add3A_1842 : i32
      %swap3A_1844 = arith.index_cast %add3A_1843 : i32 to index
      %swap3A_1845 = tpu.vector_load %arg27[%swap3A_1844] {strides = array<i32>} : memref<8192xf32, #tpu.memory_space<vmem>>, vector<16xf32>,
      tpu.vector_store %arg27[%swap3A_1844], %select_n3A_1839 {strides = array<i32>} : memref<8192xf32, #tpu.memory_space<vmem>>, vector<16xf32>,
      %get3A_1846 = arith.constant 64 : index
      %get3A_1847 = tpu.vector_load %arg24[%get3A_1846] {strides = array<i32>} : memref<128xf32, #tpu.memory_space<vmem>>, vector<16xf32>,
      %bitcast3A_1848 = vector.bitcast %get3A_1847 : vector<16xf32> to vector<16xi32>
      %shift_right_arithmetic3A_1849 = arith.constant 1 : i32
      %shift_right_arithmetic3A_1850 = vector.broadcast %shift_right_arithmetic3A_1849 : i32 to vector<16xi32>
      %shift_right_arithmetic3A_1851 = arith.shrsi %bitcast3A_1848, %shift_right_arithmetic3A_1850 : vector<16xi32>
      %sub3A_1852 = arith.constant 1597463007 : i32
      %sub3A_1853 = vector.broadcast %sub3A_1852 : i32 to vector<16xi32>
      %sub3A_1854 = arith.subi %sub3A_1853, %shift_right_arithmetic3A_1851 : vector<16xi32>
      %bitcast3A_1855 = vector.bitcast %sub3A_1854 : vector<16xi32> to vector<16xf32>
      %mul3A_1856 = arith.constant 5.000000e-01 : f32
      %mul3A_1857 = vector.broadcast %mul3A_1856 : f32 to vector<16xf32>
      %mul3A_1858 = arith.mulf %mul3A_1857, %get3A_1847 : vector<16xf32>
      %mul3A_1859 = arith.mulf %mul3A_1858, %bitcast3A_1855 : vector<16xf32>
      %mul3A_1860 = arith.mulf %mul3A_1859, %bitcast3A_1855 : vector<16xf32>
      %sub3A_1861 = arith.constant 1.500000e+00 : f32
      %sub3A_1862 = vector.broadcast %sub3A_1861 : f32 to vector<16xf32>
      %sub3A_1863 = arith.subf %sub3A_1862, %mul3A_1860 : vector<16xf32>
      %mul3A_1864 = arith.mulf %bitcast3A_1855, %sub3A_1863 : vector<16xf32>
      %mul3A_1865 = arith.constant 5.000000e-01 : f32
      %mul3A_1866 = vector.broadcast %mul3A_1865 : f32 to vector<16xf32>
      %mul3A_1867 = arith.mulf %mul3A_1866, %get3A_1847 : vector<16xf32>
      %mul3A_1868 = arith.mulf %mul3A_1867, %mul3A_1864 : vector<16xf32>
      %mul3A_1869 = arith.mulf %mul3A_1868, %mul3A_1864 : vector<16xf32>
      %sub3A_1870 = arith.constant 1.500000e+00 : f32
      %sub3A_1871 = vector.broadcast %sub3A_1870 : f32 to vector<16xf32>
      %sub3A_1872 = arith.subf %sub3A_1871, %mul3A_1869 : vector<16xf32>
      %mul3A_1873 = arith.mulf %mul3A_1864, %sub3A_1872 : vector<16xf32>
      %mul3A_1874 = arith.constant 5.000000e-01 : f32
      %mul3A_1875 = vector.broadcast %mul3A_1874 : f32 to vector<16xf32>
      %mul3A_1876 = arith.mulf %mul3A_1875, %get3A_1847 : vector<16xf32>
      %mul3A_1877 = arith.mulf %mul3A_1876, %mul3A_1873 : vector<16xf32>
      %mul3A_1878 = arith.mulf %mul3A_1877, %mul3A_1873 : vector<16xf32>
      %sub3A_1879 = arith.constant 1.500000e+00 : f32
      %sub3A_1880 = vector.broadcast %sub3A_1879 : f32 to vector<16xf32>
      %sub3A_1881 = arith.subf %sub3A_1880, %mul3A_1878 : vector<16xf32>
      %mul3A_1882 = arith.mulf %mul3A_1873, %sub3A_1881 : vector<16xf32>
      %gt3A_1883 = arith.constant 0.000000e+00 : f32
      %gt3A_1884 = vector.broadcast %gt3A_1883 : f32 to vector<16xf32>
      %gt3A_1885 = arith.cmpf ogt, %get3A_1847, %gt3A_1884 : vector<16xf32>
      %mul3A_1886 = arith.mulf %get3A_1847, %mul3A_1882 : vector<16xf32>
      %jit3A_1887 = arith.constant 0.000000e+00 : f32
      %broadcast_in_dim3A_1888 = vector.broadcast %jit3A_1887 : f32 to vector<16xf32>
      %select_n3A_1889 = arith.select %gt3A_1885, %mul3A_1886, %broadcast_in_dim3A_1888 : vector<16xi1>, vector<16xf32>
      %mul3A_1890 = arith.constant 128 : i32
      %mul3A_1891 = arith.muli %add3A_1486, %mul3A_1890 : i32
      %add3A_1892 = arith.constant 64 : i32
      %add3A_1893 = arith.addi %mul3A_1891, %add3A_1892 : i32
      %swap3A_1894 = arith.index_cast %add3A_1893 : i32 to index
      %swap3A_1895 = tpu.vector_load %arg27[%swap3A_1894] {strides = array<i32>} : memref<8192xf32, #tpu.memory_space<vmem>>, vector<16xf32>,
      tpu.vector_store %arg27[%swap3A_1894], %select_n3A_1889 {strides = array<i32>} : memref<8192xf32, #tpu.memory_space<vmem>>, vector<16xf32>,
      %get3A_1896 = arith.constant 80 : index
      %get3A_1897 = tpu.vector_load %arg24[%get3A_1896] {strides = array<i32>} : memref<128xf32, #tpu.memory_space<vmem>>, vector<16xf32>,
      %bitcast3A_1898 = vector.bitcast %get3A_1897 : vector<16xf32> to vector<16xi32>
      %shift_right_arithmetic3A_1899 = arith.constant 1 : i32
      %shift_right_arithmetic3A_1900 = vector.broadcast %shift_right_arithmetic3A_1899 : i32 to vector<16xi32>
      %shift_right_arithmetic3A_1901 = arith.shrsi %bitcast3A_1898, %shift_right_arithmetic3A_1900 : vector<16xi32>
      %sub3A_1902 = arith.constant 1597463007 : i32
      %sub3A_1903 = vector.broadcast %sub3A_1902 : i32 to vector<16xi32>
      %sub3A_1904 = arith.subi %sub3A_1903, %shift_right_arithmetic3A_1901 : vector<16xi32>
      %bitcast3A_1905 = vector.bitcast %sub3A_1904 : vector<16xi32> to vector<16xf32>
      %mul3A_1906 = arith.constant 5.000000e-01 : f32
      %mul3A_1907 = vector.broadcast %mul3A_1906 : f32 to vector<16xf32>
      %mul3A_1908 = arith.mulf %mul3A_1907, %get3A_1897 : vector<16xf32>
      %mul3A_1909 = arith.mulf %mul3A_1908, %bitcast3A_1905 : vector<16xf32>
      %mul3A_1910 = arith.mulf %mul3A_1909, %bitcast3A_1905 : vector<16xf32>
      %sub3A_1911 = arith.constant 1.500000e+00 : f32
      %sub3A_1912 = vector.broadcast %sub3A_1911 : f32 to vector<16xf32>
      %sub3A_1913 = arith.subf %sub3A_1912, %mul3A_1910 : vector<16xf32>
      %mul3A_1914 = arith.mulf %bitcast3A_1905, %sub3A_1913 : vector<16xf32>
      %mul3A_1915 = arith.constant 5.000000e-01 : f32
      %mul3A_1916 = vector.broadcast %mul3A_1915 : f32 to vector<16xf32>
      %mul3A_1917 = arith.mulf %mul3A_1916, %get3A_1897 : vector<16xf32>
      %mul3A_1918 = arith.mulf %mul3A_1917, %mul3A_1914 : vector<16xf32>
      %mul3A_1919 = arith.mulf %mul3A_1918, %mul3A_1914 : vector<16xf32>
      %sub3A_1920 = arith.constant 1.500000e+00 : f32
      %sub3A_1921 = vector.broadcast %sub3A_1920 : f32 to vector<16xf32>
      %sub3A_1922 = arith.subf %sub3A_1921, %mul3A_1919 : vector<16xf32>
      %mul3A_1923 = arith.mulf %mul3A_1914, %sub3A_1922 : vector<16xf32>
      %mul3A_1924 = arith.constant 5.000000e-01 : f32
      %mul3A_1925 = vector.broadcast %mul3A_1924 : f32 to vector<16xf32>
      %mul3A_1926 = arith.mulf %mul3A_1925, %get3A_1897 : vector<16xf32>
      %mul3A_1927 = arith.mulf %mul3A_1926, %mul3A_1923 : vector<16xf32>
      %mul3A_1928 = arith.mulf %mul3A_1927, %mul3A_1923 : vector<16xf32>
      %sub3A_1929 = arith.constant 1.500000e+00 : f32
      %sub3A_1930 = vector.broadcast %sub3A_1929 : f32 to vector<16xf32>
      %sub3A_1931 = arith.subf %sub3A_1930, %mul3A_1928 : vector<16xf32>
      %mul3A_1932 = arith.mulf %mul3A_1923, %sub3A_1931 : vector<16xf32>
      %gt3A_1933 = arith.constant 0.000000e+00 : f32
      %gt3A_1934 = vector.broadcast %gt3A_1933 : f32 to vector<16xf32>
      %gt3A_1935 = arith.cmpf ogt, %get3A_1897, %gt3A_1934 : vector<16xf32>
      %mul3A_1936 = arith.mulf %get3A_1897, %mul3A_1932 : vector<16xf32>
      %jit3A_1937 = arith.constant 0.000000e+00 : f32
      %broadcast_in_dim3A_1938 = vector.broadcast %jit3A_1937 : f32 to vector<16xf32>
      %select_n3A_1939 = arith.select %gt3A_1935, %mul3A_1936, %broadcast_in_dim3A_1938 : vector<16xi1>, vector<16xf32>
      %mul3A_1940 = arith.constant 128 : i32
      %mul3A_1941 = arith.muli %add3A_1486, %mul3A_1940 : i32
      %add3A_1942 = arith.constant 80 : i32
      %add3A_1943 = arith.addi %mul3A_1941, %add3A_1942 : i32
      %swap3A_1944 = arith.index_cast %add3A_1943 : i32 to index
      %swap3A_1945 = tpu.vector_load %arg27[%swap3A_1944] {strides = array<i32>} : memref<8192xf32, #tpu.memory_space<vmem>>, vector<16xf32>,
      tpu.vector_store %arg27[%swap3A_1944], %select_n3A_1939 {strides = array<i32>} : memref<8192xf32, #tpu.memory_space<vmem>>, vector<16xf32>,
      %get3A_1946 = arith.constant 96 : index
      %get3A_1947 = tpu.vector_load %arg24[%get3A_1946] {strides = array<i32>} : memref<128xf32, #tpu.memory_space<vmem>>, vector<16xf32>,
      %bitcast3A_1948 = vector.bitcast %get3A_1947 : vector<16xf32> to vector<16xi32>
      %shift_right_arithmetic3A_1949 = arith.constant 1 : i32
      %shift_right_arithmetic3A_1950 = vector.broadcast %shift_right_arithmetic3A_1949 : i32 to vector<16xi32>
      %shift_right_arithmetic3A_1951 = arith.shrsi %bitcast3A_1948, %shift_right_arithmetic3A_1950 : vector<16xi32>
      %sub3A_1952 = arith.constant 1597463007 : i32
      %sub3A_1953 = vector.broadcast %sub3A_1952 : i32 to vector<16xi32>
      %sub3A_1954 = arith.subi %sub3A_1953, %shift_right_arithmetic3A_1951 : vector<16xi32>
      %bitcast3A_1955 = vector.bitcast %sub3A_1954 : vector<16xi32> to vector<16xf32>
      %mul3A_1956 = arith.constant 5.000000e-01 : f32
      %mul3A_1957 = vector.broadcast %mul3A_1956 : f32 to vector<16xf32>
      %mul3A_1958 = arith.mulf %mul3A_1957, %get3A_1947 : vector<16xf32>
      %mul3A_1959 = arith.mulf %mul3A_1958, %bitcast3A_1955 : vector<16xf32>
      %mul3A_1960 = arith.mulf %mul3A_1959, %bitcast3A_1955 : vector<16xf32>
      %sub3A_1961 = arith.constant 1.500000e+00 : f32
      %sub3A_1962 = vector.broadcast %sub3A_1961 : f32 to vector<16xf32>
      %sub3A_1963 = arith.subf %sub3A_1962, %mul3A_1960 : vector<16xf32>
      %mul3A_1964 = arith.mulf %bitcast3A_1955, %sub3A_1963 : vector<16xf32>
      %mul3A_1965 = arith.constant 5.000000e-01 : f32
      %mul3A_1966 = vector.broadcast %mul3A_1965 : f32 to vector<16xf32>
      %mul3A_1967 = arith.mulf %mul3A_1966, %get3A_1947 : vector<16xf32>
      %mul3A_1968 = arith.mulf %mul3A_1967, %mul3A_1964 : vector<16xf32>
      %mul3A_1969 = arith.mulf %mul3A_1968, %mul3A_1964 : vector<16xf32>
      %sub3A_1970 = arith.constant 1.500000e+00 : f32
      %sub3A_1971 = vector.broadcast %sub3A_1970 : f32 to vector<16xf32>
      %sub3A_1972 = arith.subf %sub3A_1971, %mul3A_1969 : vector<16xf32>
      %mul3A_1973 = arith.mulf %mul3A_1964, %sub3A_1972 : vector<16xf32>
      %mul3A_1974 = arith.constant 5.000000e-01 : f32
      %mul3A_1975 = vector.broadcast %mul3A_1974 : f32 to vector<16xf32>
      %mul3A_1976 = arith.mulf %mul3A_1975, %get3A_1947 : vector<16xf32>
      %mul3A_1977 = arith.mulf %mul3A_1976, %mul3A_1973 : vector<16xf32>
      %mul3A_1978 = arith.mulf %mul3A_1977, %mul3A_1973 : vector<16xf32>
      %sub3A_1979 = arith.constant 1.500000e+00 : f32
      %sub3A_1980 = vector.broadcast %sub3A_1979 : f32 to vector<16xf32>
      %sub3A_1981 = arith.subf %sub3A_1980, %mul3A_1978 : vector<16xf32>
      %mul3A_1982 = arith.mulf %mul3A_1973, %sub3A_1981 : vector<16xf32>
      %gt3A_1983 = arith.constant 0.000000e+00 : f32
      %gt3A_1984 = vector.broadcast %gt3A_1983 : f32 to vector<16xf32>
      %gt3A_1985 = arith.cmpf ogt, %get3A_1947, %gt3A_1984 : vector<16xf32>
      %mul3A_1986 = arith.mulf %get3A_1947, %mul3A_1982 : vector<16xf32>
      %jit3A_1987 = arith.constant 0.000000e+00 : f32
      %broadcast_in_dim3A_1988 = vector.broadcast %jit3A_1987 : f32 to vector<16xf32>
      %select_n3A_1989 = arith.select %gt3A_1985, %mul3A_1986, %broadcast_in_dim3A_1988 : vector<16xi1>, vector<16xf32>
      %mul3A_1990 = arith.constant 128 : i32
      %mul3A_1991 = arith.muli %add3A_1486, %mul3A_1990 : i32
      %add3A_1992 = arith.constant 96 : i32
      %add3A_1993 = arith.addi %mul3A_1991, %add3A_1992 : i32
      %swap3A_1994 = arith.index_cast %add3A_1993 : i32 to index
      %swap3A_1995 = tpu.vector_load %arg27[%swap3A_1994] {strides = array<i32>} : memref<8192xf32, #tpu.memory_space<vmem>>, vector<16xf32>,
      tpu.vector_store %arg27[%swap3A_1994], %select_n3A_1989 {strides = array<i32>} : memref<8192xf32, #tpu.memory_space<vmem>>, vector<16xf32>,
      %get3A_1996 = arith.constant 112 : index
      %get3A_1997 = tpu.vector_load %arg24[%get3A_1996] {strides = array<i32>} : memref<128xf32, #tpu.memory_space<vmem>>, vector<16xf32>,
      %bitcast3A_1998 = vector.bitcast %get3A_1997 : vector<16xf32> to vector<16xi32>
      %shift_right_arithmetic3A_1999 = arith.constant 1 : i32
      %shift_right_arithmetic3A_2000 = vector.broadcast %shift_right_arithmetic3A_1999 : i32 to vector<16xi32>
      %shift_right_arithmetic3A_2001 = arith.shrsi %bitcast3A_1998, %shift_right_arithmetic3A_2000 : vector<16xi32>
      %sub3A_2002 = arith.constant 1597463007 : i32
      %sub3A_2003 = vector.broadcast %sub3A_2002 : i32 to vector<16xi32>
      %sub3A_2004 = arith.subi %sub3A_2003, %shift_right_arithmetic3A_2001 : vector<16xi32>
      %bitcast3A_2005 = vector.bitcast %sub3A_2004 : vector<16xi32> to vector<16xf32>
      %mul3A_2006 = arith.constant 5.000000e-01 : f32
      %mul3A_2007 = vector.broadcast %mul3A_2006 : f32 to vector<16xf32>
      %mul3A_2008 = arith.mulf %mul3A_2007, %get3A_1997 : vector<16xf32>
      %mul3A_2009 = arith.mulf %mul3A_2008, %bitcast3A_2005 : vector<16xf32>
      %mul3A_2010 = arith.mulf %mul3A_2009, %bitcast3A_2005 : vector<16xf32>
      %sub3A_2011 = arith.constant 1.500000e+00 : f32
      %sub3A_2012 = vector.broadcast %sub3A_2011 : f32 to vector<16xf32>
      %sub3A_2013 = arith.subf %sub3A_2012, %mul3A_2010 : vector<16xf32>
      %mul3A_2014 = arith.mulf %bitcast3A_2005, %sub3A_2013 : vector<16xf32>
      %mul3A_2015 = arith.constant 5.000000e-01 : f32
      %mul3A_2016 = vector.broadcast %mul3A_2015 : f32 to vector<16xf32>
      %mul3A_2017 = arith.mulf %mul3A_2016, %get3A_1997 : vector<16xf32>
      %mul3A_2018 = arith.mulf %mul3A_2017, %mul3A_2014 : vector<16xf32>
      %mul3A_2019 = arith.mulf %mul3A_2018, %mul3A_2014 : vector<16xf32>
      %sub3A_2020 = arith.constant 1.500000e+00 : f32
      %sub3A_2021 = vector.broadcast %sub3A_2020 : f32 to vector<16xf32>
      %sub3A_2022 = arith.subf %sub3A_2021, %mul3A_2019 : vector<16xf32>
      %mul3A_2023 = arith.mulf %mul3A_2014, %sub3A_2022 : vector<16xf32>
      %mul3A_2024 = arith.constant 5.000000e-01 : f32
      %mul3A_2025 = vector.broadcast %mul3A_2024 : f32 to vector<16xf32>
      %mul3A_2026 = arith.mulf %mul3A_2025, %get3A_1997 : vector<16xf32>
      %mul3A_2027 = arith.mulf %mul3A_2026, %mul3A_2023 : vector<16xf32>
      %mul3A_2028 = arith.mulf %mul3A_2027, %mul3A_2023 : vector<16xf32>
      %sub3A_2029 = arith.constant 1.500000e+00 : f32
      %sub3A_2030 = vector.broadcast %sub3A_2029 : f32 to vector<16xf32>
      %sub3A_2031 = arith.subf %sub3A_2030, %mul3A_2028 : vector<16xf32>
      %mul3A_2032 = arith.mulf %mul3A_2023, %sub3A_2031 : vector<16xf32>
      %gt3A_2033 = arith.constant 0.000000e+00 : f32
      %gt3A_2034 = vector.broadcast %gt3A_2033 : f32 to vector<16xf32>
      %gt3A_2035 = arith.cmpf ogt, %get3A_1997, %gt3A_2034 : vector<16xf32>
      %mul3A_2036 = arith.mulf %get3A_1997, %mul3A_2032 : vector<16xf32>
      %jit3A_2037 = arith.constant 0.000000e+00 : f32
      %broadcast_in_dim3A_2038 = vector.broadcast %jit3A_2037 : f32 to vector<16xf32>
      %select_n3A_2039 = arith.select %gt3A_2035, %mul3A_2036, %broadcast_in_dim3A_2038 : vector<16xi1>, vector<16xf32>
      %mul3A_2040 = arith.constant 128 : i32
      %mul3A_2041 = arith.muli %add3A_1486, %mul3A_2040 : i32
      %add3A_2042 = arith.constant 112 : i32
      %add3A_2043 = arith.addi %mul3A_2041, %add3A_2042 : i32
      %swap3A_2044 = arith.index_cast %add3A_2043 : i32 to index
      %swap3A_2045 = tpu.vector_load %arg27[%swap3A_2044] {strides = array<i32>} : memref<8192xf32, #tpu.memory_space<vmem>>, vector<16xf32>,
      tpu.vector_store %arg27[%swap3A_2044], %select_n3A_2039 {strides = array<i32>} : memref<8192xf32, #tpu.memory_space<vmem>>, vector<16xf32>,
    }
    %scan3A_555 = arith.constant 32 : i32
    %get3A_556 = arith.constant 0 : index
    %get3A_557 = tpu.vector_load %arg25[%get3A_556] {strides = array<i32>} : memref<128xf32, #tpu.memory_space<vmem>>, vector<16xf32>,
    %bitcast3A_558 = vector.bitcast %get3A_557 : vector<16xf32> to vector<16xi32>
    %shift_right_arithmetic3A_559 = arith.constant 1 : i32
    %shift_right_arithmetic3A_560 = vector.broadcast %shift_right_arithmetic3A_559 : i32 to vector<16xi32>
    %shift_right_arithmetic3A_561 = arith.shrsi %bitcast3A_558, %shift_right_arithmetic3A_560 : vector<16xi32>
    %sub3A_562 = arith.constant 1597463007 : i32
    %sub3A_563 = vector.broadcast %sub3A_562 : i32 to vector<16xi32>
    %sub3A_564 = arith.subi %sub3A_563, %shift_right_arithmetic3A_561 : vector<16xi32>
    %bitcast3A_565 = vector.bitcast %sub3A_564 : vector<16xi32> to vector<16xf32>
    %mul3A_566 = arith.constant 5.000000e-01 : f32
    %mul3A_567 = vector.broadcast %mul3A_566 : f32 to vector<16xf32>
    %mul3A_568 = arith.mulf %mul3A_567, %get3A_557 : vector<16xf32>
    %mul3A_569 = arith.mulf %mul3A_568, %bitcast3A_565 : vector<16xf32>
    %mul3A_570 = arith.mulf %mul3A_569, %bitcast3A_565 : vector<16xf32>
    %sub3A_571 = arith.constant 1.500000e+00 : f32
    %sub3A_572 = vector.broadcast %sub3A_571 : f32 to vector<16xf32>
    %sub3A_573 = arith.subf %sub3A_572, %mul3A_570 : vector<16xf32>
    %mul3A_574 = arith.mulf %bitcast3A_565, %sub3A_573 : vector<16xf32>
    %mul3A_575 = arith.constant 5.000000e-01 : f32
    %mul3A_576 = vector.broadcast %mul3A_575 : f32 to vector<16xf32>
    %mul3A_577 = arith.mulf %mul3A_576, %get3A_557 : vector<16xf32>
    %mul3A_578 = arith.mulf %mul3A_577, %mul3A_574 : vector<16xf32>
    %mul3A_579 = arith.mulf %mul3A_578, %mul3A_574 : vector<16xf32>
    %sub3A_580 = arith.constant 1.500000e+00 : f32
    %sub3A_581 = vector.broadcast %sub3A_580 : f32 to vector<16xf32>
    %sub3A_582 = arith.subf %sub3A_581, %mul3A_579 : vector<16xf32>
    %mul3A_583 = arith.mulf %mul3A_574, %sub3A_582 : vector<16xf32>
    %mul3A_584 = arith.constant 5.000000e-01 : f32
    %mul3A_585 = vector.broadcast %mul3A_584 : f32 to vector<16xf32>
    %mul3A_586 = arith.mulf %mul3A_585, %get3A_557 : vector<16xf32>
    %mul3A_587 = arith.mulf %mul3A_586, %mul3A_583 : vector<16xf32>
    %mul3A_588 = arith.mulf %mul3A_587, %mul3A_583 : vector<16xf32>
    %sub3A_589 = arith.constant 1.500000e+00 : f32
    %sub3A_590 = vector.broadcast %sub3A_589 : f32 to vector<16xf32>
    %sub3A_591 = arith.subf %sub3A_590, %mul3A_588 : vector<16xf32>
    %mul3A_592 = arith.mulf %mul3A_583, %sub3A_591 : vector<16xf32>
    %gt3A = arith.constant 0.000000e+00 : f32
    %gt3A_593 = vector.broadcast %gt3A : f32 to vector<16xf32>
    %gt3A_594 = arith.cmpf ogt, %get3A_557, %gt3A_593 : vector<16xf32>
    %mul3A_595 = arith.mulf %get3A_557, %mul3A_592 : vector<16xf32>
    %jit3A = arith.constant 0.000000e+00 : f32
    %broadcast_in_dim3A = vector.broadcast %jit3A : f32 to vector<16xf32>
    %select_n3A = arith.select %gt3A_594, %mul3A_595, %broadcast_in_dim3A : vector<16xi1>, vector<16xf32>
    %swap3A_596 = arith.constant 0 : index
    %swap3A_597 = tpu.vector_load %arg26[%swap3A_596] {strides = array<i32>} : memref<128xf32, #tpu.memory_space<vmem>>, vector<16xf32>,
    tpu.vector_store %arg26[%swap3A_596], %select_n3A {strides = array<i32>} : memref<128xf32, #tpu.memory_space<vmem>>, vector<16xf32>,
    %get3A_598 = arith.constant 16 : index
    %get3A_599 = tpu.vector_load %arg25[%get3A_598] {strides = array<i32>} : memref<128xf32, #tpu.memory_space<vmem>>, vector<16xf32>,
    %bitcast3A_600 = vector.bitcast %get3A_599 : vector<16xf32> to vector<16xi32>
    %shift_right_arithmetic3A_601 = arith.constant 1 : i32
    %shift_right_arithmetic3A_602 = vector.broadcast %shift_right_arithmetic3A_601 : i32 to vector<16xi32>
    %shift_right_arithmetic3A_603 = arith.shrsi %bitcast3A_600, %shift_right_arithmetic3A_602 : vector<16xi32>
    %sub3A_604 = arith.constant 1597463007 : i32
    %sub3A_605 = vector.broadcast %sub3A_604 : i32 to vector<16xi32>
    %sub3A_606 = arith.subi %sub3A_605, %shift_right_arithmetic3A_603 : vector<16xi32>
    %bitcast3A_607 = vector.bitcast %sub3A_606 : vector<16xi32> to vector<16xf32>
    %mul3A_608 = arith.constant 5.000000e-01 : f32
    %mul3A_609 = vector.broadcast %mul3A_608 : f32 to vector<16xf32>
    %mul3A_610 = arith.mulf %mul3A_609, %get3A_599 : vector<16xf32>
    %mul3A_611 = arith.mulf %mul3A_610, %bitcast3A_607 : vector<16xf32>
    %mul3A_612 = arith.mulf %mul3A_611, %bitcast3A_607 : vector<16xf32>
    %sub3A_613 = arith.constant 1.500000e+00 : f32
    %sub3A_614 = vector.broadcast %sub3A_613 : f32 to vector<16xf32>
    %sub3A_615 = arith.subf %sub3A_614, %mul3A_612 : vector<16xf32>
    %mul3A_616 = arith.mulf %bitcast3A_607, %sub3A_615 : vector<16xf32>
    %mul3A_617 = arith.constant 5.000000e-01 : f32
    %mul3A_618 = vector.broadcast %mul3A_617 : f32 to vector<16xf32>
    %mul3A_619 = arith.mulf %mul3A_618, %get3A_599 : vector<16xf32>
    %mul3A_620 = arith.mulf %mul3A_619, %mul3A_616 : vector<16xf32>
    %mul3A_621 = arith.mulf %mul3A_620, %mul3A_616 : vector<16xf32>
    %sub3A_622 = arith.constant 1.500000e+00 : f32
    %sub3A_623 = vector.broadcast %sub3A_622 : f32 to vector<16xf32>
    %sub3A_624 = arith.subf %sub3A_623, %mul3A_621 : vector<16xf32>
    %mul3A_625 = arith.mulf %mul3A_616, %sub3A_624 : vector<16xf32>
    %mul3A_626 = arith.constant 5.000000e-01 : f32
    %mul3A_627 = vector.broadcast %mul3A_626 : f32 to vector<16xf32>
    %mul3A_628 = arith.mulf %mul3A_627, %get3A_599 : vector<16xf32>
    %mul3A_629 = arith.mulf %mul3A_628, %mul3A_625 : vector<16xf32>
    %mul3A_630 = arith.mulf %mul3A_629, %mul3A_625 : vector<16xf32>
    %sub3A_631 = arith.constant 1.500000e+00 : f32
    %sub3A_632 = vector.broadcast %sub3A_631 : f32 to vector<16xf32>
    %sub3A_633 = arith.subf %sub3A_632, %mul3A_630 : vector<16xf32>
    %mul3A_634 = arith.mulf %mul3A_625, %sub3A_633 : vector<16xf32>
    %gt3A_635 = arith.constant 0.000000e+00 : f32
    %gt3A_636 = vector.broadcast %gt3A_635 : f32 to vector<16xf32>
    %gt3A_637 = arith.cmpf ogt, %get3A_599, %gt3A_636 : vector<16xf32>
    %mul3A_638 = arith.mulf %get3A_599, %mul3A_634 : vector<16xf32>
    %jit3A_639 = arith.constant 0.000000e+00 : f32
    %broadcast_in_dim3A_640 = vector.broadcast %jit3A_639 : f32 to vector<16xf32>
    %select_n3A_641 = arith.select %gt3A_637, %mul3A_638, %broadcast_in_dim3A_640 : vector<16xi1>, vector<16xf32>
    %swap3A_642 = arith.constant 16 : index
    %swap3A_643 = tpu.vector_load %arg26[%swap3A_642] {strides = array<i32>} : memref<128xf32, #tpu.memory_space<vmem>>, vector<16xf32>,
    tpu.vector_store %arg26[%swap3A_642], %select_n3A_641 {strides = array<i32>} : memref<128xf32, #tpu.memory_space<vmem>>, vector<16xf32>,
    %get3A_644 = arith.constant 32 : index
    %get3A_645 = tpu.vector_load %arg25[%get3A_644] {strides = array<i32>} : memref<128xf32, #tpu.memory_space<vmem>>, vector<16xf32>,
    %bitcast3A_646 = vector.bitcast %get3A_645 : vector<16xf32> to vector<16xi32>
    %shift_right_arithmetic3A_647 = arith.constant 1 : i32
    %shift_right_arithmetic3A_648 = vector.broadcast %shift_right_arithmetic3A_647 : i32 to vector<16xi32>
    %shift_right_arithmetic3A_649 = arith.shrsi %bitcast3A_646, %shift_right_arithmetic3A_648 : vector<16xi32>
    %sub3A_650 = arith.constant 1597463007 : i32
    %sub3A_651 = vector.broadcast %sub3A_650 : i32 to vector<16xi32>
    %sub3A_652 = arith.subi %sub3A_651, %shift_right_arithmetic3A_649 : vector<16xi32>
    %bitcast3A_653 = vector.bitcast %sub3A_652 : vector<16xi32> to vector<16xf32>
    %mul3A_654 = arith.constant 5.000000e-01 : f32
    %mul3A_655 = vector.broadcast %mul3A_654 : f32 to vector<16xf32>
    %mul3A_656 = arith.mulf %mul3A_655, %get3A_645 : vector<16xf32>
    %mul3A_657 = arith.mulf %mul3A_656, %bitcast3A_653 : vector<16xf32>
    %mul3A_658 = arith.mulf %mul3A_657, %bitcast3A_653 : vector<16xf32>
    %sub3A_659 = arith.constant 1.500000e+00 : f32
    %sub3A_660 = vector.broadcast %sub3A_659 : f32 to vector<16xf32>
    %sub3A_661 = arith.subf %sub3A_660, %mul3A_658 : vector<16xf32>
    %mul3A_662 = arith.mulf %bitcast3A_653, %sub3A_661 : vector<16xf32>
    %mul3A_663 = arith.constant 5.000000e-01 : f32
    %mul3A_664 = vector.broadcast %mul3A_663 : f32 to vector<16xf32>
    %mul3A_665 = arith.mulf %mul3A_664, %get3A_645 : vector<16xf32>
    %mul3A_666 = arith.mulf %mul3A_665, %mul3A_662 : vector<16xf32>
    %mul3A_667 = arith.mulf %mul3A_666, %mul3A_662 : vector<16xf32>
    %sub3A_668 = arith.constant 1.500000e+00 : f32
    %sub3A_669 = vector.broadcast %sub3A_668 : f32 to vector<16xf32>
    %sub3A_670 = arith.subf %sub3A_669, %mul3A_667 : vector<16xf32>
    %mul3A_671 = arith.mulf %mul3A_662, %sub3A_670 : vector<16xf32>
    %mul3A_672 = arith.constant 5.000000e-01 : f32
    %mul3A_673 = vector.broadcast %mul3A_672 : f32 to vector<16xf32>
    %mul3A_674 = arith.mulf %mul3A_673, %get3A_645 : vector<16xf32>
    %mul3A_675 = arith.mulf %mul3A_674, %mul3A_671 : vector<16xf32>
    %mul3A_676 = arith.mulf %mul3A_675, %mul3A_671 : vector<16xf32>
    %sub3A_677 = arith.constant 1.500000e+00 : f32
    %sub3A_678 = vector.broadcast %sub3A_677 : f32 to vector<16xf32>
    %sub3A_679 = arith.subf %sub3A_678, %mul3A_676 : vector<16xf32>
    %mul3A_680 = arith.mulf %mul3A_671, %sub3A_679 : vector<16xf32>
    %gt3A_681 = arith.constant 0.000000e+00 : f32
    %gt3A_682 = vector.broadcast %gt3A_681 : f32 to vector<16xf32>
    %gt3A_683 = arith.cmpf ogt, %get3A_645, %gt3A_682 : vector<16xf32>
    %mul3A_684 = arith.mulf %get3A_645, %mul3A_680 : vector<16xf32>
    %jit3A_685 = arith.constant 0.000000e+00 : f32
    %broadcast_in_dim3A_686 = vector.broadcast %jit3A_685 : f32 to vector<16xf32>
    %select_n3A_687 = arith.select %gt3A_683, %mul3A_684, %broadcast_in_dim3A_686 : vector<16xi1>, vector<16xf32>
    %swap3A_688 = arith.constant 32 : index
    %swap3A_689 = tpu.vector_load %arg26[%swap3A_688] {strides = array<i32>} : memref<128xf32, #tpu.memory_space<vmem>>, vector<16xf32>,
    tpu.vector_store %arg26[%swap3A_688], %select_n3A_687 {strides = array<i32>} : memref<128xf32, #tpu.memory_space<vmem>>, vector<16xf32>,
    %get3A_690 = arith.constant 48 : index
    %get3A_691 = tpu.vector_load %arg25[%get3A_690] {strides = array<i32>} : memref<128xf32, #tpu.memory_space<vmem>>, vector<16xf32>,
    %bitcast3A_692 = vector.bitcast %get3A_691 : vector<16xf32> to vector<16xi32>
    %shift_right_arithmetic3A_693 = arith.constant 1 : i32
    %shift_right_arithmetic3A_694 = vector.broadcast %shift_right_arithmetic3A_693 : i32 to vector<16xi32>
    %shift_right_arithmetic3A_695 = arith.shrsi %bitcast3A_692, %shift_right_arithmetic3A_694 : vector<16xi32>
    %sub3A_696 = arith.constant 1597463007 : i32
    %sub3A_697 = vector.broadcast %sub3A_696 : i32 to vector<16xi32>
    %sub3A_698 = arith.subi %sub3A_697, %shift_right_arithmetic3A_695 : vector<16xi32>
    %bitcast3A_699 = vector.bitcast %sub3A_698 : vector<16xi32> to vector<16xf32>
    %mul3A_700 = arith.constant 5.000000e-01 : f32
    %mul3A_701 = vector.broadcast %mul3A_700 : f32 to vector<16xf32>
    %mul3A_702 = arith.mulf %mul3A_701, %get3A_691 : vector<16xf32>
    %mul3A_703 = arith.mulf %mul3A_702, %bitcast3A_699 : vector<16xf32>
    %mul3A_704 = arith.mulf %mul3A_703, %bitcast3A_699 : vector<16xf32>
    %sub3A_705 = arith.constant 1.500000e+00 : f32
    %sub3A_706 = vector.broadcast %sub3A_705 : f32 to vector<16xf32>
    %sub3A_707 = arith.subf %sub3A_706, %mul3A_704 : vector<16xf32>
    %mul3A_708 = arith.mulf %bitcast3A_699, %sub3A_707 : vector<16xf32>
    %mul3A_709 = arith.constant 5.000000e-01 : f32
    %mul3A_710 = vector.broadcast %mul3A_709 : f32 to vector<16xf32>
    %mul3A_711 = arith.mulf %mul3A_710, %get3A_691 : vector<16xf32>
    %mul3A_712 = arith.mulf %mul3A_711, %mul3A_708 : vector<16xf32>
    %mul3A_713 = arith.mulf %mul3A_712, %mul3A_708 : vector<16xf32>
    %sub3A_714 = arith.constant 1.500000e+00 : f32
    %sub3A_715 = vector.broadcast %sub3A_714 : f32 to vector<16xf32>
    %sub3A_716 = arith.subf %sub3A_715, %mul3A_713 : vector<16xf32>
    %mul3A_717 = arith.mulf %mul3A_708, %sub3A_716 : vector<16xf32>
    %mul3A_718 = arith.constant 5.000000e-01 : f32
    %mul3A_719 = vector.broadcast %mul3A_718 : f32 to vector<16xf32>
    %mul3A_720 = arith.mulf %mul3A_719, %get3A_691 : vector<16xf32>
    %mul3A_721 = arith.mulf %mul3A_720, %mul3A_717 : vector<16xf32>
    %mul3A_722 = arith.mulf %mul3A_721, %mul3A_717 : vector<16xf32>
    %sub3A_723 = arith.constant 1.500000e+00 : f32
    %sub3A_724 = vector.broadcast %sub3A_723 : f32 to vector<16xf32>
    %sub3A_725 = arith.subf %sub3A_724, %mul3A_722 : vector<16xf32>
    %mul3A_726 = arith.mulf %mul3A_717, %sub3A_725 : vector<16xf32>
    %gt3A_727 = arith.constant 0.000000e+00 : f32
    %gt3A_728 = vector.broadcast %gt3A_727 : f32 to vector<16xf32>
    %gt3A_729 = arith.cmpf ogt, %get3A_691, %gt3A_728 : vector<16xf32>
    %mul3A_730 = arith.mulf %get3A_691, %mul3A_726 : vector<16xf32>
    %jit3A_731 = arith.constant 0.000000e+00 : f32
    %broadcast_in_dim3A_732 = vector.broadcast %jit3A_731 : f32 to vector<16xf32>
    %select_n3A_733 = arith.select %gt3A_729, %mul3A_730, %broadcast_in_dim3A_732 : vector<16xi1>, vector<16xf32>
    %swap3A_734 = arith.constant 48 : index
    %swap3A_735 = tpu.vector_load %arg26[%swap3A_734] {strides = array<i32>} : memref<128xf32, #tpu.memory_space<vmem>>, vector<16xf32>,
    tpu.vector_store %arg26[%swap3A_734], %select_n3A_733 {strides = array<i32>} : memref<128xf32, #tpu.memory_space<vmem>>, vector<16xf32>,
    %get3A_736 = arith.constant 64 : index
    %get3A_737 = tpu.vector_load %arg25[%get3A_736] {strides = array<i32>} : memref<128xf32, #tpu.memory_space<vmem>>, vector<16xf32>,
    %bitcast3A_738 = vector.bitcast %get3A_737 : vector<16xf32> to vector<16xi32>
    %shift_right_arithmetic3A_739 = arith.constant 1 : i32
    %shift_right_arithmetic3A_740 = vector.broadcast %shift_right_arithmetic3A_739 : i32 to vector<16xi32>
    %shift_right_arithmetic3A_741 = arith.shrsi %bitcast3A_738, %shift_right_arithmetic3A_740 : vector<16xi32>
    %sub3A_742 = arith.constant 1597463007 : i32
    %sub3A_743 = vector.broadcast %sub3A_742 : i32 to vector<16xi32>
    %sub3A_744 = arith.subi %sub3A_743, %shift_right_arithmetic3A_741 : vector<16xi32>
    %bitcast3A_745 = vector.bitcast %sub3A_744 : vector<16xi32> to vector<16xf32>
    %mul3A_746 = arith.constant 5.000000e-01 : f32
    %mul3A_747 = vector.broadcast %mul3A_746 : f32 to vector<16xf32>
    %mul3A_748 = arith.mulf %mul3A_747, %get3A_737 : vector<16xf32>
    %mul3A_749 = arith.mulf %mul3A_748, %bitcast3A_745 : vector<16xf32>
    %mul3A_750 = arith.mulf %mul3A_749, %bitcast3A_745 : vector<16xf32>
    %sub3A_751 = arith.constant 1.500000e+00 : f32
    %sub3A_752 = vector.broadcast %sub3A_751 : f32 to vector<16xf32>
    %sub3A_753 = arith.subf %sub3A_752, %mul3A_750 : vector<16xf32>
    %mul3A_754 = arith.mulf %bitcast3A_745, %sub3A_753 : vector<16xf32>
    %mul3A_755 = arith.constant 5.000000e-01 : f32
    %mul3A_756 = vector.broadcast %mul3A_755 : f32 to vector<16xf32>
    %mul3A_757 = arith.mulf %mul3A_756, %get3A_737 : vector<16xf32>
    %mul3A_758 = arith.mulf %mul3A_757, %mul3A_754 : vector<16xf32>
    %mul3A_759 = arith.mulf %mul3A_758, %mul3A_754 : vector<16xf32>
    %sub3A_760 = arith.constant 1.500000e+00 : f32
    %sub3A_761 = vector.broadcast %sub3A_760 : f32 to vector<16xf32>
    %sub3A_762 = arith.subf %sub3A_761, %mul3A_759 : vector<16xf32>
    %mul3A_763 = arith.mulf %mul3A_754, %sub3A_762 : vector<16xf32>
    %mul3A_764 = arith.constant 5.000000e-01 : f32
    %mul3A_765 = vector.broadcast %mul3A_764 : f32 to vector<16xf32>
    %mul3A_766 = arith.mulf %mul3A_765, %get3A_737 : vector<16xf32>
    %mul3A_767 = arith.mulf %mul3A_766, %mul3A_763 : vector<16xf32>
    %mul3A_768 = arith.mulf %mul3A_767, %mul3A_763 : vector<16xf32>
    %sub3A_769 = arith.constant 1.500000e+00 : f32
    %sub3A_770 = vector.broadcast %sub3A_769 : f32 to vector<16xf32>
    %sub3A_771 = arith.subf %sub3A_770, %mul3A_768 : vector<16xf32>
    %mul3A_772 = arith.mulf %mul3A_763, %sub3A_771 : vector<16xf32>
    %gt3A_773 = arith.constant 0.000000e+00 : f32
    %gt3A_774 = vector.broadcast %gt3A_773 : f32 to vector<16xf32>
    %gt3A_775 = arith.cmpf ogt, %get3A_737, %gt3A_774 : vector<16xf32>
    %mul3A_776 = arith.mulf %get3A_737, %mul3A_772 : vector<16xf32>
    %jit3A_777 = arith.constant 0.000000e+00 : f32
    %broadcast_in_dim3A_778 = vector.broadcast %jit3A_777 : f32 to vector<16xf32>
    %select_n3A_779 = arith.select %gt3A_775, %mul3A_776, %broadcast_in_dim3A_778 : vector<16xi1>, vector<16xf32>
    %swap3A_780 = arith.constant 64 : index
    %swap3A_781 = tpu.vector_load %arg26[%swap3A_780] {strides = array<i32>} : memref<128xf32, #tpu.memory_space<vmem>>, vector<16xf32>,
    tpu.vector_store %arg26[%swap3A_780], %select_n3A_779 {strides = array<i32>} : memref<128xf32, #tpu.memory_space<vmem>>, vector<16xf32>,
    %get3A_782 = arith.constant 80 : index
    %get3A_783 = tpu.vector_load %arg25[%get3A_782] {strides = array<i32>} : memref<128xf32, #tpu.memory_space<vmem>>, vector<16xf32>,
    %bitcast3A_784 = vector.bitcast %get3A_783 : vector<16xf32> to vector<16xi32>
    %shift_right_arithmetic3A_785 = arith.constant 1 : i32
    %shift_right_arithmetic3A_786 = vector.broadcast %shift_right_arithmetic3A_785 : i32 to vector<16xi32>
    %shift_right_arithmetic3A_787 = arith.shrsi %bitcast3A_784, %shift_right_arithmetic3A_786 : vector<16xi32>
    %sub3A_788 = arith.constant 1597463007 : i32
    %sub3A_789 = vector.broadcast %sub3A_788 : i32 to vector<16xi32>
    %sub3A_790 = arith.subi %sub3A_789, %shift_right_arithmetic3A_787 : vector<16xi32>
    %bitcast3A_791 = vector.bitcast %sub3A_790 : vector<16xi32> to vector<16xf32>
    %mul3A_792 = arith.constant 5.000000e-01 : f32
    %mul3A_793 = vector.broadcast %mul3A_792 : f32 to vector<16xf32>
    %mul3A_794 = arith.mulf %mul3A_793, %get3A_783 : vector<16xf32>
    %mul3A_795 = arith.mulf %mul3A_794, %bitcast3A_791 : vector<16xf32>
    %mul3A_796 = arith.mulf %mul3A_795, %bitcast3A_791 : vector<16xf32>
    %sub3A_797 = arith.constant 1.500000e+00 : f32
    %sub3A_798 = vector.broadcast %sub3A_797 : f32 to vector<16xf32>
    %sub3A_799 = arith.subf %sub3A_798, %mul3A_796 : vector<16xf32>
    %mul3A_800 = arith.mulf %bitcast3A_791, %sub3A_799 : vector<16xf32>
    %mul3A_801 = arith.constant 5.000000e-01 : f32
    %mul3A_802 = vector.broadcast %mul3A_801 : f32 to vector<16xf32>
    %mul3A_803 = arith.mulf %mul3A_802, %get3A_783 : vector<16xf32>
    %mul3A_804 = arith.mulf %mul3A_803, %mul3A_800 : vector<16xf32>
    %mul3A_805 = arith.mulf %mul3A_804, %mul3A_800 : vector<16xf32>
    %sub3A_806 = arith.constant 1.500000e+00 : f32
    %sub3A_807 = vector.broadcast %sub3A_806 : f32 to vector<16xf32>
    %sub3A_808 = arith.subf %sub3A_807, %mul3A_805 : vector<16xf32>
    %mul3A_809 = arith.mulf %mul3A_800, %sub3A_808 : vector<16xf32>
    %mul3A_810 = arith.constant 5.000000e-01 : f32
    %mul3A_811 = vector.broadcast %mul3A_810 : f32 to vector<16xf32>
    %mul3A_812 = arith.mulf %mul3A_811, %get3A_783 : vector<16xf32>
    %mul3A_813 = arith.mulf %mul3A_812, %mul3A_809 : vector<16xf32>
    %mul3A_814 = arith.mulf %mul3A_813, %mul3A_809 : vector<16xf32>
    %sub3A_815 = arith.constant 1.500000e+00 : f32
    %sub3A_816 = vector.broadcast %sub3A_815 : f32 to vector<16xf32>
    %sub3A_817 = arith.subf %sub3A_816, %mul3A_814 : vector<16xf32>
    %mul3A_818 = arith.mulf %mul3A_809, %sub3A_817 : vector<16xf32>
    %gt3A_819 = arith.constant 0.000000e+00 : f32
    %gt3A_820 = vector.broadcast %gt3A_819 : f32 to vector<16xf32>
    %gt3A_821 = arith.cmpf ogt, %get3A_783, %gt3A_820 : vector<16xf32>
    %mul3A_822 = arith.mulf %get3A_783, %mul3A_818 : vector<16xf32>
    %jit3A_823 = arith.constant 0.000000e+00 : f32
    %broadcast_in_dim3A_824 = vector.broadcast %jit3A_823 : f32 to vector<16xf32>
    %select_n3A_825 = arith.select %gt3A_821, %mul3A_822, %broadcast_in_dim3A_824 : vector<16xi1>, vector<16xf32>
    %swap3A_826 = arith.constant 80 : index
    %swap3A_827 = tpu.vector_load %arg26[%swap3A_826] {strides = array<i32>} : memref<128xf32, #tpu.memory_space<vmem>>, vector<16xf32>,
    tpu.vector_store %arg26[%swap3A_826], %select_n3A_825 {strides = array<i32>} : memref<128xf32, #tpu.memory_space<vmem>>, vector<16xf32>,
    %get3A_828 = arith.constant 96 : index
    %get3A_829 = tpu.vector_load %arg25[%get3A_828] {strides = array<i32>} : memref<128xf32, #tpu.memory_space<vmem>>, vector<16xf32>,
    %bitcast3A_830 = vector.bitcast %get3A_829 : vector<16xf32> to vector<16xi32>
    %shift_right_arithmetic3A_831 = arith.constant 1 : i32
    %shift_right_arithmetic3A_832 = vector.broadcast %shift_right_arithmetic3A_831 : i32 to vector<16xi32>
    %shift_right_arithmetic3A_833 = arith.shrsi %bitcast3A_830, %shift_right_arithmetic3A_832 : vector<16xi32>
    %sub3A_834 = arith.constant 1597463007 : i32
    %sub3A_835 = vector.broadcast %sub3A_834 : i32 to vector<16xi32>
    %sub3A_836 = arith.subi %sub3A_835, %shift_right_arithmetic3A_833 : vector<16xi32>
    %bitcast3A_837 = vector.bitcast %sub3A_836 : vector<16xi32> to vector<16xf32>
    %mul3A_838 = arith.constant 5.000000e-01 : f32
    %mul3A_839 = vector.broadcast %mul3A_838 : f32 to vector<16xf32>
    %mul3A_840 = arith.mulf %mul3A_839, %get3A_829 : vector<16xf32>
    %mul3A_841 = arith.mulf %mul3A_840, %bitcast3A_837 : vector<16xf32>
    %mul3A_842 = arith.mulf %mul3A_841, %bitcast3A_837 : vector<16xf32>
    %sub3A_843 = arith.constant 1.500000e+00 : f32
    %sub3A_844 = vector.broadcast %sub3A_843 : f32 to vector<16xf32>
    %sub3A_845 = arith.subf %sub3A_844, %mul3A_842 : vector<16xf32>
    %mul3A_846 = arith.mulf %bitcast3A_837, %sub3A_845 : vector<16xf32>
    %mul3A_847 = arith.constant 5.000000e-01 : f32
    %mul3A_848 = vector.broadcast %mul3A_847 : f32 to vector<16xf32>
    %mul3A_849 = arith.mulf %mul3A_848, %get3A_829 : vector<16xf32>
    %mul3A_850 = arith.mulf %mul3A_849, %mul3A_846 : vector<16xf32>
    %mul3A_851 = arith.mulf %mul3A_850, %mul3A_846 : vector<16xf32>
    %sub3A_852 = arith.constant 1.500000e+00 : f32
    %sub3A_853 = vector.broadcast %sub3A_852 : f32 to vector<16xf32>
    %sub3A_854 = arith.subf %sub3A_853, %mul3A_851 : vector<16xf32>
    %mul3A_855 = arith.mulf %mul3A_846, %sub3A_854 : vector<16xf32>
    %mul3A_856 = arith.constant 5.000000e-01 : f32
    %mul3A_857 = vector.broadcast %mul3A_856 : f32 to vector<16xf32>
    %mul3A_858 = arith.mulf %mul3A_857, %get3A_829 : vector<16xf32>
    %mul3A_859 = arith.mulf %mul3A_858, %mul3A_855 : vector<16xf32>
    %mul3A_860 = arith.mulf %mul3A_859, %mul3A_855 : vector<16xf32>
    %sub3A_861 = arith.constant 1.500000e+00 : f32
    %sub3A_862 = vector.broadcast %sub3A_861 : f32 to vector<16xf32>
    %sub3A_863 = arith.subf %sub3A_862, %mul3A_860 : vector<16xf32>
    %mul3A_864 = arith.mulf %mul3A_855, %sub3A_863 : vector<16xf32>
    %gt3A_865 = arith.constant 0.000000e+00 : f32
    %gt3A_866 = vector.broadcast %gt3A_865 : f32 to vector<16xf32>
    %gt3A_867 = arith.cmpf ogt, %get3A_829, %gt3A_866 : vector<16xf32>
    %mul3A_868 = arith.mulf %get3A_829, %mul3A_864 : vector<16xf32>
    %jit3A_869 = arith.constant 0.000000e+00 : f32
    %broadcast_in_dim3A_870 = vector.broadcast %jit3A_869 : f32 to vector<16xf32>
    %select_n3A_871 = arith.select %gt3A_867, %mul3A_868, %broadcast_in_dim3A_870 : vector<16xi1>, vector<16xf32>
    %swap3A_872 = arith.constant 96 : index
    %swap3A_873 = tpu.vector_load %arg26[%swap3A_872] {strides = array<i32>} : memref<128xf32, #tpu.memory_space<vmem>>, vector<16xf32>,
    tpu.vector_store %arg26[%swap3A_872], %select_n3A_871 {strides = array<i32>} : memref<128xf32, #tpu.memory_space<vmem>>, vector<16xf32>,
    %get3A_874 = arith.constant 112 : index
    %get3A_875 = tpu.vector_load %arg25[%get3A_874] {strides = array<i32>} : memref<128xf32, #tpu.memory_space<vmem>>, vector<16xf32>,
    %bitcast3A_876 = vector.bitcast %get3A_875 : vector<16xf32> to vector<16xi32>
    %shift_right_arithmetic3A_877 = arith.constant 1 : i32
    %shift_right_arithmetic3A_878 = vector.broadcast %shift_right_arithmetic3A_877 : i32 to vector<16xi32>
    %shift_right_arithmetic3A_879 = arith.shrsi %bitcast3A_876, %shift_right_arithmetic3A_878 : vector<16xi32>
    %sub3A_880 = arith.constant 1597463007 : i32
    %sub3A_881 = vector.broadcast %sub3A_880 : i32 to vector<16xi32>
    %sub3A_882 = arith.subi %sub3A_881, %shift_right_arithmetic3A_879 : vector<16xi32>
    %bitcast3A_883 = vector.bitcast %sub3A_882 : vector<16xi32> to vector<16xf32>
    %mul3A_884 = arith.constant 5.000000e-01 : f32
    %mul3A_885 = vector.broadcast %mul3A_884 : f32 to vector<16xf32>
    %mul3A_886 = arith.mulf %mul3A_885, %get3A_875 : vector<16xf32>
    %mul3A_887 = arith.mulf %mul3A_886, %bitcast3A_883 : vector<16xf32>
    %mul3A_888 = arith.mulf %mul3A_887, %bitcast3A_883 : vector<16xf32>
    %sub3A_889 = arith.constant 1.500000e+00 : f32
    %sub3A_890 = vector.broadcast %sub3A_889 : f32 to vector<16xf32>
    %sub3A_891 = arith.subf %sub3A_890, %mul3A_888 : vector<16xf32>
    %mul3A_892 = arith.mulf %bitcast3A_883, %sub3A_891 : vector<16xf32>
    %mul3A_893 = arith.constant 5.000000e-01 : f32
    %mul3A_894 = vector.broadcast %mul3A_893 : f32 to vector<16xf32>
    %mul3A_895 = arith.mulf %mul3A_894, %get3A_875 : vector<16xf32>
    %mul3A_896 = arith.mulf %mul3A_895, %mul3A_892 : vector<16xf32>
    %mul3A_897 = arith.mulf %mul3A_896, %mul3A_892 : vector<16xf32>
    %sub3A_898 = arith.constant 1.500000e+00 : f32
    %sub3A_899 = vector.broadcast %sub3A_898 : f32 to vector<16xf32>
    %sub3A_900 = arith.subf %sub3A_899, %mul3A_897 : vector<16xf32>
    %mul3A_901 = arith.mulf %mul3A_892, %sub3A_900 : vector<16xf32>
    %mul3A_902 = arith.constant 5.000000e-01 : f32
    %mul3A_903 = vector.broadcast %mul3A_902 : f32 to vector<16xf32>
    %mul3A_904 = arith.mulf %mul3A_903, %get3A_875 : vector<16xf32>
    %mul3A_905 = arith.mulf %mul3A_904, %mul3A_901 : vector<16xf32>
    %mul3A_906 = arith.mulf %mul3A_905, %mul3A_901 : vector<16xf32>
    %sub3A_907 = arith.constant 1.500000e+00 : f32
    %sub3A_908 = vector.broadcast %sub3A_907 : f32 to vector<16xf32>
    %sub3A_909 = arith.subf %sub3A_908, %mul3A_906 : vector<16xf32>
    %mul3A_910 = arith.mulf %mul3A_901, %sub3A_909 : vector<16xf32>
    %gt3A_911 = arith.constant 0.000000e+00 : f32
    %gt3A_912 = vector.broadcast %gt3A_911 : f32 to vector<16xf32>
    %gt3A_913 = arith.cmpf ogt, %get3A_875, %gt3A_912 : vector<16xf32>
    %mul3A_914 = arith.mulf %get3A_875, %mul3A_910 : vector<16xf32>
    %jit3A_915 = arith.constant 0.000000e+00 : f32
    %broadcast_in_dim3A_916 = vector.broadcast %jit3A_915 : f32 to vector<16xf32>
    %select_n3A_917 = arith.select %gt3A_913, %mul3A_914, %broadcast_in_dim3A_916 : vector<16xi1>, vector<16xf32>
    %swap3A_918 = arith.constant 112 : index
    %swap3A_919 = tpu.vector_load %arg26[%swap3A_918] {strides = array<i32>} : memref<128xf32, #tpu.memory_space<vmem>>, vector<16xf32>,
    tpu.vector_store %arg26[%swap3A_918], %select_n3A_917 {strides = array<i32>} : memref<128xf32, #tpu.memory_space<vmem>>, vector<16xf32>,
    "tpu.region"() ({
      %run_scoped3A = tpu.sem_alloc : memref<!tpu.dma_semaphore, #tpu.memory_space<semaphore_mem>>
      %dma_start3A_922 = tpu.memref_slice %arg10[%mul3A_2] : memref<4096xf32, #tpu.memory_space<hbm>> -> memref<128xf32, #tpu.memory_space<hbm>>
      %dma_start3A_923 = tpu.memref_slice %arg10[%mul3A_2] : memref<4096xf32, #tpu.memory_space<hbm>> -> memref<128xf32, #tpu.memory_space<hbm>>
      tpu.enqueue_dma source(%arg26 : memref<128xf32, #tpu.memory_space<vmem>>) target(%dma_start3A_923 : memref<128xf32, #tpu.memory_space<hbm>>) target_semaphore(%run_scoped3A : memref<!tpu.dma_semaphore, #tpu.memory_space<semaphore_mem>>)
      %dma_wait3A_924 = tpu.memref_slice %arg10[%mul3A_2] : memref<4096xf32, #tpu.memory_space<hbm>> -> memref<128xf32, #tpu.memory_space<hbm>>
      %dma_wait3A_925 = tpu.memref_slice %arg10[%mul3A_2] : memref<4096xf32, #tpu.memory_space<hbm>> -> memref<128xf32, #tpu.memory_space<hbm>>
      tpu.wait_dma2 semaphore(%run_scoped3A : memref<!tpu.dma_semaphore, #tpu.memory_space<semaphore_mem>>) src(%arg26 : memref<128xf32, #tpu.memory_space<vmem>>) dst(%dma_wait3A_925 : memref<128xf32, #tpu.memory_space<hbm>>)
      tpu.yield
    }) : () -> ()
    %mul3A_920 = arith.constant 64 : i32
    %mul3A_921 = arith.muli %mul3A_2, %mul3A_920 : i32
    "tpu.region"() ({
      %run_scoped3A = tpu.sem_alloc : memref<!tpu.dma_semaphore, #tpu.memory_space<semaphore_mem>>
      %dma_start3A_922 = tpu.memref_slice %arg11[%mul3A_921] : memref<262144xf32, #tpu.memory_space<hbm>> -> memref<8192xf32, #tpu.memory_space<hbm>>
      %dma_start3A_923 = tpu.memref_slice %arg11[%mul3A_921] : memref<262144xf32, #tpu.memory_space<hbm>> -> memref<8192xf32, #tpu.memory_space<hbm>>
      tpu.enqueue_dma source(%arg27 : memref<8192xf32, #tpu.memory_space<vmem>>) target(%dma_start3A_923 : memref<8192xf32, #tpu.memory_space<hbm>>) target_semaphore(%run_scoped3A : memref<!tpu.dma_semaphore, #tpu.memory_space<semaphore_mem>>)
      %dma_wait3A_924 = tpu.memref_slice %arg11[%mul3A_921] : memref<262144xf32, #tpu.memory_space<hbm>> -> memref<8192xf32, #tpu.memory_space<hbm>>
      %dma_wait3A_925 = tpu.memref_slice %arg11[%mul3A_921] : memref<262144xf32, #tpu.memory_space<hbm>> -> memref<8192xf32, #tpu.memory_space<hbm>>
      tpu.wait_dma2 semaphore(%run_scoped3A : memref<!tpu.dma_semaphore, #tpu.memory_space<semaphore_mem>>) src(%arg27 : memref<8192xf32, #tpu.memory_space<vmem>>) dst(%dma_wait3A_925 : memref<8192xf32, #tpu.memory_space<hbm>>)
      tpu.yield
    }) : () -> ()
    return
  }
}

</mosaic_0001>

<sc_bundles>
// kernel: _run.3.cloned.1.call-start
scs
__scs_entry_jumppad:
0x0: {  	(pc) =	sbr.rel $0x88, $3  }
0x1: {  	(tag) =	ssettag $0x0;
	lr =	simm.s32 $0x1  }
0x2: {  	[smem:$0x3F99] =	sst lr;
	_ =	strace $0xD0000000  }
0x3: {  	_ = 	snop  }
0x4: {  	_ = 	snop  }
0x5: {  	_ = 	snop  }
0x6: {  	_ = 	snop  }
0x7: {  	_ = 	snop  }
__scs_overlays_trampoline_lowered:
0x8: {  	[smem:$0x3FA8] =	sst s0  }
0x9: {  	[smem:$0x3FA9] =	sst s1  }
0xa: {  	[smem:$0x3FAA] =	sst s2  }
0xb: {  	[smem:$0x3FAB] =	sst s3  }
0xc: {  	[smem:$0x3FAC] =	sst s4  }
0xd: {  	[smem:$0x3FAD] =	sst s5  }
0xe: {  	[smem:$0x3FAE] =	sst s6  }
0xf: {  	[smem:$0x3FAF] =	sst s7  }
0x10: {  	[smem:$0x3FB0] =	sst s8  }
0x11: {  	[smem:$0x3FB1] =	sst s9;
	s0 =	simm.s32 @!p0 $0x0  }
0x12: {  	s1 =	sld [smem:$0x3F97];
	s0 =	simm.s32 @p0 $0x1  }
0x13: {  	[smem:$0x3FB2] =	sst s0;
	s0 =	simm.s32 @!p1 $0x0  }
0x14: {  	s2 =	sld [smem:$0x3F96];
	s0 =	simm.s32 @p1 $0x1  }
0x15: {  	[smem:$0x3FB3] =	sst s0;
	s0 =	simm.s32 @!p2 $0x0  }
0x16: {  	s3 =	sld [smem:$0x3FDB];
	s0 =	simm.s32 @p2 $0x1  }
0x17: {  	s4 =	simm.s32 $0x1BF5;
	[smem:$0x3FB5] =	sst s0  }
0x18: {  	s0 =	sld [smem:$0x3F98];
	_ =	swait.ge [sflag:s4], $0x0  }
0x19: {  	s7 =	sld [smem:$0x3F99]  }
0x1a: {  	s8 =	sadd.s32 $0xFFFFE003, lr  }
0x1b: {  	s9 =	sadd.s32 $0xFFFFFEF7, lr;
	s5 =	simm.s32 $0xFFFFFFFF;
	p2 =	slt.u32 s8, $0xFFFFF086  }
0x1c: {  	p1 =	slt.u32 s9, $0xF7A;
	s5 =	simm.s32 @!p2 $0x0  }
0x1d: {  	s5 =	simm.s32 @p1 $0x1;
	p0 =	seq.s32 s7, s2  }
0x1e: {  	s7 =	smul.u32 @!p0 $0xF7A, s2;
	p2 =	seq.s32 @!p0 s5, $0x0  }
0x1f: {  	s9 =	smul.u32 $0xF7A, s1;
	s8 =	simm.s32 @!p0 $0x1BF5;
	p2 =	por !p2, p0  }
0x20: {  	[sflag:s8] =	ssyncset.s32 @!p0 $0xFFFFF086;
	s6 =	sadd.s32 @!p0 s3, s7;
	s7 =	simm.s32 @!p0 $0x108  }
0x21: {  	s3 =	sadd.s32 s3, s9;
	s6 =	sadd.s32 @!p0 $0x88, s6;
	s7 =	simm.s32 @p2 $0x1082  }
0x22: {  	[simem:s7], [sflag:s8] =	dma.local @!p0 [hbm:s6], $0xF7A  }
0x23: {  	s9 =	sor.u32 $0xD0000000, s2;
	s6 =	simm.s32 $0x108;
	_ =	swait.ge @!p0 [sflag:s8], $0x0  }
0x24: {  	s3 =	sadd.s32 $0x88, s3;
	s6 =	simm.s32 @!p1 $0x1082;
	[sflag:s4] =	ssyncset.s32 $0xFFFFF086  }
0x25: {  	[simem:s6], [sflag:s4] =	dma.local [hbm:s3], $0xF7A  }
0x26: {  	[smem:$0x3F99] =	sst s1;
	(tag) =	ssettag s2;
	_ =	strace s9  }
0x27: {  	s1 =	sld [smem:$0x3FA9]  }
0x28: {  	s2 =	sld [smem:$0x3FAA]  }
0x29: {  	s4 =	sld [smem:$0x3FAC]  }
0x2a: {  	p0 =	seq.s32 s5, $0x0;
	s5 =	sld [smem:$0x3FAD]  }
0x2b: {  	s6 =	sld [smem:$0x3FAE]  }
0x2c: {  	s7 =	sld [smem:$0x3FAF]  }
0x2d: {  	s3 =	simm.s32 $0x108;
	s8 =	sld [smem:$0x3FB0]  }
0x2e: {  	s3 =	simm.s32 @!p0 $0x1082;
	s9 =	sld [smem:$0x3FB1]  }
0x2f: {  	lr =	sadd.s32 s0, s3;
	s0 =	sld [smem:$0x3FA8]  }
0x30: {  	s3 =	sld [smem:$0x3FAB]  }
0x31: {  	[smem:$0x3FB4] =	sst s10  }
0x32: {  	s10 =	sld [smem:$0x3FB2];
	_ =	sdelay $0x3  }
0x33: {  	p0 =	seq.s32 s10, $0x1;
	s10 =	sld [smem:$0x3FB4];
	_ =	sdelay $0x3  }
0x34: {  	[smem:$0x3FB4] =	sst s10  }
0x35: {  	s10 =	sld [smem:$0x3FB3];
	_ =	sdelay $0x3  }
0x36: {  	p1 =	seq.s32 s10, $0x1;
	s10 =	sld [smem:$0x3FB4];
	_ =	sdelay $0x3  }
0x37: {  	[smem:$0x3FB4] =	sst s10  }
0x38: {  	s10 =	sld [smem:$0x3FB5]  }
0x39: {  	_ = 	snop;
	(pc) =	sbr.ind lr, $3  }
0x3a: {  	_ = 	snop  }
0x3b: {  	_ = 	snop  }
0x3c: {  	p2 =	seq.s32 s10, $0x1;
	s10 =	sld [smem:$0x3FB4]  }
0x3d: {  	_ =	shalt  }
0x3e: {  	_ =	shalt  }
0x3f: {  	_ =	shalt  }
0x40: {  	_ =	shalt  }
0x41: {  	_ =	shalt  }
0x42: {  	_ =	shalt  }
0x43: {  	_ =	shalt  }
0x44: {  	_ =	shalt  }
0x45: {  	_ =	shalt  }
0x46: {  	_ =	shalt  }
0x47: {  	_ =	shalt  }
0x48: {  	_ =	shalt  }
0x49: {  	_ =	shalt  }
0x4a: {  	_ =	shalt  }
0x4b: {  	_ =	shalt  }
0x4c: {  	_ =	shalt  }
0x4d: {  	_ =	shalt  }
0x4e: {  	_ =	shalt  }
0x4f: {  	_ =	shalt  }
0x50: {  	_ =	shalt  }
0x51: {  	_ =	shalt  }
0x52: {  	_ =	shalt  }
0x53: {  	_ =	shalt  }
0x54: {  	_ =	shalt  }
0x55: {  	_ =	shalt  }
0x56: {  	_ =	shalt  }
0x57: {  	_ =	shalt  }
0x58: {  	_ =	shalt  }
0x59: {  	_ =	shalt  }
0x5a: {  	_ =	shalt  }
0x5b: {  	_ =	shalt  }
0x5c: {  	_ =	shalt  }
0x5d: {  	_ =	shalt  }
0x5e: {  	_ =	shalt  }
0x5f: {  	_ =	shalt  }
0x60: {  	_ =	shalt  }
0x61: {  	_ =	shalt  }
0x62: {  	_ =	shalt  }
0x63: {  	_ =	shalt  }
0x64: {  	_ =	shalt  }
0x65: {  	_ =	shalt  }
0x66: {  	_ =	shalt  }
0x67: {  	_ =	shalt  }
0x68: {  	_ =	shalt  }
0x69: {  	_ =	shalt  }
0x6a: {  	_ =	shalt  }
0x6b: {  	_ =	shalt  }
0x6c: {  	_ =	shalt  }
0x6d: {  	_ =	shalt  }
0x6e: {  	_ =	shalt  }
0x6f: {  	_ =	shalt  }
0x70: {  	_ =	shalt  }
0x71: {  	_ =	shalt  }
0x72: {  	_ =	shalt  }
0x73: {  	_ =	shalt  }
0x74: {  	_ =	shalt  }
0x75: {  	_ =	shalt  }
0x76: {  	_ =	shalt  }
0x77: {  	_ =	shalt  }
0x78: {  	_ =	shalt  }
0x79: {  	_ =	shalt  }
0x7a: {  	_ =	shalt  }
0x7b: {  	_ =	shalt  }
0x7c: {  	_ =	shalt  }
0x7d: {  	_ =	shalt  }
0x7e: {  	_ =	shalt  }
0x7f: {  	_ =	shalt  }
0x80: {  	_ =	shalt  }
0x81: {  	_ =	shalt  }
0x82: {  	_ =	shalt  }
0x83: {  	_ =	shalt  }
0x84: {  	_ =	shalt  }
0x85: {  	_ =	shalt  }
0x86: {  	_ =	shalt  }
0x87: {  	_ =	shalt  }
.Lfunc_end0:
.L_simem_size_0:
called_computation_lowered:
.L_overlay_start_0:
0x88: {  	s2 =	sld [smem:$0x3FD9]  }
0x89: {  	s3 =	sld [smem:$0x3FFE];
	_ =	sdelay $0x1  }
0x8a: {  	s1 =	srdreg.scid  }
0x8b: {  	s0 =	sand.u32 $0x1, s1  }
0x8c: {  	s14 =	sshll.u32 s0, $0xA;
	s2 =	sadd.s32 s3, s2  }
0x8d: {  	s2 =	sadd.s32 s2, s14  }
0x8e: {  	[smem:$0x3FC0] =	sst s2  }
0x8f: {  	_ = 	snop  }
0x90: {  	s2 =	sld [smem:$0x3FC9]  }
0x91: {  	s15 =	sld [smem:$0x3FC8]  }
0x92: {  	s4 =	sld [smem:$0x3FC7]  }
0x93: {  	s5 =	sld [smem:$0x3FD0]  }
0x94: {  	s6 =	sld [smem:$0x3FC6]  }
0x95: {  	s7 =	sld [smem:$0x3FC5]  }
0x96: {  	s9 =	simm.s32 $0xA;
	s10 =	simm.s32 $0x10;
	s8 =	sld [smem:$0x3FC2]  }
0x97: {  	[smem:s10], [sflag:s9] =	dma.local [hbm:s5], $0x1  }
0x98: {  	_ =	swait.eq [sflag:s9], $0x1  }
0x99: {  	[sflag:s9] =	ssyncset.done $0x0  }
0x9a: {  	s16 =	sld [smem:$0x10];
	[sflag:s9] =	ssyncadd.s32 $0xFFFFFFFF  }
0x9b: {  	s17 =	sld [smem:$0x11];
	(tm) =	ssettm $0x1  }
0x9c: {  	s18 =	sld [smem:$0x3FFB];
	_ =	sdelay $0x3  }
0x9d: {  	_ =	strace s18  }
0x9e: {  	s10 =	sld [smem:$0x3FFC];
	_ =	sdelay $0x3  }
0x9f: {  	_ =	strace s10  }
0xa0: {  	s10 =	sld [smem:$0x3FFD];
	_ =	sdelay $0x3  }
0xa1: {  	_ =	strace s10  }
0xa2: {  	_ =	strace $0x8FFFFFFF  }
0xa3: {  	s19 =	sld [smem:$0x3FDB];
	_ =	sdelay $0x1  }
0xa4: {  	s11 =	simm.s32 $_scs_section_size  }
0xa5: {  	s12 =	simm.s32 $_size__tile_overlayer_lowered;
	s13 =	simm.s32 $_tile_overlayer_lowered  }
0xa6: {  	s22 =	simm.s32 $0x1BFF;
	s21 =	sshll.u32 s13, $0x1;
	s10 =	sadd.s32 s11, s19  }
0xa7: {  	s20 =	sshll.u32 s12, $0x1;
	s14 =	simm.s32 $0x0;
	s12 =	sadd.s32 s21, s10  }
0xa8: {  	[timem:s14], [sflag:s22] =	dma.local [hbm:s12], s20  }
0xa9: {  	_ =	swait.ge [sflag:s22], s20  }
0xaa: {  	s11 =	ssub.s32 $0x0, s20;
	[sflag:s22] =	ssyncset.done $0x0  }
0xab: {  	[sflag:s22] =	ssyncadd.s32 s11;
	_ =	sdelay $0x1  }
0xac: {  	s23 =	simm.s32 $0x1B8B  }
0xad: {  	_ =	swait.ge [sflag:s23], $0x1  }
0xae: {  	[sflag:s23] =	ssyncset.done $0x0  }
0xaf: {  	s25 =	simm.s32 $0x1B8E;
	s24 =	sld [smem:$0x3FFE];
	[sflag:s23] =	ssyncadd.s32 $0xFFFFFFFF  }
0xb0: {  	s26 =	simm.s32 $execute0_lowered;
	[smem:$0x3FD2] =	sst s25  }
0xb1: {  	s12 =	sshll.u32 s26, $0x1;
	_ =	strace $0x80000046;
	[dreg:$0x1] =	wrdreg $0xFFFFFFFF  }
0xb2: {  	s28 =	simm.s32 $_size_execute0_lowered;
	s10 =	sadd.s32 s10, s12;
	[dreg:$0x0] =	wrdreg $0x0  }
0xb3: {  	s12 =	sshll.u32 s28, $0x1;
	[dreg:$0x2] =	wrdreg s10  }
0xb4: {  	[dreg:$0x3] =	wrdreg s12  }
0xb5: {  	[dreg:$0x4] =	wrdreg $0xC0  }
0xb6: {  	_ =	task [dreg:s14], $0x5FFFF  }
0xb7: {  	[dreg:$0x1] =	wrdreg $0xFFFFFFFF  }
0xb8: {  	[dreg:$0x0] =	wrdreg $0x60  }
0xb9: {  	[dreg:$0x2] =	wrdreg s2  }
0xba: {  	[dreg:$0x3] =	wrdreg s15  }
0xbb: {  	[dreg:$0x4] =	wrdreg s4  }
0xbc: {  	[dreg:$0x5] =	wrdreg s6  }
0xbd: {  	[dreg:$0x6] =	wrdreg s7  }
0xbe: {  	[dreg:$0x7] =	wrdreg s24  }
0xbf: {  	[dreg:$0x8] =	wrdreg s8  }
0xc0: {  	[dreg:$0x9] =	wrdreg s16  }
0xc1: {  	[dreg:$0xa] =	wrdreg s17  }
0xc2: {  	[dreg:$0xb] =	wrdreg $0x9  }
0xc3: {  	_ =	task.clear_ibuf [dreg:s14], $0xCFFFF;
	_ =	strace $0x90000046  }
0xc4: {  	s29 =	simm.s32 $0x9;
	_ =	strace $0x80000048  }
0xc5: {  	_ =	swait.ge [sflag:s29], $0x1  }
0xc6: {  	[sflag:s29] =	ssyncadd.s32 $0xFFFFFFFF  }
0xc7: {  	_ =	strace $0x90000048  }
0xc8: {  	_ =	sfence  }
0xc9: {  	s30 =	sld [smem:$0x0];
	_ =	sdelay $0x2  }
0xca: {  	s31 =	sshll.u32 s1, $0xD;
	s1 =	sshrl.u32 s1, $0x2  }
0xcb: {  	s3 =	sand.u32 $0x4000, s31;
	s1 =	sadd.s32 s1, s30  }
0xcc: {  	s0 =	sor.u32 s3, s0;
	s1 =	sshll.u32 s1, $0x11  }
0xcd: {  	s0 =	sor.u32 s1, s0  }
0xce: {  	s0 =	sadd.s32 $0x8F2B, s0  }
0xcf: {  	[sflag:s0] =	ssyncadd.remote.s32 $0x1  }
0xd0: {  	_ =	sfence.sel $0xFFFF  }
0xd1: {  	[dreg:$0x0] =	wrdreg $0xFFFFFFFF;
	(pc) =	sbr.abs _section_cstart, $3  }
0xd2: {  	[dreg:$0x1] =	wrdreg $0xFFFFFFFF  }
0xd3: {  	_ =	task.clear_ibuf [dreg:s14], $0x2FFFF;
	_ =	strace $0x9FFFFFFF  }
0xd4: {  	(tm) =	ssettm $0x7FFFFFFF  }
0xd5: {  	_ =	shalt  }
tec
execute0_lowered:
.L_overlay_start_1:
0x0: {  	(tag) =	ssettag $0x1  }
0x1: {  	s0 =	rddreg [dreg:$0x0]  }
0x2: {  	s1 =	rddreg [dreg:$0x1]  }
0x3: {  	s2 =	rddreg [dreg:$0x2]  }
0x4: {  	s9 =	rddreg [dreg:$0x3]  }
0x5: {  	s10 =	rddreg [dreg:$0x4]  }
0x6: {  	s5 =	rddreg [dreg:$0x5]  }
0x7: {  	s11 =	rddreg [dreg:$0x7]  }
0x8: {  	s12 =	rddreg [dreg:$0x8]  }
0x9: {  	s3 =	simm.s32 $0x0;
	s4 =	srdreg.scid;
	s8 =	stileid.u32  }
0xa: {  	s15 =	simm.s32 $0x80;
	s16 =	simm.s32 $0x100;
	s17 =	simm.s32 $0x180  }
0xb: {  	s19 =	simm.s32 $0x2200;
	s23 =	simm.s32 $0x1;
	s28 =	simm.s32 $0x2  }
0xc: {  	s29 =	simm.s32 $0x25E8;
	s30 =	simm.s32 $0x166E8;
	s31 =	simm.s32 $0x16668  }
0xd: {  	s18 =	simm.s32 $0x0;
	[smem:$0x7FF] =	sst s3;
	s6 =	sand.u32 $0x1, s4  }
0xe: {  	s8 =	sshll.u32 s8, $0x1;
	s4 =	sadd.s32 $0xF43000, s5;
	s5 =	sadd.s32 $0xC00, s5  }
0xf: {  	_ =	strace $0x80000047;
	s7 =	ssub.s32 $0x2, s6;
	s8 =	sor.u32 s6, s8  }
0x10: {  	s13 =	sshrl.u32 s7, $0x1;
	s14 =	sshll.u32 s8, $0x4;
	s26 =	sshll.u32 s8, $0xA  }
0x11: {  	s13 =	ssub.s32 s7, s13;
	s6 =	sadd.s32 s0, s14;
	s7 =	sadd.s32 s2, s14  }
0x12: {  	s8 =	sadd.s32 s1, s14;
	s9 =	sadd.s32 s9, s26;
	s10 =	sadd.s32 s10, s14  }
0x13: {  	v0 =	vimm.s32 $0x0;
	vm0 =	vcmask $0x300;
	s11 =	sadd.s32 s11, s14;
	s12 =	sadd.s32 s12, s26;
	s14 =	simm.s32 $0x4  }
0x14: {  	v0 =	vsel vm0, $0x3, v0;
	s0 =	simm.s32 $0x3;
	s1 =	simm.s32 $0x167E8;
	s13 =	smax.u32 s13, $0x1  }
.LBB2_1:
0x15: {  	[tilespmem:s3], [sflag:$0x4] =	stream.linear.gather [hbm4b:s6+s3], $0x80, $0x38;
	[tilespmem:$0x187E8] =	vst v63  }
0x16: {  	_ =	swait.ge [sflag:s14], $0x80  }
0x17: {  	[sflag:s14] =	ssyncset.done $0x0  }
0x18: {  	[sflag:s14] =	ssyncadd.s32 $0xFFFFFF80  }
0x19: {  	[tilespmem:s15], [sflag:$0x4] =	stream.linear.gather [hbm4b:s7+s3], $0x80, $0x38;
	[tilespmem:$0x187E8] =	vst v63  }
0x1a: {  	_ =	swait.ge [sflag:s14], $0x80  }
0x1b: {  	[sflag:s14] =	ssyncset.done $0x0  }
0x1c: {  	[sflag:s14] =	ssyncadd.s32 $0xFFFFFF80  }
0x1d: {  	[tilespmem:s16], [sflag:$0x4] =	stream.linear.gather [hbm4b:s8+s3], $0x80, $0x38;
	[tilespmem:$0x187E8] =	vst v63  }
0x1e: {  	_ =	swait.ge [sflag:s14], $0x80  }
0x1f: {  	[sflag:s14] =	ssyncset.done $0x0  }
0x20: {  	[sflag:s14] =	ssyncadd.s32 $0xFFFFFF80  }
0x21: {  	[tilespmem:s17], [sflag:$0x4] =	stream.linear.gather [hbm4b:s9+s3], $0x2000, $0x38;
	[tilespmem:$0x187E8] =	vst v63  }
0x22: {  	_ =	swait.ge [sflag:s14], $0x2000  }
0x23: {  	[sflag:s14] =	ssyncset.done $0x0  }
0x24: {  	s2 =	simm.s32 $0x2180;
	[sflag:s14] =	ssyncadd.s32 $0xFFFFE000  }
0x25: {  	[tilespmem:s2], [sflag:$0x4] =	stream.linear.gather [hbm4b:s10+s3], $0x80, $0x38;
	[tilespmem:$0x187E8] =	vst v63  }
0x26: {  	_ =	swait.ge [sflag:s14], $0x80  }
0x27: {  	[sflag:s14] =	ssyncset.done $0x0  }
0x28: {  	[sflag:s14] =	ssyncadd.s32 $0xFFFFFF80  }
0x29: {  	s20 =	rddreg [dreg:$0x6]  }
0x2a: {  	[tilespmem:s19], [sflag:$0x4] =	stream.linear.gather [hbm4b:s20+s3], $0x3E8, $0x38;
	[tilespmem:$0x187E8] =	vst v63  }
0x2b: {  	_ =	swait.ge [sflag:s14], $0x3E8  }
0x2c: {  	[sflag:s14] =	ssyncset.done $0x0  }
0x2d: {  	s21 =	simm.s32 $0x2668;
	[sflag:s14] =	ssyncadd.s32 $0xFFFFFC18  }
0x2e: {  	[tilespmem:s21], [sflag:$0x1] =	stream.indirect.gather [hbm4b:s4+s15], $0x80, s3, s15, $0xb8;
	[tilespmem:$0x187E8] =	vst v63  }
0x2f: {  	s22 =	simm.s32 $0x6668  }
0x30: {  	[tilespmem:s22], [sflag:$0x1] =	stream.indirect.gather [hbm4b:s4+s15], $0x80, s15, s15, $0xb8;
	[tilespmem:$0x187E8] =	vst v63  }
0x31: {  	s24 =	simm.s32 $0xA668  }
0x32: {  	[tilespmem:s24], [sflag:$0x1] =	stream.indirect.gather [hbm4b:s5+s15], $0x80, s16, s15, $0xb8;
	[tilespmem:$0x187E8] =	vst v63  }
0x33: {  	_ =	swait.ge [sflag:s23], $0x4000  }
0x34: {  	[sflag:s23] =	ssyncset.done $0x0  }
0x35: {  	[sflag:s23] =	ssyncadd.s32 $0xFFFFC000  }
0x36: {  	_ =	swait.ge [sflag:s23], $0x4000  }
0x37: {  	[sflag:s23] =	ssyncset.done $0x0  }
0x38: {  	[sflag:s23] =	ssyncadd.s32 $0xFFFFC000  }
0x39: {  	_ =	swait.ge [sflag:s23], $0x4000  }
0x3a: {  	[sflag:s23] =	ssyncset.done $0x0  }
0x3b: {  	[sflag:s23] =	ssyncadd.s32 $0xFFFFC000  }
0x3c: {  	v1 =	vld [tilespmem:$0x100];
	_ =	sdelay $0x6  }
0x3d: {  	v2 =	vld [tilespmem:$0x2180]  }
0x3e: {  	v1 =	vld.idx.msk [tilespmem:v1+s19+$0x0], $0xffff;
	_ =	sdelay $0x4  }
0x3f: {  	v1 =	vmul.f32 v2, v1;
	_ =	sdelay $0x1  }
0x40: {  	v1 =	vadd.f32 $1.000000000e+00, v1;
	_ =	sdelay $0x1  }
0x41: {  	v2 =	vand.u32 $0x7FFFFF, v1  }
0x42: {  	v2 =	vor.u32 $0x3F800000, v2  }
0x43: {  	v3 =	vadd.f32 $1.000000000e+00, v2;
	_ =	sdelay $0x1  }
0x44: {  	(erf) = vrcp.f32 v3;
	_ =	sdelay $0x7  }
0x45: {  	v2 =	vadd.f32 $-1.000000000e+00, v2  }
0x46: {  	v3 =	vpop (erf)  }
0x47: {  	v2 =	vmul.f32 v3, v2;
	_ =	sdelay $0x1  }
0x48: {  	v3 =	vmul.f32 v2, v2;
	_ =	sdelay $0x1  }
0x49: {  	v4 =	vmul.f32 $1.111111120e-01, v3;
	_ =	sdelay $0x1  }
0x4a: {  	v4 =	vadd.f32 $1.428571490e-01, v4;
	_ =	sdelay $0x1  }
0x4b: {  	v4 =	vmul.f32 v4, v3;
	_ =	sdelay $0x1  }
0x4c: {  	v4 =	vadd.f32 $2.000000030e-01, v4;
	_ =	sdelay $0x1  }
0x4d: {  	v4 =	vmul.f32 v4, v3;
	_ =	sdelay $0x1  }
0x4e: {  	v4 =	vadd.f32 $3.333333430e-01, v4  }
0x4f: {  	v1 =	vshrl.u32 v1, $0x17  }
0x50: {  	v1 =	vand.u32 $0xFF, v1;
	v3 =	vmul.f32 v4, v3  }
0x51: {  	v1 =	vadd.s32 $0xFFFFFF81, v1  }
0x52: {  	v1 =	vcvt.s32.f32 v1;
	v2 =	vadd.f32 v2, v2;
	v3 =	vadd.f32 $1.000000000e+00, v3  }
0x53: {  	v50 =	vld [tilespmem:$0x110]  }
0x54: {  	v1 =	vmul.f32 $6.931471820e-01, v1;
	v2 =	vmul.f32 v3, v2;
	_ =	sdelay $0x1  }
0x55: {  	v1 =	vadd.f32 v2, v1;
	_ =	sdelay $0x1  }
0x56: {  	v1 =	vadd.f32 $1.000000000e+00, v1;
	_ =	sdelay $0x1  }
0x57: {  	v2 =	vld [tilespmem:$0x2190];
	[tilespmem:$0x25E8] =	vst v1  }
0x58: {  	v1 =	vld.idx.msk [tilespmem:v50+s19+$0x0], $0xffff;
	_ =	sdelay $0x4  }
0x59: {  	v1 =	vmul.f32 v2, v1;
	_ =	sdelay $0x1  }
0x5a: {  	v1 =	vadd.f32 $1.000000000e+00, v1;
	_ =	sdelay $0x1  }
0x5b: {  	v2 =	vand.u32 $0x7FFFFF, v1  }
0x5c: {  	v2 =	vor.u32 $0x3F800000, v2  }
0x5d: {  	v3 =	vadd.f32 $1.000000000e+00, v2;
	_ =	sdelay $0x1  }
0x5e: {  	(erf) = vrcp.f32 v3;
	_ =	sdelay $0x7  }
0x5f: {  	v2 =	vadd.f32 $-1.000000000e+00, v2  }
0x60: {  	v3 =	vpop (erf)  }
0x61: {  	v2 =	vmul.f32 v3, v2;
	_ =	sdelay $0x1  }
0x62: {  	v3 =	vmul.f32 v2, v2;
	_ =	sdelay $0x1  }
0x63: {  	v51 =	vmul.f32 $1.111111120e-01, v3;
	_ =	sdelay $0x1  }
0x64: {  	v4 =	vadd.f32 $1.428571490e-01, v51;
	_ =	sdelay $0x1  }
0x65: {  	v4 =	vmul.f32 v4, v3;
	_ =	sdelay $0x1  }
0x66: {  	v4 =	vadd.f32 $2.000000030e-01, v4;
	_ =	sdelay $0x1  }
0x67: {  	v4 =	vmul.f32 v4, v3;
	_ =	sdelay $0x1  }
0x68: {  	v4 =	vadd.f32 $3.333333430e-01, v4  }
0x69: {  	v1 =	vshrl.u32 v1, $0x17  }
0x6a: {  	v1 =	vand.u32 $0xFF, v1;
	v3 =	vmul.f32 v4, v3  }
0x6b: {  	v1 =	vadd.s32 $0xFFFFFF81, v1  }
0x6c: {  	v1 =	vcvt.s32.f32 v1;
	v2 =	vadd.f32 v2, v2;
	v3 =	vadd.f32 $1.000000000e+00, v3  }
0x6d: {  	v52 =	vld [tilespmem:$0x120]  }
0x6e: {  	v1 =	vmul.f32 $6.931471820e-01, v1;
	v2 =	vmul.f32 v3, v2;
	_ =	sdelay $0x1  }
0x6f: {  	v1 =	vadd.f32 v2, v1;
	_ =	sdelay $0x1  }
0x70: {  	v1 =	vadd.f32 $1.000000000e+00, v1;
	_ =	sdelay $0x1  }
0x71: {  	v2 =	vld [tilespmem:$0x21A0];
	[tilespmem:$0x25F8] =	vst v1  }
0x72: {  	v1 =	vld.idx.msk [tilespmem:v52+s19+$0x0], $0xffff;
	_ =	sdelay $0x4  }
0x73: {  	v1 =	vmul.f32 v2, v1;
	_ =	sdelay $0x1  }
0x74: {  	v1 =	vadd.f32 $1.000000000e+00, v1;
	_ =	sdelay $0x1  }
0x75: {  	v2 =	vand.u32 $0x7FFFFF, v1  }
0x76: {  	v2 =	vor.u32 $0x3F800000, v2  }
0x77: {  	v3 =	vadd.f32 $1.000000000e+00, v2;
	_ =	sdelay $0x1  }
0x78: {  	(erf) = vrcp.f32 v3;
	_ =	sdelay $0x7  }
0x79: {  	v2 =	vadd.f32 $-1.000000000e+00, v2  }
0x7a: {  	v3 =	vpop (erf)  }
0x7b: {  	v2 =	vmul.f32 v3, v2;
	_ =	sdelay $0x1  }
0x7c: {  	v3 =	vmul.f32 v2, v2;
	_ =	sdelay $0x1  }
0x7d: {  	v53 =	vmul.f32 $1.111111120e-01, v3;
	_ =	sdelay $0x1  }
0x7e: {  	v4 =	vadd.f32 $1.428571490e-01, v53;
	_ =	sdelay $0x1  }
0x7f: {  	v4 =	vmul.f32 v4, v3;
	_ =	sdelay $0x1  }
0x80: {  	v4 =	vadd.f32 $2.000000030e-01, v4;
	_ =	sdelay $0x1  }
0x81: {  	v4 =	vmul.f32 v4, v3;
	_ =	sdelay $0x1  }
0x82: {  	v4 =	vadd.f32 $3.333333430e-01, v4  }
0x83: {  	v1 =	vshrl.u32 v1, $0x17  }
0x84: {  	v1 =	vand.u32 $0xFF, v1;
	v3 =	vmul.f32 v4, v3  }
0x85: {  	v1 =	vadd.s32 $0xFFFFFF81, v1  }
0x86: {  	v1 =	vcvt.s32.f32 v1;
	v2 =	vadd.f32 v2, v2;
	v3 =	vadd.f32 $1.000000000e+00, v3  }
0x87: {  	v54 =	vld [tilespmem:$0x130]  }
0x88: {  	v1 =	vmul.f32 $6.931471820e-01, v1;
	v2 =	vmul.f32 v3, v2;
	_ =	sdelay $0x1  }
0x89: {  	v1 =	vadd.f32 v2, v1;
	_ =	sdelay $0x1  }
0x8a: {  	v1 =	vadd.f32 $1.000000000e+00, v1;
	_ =	sdelay $0x1  }
0x8b: {  	v2 =	vld [tilespmem:$0x21B0];
	[tilespmem:$0x2608] =	vst v1  }
0x8c: {  	v1 =	vld.idx.msk [tilespmem:v54+s19+$0x0], $0xffff;
	_ =	sdelay $0x4  }
0x8d: {  	v1 =	vmul.f32 v2, v1;
	_ =	sdelay $0x1  }
0x8e: {  	v1 =	vadd.f32 $1.000000000e+00, v1;
	_ =	sdelay $0x1  }
0x8f: {  	v2 =	vand.u32 $0x7FFFFF, v1  }
0x90: {  	v2 =	vor.u32 $0x3F800000, v2  }
0x91: {  	v3 =	vadd.f32 $1.000000000e+00, v2;
	_ =	sdelay $0x1  }
0x92: {  	(erf) = vrcp.f32 v3;
	_ =	sdelay $0x7  }
0x93: {  	v2 =	vadd.f32 $-1.000000000e+00, v2  }
0x94: {  	v3 =	vpop (erf)  }
0x95: {  	v2 =	vmul.f32 v3, v2;
	_ =	sdelay $0x1  }
0x96: {  	v3 =	vmul.f32 v2, v2;
	_ =	sdelay $0x1  }
0x97: {  	v55 =	vmul.f32 $1.111111120e-01, v3;
	_ =	sdelay $0x1  }
0x98: {  	v4 =	vadd.f32 $1.428571490e-01, v55;
	_ =	sdelay $0x1  }
0x99: {  	v4 =	vmul.f32 v4, v3;
	_ =	sdelay $0x1  }
0x9a: {  	v4 =	vadd.f32 $2.000000030e-01, v4;
	_ =	sdelay $0x1  }
0x9b: {  	v4 =	vmul.f32 v4, v3;
	_ =	sdelay $0x1  }
0x9c: {  	v4 =	vadd.f32 $3.333333430e-01, v4  }
0x9d: {  	v1 =	vshrl.u32 v1, $0x17  }
0x9e: {  	v1 =	vand.u32 $0xFF, v1;
	v3 =	vmul.f32 v4, v3  }
0x9f: {  	v1 =	vadd.s32 $0xFFFFFF81, v1  }
0xa0: {  	v1 =	vcvt.s32.f32 v1;
	v2 =	vadd.f32 v2, v2;
	v3 =	vadd.f32 $1.000000000e+00, v3  }
0xa1: {  	v56 =	vld [tilespmem:$0x140]  }
0xa2: {  	v1 =	vmul.f32 $6.931471820e-01, v1;
	v2 =	vmul.f32 v3, v2;
	_ =	sdelay $0x1  }
0xa3: {  	v1 =	vadd.f32 v2, v1;
	_ =	sdelay $0x1  }
0xa4: {  	v1 =	vadd.f32 $1.000000000e+00, v1;
	_ =	sdelay $0x1  }
0xa5: {  	v2 =	vld [tilespmem:$0x21C0];
	[tilespmem:$0x2618] =	vst v1  }
0xa6: {  	v1 =	vld.idx.msk [tilespmem:v56+s19+$0x0], $0xffff;
	_ =	sdelay $0x4  }
0xa7: {  	v1 =	vmul.f32 v2, v1;
	_ =	sdelay $0x1  }
0xa8: {  	v1 =	vadd.f32 $1.000000000e+00, v1;
	_ =	sdelay $0x1  }
0xa9: {  	v2 =	vand.u32 $0x7FFFFF, v1  }
0xaa: {  	v2 =	vor.u32 $0x3F800000, v2  }
0xab: {  	v3 =	vadd.f32 $1.000000000e+00, v2;
	_ =	sdelay $0x1  }
0xac: {  	(erf) = vrcp.f32 v3;
	_ =	sdelay $0x7  }
0xad: {  	v2 =	vadd.f32 $-1.000000000e+00, v2  }
0xae: {  	v3 =	vpop (erf)  }
0xaf: {  	v2 =	vmul.f32 v3, v2;
	_ =	sdelay $0x1  }
0xb0: {  	v3 =	vmul.f32 v2, v2;
	_ =	sdelay $0x1  }
0xb1: {  	v57 =	vmul.f32 $1.111111120e-01, v3;
	_ =	sdelay $0x1  }
0xb2: {  	v4 =	vadd.f32 $1.428571490e-01, v57;
	_ =	sdelay $0x1  }
0xb3: {  	v4 =	vmul.f32 v4, v3;
	_ =	sdelay $0x1  }
0xb4: {  	v4 =	vadd.f32 $2.000000030e-01, v4;
	_ =	sdelay $0x1  }
0xb5: {  	v4 =	vmul.f32 v4, v3;
	_ =	sdelay $0x1  }
0xb6: {  	v4 =	vadd.f32 $3.333333430e-01, v4  }
0xb7: {  	v1 =	vshrl.u32 v1, $0x17  }
0xb8: {  	v1 =	vand.u32 $0xFF, v1;
	v3 =	vmul.f32 v4, v3  }
0xb9: {  	v1 =	vadd.s32 $0xFFFFFF81, v1  }
0xba: {  	v1 =	vcvt.s32.f32 v1;
	v2 =	vadd.f32 v2, v2;
	v3 =	vadd.f32 $1.000000000e+00, v3  }
0xbb: {  	v58 =	vld [tilespmem:$0x150]  }
0xbc: {  	v1 =	vmul.f32 $6.931471820e-01, v1;
	v2 =	vmul.f32 v3, v2;
	_ =	sdelay $0x1  }
0xbd: {  	v1 =	vadd.f32 v2, v1;
	_ =	sdelay $0x1  }
0xbe: {  	v1 =	vadd.f32 $1.000000000e+00, v1;
	_ =	sdelay $0x1  }
0xbf: {  	v2 =	vld [tilespmem:$0x21D0];
	[tilespmem:$0x2628] =	vst v1  }
0xc0: {  	v1 =	vld.idx.msk [tilespmem:v58+s19+$0x0], $0xffff;
	_ =	sdelay $0x4  }
0xc1: {  	v1 =	vmul.f32 v2, v1;
	_ =	sdelay $0x1  }
0xc2: {  	v1 =	vadd.f32 $1.000000000e+00, v1;
	_ =	sdelay $0x1  }
0xc3: {  	v2 =	vand.u32 $0x7FFFFF, v1  }
0xc4: {  	v2 =	vor.u32 $0x3F800000, v2  }
0xc5: {  	v3 =	vadd.f32 $1.000000000e+00, v2;
	_ =	sdelay $0x1  }
0xc6: {  	(erf) = vrcp.f32 v3;
	_ =	sdelay $0x7  }
0xc7: {  	v2 =	vadd.f32 $-1.000000000e+00, v2  }
0xc8: {  	v3 =	vpop (erf)  }
0xc9: {  	v2 =	vmul.f32 v3, v2;
	_ =	sdelay $0x1  }
0xca: {  	v3 =	vmul.f32 v2, v2;
	_ =	sdelay $0x1  }
0xcb: {  	v59 =	vmul.f32 $1.111111120e-01, v3;
	_ =	sdelay $0x1  }
0xcc: {  	v4 =	vadd.f32 $1.428571490e-01, v59;
	_ =	sdelay $0x1  }
0xcd: {  	v4 =	vmul.f32 v4, v3;
	_ =	sdelay $0x1  }
0xce: {  	v4 =	vadd.f32 $2.000000030e-01, v4;
	_ =	sdelay $0x1  }
0xcf: {  	v4 =	vmul.f32 v4, v3;
	_ =	sdelay $0x1  }
0xd0: {  	v4 =	vadd.f32 $3.333333430e-01, v4  }
0xd1: {  	v1 =	vshrl.u32 v1, $0x17  }
0xd2: {  	v1 =	vand.u32 $0xFF, v1;
	v3 =	vmul.f32 v4, v3  }
0xd3: {  	v1 =	vadd.s32 $0xFFFFFF81, v1  }
0xd4: {  	v1 =	vcvt.s32.f32 v1;
	v2 =	vadd.f32 v2, v2;
	v3 =	vadd.f32 $1.000000000e+00, v3  }
0xd5: {  	v60 =	vld [tilespmem:$0x160]  }
0xd6: {  	v1 =	vmul.f32 $6.931471820e-01, v1;
	v2 =	vmul.f32 v3, v2;
	_ =	sdelay $0x1  }
0xd7: {  	v1 =	vadd.f32 v2, v1;
	_ =	sdelay $0x1  }
0xd8: {  	v1 =	vadd.f32 $1.000000000e+00, v1;
	_ =	sdelay $0x1  }
0xd9: {  	v2 =	vld [tilespmem:$0x21E0];
	[tilespmem:$0x2638] =	vst v1  }
0xda: {  	v1 =	vld.idx.msk [tilespmem:v60+s19+$0x0], $0xffff;
	_ =	sdelay $0x4  }
0xdb: {  	v1 =	vmul.f32 v2, v1;
	_ =	sdelay $0x1  }
0xdc: {  	v1 =	vadd.f32 $1.000000000e+00, v1;
	_ =	sdelay $0x1  }
0xdd: {  	v2 =	vand.u32 $0x7FFFFF, v1  }
0xde: {  	v2 =	vor.u32 $0x3F800000, v2  }
0xdf: {  	v3 =	vadd.f32 $1.000000000e+00, v2;
	_ =	sdelay $0x1  }
0xe0: {  	(erf) = vrcp.f32 v3;
	_ =	sdelay $0x7  }
0xe1: {  	v2 =	vadd.f32 $-1.000000000e+00, v2  }
0xe2: {  	v3 =	vpop (erf)  }
0xe3: {  	v2 =	vmul.f32 v3, v2;
	_ =	sdelay $0x1  }
0xe4: {  	v3 =	vmul.f32 v2, v2;
	_ =	sdelay $0x1  }
0xe5: {  	v61 =	vmul.f32 $1.111111120e-01, v3;
	_ =	sdelay $0x1  }
0xe6: {  	v4 =	vadd.f32 $1.428571490e-01, v61;
	_ =	sdelay $0x1  }
0xe7: {  	v4 =	vmul.f32 v4, v3;
	_ =	sdelay $0x1  }
0xe8: {  	v4 =	vadd.f32 $2.000000030e-01, v4;
	_ =	sdelay $0x1  }
0xe9: {  	v4 =	vmul.f32 v4, v3;
	_ =	sdelay $0x1  }
0xea: {  	v4 =	vadd.f32 $3.333333430e-01, v4  }
0xeb: {  	v1 =	vshrl.u32 v1, $0x17  }
0xec: {  	v1 =	vand.u32 $0xFF, v1;
	v3 =	vmul.f32 v4, v3  }
0xed: {  	v1 =	vadd.s32 $0xFFFFFF81, v1  }
0xee: {  	v1 =	vcvt.s32.f32 v1;
	v2 =	vadd.f32 v2, v2;
	v3 =	vadd.f32 $1.000000000e+00, v3  }
0xef: {  	v62 =	vld [tilespmem:$0x170]  }
0xf0: {  	v1 =	vmul.f32 $6.931471820e-01, v1;
	v2 =	vmul.f32 v3, v2;
	_ =	sdelay $0x1  }
0xf1: {  	v1 =	vadd.f32 v2, v1;
	_ =	sdelay $0x1  }
0xf2: {  	v1 =	vadd.f32 $1.000000000e+00, v1;
	_ =	sdelay $0x1  }
0xf3: {  	v2 =	vld [tilespmem:$0x21F0];
	[tilespmem:$0x2648] =	vst v1  }
0xf4: {  	v1 =	vld.idx.msk [tilespmem:v62+s19+$0x0], $0xffff;
	_ =	sdelay $0x4  }
0xf5: {  	v1 =	vmul.f32 v2, v1;
	_ =	sdelay $0x1  }
0xf6: {  	v1 =	vadd.f32 $1.000000000e+00, v1;
	_ =	sdelay $0x1  }
0xf7: {  	v2 =	vand.u32 $0x7FFFFF, v1  }
0xf8: {  	v2 =	vor.u32 $0x3F800000, v2  }
0xf9: {  	v3 =	vadd.f32 $1.000000000e+00, v2;
	_ =	sdelay $0x1  }
0xfa: {  	(erf) = vrcp.f32 v3;
	_ =	sdelay $0x7  }
0xfb: {  	v2 =	vadd.f32 $-1.000000000e+00, v2  }
0xfc: {  	v3 =	vpop (erf)  }
0xfd: {  	v2 =	vmul.f32 v3, v2;
	_ =	sdelay $0x1  }
0xfe: {  	v3 =	vmul.f32 v2, v2;
	_ =	sdelay $0x1  }
0xff: {  	v63 =	vmul.f32 $1.111111120e-01, v3;
	_ =	sdelay $0x1  }
0x100: {  	v4 =	vadd.f32 $1.428571490e-01, v63;
	_ =	sdelay $0x1  }
0x101: {  	v4 =	vmul.f32 v4, v3;
	_ =	sdelay $0x1  }
0x102: {  	v4 =	vadd.f32 $2.000000030e-01, v4;
	_ =	sdelay $0x1  }
0x103: {  	v4 =	vmul.f32 v4, v3;
	_ =	sdelay $0x1  }
0x104: {  	v4 =	vadd.f32 $3.333333430e-01, v4  }
0x105: {  	v1 =	vshrl.u32 v1, $0x17  }
0x106: {  	v1 =	vand.u32 $0xFF, v1;
	v3 =	vmul.f32 v4, v3  }
0x107: {  	v1 =	vadd.s32 $0xFFFFFF81, v1  }
0x108: {  	v1 =	vcvt.s32.f32 v1;
	v2 =	vadd.f32 v2, v2;
	v3 =	vadd.f32 $1.000000000e+00, v3;
	_ =	sdelay $0x1  }
0x109: {  	v1 =	vmul.f32 $6.931471820e-01, v1;
	v2 =	vmul.f32 v3, v2;
	_ =	sdelay $0x1  }
0x10a: {  	v1 =	vadd.f32 v2, v1;
	_ =	sdelay $0x1  }
0x10b: {  	v1 =	vadd.f32 $1.000000000e+00, v1;
	_ =	sdelay $0x1  }
0x10c: {  	s25 =	simm.s32 $0xE668;
	[tilespmem:$0x2658] =	vst v1  }
0x10d: {  	[tilespmem:s25], [sflag:$0x2] =	stream.indirect.gather [hbm4b:s4+s15], $0x80, s17, s15, $0xb8;
	[tilespmem:$0x187E8] =	vst v63  }
0x10e: {  	s26 =	simm.s32 $0x200;
	s20 =	simm.s32 $0x12668  }
0x10f: {  	[tilespmem:s20], [sflag:$0x3] =	stream.indirect.gather [hbm4b:s4+s15], $0x80, s26, s15, $0xb8;
	[tilespmem:$0x187E8] =	vst v63  }
0x110: {  	s20 =	simm.s32 $0x0  }
.LBB2_2:
0x111: {  	s21 =	sshll.u32 s20, $0x2;
	_ =	swait.ge [sflag:s28], $0x4000  }
0x112: {  	v1 =	vmov s21;
	[sflag:s28] =	ssyncset.done $0x0  }
0x113: {  	s22 =	sshll.u32 s20, $0x9;
	v5 =	vbroadcast v1, $0x0;
	[sflag:s28] =	ssyncadd.s32 $0xFFFFC000  }
0x114: {  	v1 =	vld [tilespmem:s22+$0x2668]  }
0x115: {  	v2 =	vld [tilespmem:s22+$0xA668]  }
0x116: {  	v3 =	vld [tilespmem:s22+$0x2678]  }
0x117: {  	v6 =	vld [tilespmem:s22+$0xA678]  }
0x118: {  	v7 =	vld [tilespmem:s22+$0x2688]  }
0x119: {  	v4 =	vld.idx.msk [tilespmem:v5+s29+$0x0], $0xffff  }
0x11a: {  	v8 =	vld [tilespmem:s22+$0xA688]  }
0x11b: {  	v9 =	vld [tilespmem:s22+$0xA698]  }
0x11c: {  	v10 =	vld [tilespmem:s22+$0x6668]  }
0x11d: {  	v11 =	vld [tilespmem:s22+$0x6678]  }
0x11e: {  	v12 =	vld [tilespmem:s22+$0x2698];
	v2 =	vmul.f32 v2, v4;
	v6 =	vmul.f32 v6, v4  }
0x11f: {  	v13 =	vld [tilespmem:s22+$0x6688];
	v8 =	vmul.f32 v8, v4  }
0x120: {  	v1 =	vadd.f32 v2, v1;
	v2 =	vadd.f32 v6, v3  }
0x121: {  	v4 =	vmul.f32 v9, v4;
	v3 =	vadd.f32 v8, v7;
	v6 =	vld [tilespmem:s22+$0x6698]  }
0x122: {  	v7 =	vsub.f32 v1, v10;
	v61 =	vsub.f32 v2, v11  }
0x123: {  	v4 =	vadd.f32 v4, v12  }
0x124: {  	v62 =	vsub.f32 v3, v13;
	v7 =	vmul.f32 v7, v7;
	v8 =	vmul.f32 v61, v61;
	_ =	sdelay $0x1  }
0x125: {  	v63 =	vmul.f32 v62, v62;
	v6 =	vsub.f32 v4, v6;
	v7 =	vadd.f32 v8, v7;
	_ =	sdelay $0x1  }
0x126: {  	v6 =	vmul.f32 v6, v6;
	v7 =	vadd.f32 v63, v7;
	_ =	sdelay $0x1  }
0x127: {  	v6 =	vadd.f32 v6, v7;
	_ =	sdelay $0x1  }
0x128: {  	(xrf2) =	vadd.scan.msk.f32 $0xffff, v6;
	_ =	sdelay $0x9  }
0x129: {  	v6, _, _ =	vpop (xrf2)  }
0x12a: {  	v6 =	vbroadcast v6, $0xF;
	_ =	sdelay $0x1  }
0x12b: {  	s24 =	simm.s32 $0xEA68;
	s22 =	simm.s32 $0xF;
	[tilespmem:v5+s30+$0x0] =	vst.idx.msk $0x1, v6  }
.LBB2_3:
0x12c: {  	v5 =	vld [tilespmem:s24+$0xFFFFFC00]  }
0x12d: {  	v6 =	vld [tilespmem:s24+$0xFFFFFC10];
	_ =	sdelay $0x1  }
0x12e: {  	v7 =	vld [tilespmem:s24+$0xFFFFFC20];
	_ =	sdelay $0x1  }
0x12f: {  	v8 =	vld [tilespmem:s24+$0xFFFFFC30]  }
0x130: {  	v5 =	vsub.f32 v1, v5;
	v6 =	vsub.f32 v2, v6;
	_ =	sdelay $0x1  }
0x131: {  	v7 =	vsub.f32 v3, v7;
	v5 =	vmul.f32 v5, v5;
	v6 =	vmul.f32 v6, v6;
	_ =	sdelay $0x1  }
0x132: {  	v5 =	vadd.f32 v6, v5;
	v6 =	vmul.f32 v7, v7;
	v7 =	vsub.f32 v4, v8;
	_ =	sdelay $0x1  }
0x133: {  	v5 =	vadd.f32 v6, v5;
	v6 =	vmul.f32 v7, v7;
	_ =	sdelay $0x1  }
0x134: {  	v5 =	vadd.f32 v6, v5;
	_ =	sdelay $0x1  }
0x135: {  	(xrf2) =	vadd.scan.msk.f32 $0xffff, v5;
	_ =	sdelay $0x2  }
0x136: {  	s25 =	sadd.s32 $0xFFFFFFF1, s22  }
0x137: {  	v5 =	vmov s25  }
0x138: {  	v5 =	vshrl.u32 v5, $0x3  }
0x139: {  	v5 =	vshll.u32 v5, v0  }
0x13a: {  	v5 =	vbroadcast v5, $0x0;
	_ =	sdelay $0x2  }
0x13b: {  	v6, _, _ =	vpop (xrf2)  }
0x13c: {  	v6 =	vbroadcast v6, $0xF;
	_ =	sdelay $0x1  }
0x13d: {  	[tilespmem:v5+s31+$0x0] =	vst.idx.msk $0x1, v6  }
0x13e: {  	v5 =	vld [tilespmem:s24+$0xFFFFFC80]  }
0x13f: {  	v6 =	vld [tilespmem:s24+$0xFFFFFC90];
	_ =	sdelay $0x1  }
0x140: {  	v7 =	vld [tilespmem:s24+$0xFFFFFCA0];
	_ =	sdelay $0x1  }
0x141: {  	v49 =	vld [tilespmem:s24+$0xFFFFFCB0]  }
0x142: {  	v5 =	vsub.f32 v1, v5;
	v6 =	vsub.f32 v2, v6;
	_ =	sdelay $0x1  }
0x143: {  	v7 =	vsub.f32 v3, v7;
	v5 =	vmul.f32 v5, v5;
	v6 =	vmul.f32 v6, v6;
	_ =	sdelay $0x1  }
0x144: {  	v5 =	vadd.f32 v6, v5;
	v6 =	vmul.f32 v7, v7;
	v7 =	vsub.f32 v4, v49;
	_ =	sdelay $0x1  }
0x145: {  	v5 =	vadd.f32 v6, v5;
	v6 =	vmul.f32 v7, v7;
	_ =	sdelay $0x1  }
0x146: {  	v5 =	vadd.f32 v6, v5;
	_ =	sdelay $0x1  }
0x147: {  	(xrf2) =	vadd.scan.msk.f32 $0xffff, v5;
	_ =	sdelay $0x1  }
0x148: {  	s2 =	sadd.s32 $0xFFFFFFF2, s22  }
0x149: {  	v5 =	vmov s2  }
0x14a: {  	v5 =	vshrl.u32 v5, $0x3  }
0x14b: {  	v5 =	vshll.u32 v5, v0  }
0x14c: {  	v5 =	vadd.s32 $0x1, v5  }
0x14d: {  	v5 =	vbroadcast v5, $0x0;
	_ =	sdelay $0x2  }
0x14e: {  	v6, _, _ =	vpop (xrf2)  }
0x14f: {  	v6 =	vbroadcast v6, $0xF;
	_ =	sdelay $0x1  }
0x150: {  	[tilespmem:v5+s31+$0x0] =	vst.idx.msk $0x1, v6  }
0x151: {  	v5 =	vld [tilespmem:s24+$0xFFFFFD00]  }
0x152: {  	v6 =	vld [tilespmem:s24+$0xFFFFFD10];
	_ =	sdelay $0x1  }
0x153: {  	v7 =	vld [tilespmem:s24+$0xFFFFFD20];
	_ =	sdelay $0x1  }
0x154: {  	v50 =	vld [tilespmem:s24+$0xFFFFFD30]  }
0x155: {  	v5 =	vsub.f32 v1, v5;
	v6 =	vsub.f32 v2, v6;
	_ =	sdelay $0x1  }
0x156: {  	v7 =	vsub.f32 v3, v7;
	v5 =	vmul.f32 v5, v5;
	v6 =	vmul.f32 v6, v6;
	_ =	sdelay $0x1  }
0x157: {  	v5 =	vadd.f32 v6, v5;
	v6 =	vmul.f32 v7, v7;
	v7 =	vsub.f32 v4, v50;
	_ =	sdelay $0x1  }
0x158: {  	v5 =	vadd.f32 v6, v5;
	v6 =	vmul.f32 v7, v7;
	_ =	sdelay $0x1  }
0x159: {  	v5 =	vadd.f32 v6, v5;
	_ =	sdelay $0x1  }
0x15a: {  	(xrf2) =	vadd.scan.msk.f32 $0xffff, v5;
	_ =	sdelay $0x1  }
0x15b: {  	s26 =	sadd.s32 $0xFFFFFFF3, s22  }
0x15c: {  	v5 =	vmov s26  }
0x15d: {  	v5 =	vshrl.u32 v5, $0x3  }
0x15e: {  	v5 =	vshll.u32 v5, v0  }
0x15f: {  	v5 =	vadd.s32 $0x2, v5  }
0x160: {  	v5 =	vbroadcast v5, $0x0;
	_ =	sdelay $0x2  }
0x161: {  	v6, _, _ =	vpop (xrf2)  }
0x162: {  	v6 =	vbroadcast v6, $0xF;
	_ =	sdelay $0x1  }
0x163: {  	[tilespmem:v5+s31+$0x0] =	vst.idx.msk $0x1, v6  }
0x164: {  	v5 =	vld [tilespmem:s24+$0xFFFFFD80]  }
0x165: {  	v6 =	vld [tilespmem:s24+$0xFFFFFD90];
	_ =	sdelay $0x1  }
0x166: {  	v7 =	vld [tilespmem:s24+$0xFFFFFDA0];
	_ =	sdelay $0x1  }
0x167: {  	v51 =	vld [tilespmem:s24+$0xFFFFFDB0]  }
0x168: {  	v5 =	vsub.f32 v1, v5;
	v6 =	vsub.f32 v2, v6;
	_ =	sdelay $0x1  }
0x169: {  	v7 =	vsub.f32 v3, v7;
	v5 =	vmul.f32 v5, v5;
	v6 =	vmul.f32 v6, v6;
	_ =	sdelay $0x1  }
0x16a: {  	v5 =	vadd.f32 v6, v5;
	v6 =	vmul.f32 v7, v7;
	v7 =	vsub.f32 v4, v51;
	_ =	sdelay $0x1  }
0x16b: {  	v5 =	vadd.f32 v6, v5;
	v6 =	vmul.f32 v7, v7;
	_ =	sdelay $0x1  }
0x16c: {  	v5 =	vadd.f32 v6, v5;
	_ =	sdelay $0x1  }
0x16d: {  	(xrf2) =	vadd.scan.msk.f32 $0xffff, v5;
	_ =	sdelay $0x1  }
0x16e: {  	s2 =	sadd.s32 $0xFFFFFFF4, s22  }
0x16f: {  	v5 =	vmov s2  }
0x170: {  	v5 =	vshrl.u32 v5, $0x3  }
0x171: {  	v5 =	vshll.u32 v5, v0  }
0x172: {  	v5 =	vadd.s32 $0x3, v5  }
0x173: {  	v5 =	vbroadcast v5, $0x0;
	_ =	sdelay $0x2  }
0x174: {  	v6, _, _ =	vpop (xrf2)  }
0x175: {  	v6 =	vbroadcast v6, $0xF;
	_ =	sdelay $0x1  }
0x176: {  	[tilespmem:v5+s31+$0x0] =	vst.idx.msk $0x1, v6  }
0x177: {  	v5 =	vld [tilespmem:s24+$0xFFFFFE00]  }
0x178: {  	v6 =	vld [tilespmem:s24+$0xFFFFFE10];
	_ =	sdelay $0x1  }
0x179: {  	v7 =	vld [tilespmem:s24+$0xFFFFFE20];
	_ =	sdelay $0x1  }
0x17a: {  	v52 =	vld [tilespmem:s24+$0xFFFFFE30]  }
0x17b: {  	v5 =	vsub.f32 v1, v5;
	v6 =	vsub.f32 v2, v6;
	_ =	sdelay $0x1  }
0x17c: {  	v7 =	vsub.f32 v3, v7;
	v5 =	vmul.f32 v5, v5;
	v6 =	vmul.f32 v6, v6;
	_ =	sdelay $0x1  }
0x17d: {  	v5 =	vadd.f32 v6, v5;
	v6 =	vmul.f32 v7, v7;
	v7 =	vsub.f32 v4, v52;
	_ =	sdelay $0x1  }
0x17e: {  	v5 =	vadd.f32 v6, v5;
	v6 =	vmul.f32 v7, v7;
	_ =	sdelay $0x1  }
0x17f: {  	v5 =	vadd.f32 v6, v5;
	_ =	sdelay $0x1  }
0x180: {  	(xrf2) =	vadd.scan.msk.f32 $0xffff, v5;
	_ =	sdelay $0x1  }
0x181: {  	s26 =	sadd.s32 $0xFFFFFFF5, s22  }
0x182: {  	v5 =	vmov s26  }
0x183: {  	v5 =	vshrl.u32 v5, $0x3  }
0x184: {  	v5 =	vshll.u32 v5, v0  }
0x185: {  	v5 =	vadd.s32 $0x4, v5  }
0x186: {  	v5 =	vbroadcast v5, $0x0;
	_ =	sdelay $0x2  }
0x187: {  	v6, _, _ =	vpop (xrf2)  }
0x188: {  	v6 =	vbroadcast v6, $0xF;
	_ =	sdelay $0x1  }
0x189: {  	[tilespmem:v5+s31+$0x0] =	vst.idx.msk $0x1, v6  }
0x18a: {  	v5 =	vld [tilespmem:s24+$0xFFFFFE80]  }
0x18b: {  	v6 =	vld [tilespmem:s24+$0xFFFFFE90];
	_ =	sdelay $0x1  }
0x18c: {  	v7 =	vld [tilespmem:s24+$0xFFFFFEA0];
	_ =	sdelay $0x1  }
0x18d: {  	v53 =	vld [tilespmem:s24+$0xFFFFFEB0]  }
0x18e: {  	v5 =	vsub.f32 v1, v5;
	v6 =	vsub.f32 v2, v6;
	_ =	sdelay $0x1  }
0x18f: {  	v7 =	vsub.f32 v3, v7;
	v5 =	vmul.f32 v5, v5;
	v6 =	vmul.f32 v6, v6;
	_ =	sdelay $0x1  }
0x190: {  	v5 =	vadd.f32 v6, v5;
	v6 =	vmul.f32 v7, v7;
	v7 =	vsub.f32 v4, v53;
	_ =	sdelay $0x1  }
0x191: {  	v5 =	vadd.f32 v6, v5;
	v6 =	vmul.f32 v7, v7;
	_ =	sdelay $0x1  }
0x192: {  	v5 =	vadd.f32 v6, v5;
	_ =	sdelay $0x1  }
0x193: {  	(xrf2) =	vadd.scan.msk.f32 $0xffff, v5;
	_ =	sdelay $0x1  }
0x194: {  	s2 =	sadd.s32 $0xFFFFFFF6, s22  }
0x195: {  	v5 =	vmov s2  }
0x196: {  	v5 =	vshrl.u32 v5, $0x3  }
0x197: {  	v5 =	vshll.u32 v5, v0  }
0x198: {  	v5 =	vadd.s32 $0x5, v5  }
0x199: {  	v5 =	vbroadcast v5, $0x0;
	_ =	sdelay $0x2  }
0x19a: {  	v6, _, _ =	vpop (xrf2)  }
0x19b: {  	v6 =	vbroadcast v6, $0xF;
	_ =	sdelay $0x1  }
0x19c: {  	[tilespmem:v5+s31+$0x0] =	vst.idx.msk $0x1, v6  }
0x19d: {  	v5 =	vld [tilespmem:s24+$0xFFFFFF00]  }
0x19e: {  	v6 =	vld [tilespmem:s24+$0xFFFFFF10];
	_ =	sdelay $0x1  }
0x19f: {  	v7 =	vld [tilespmem:s24+$0xFFFFFF20];
	_ =	sdelay $0x1  }
0x1a0: {  	v54 =	vld [tilespmem:s24+$0xFFFFFF30]  }
0x1a1: {  	v5 =	vsub.f32 v1, v5;
	v6 =	vsub.f32 v2, v6;
	_ =	sdelay $0x1  }
0x1a2: {  	v7 =	vsub.f32 v3, v7;
	v5 =	vmul.f32 v5, v5;
	v6 =	vmul.f32 v6, v6;
	_ =	sdelay $0x1  }
0x1a3: {  	v5 =	vadd.f32 v6, v5;
	v6 =	vmul.f32 v7, v7;
	v7 =	vsub.f32 v4, v54;
	_ =	sdelay $0x1  }
0x1a4: {  	v5 =	vadd.f32 v6, v5;
	v6 =	vmul.f32 v7, v7;
	_ =	sdelay $0x1  }
0x1a5: {  	v5 =	vadd.f32 v6, v5;
	_ =	sdelay $0x1  }
0x1a6: {  	(xrf2) =	vadd.scan.msk.f32 $0xffff, v5;
	_ =	sdelay $0x1  }
0x1a7: {  	s26 =	sadd.s32 $0xFFFFFFF7, s22  }
0x1a8: {  	v5 =	vmov s26  }
0x1a9: {  	v5 =	vshrl.u32 v5, $0x3  }
0x1aa: {  	v5 =	vshll.u32 v5, v0  }
0x1ab: {  	v5 =	vadd.s32 $0x6, v5  }
0x1ac: {  	v5 =	vbroadcast v5, $0x0;
	_ =	sdelay $0x2  }
0x1ad: {  	v6, _, _ =	vpop (xrf2)  }
0x1ae: {  	v6 =	vbroadcast v6, $0xF;
	_ =	sdelay $0x1  }
0x1af: {  	[tilespmem:v5+s31+$0x0] =	vst.idx.msk $0x1, v6  }
0x1b0: {  	v5 =	vld [tilespmem:s24+$0xFFFFFF80]  }
0x1b1: {  	v6 =	vld [tilespmem:s24+$0xFFFFFF90];
	_ =	sdelay $0x1  }
0x1b2: {  	v7 =	vld [tilespmem:s24+$0xFFFFFFA0];
	_ =	sdelay $0x1  }
0x1b3: {  	v55 =	vld [tilespmem:s24+$0xFFFFFFB0]  }
0x1b4: {  	v5 =	vsub.f32 v1, v5;
	v6 =	vsub.f32 v2, v6;
	_ =	sdelay $0x1  }
0x1b5: {  	v7 =	vsub.f32 v3, v7;
	v5 =	vmul.f32 v5, v5;
	v6 =	vmul.f32 v6, v6;
	_ =	sdelay $0x1  }
0x1b6: {  	v5 =	vadd.f32 v6, v5;
	v6 =	vmul.f32 v7, v7;
	v7 =	vsub.f32 v4, v55;
	_ =	sdelay $0x1  }
0x1b7: {  	v5 =	vadd.f32 v6, v5;
	v6 =	vmul.f32 v7, v7;
	_ =	sdelay $0x1  }
0x1b8: {  	v5 =	vadd.f32 v6, v5;
	_ =	sdelay $0x1  }
0x1b9: {  	(xrf2) =	vadd.scan.msk.f32 $0xffff, v5;
	_ =	sdelay $0x1  }
0x1ba: {  	s2 =	sadd.s32 $0xFFFFFFF8, s22  }
0x1bb: {  	v5 =	vmov s2  }
0x1bc: {  	v5 =	vshrl.u32 v5, $0x3  }
0x1bd: {  	v5 =	vshll.u32 v5, v0  }
0x1be: {  	v5 =	vadd.s32 $0x7, v5  }
0x1bf: {  	v5 =	vbroadcast v5, $0x0;
	_ =	sdelay $0x2  }
0x1c0: {  	v6, _, _ =	vpop (xrf2)  }
0x1c1: {  	v6 =	vbroadcast v6, $0xF;
	_ =	sdelay $0x1  }
0x1c2: {  	[tilespmem:v5+s31+$0x0] =	vst.idx.msk $0x1, v6  }
0x1c3: {  	v5 =	vld [tilespmem:s24+$0x0]  }
0x1c4: {  	v6 =	vld [tilespmem:s24+$0x10];
	_ =	sdelay $0x1  }
0x1c5: {  	v7 =	vld [tilespmem:s24+$0x20];
	_ =	sdelay $0x1  }
0x1c6: {  	v56 =	vld [tilespmem:s24+$0x30]  }
0x1c7: {  	v5 =	vsub.f32 v1, v5;
	v6 =	vsub.f32 v2, v6;
	_ =	sdelay $0x1  }
0x1c8: {  	v7 =	vsub.f32 v3, v7;
	v5 =	vmul.f32 v5, v5;
	v6 =	vmul.f32 v6, v6;
	_ =	sdelay $0x1  }
0x1c9: {  	v5 =	vadd.f32 v6, v5;
	v6 =	vmul.f32 v7, v7;
	v7 =	vsub.f32 v4, v56;
	_ =	sdelay $0x1  }
0x1ca: {  	v5 =	vadd.f32 v6, v5;
	v6 =	vmul.f32 v7, v7;
	_ =	sdelay $0x1  }
0x1cb: {  	v5 =	vadd.f32 v6, v5;
	_ =	sdelay $0x1  }
0x1cc: {  	(xrf2) =	vadd.scan.msk.f32 $0xffff, v5;
	_ =	sdelay $0x2  }
0x1cd: {  	s26 =	sadd.s32 $0xFFFFFFF9, s22  }
0x1ce: {  	v5 =	vmov s26  }
0x1cf: {  	v5 =	vshrl.u32 v5, $0x3  }
0x1d0: {  	v5 =	vshll.u32 v5, v0  }
0x1d1: {  	v5 =	vbroadcast v5, $0x0;
	_ =	sdelay $0x2  }
0x1d2: {  	v6, _, _ =	vpop (xrf2)  }
0x1d3: {  	v6 =	vbroadcast v6, $0xF;
	_ =	sdelay $0x1  }
0x1d4: {  	[tilespmem:v5+s31+$0x0] =	vst.idx.msk $0x1, v6  }
0x1d5: {  	v5 =	vld [tilespmem:s24+$0x80]  }
0x1d6: {  	v6 =	vld [tilespmem:s24+$0x90];
	_ =	sdelay $0x1  }
0x1d7: {  	v7 =	vld [tilespmem:s24+$0xA0];
	_ =	sdelay $0x1  }
0x1d8: {  	v57 =	vld [tilespmem:s24+$0xB0]  }
0x1d9: {  	v5 =	vsub.f32 v1, v5;
	v6 =	vsub.f32 v2, v6;
	_ =	sdelay $0x1  }
0x1da: {  	v7 =	vsub.f32 v3, v7;
	v5 =	vmul.f32 v5, v5;
	v6 =	vmul.f32 v6, v6;
	_ =	sdelay $0x1  }
0x1db: {  	v5 =	vadd.f32 v6, v5;
	v6 =	vmul.f32 v7, v7;
	v7 =	vsub.f32 v4, v57;
	_ =	sdelay $0x1  }
0x1dc: {  	v5 =	vadd.f32 v6, v5;
	v6 =	vmul.f32 v7, v7;
	_ =	sdelay $0x1  }
0x1dd: {  	v5 =	vadd.f32 v6, v5;
	_ =	sdelay $0x1  }
0x1de: {  	(xrf2) =	vadd.scan.msk.f32 $0xffff, v5;
	_ =	sdelay $0x1  }
0x1df: {  	s2 =	sadd.s32 $0xFFFFFFFA, s22  }
0x1e0: {  	v5 =	vmov s2  }
0x1e1: {  	v5 =	vshrl.u32 v5, $0x3  }
0x1e2: {  	v5 =	vshll.u32 v5, v0  }
0x1e3: {  	v5 =	vadd.s32 $0x1, v5  }
0x1e4: {  	v5 =	vbroadcast v5, $0x0;
	_ =	sdelay $0x2  }
0x1e5: {  	v6, _, _ =	vpop (xrf2)  }
0x1e6: {  	v6 =	vbroadcast v6, $0xF;
	_ =	sdelay $0x1  }
0x1e7: {  	[tilespmem:v5+s31+$0x0] =	vst.idx.msk $0x1, v6  }
0x1e8: {  	v5 =	vld [tilespmem:s24+$0x100]  }
0x1e9: {  	v6 =	vld [tilespmem:s24+$0x110];
	_ =	sdelay $0x1  }
0x1ea: {  	v7 =	vld [tilespmem:s24+$0x120];
	_ =	sdelay $0x1  }
0x1eb: {  	v58 =	vld [tilespmem:s24+$0x130]  }
0x1ec: {  	v5 =	vsub.f32 v1, v5;
	v6 =	vsub.f32 v2, v6;
	_ =	sdelay $0x1  }
0x1ed: {  	v7 =	vsub.f32 v3, v7;
	v5 =	vmul.f32 v5, v5;
	v6 =	vmul.f32 v6, v6;
	_ =	sdelay $0x1  }
0x1ee: {  	v5 =	vadd.f32 v6, v5;
	v6 =	vmul.f32 v7, v7;
	v7 =	vsub.f32 v4, v58;
	_ =	sdelay $0x1  }
0x1ef: {  	v5 =	vadd.f32 v6, v5;
	v6 =	vmul.f32 v7, v7;
	_ =	sdelay $0x1  }
0x1f0: {  	v5 =	vadd.f32 v6, v5;
	_ =	sdelay $0x1  }
0x1f1: {  	(xrf2) =	vadd.scan.msk.f32 $0xffff, v5;
	_ =	sdelay $0x1  }
0x1f2: {  	s26 =	sadd.s32 $0xFFFFFFFB, s22  }
0x1f3: {  	v5 =	vmov s26  }
0x1f4: {  	v5 =	vshrl.u32 v5, $0x3  }
0x1f5: {  	v5 =	vshll.u32 v5, v0  }
0x1f6: {  	v5 =	vadd.s32 $0x2, v5  }
0x1f7: {  	v5 =	vbroadcast v5, $0x0;
	_ =	sdelay $0x2  }
0x1f8: {  	v6, _, _ =	vpop (xrf2)  }
0x1f9: {  	v6 =	vbroadcast v6, $0xF;
	_ =	sdelay $0x1  }
0x1fa: {  	[tilespmem:v5+s31+$0x0] =	vst.idx.msk $0x1, v6  }
0x1fb: {  	v5 =	vld [tilespmem:s24+$0x180]  }
0x1fc: {  	v6 =	vld [tilespmem:s24+$0x190];
	_ =	sdelay $0x1  }
0x1fd: {  	v7 =	vld [tilespmem:s24+$0x1A0];
	_ =	sdelay $0x1  }
0x1fe: {  	v59 =	vld [tilespmem:s24+$0x1B0]  }
0x1ff: {  	v5 =	vsub.f32 v1, v5;
	v6 =	vsub.f32 v2, v6;
	_ =	sdelay $0x1  }
0x200: {  	v7 =	vsub.f32 v3, v7;
	v5 =	vmul.f32 v5, v5;
	v6 =	vmul.f32 v6, v6;
	_ =	sdelay $0x1  }
0x201: {  	v5 =	vadd.f32 v6, v5;
	v6 =	vmul.f32 v7, v7;
	v7 =	vsub.f32 v4, v59;
	_ =	sdelay $0x1  }
0x202: {  	v5 =	vadd.f32 v6, v5;
	v6 =	vmul.f32 v7, v7;
	_ =	sdelay $0x1  }
0x203: {  	v5 =	vadd.f32 v6, v5;
	_ =	sdelay $0x1  }
0x204: {  	(xrf2) =	vadd.scan.msk.f32 $0xffff, v5;
	_ =	sdelay $0x1  }
0x205: {  	s2 =	sadd.s32 $0xFFFFFFFC, s22  }
0x206: {  	v5 =	vmov s2  }
0x207: {  	v5 =	vshrl.u32 v5, $0x3  }
0x208: {  	v5 =	vshll.u32 v5, v0  }
0x209: {  	v5 =	vadd.s32 $0x3, v5  }
0x20a: {  	v5 =	vbroadcast v5, $0x0;
	_ =	sdelay $0x2  }
0x20b: {  	v6, _, _ =	vpop (xrf2)  }
0x20c: {  	v6 =	vbroadcast v6, $0xF;
	_ =	sdelay $0x1  }
0x20d: {  	[tilespmem:v5+s31+$0x0] =	vst.idx.msk $0x1, v6  }
0x20e: {  	v5 =	vld [tilespmem:s24+$0x200]  }
0x20f: {  	v6 =	vld [tilespmem:s24+$0x210];
	_ =	sdelay $0x1  }
0x210: {  	v7 =	vld [tilespmem:s24+$0x220];
	_ =	sdelay $0x1  }
0x211: {  	v60 =	vld [tilespmem:s24+$0x230]  }
0x212: {  	v5 =	vsub.f32 v1, v5;
	v6 =	vsub.f32 v2, v6;
	_ =	sdelay $0x1  }
0x213: {  	v7 =	vsub.f32 v3, v7;
	v5 =	vmul.f32 v5, v5;
	v6 =	vmul.f32 v6, v6;
	_ =	sdelay $0x1  }
0x214: {  	v5 =	vadd.f32 v6, v5;
	v6 =	vmul.f32 v7, v7;
	v7 =	vsub.f32 v4, v60;
	_ =	sdelay $0x1  }
0x215: {  	v5 =	vadd.f32 v6, v5;
	v6 =	vmul.f32 v7, v7;
	_ =	sdelay $0x1  }
0x216: {  	v5 =	vadd.f32 v6, v5;
	_ =	sdelay $0x1  }
0x217: {  	(xrf2) =	vadd.scan.msk.f32 $0xffff, v5;
	_ =	sdelay $0x1  }
0x218: {  	s26 =	sadd.s32 $0xFFFFFFFD, s22  }
0x219: {  	v5 =	vmov s26  }
0x21a: {  	v5 =	vshrl.u32 v5, $0x3  }
0x21b: {  	v5 =	vshll.u32 v5, v0  }
0x21c: {  	v5 =	vadd.s32 $0x4, v5  }
0x21d: {  	v5 =	vbroadcast v5, $0x0;
	_ =	sdelay $0x2  }
0x21e: {  	v6, _, _ =	vpop (xrf2)  }
0x21f: {  	v6 =	vbroadcast v6, $0xF;
	_ =	sdelay $0x1  }
0x220: {  	[tilespmem:v5+s31+$0x0] =	vst.idx.msk $0x1, v6  }
0x221: {  	v5 =	vld [tilespmem:s24+$0x280]  }
0x222: {  	v6 =	vld [tilespmem:s24+$0x290];
	_ =	sdelay $0x1  }
0x223: {  	v7 =	vld [tilespmem:s24+$0x2A0];
	_ =	sdelay $0x1  }
0x224: {  	v61 =	vld [tilespmem:s24+$0x2B0]  }
0x225: {  	v5 =	vsub.f32 v1, v5;
	v6 =	vsub.f32 v2, v6;
	_ =	sdelay $0x1  }
0x226: {  	v7 =	vsub.f32 v3, v7;
	v5 =	vmul.f32 v5, v5;
	v6 =	vmul.f32 v6, v6;
	_ =	sdelay $0x1  }
0x227: {  	v5 =	vadd.f32 v6, v5;
	v6 =	vmul.f32 v7, v7;
	v7 =	vsub.f32 v4, v61;
	_ =	sdelay $0x1  }
0x228: {  	v5 =	vadd.f32 v6, v5;
	v6 =	vmul.f32 v7, v7;
	_ =	sdelay $0x1  }
0x229: {  	v5 =	vadd.f32 v6, v5;
	_ =	sdelay $0x1  }
0x22a: {  	(xrf2) =	vadd.scan.msk.f32 $0xffff, v5;
	_ =	sdelay $0x1  }
0x22b: {  	s2 =	sadd.s32 $0xFFFFFFFE, s22  }
0x22c: {  	v5 =	vmov s2  }
0x22d: {  	v5 =	vshrl.u32 v5, $0x3  }
0x22e: {  	v5 =	vshll.u32 v5, v0  }
0x22f: {  	v5 =	vadd.s32 $0x5, v5  }
0x230: {  	v5 =	vbroadcast v5, $0x0;
	_ =	sdelay $0x2  }
0x231: {  	v6, _, _ =	vpop (xrf2)  }
0x232: {  	v6 =	vbroadcast v6, $0xF;
	_ =	sdelay $0x1  }
0x233: {  	[tilespmem:v5+s31+$0x0] =	vst.idx.msk $0x1, v6  }
0x234: {  	v5 =	vld [tilespmem:s24+$0x300]  }
0x235: {  	v6 =	vld [tilespmem:s24+$0x310];
	_ =	sdelay $0x1  }
0x236: {  	v7 =	vld [tilespmem:s24+$0x320];
	_ =	sdelay $0x1  }
0x237: {  	v62 =	vld [tilespmem:s24+$0x330]  }
0x238: {  	v5 =	vsub.f32 v1, v5;
	v6 =	vsub.f32 v2, v6;
	_ =	sdelay $0x1  }
0x239: {  	v7 =	vsub.f32 v3, v7;
	v5 =	vmul.f32 v5, v5;
	v6 =	vmul.f32 v6, v6;
	_ =	sdelay $0x1  }
0x23a: {  	v5 =	vadd.f32 v6, v5;
	v6 =	vmul.f32 v7, v7;
	v7 =	vsub.f32 v4, v62;
	_ =	sdelay $0x1  }
0x23b: {  	v5 =	vadd.f32 v6, v5;
	v6 =	vmul.f32 v7, v7;
	_ =	sdelay $0x1  }
0x23c: {  	v5 =	vadd.f32 v6, v5;
	_ =	sdelay $0x1  }
0x23d: {  	(xrf2) =	vadd.scan.msk.f32 $0xffff, v5;
	_ =	sdelay $0x1  }
0x23e: {  	s26 =	sadd.s32 $0xFFFFFFFF, s22  }
0x23f: {  	v5 =	vmov s26  }
0x240: {  	v5 =	vshrl.u32 v5, $0x3  }
0x241: {  	v5 =	vshll.u32 v5, v0  }
0x242: {  	v5 =	vadd.s32 $0x6, v5  }
0x243: {  	v5 =	vbroadcast v5, $0x0;
	_ =	sdelay $0x2  }
0x244: {  	v6, _, _ =	vpop (xrf2)  }
0x245: {  	v6 =	vbroadcast v6, $0xF;
	_ =	sdelay $0x1  }
0x246: {  	[tilespmem:v5+s31+$0x0] =	vst.idx.msk $0x1, v6  }
0x247: {  	v5 =	vld [tilespmem:s24+$0x380]  }
0x248: {  	v6 =	vld [tilespmem:s24+$0x390];
	_ =	sdelay $0x1  }
0x249: {  	v7 =	vld [tilespmem:s24+$0x3A0];
	_ =	sdelay $0x1  }
0x24a: {  	v63 =	vld [tilespmem:s24+$0x3B0]  }
0x24b: {  	v5 =	vsub.f32 v1, v5;
	v6 =	vsub.f32 v2, v6;
	_ =	sdelay $0x1  }
0x24c: {  	v7 =	vsub.f32 v3, v7;
	v5 =	vmul.f32 v5, v5;
	v6 =	vmul.f32 v6, v6;
	_ =	sdelay $0x1  }
0x24d: {  	v5 =	vadd.f32 v6, v5;
	v6 =	vmul.f32 v7, v7;
	v7 =	vsub.f32 v4, v63;
	_ =	sdelay $0x1  }
0x24e: {  	v5 =	vadd.f32 v6, v5;
	v6 =	vmul.f32 v7, v7;
	_ =	sdelay $0x1  }
0x24f: {  	v5 =	vadd.f32 v6, v5;
	_ =	sdelay $0x1  }
0x250: {  	(xrf2) =	vadd.scan.msk.f32 $0xffff, v5;
	_ =	sdelay $0x2  }
0x251: {  	v5 =	vmov s22  }
0x252: {  	v5 =	vshrl.u32 v5, $0x3  }
0x253: {  	v5 =	vshll.u32 v5, v0  }
0x254: {  	v5 =	vadd.s32 $0x7, v5  }
0x255: {  	v5 =	vbroadcast v5, $0x0  }
0x256: {  	p0 =	sne.s32 s22, $0x3F  }
.Ltmp0:
0x257: {  	_ = 	snop;
	(pc) =	sbr.rel @p0 .LBB2_3-.Ltmp0, $3  }
0x258: {  	v6, _, _ =	vpop (xrf2)  }
0x259: {  	v6 =	vbroadcast v6, $0xF;
	_ =	sdelay $0x1  }
0x25a: {  	s24 =	sadd.s32 $0x800, s24;
	s22 =	sadd.s32 $0x10, s22;
	[tilespmem:v5+s31+$0x0] =	vst.idx.msk $0x1, v6  }
0x25b: {  	s21 =	sor.u32 $0x1, s21  }
0x25c: {  	v1 =	vmov s21  }
0x25d: {  	v1 =	vand.u32 $0xFFFFFFFD, v1  }
0x25e: {  	s21 =	sshll.u32 s21, $0x7;
	v5 =	vbroadcast v1, $0x0  }
0x25f: {  	v2 =	vld [tilespmem:s21+$0xA668]  }
0x260: {  	v3 =	vld [tilespmem:s21+$0x2678]  }
0x261: {  	v6 =	vld [tilespmem:s21+$0xA678]  }
0x262: {  	v7 =	vld [tilespmem:s21+$0x2688]  }
0x263: {  	v8 =	vld [tilespmem:s21+$0xA688]  }
0x264: {  	v4 =	vld.idx.msk [tilespmem:v5+s29+$0x0], $0xffff  }
0x265: {  	v9 =	vld [tilespmem:s21+$0xA698]  }
0x266: {  	v1 =	vld [tilespmem:s21+$0x2668]  }
0x267: {  	v10 =	vld [tilespmem:s21+$0x6668]  }
0x268: {  	v11 =	vld [tilespmem:s21+$0x6678]  }
0x269: {  	v12 =	vld [tilespmem:s21+$0x2698];
	v2 =	vmul.f32 v2, v4;
	v6 =	vmul.f32 v6, v4  }
0x26a: {  	v13 =	vld [tilespmem:s21+$0x6688];
	v8 =	vmul.f32 v8, v4  }
0x26b: {  	v1 =	vadd.f32 v2, v1;
	v2 =	vadd.f32 v6, v3  }
0x26c: {  	v4 =	vmul.f32 v9, v4;
	v3 =	vadd.f32 v8, v7;
	v6 =	vld [tilespmem:s21+$0x6698]  }
0x26d: {  	v7 =	vsub.f32 v1, v10;
	v61 =	vsub.f32 v2, v11  }
0x26e: {  	v4 =	vadd.f32 v4, v12  }
0x26f: {  	v62 =	vsub.f32 v3, v13;
	v7 =	vmul.f32 v7, v7;
	v8 =	vmul.f32 v61, v61;
	_ =	sdelay $0x1  }
0x270: {  	v63 =	vmul.f32 v62, v62;
	v6 =	vsub.f32 v4, v6;
	v7 =	vadd.f32 v8, v7;
	_ =	sdelay $0x1  }
0x271: {  	v6 =	vmul.f32 v6, v6;
	v7 =	vadd.f32 v63, v7;
	_ =	sdelay $0x1  }
0x272: {  	v6 =	vadd.f32 v6, v7;
	_ =	sdelay $0x1  }
0x273: {  	(xrf2) =	vadd.scan.msk.f32 $0xffff, v6;
	_ =	sdelay $0x9  }
0x274: {  	v6, _, _ =	vpop (xrf2)  }
0x275: {  	v6 =	vbroadcast v6, $0xF;
	_ =	sdelay $0x1  }
0x276: {  	s22 =	simm.s32 $0x10E18;
	s21 =	simm.s32 $0x4F;
	[tilespmem:v5+s30+$0x0] =	vst.idx.msk $0x1, v6  }
.LBB2_5:
0x277: {  	v5 =	vld [tilespmem:s22+$0xFFFFF850]  }
0x278: {  	v6 =	vld [tilespmem:s22+$0xFFFFF860];
	_ =	sdelay $0x1  }
0x279: {  	v7 =	vld [tilespmem:s22+$0xFFFFF870];
	_ =	sdelay $0x1  }
0x27a: {  	v8 =	vld [tilespmem:s22+$0xFFFFF880]  }
0x27b: {  	v5 =	vsub.f32 v1, v5;
	v6 =	vsub.f32 v2, v6;
	_ =	sdelay $0x1  }
0x27c: {  	v7 =	vsub.f32 v3, v7;
	v5 =	vmul.f32 v5, v5;
	v6 =	vmul.f32 v6, v6;
	_ =	sdelay $0x1  }
0x27d: {  	v5 =	vadd.f32 v6, v5;
	v6 =	vmul.f32 v7, v7;
	v7 =	vsub.f32 v4, v8;
	_ =	sdelay $0x1  }
0x27e: {  	v5 =	vadd.f32 v6, v5;
	v6 =	vmul.f32 v7, v7;
	_ =	sdelay $0x1  }
0x27f: {  	v5 =	vadd.f32 v6, v5;
	_ =	sdelay $0x1  }
0x280: {  	(xrf2) =	vadd.scan.msk.f32 $0xffff, v5;
	_ =	sdelay $0x2  }
0x281: {  	s24 =	sadd.s32 $0xFFFFFFF1, s21  }
0x282: {  	v5 =	vmov s24  }
0x283: {  	v5 =	vshrl.u32 v5, $0x3  }
0x284: {  	v5 =	vshll.u32 v5, v0  }
0x285: {  	v5 =	vbroadcast v5, $0x0;
	_ =	sdelay $0x2  }
0x286: {  	v6, _, _ =	vpop (xrf2)  }
0x287: {  	v6 =	vbroadcast v6, $0xF;
	_ =	sdelay $0x1  }
0x288: {  	[tilespmem:v5+s31+$0x0] =	vst.idx.msk $0x1, v6  }
0x289: {  	v5 =	vld [tilespmem:s22+$0xFFFFF8D0]  }
0x28a: {  	v6 =	vld [tilespmem:s22+$0xFFFFF8E0];
	_ =	sdelay $0x1  }
0x28b: {  	v7 =	vld [tilespmem:s22+$0xFFFFF8F0];
	_ =	sdelay $0x1  }
0x28c: {  	v49 =	vld [tilespmem:s22+$0xFFFFF900]  }
0x28d: {  	v5 =	vsub.f32 v1, v5;
	v6 =	vsub.f32 v2, v6;
	_ =	sdelay $0x1  }
0x28e: {  	v7 =	vsub.f32 v3, v7;
	v5 =	vmul.f32 v5, v5;
	v6 =	vmul.f32 v6, v6;
	_ =	sdelay $0x1  }
0x28f: {  	v5 =	vadd.f32 v6, v5;
	v6 =	vmul.f32 v7, v7;
	v7 =	vsub.f32 v4, v49;
	_ =	sdelay $0x1  }
0x290: {  	v5 =	vadd.f32 v6, v5;
	v6 =	vmul.f32 v7, v7;
	_ =	sdelay $0x1  }
0x291: {  	v5 =	vadd.f32 v6, v5;
	_ =	sdelay $0x1  }
0x292: {  	(xrf2) =	vadd.scan.msk.f32 $0xffff, v5;
	_ =	sdelay $0x1  }
0x293: {  	s25 =	sadd.s32 $0xFFFFFFF2, s21  }
0x294: {  	v5 =	vmov s25  }
0x295: {  	v5 =	vshrl.u32 v5, $0x3  }
0x296: {  	v5 =	vshll.u32 v5, v0  }
0x297: {  	v5 =	vadd.s32 $0x1, v5  }
0x298: {  	v5 =	vbroadcast v5, $0x0;
	_ =	sdelay $0x2  }
0x299: {  	v6, _, _ =	vpop (xrf2)  }
0x29a: {  	v6 =	vbroadcast v6, $0xF;
	_ =	sdelay $0x1  }
0x29b: {  	[tilespmem:v5+s31+$0x0] =	vst.idx.msk $0x1, v6  }
0x29c: {  	v5 =	vld [tilespmem:s22+$0xFFFFF950]  }
0x29d: {  	v6 =	vld [tilespmem:s22+$0xFFFFF960];
	_ =	sdelay $0x1  }
0x29e: {  	v7 =	vld [tilespmem:s22+$0xFFFFF970];
	_ =	sdelay $0x1  }
0x29f: {  	v50 =	vld [tilespmem:s22+$0xFFFFF980]  }
0x2a0: {  	v5 =	vsub.f32 v1, v5;
	v6 =	vsub.f32 v2, v6;
	_ =	sdelay $0x1  }
0x2a1: {  	v7 =	vsub.f32 v3, v7;
	v5 =	vmul.f32 v5, v5;
	v6 =	vmul.f32 v6, v6;
	_ =	sdelay $0x1  }
0x2a2: {  	v5 =	vadd.f32 v6, v5;
	v6 =	vmul.f32 v7, v7;
	v7 =	vsub.f32 v4, v50;
	_ =	sdelay $0x1  }
0x2a3: {  	v5 =	vadd.f32 v6, v5;
	v6 =	vmul.f32 v7, v7;
	_ =	sdelay $0x1  }
0x2a4: {  	v5 =	vadd.f32 v6, v5;
	_ =	sdelay $0x1  }
0x2a5: {  	(xrf2) =	vadd.scan.msk.f32 $0xffff, v5;
	_ =	sdelay $0x1  }
0x2a6: {  	s26 =	sadd.s32 $0xFFFFFFF3, s21  }
0x2a7: {  	v5 =	vmov s26  }
0x2a8: {  	v5 =	vshrl.u32 v5, $0x3  }
0x2a9: {  	v5 =	vshll.u32 v5, v0  }
0x2aa: {  	v5 =	vadd.s32 $0x2, v5  }
0x2ab: {  	v5 =	vbroadcast v5, $0x0;
	_ =	sdelay $0x2  }
0x2ac: {  	v6, _, _ =	vpop (xrf2)  }
0x2ad: {  	v6 =	vbroadcast v6, $0xF;
	_ =	sdelay $0x1  }
0x2ae: {  	[tilespmem:v5+s31+$0x0] =	vst.idx.msk $0x1, v6  }
0x2af: {  	v5 =	vld [tilespmem:s22+$0xFFFFF9D0]  }
0x2b0: {  	v6 =	vld [tilespmem:s22+$0xFFFFF9E0];
	_ =	sdelay $0x1  }
0x2b1: {  	v7 =	vld [tilespmem:s22+$0xFFFFF9F0];
	_ =	sdelay $0x1  }
0x2b2: {  	v51 =	vld [tilespmem:s22+$0xFFFFFA00]  }
0x2b3: {  	v5 =	vsub.f32 v1, v5;
	v6 =	vsub.f32 v2, v6;
	_ =	sdelay $0x1  }
0x2b4: {  	v7 =	vsub.f32 v3, v7;
	v5 =	vmul.f32 v5, v5;
	v6 =	vmul.f32 v6, v6;
	_ =	sdelay $0x1  }
0x2b5: {  	v5 =	vadd.f32 v6, v5;
	v6 =	vmul.f32 v7, v7;
	v7 =	vsub.f32 v4, v51;
	_ =	sdelay $0x1  }
0x2b6: {  	v5 =	vadd.f32 v6, v5;
	v6 =	vmul.f32 v7, v7;
	_ =	sdelay $0x1  }
0x2b7: {  	v5 =	vadd.f32 v6, v5;
	_ =	sdelay $0x1  }
0x2b8: {  	(xrf2) =	vadd.scan.msk.f32 $0xffff, v5;
	_ =	sdelay $0x1  }
0x2b9: {  	s2 =	sadd.s32 $0xFFFFFFF4, s21  }
0x2ba: {  	v5 =	vmov s2  }
0x2bb: {  	v5 =	vshrl.u32 v5, $0x3  }
0x2bc: {  	v5 =	vshll.u32 v5, v0  }
0x2bd: {  	v5 =	vadd.s32 $0x3, v5  }
0x2be: {  	v5 =	vbroadcast v5, $0x0;
	_ =	sdelay $0x2  }
0x2bf: {  	v6, _, _ =	vpop (xrf2)  }
0x2c0: {  	v6 =	vbroadcast v6, $0xF;
	_ =	sdelay $0x1  }
0x2c1: {  	[tilespmem:v5+s31+$0x0] =	vst.idx.msk $0x1, v6  }
0x2c2: {  	v5 =	vld [tilespmem:s22+$0xFFFFFA50]  }
0x2c3: {  	v6 =	vld [tilespmem:s22+$0xFFFFFA60];
	_ =	sdelay $0x1  }
0x2c4: {  	v7 =	vld [tilespmem:s22+$0xFFFFFA70];
	_ =	sdelay $0x1  }
0x2c5: {  	v52 =	vld [tilespmem:s22+$0xFFFFFA80]  }
0x2c6: {  	v5 =	vsub.f32 v1, v5;
	v6 =	vsub.f32 v2, v6;
	_ =	sdelay $0x1  }
0x2c7: {  	v7 =	vsub.f32 v3, v7;
	v5 =	vmul.f32 v5, v5;
	v6 =	vmul.f32 v6, v6;
	_ =	sdelay $0x1  }
0x2c8: {  	v5 =	vadd.f32 v6, v5;
	v6 =	vmul.f32 v7, v7;
	v7 =	vsub.f32 v4, v52;
	_ =	sdelay $0x1  }
0x2c9: {  	v5 =	vadd.f32 v6, v5;
	v6 =	vmul.f32 v7, v7;
	_ =	sdelay $0x1  }
0x2ca: {  	v5 =	vadd.f32 v6, v5;
	_ =	sdelay $0x1  }
0x2cb: {  	(xrf2) =	vadd.scan.msk.f32 $0xffff, v5;
	_ =	sdelay $0x1  }
0x2cc: {  	s25 =	sadd.s32 $0xFFFFFFF5, s21  }
0x2cd: {  	v5 =	vmov s25  }
0x2ce: {  	v5 =	vshrl.u32 v5, $0x3  }
0x2cf: {  	v5 =	vshll.u32 v5, v0  }
0x2d0: {  	v5 =	vadd.s32 $0x4, v5  }
0x2d1: {  	v5 =	vbroadcast v5, $0x0;
	_ =	sdelay $0x2  }
0x2d2: {  	v6, _, _ =	vpop (xrf2)  }
0x2d3: {  	v6 =	vbroadcast v6, $0xF;
	_ =	sdelay $0x1  }
0x2d4: {  	[tilespmem:v5+s31+$0x0] =	vst.idx.msk $0x1, v6  }
0x2d5: {  	v5 =	vld [tilespmem:s22+$0xFFFFFAD0]  }
0x2d6: {  	v6 =	vld [tilespmem:s22+$0xFFFFFAE0];
	_ =	sdelay $0x1  }
0x2d7: {  	v7 =	vld [tilespmem:s22+$0xFFFFFAF0];
	_ =	sdelay $0x1  }
0x2d8: {  	v53 =	vld [tilespmem:s22+$0xFFFFFB00]  }
0x2d9: {  	v5 =	vsub.f32 v1, v5;
	v6 =	vsub.f32 v2, v6;
	_ =	sdelay $0x1  }
0x2da: {  	v7 =	vsub.f32 v3, v7;
	v5 =	vmul.f32 v5, v5;
	v6 =	vmul.f32 v6, v6;
	_ =	sdelay $0x1  }
0x2db: {  	v5 =	vadd.f32 v6, v5;
	v6 =	vmul.f32 v7, v7;
	v7 =	vsub.f32 v4, v53;
	_ =	sdelay $0x1  }
0x2dc: {  	v5 =	vadd.f32 v6, v5;
	v6 =	vmul.f32 v7, v7;
	_ =	sdelay $0x1  }
0x2dd: {  	v5 =	vadd.f32 v6, v5;
	_ =	sdelay $0x1  }
0x2de: {  	(xrf2) =	vadd.scan.msk.f32 $0xffff, v5;
	_ =	sdelay $0x1  }
0x2df: {  	s26 =	sadd.s32 $0xFFFFFFF6, s21  }
0x2e0: {  	v5 =	vmov s26  }
0x2e1: {  	v5 =	vshrl.u32 v5, $0x3  }
0x2e2: {  	v5 =	vshll.u32 v5, v0  }
0x2e3: {  	v5 =	vadd.s32 $0x5, v5  }
0x2e4: {  	v5 =	vbroadcast v5, $0x0;
	_ =	sdelay $0x2  }
0x2e5: {  	v6, _, _ =	vpop (xrf2)  }
0x2e6: {  	v6 =	vbroadcast v6, $0xF;
	_ =	sdelay $0x1  }
0x2e7: {  	[tilespmem:v5+s31+$0x0] =	vst.idx.msk $0x1, v6  }
0x2e8: {  	v5 =	vld [tilespmem:s22+$0xFFFFFB50]  }
0x2e9: {  	v6 =	vld [tilespmem:s22+$0xFFFFFB60];
	_ =	sdelay $0x1  }
0x2ea: {  	v7 =	vld [tilespmem:s22+$0xFFFFFB70];
	_ =	sdelay $0x1  }
0x2eb: {  	v54 =	vld [tilespmem:s22+$0xFFFFFB80]  }
0x2ec: {  	v5 =	vsub.f32 v1, v5;
	v6 =	vsub.f32 v2, v6;
	_ =	sdelay $0x1  }
0x2ed: {  	v7 =	vsub.f32 v3, v7;
	v5 =	vmul.f32 v5, v5;
	v6 =	vmul.f32 v6, v6;
	_ =	sdelay $0x1  }
0x2ee: {  	v5 =	vadd.f32 v6, v5;
	v6 =	vmul.f32 v7, v7;
	v7 =	vsub.f32 v4, v54;
	_ =	sdelay $0x1  }
0x2ef: {  	v5 =	vadd.f32 v6, v5;
	v6 =	vmul.f32 v7, v7;
	_ =	sdelay $0x1  }
0x2f0: {  	v5 =	vadd.f32 v6, v5;
	_ =	sdelay $0x1  }
0x2f1: {  	(xrf2) =	vadd.scan.msk.f32 $0xffff, v5;
	_ =	sdelay $0x1  }
0x2f2: {  	s2 =	sadd.s32 $0xFFFFFFF7, s21  }
0x2f3: {  	v5 =	vmov s2  }
0x2f4: {  	v5 =	vshrl.u32 v5, $0x3  }
0x2f5: {  	v5 =	vshll.u32 v5, v0  }
0x2f6: {  	v5 =	vadd.s32 $0x6, v5  }
0x2f7: {  	v5 =	vbroadcast v5, $0x0;
	_ =	sdelay $0x2  }
0x2f8: {  	v6, _, _ =	vpop (xrf2)  }
0x2f9: {  	v6 =	vbroadcast v6, $0xF;
	_ =	sdelay $0x1  }
0x2fa: {  	[tilespmem:v5+s31+$0x0] =	vst.idx.msk $0x1, v6  }
0x2fb: {  	v5 =	vld [tilespmem:s22+$0xFFFFFBD0]  }
0x2fc: {  	v6 =	vld [tilespmem:s22+$0xFFFFFBE0];
	_ =	sdelay $0x1  }
0x2fd: {  	v7 =	vld [tilespmem:s22+$0xFFFFFBF0];
	_ =	sdelay $0x1  }
0x2fe: {  	v55 =	vld [tilespmem:s22+$0xFFFFFC00]  }
0x2ff: {  	v5 =	vsub.f32 v1, v5;
	v6 =	vsub.f32 v2, v6;
	_ =	sdelay $0x1  }
0x300: {  	v7 =	vsub.f32 v3, v7;
	v5 =	vmul.f32 v5, v5;
	v6 =	vmul.f32 v6, v6;
	_ =	sdelay $0x1  }
0x301: {  	v5 =	vadd.f32 v6, v5;
	v6 =	vmul.f32 v7, v7;
	v7 =	vsub.f32 v4, v55;
	_ =	sdelay $0x1  }
0x302: {  	v5 =	vadd.f32 v6, v5;
	v6 =	vmul.f32 v7, v7;
	_ =	sdelay $0x1  }
0x303: {  	v5 =	vadd.f32 v6, v5;
	_ =	sdelay $0x1  }
0x304: {  	(xrf2) =	vadd.scan.msk.f32 $0xffff, v5;
	_ =	sdelay $0x1  }
0x305: {  	s25 =	sadd.s32 $0xFFFFFFF8, s21  }
0x306: {  	v5 =	vmov s25  }
0x307: {  	v5 =	vshrl.u32 v5, $0x3  }
0x308: {  	v5 =	vshll.u32 v5, v0  }
0x309: {  	v5 =	vadd.s32 $0x7, v5  }
0x30a: {  	v5 =	vbroadcast v5, $0x0;
	_ =	sdelay $0x2  }
0x30b: {  	v6, _, _ =	vpop (xrf2)  }
0x30c: {  	v6 =	vbroadcast v6, $0xF;
	_ =	sdelay $0x1  }
0x30d: {  	[tilespmem:v5+s31+$0x0] =	vst.idx.msk $0x1, v6  }
0x30e: {  	v5 =	vld [tilespmem:s22+$0xFFFFFC50]  }
0x30f: {  	v6 =	vld [tilespmem:s22+$0xFFFFFC60];
	_ =	sdelay $0x1  }
0x310: {  	v7 =	vld [tilespmem:s22+$0xFFFFFC70];
	_ =	sdelay $0x1  }
0x311: {  	v56 =	vld [tilespmem:s22+$0xFFFFFC80]  }
0x312: {  	v5 =	vsub.f32 v1, v5;
	v6 =	vsub.f32 v2, v6;
	_ =	sdelay $0x1  }
0x313: {  	v7 =	vsub.f32 v3, v7;
	v5 =	vmul.f32 v5, v5;
	v6 =	vmul.f32 v6, v6;
	_ =	sdelay $0x1  }
0x314: {  	v5 =	vadd.f32 v6, v5;
	v6 =	vmul.f32 v7, v7;
	v7 =	vsub.f32 v4, v56;
	_ =	sdelay $0x1  }
0x315: {  	v5 =	vadd.f32 v6, v5;
	v6 =	vmul.f32 v7, v7;
	_ =	sdelay $0x1  }
0x316: {  	v5 =	vadd.f32 v6, v5;
	_ =	sdelay $0x1  }
0x317: {  	(xrf2) =	vadd.scan.msk.f32 $0xffff, v5;
	_ =	sdelay $0x2  }
0x318: {  	s26 =	sadd.s32 $0xFFFFFFF9, s21  }
0x319: {  	v5 =	vmov s26  }
0x31a: {  	v5 =	vshrl.u32 v5, $0x3  }
0x31b: {  	v5 =	vshll.u32 v5, v0  }
0x31c: {  	v5 =	vbroadcast v5, $0x0;
	_ =	sdelay $0x2  }
0x31d: {  	v6, _, _ =	vpop (xrf2)  }
0x31e: {  	v6 =	vbroadcast v6, $0xF;
	_ =	sdelay $0x1  }
0x31f: {  	[tilespmem:v5+s31+$0x0] =	vst.idx.msk $0x1, v6  }
0x320: {  	v5 =	vld [tilespmem:s22+$0xFFFFFCD0]  }
0x321: {  	v6 =	vld [tilespmem:s22+$0xFFFFFCE0];
	_ =	sdelay $0x1  }
0x322: {  	v7 =	vld [tilespmem:s22+$0xFFFFFCF0];
	_ =	sdelay $0x1  }
0x323: {  	v57 =	vld [tilespmem:s22+$0xFFFFFD00]  }
0x324: {  	v5 =	vsub.f32 v1, v5;
	v6 =	vsub.f32 v2, v6;
	_ =	sdelay $0x1  }
0x325: {  	v7 =	vsub.f32 v3, v7;
	v5 =	vmul.f32 v5, v5;
	v6 =	vmul.f32 v6, v6;
	_ =	sdelay $0x1  }
0x326: {  	v5 =	vadd.f32 v6, v5;
	v6 =	vmul.f32 v7, v7;
	v7 =	vsub.f32 v4, v57;
	_ =	sdelay $0x1  }
0x327: {  	v5 =	vadd.f32 v6, v5;
	v6 =	vmul.f32 v7, v7;
	_ =	sdelay $0x1  }
0x328: {  	v5 =	vadd.f32 v6, v5;
	_ =	sdelay $0x1  }
0x329: {  	(xrf2) =	vadd.scan.msk.f32 $0xffff, v5;
	_ =	sdelay $0x1  }
0x32a: {  	s2 =	sadd.s32 $0xFFFFFFFA, s21  }
0x32b: {  	v5 =	vmov s2  }
0x32c: {  	v5 =	vshrl.u32 v5, $0x3  }
0x32d: {  	v5 =	vshll.u32 v5, v0  }
0x32e: {  	v5 =	vadd.s32 $0x1, v5  }
0x32f: {  	v5 =	vbroadcast v5, $0x0;
	_ =	sdelay $0x2  }
0x330: {  	v6, _, _ =	vpop (xrf2)  }
0x331: {  	v6 =	vbroadcast v6, $0xF;
	_ =	sdelay $0x1  }
0x332: {  	[tilespmem:v5+s31+$0x0] =	vst.idx.msk $0x1, v6  }
0x333: {  	v5 =	vld [tilespmem:s22+$0xFFFFFD50]  }
0x334: {  	v6 =	vld [tilespmem:s22+$0xFFFFFD60];
	_ =	sdelay $0x1  }
0x335: {  	v7 =	vld [tilespmem:s22+$0xFFFFFD70];
	_ =	sdelay $0x1  }
0x336: {  	v58 =	vld [tilespmem:s22+$0xFFFFFD80]  }
0x337: {  	v5 =	vsub.f32 v1, v5;
	v6 =	vsub.f32 v2, v6;
	_ =	sdelay $0x1  }
0x338: {  	v7 =	vsub.f32 v3, v7;
	v5 =	vmul.f32 v5, v5;
	v6 =	vmul.f32 v6, v6;
	_ =	sdelay $0x1  }
0x339: {  	v5 =	vadd.f32 v6, v5;
	v6 =	vmul.f32 v7, v7;
	v7 =	vsub.f32 v4, v58;
	_ =	sdelay $0x1  }
0x33a: {  	v5 =	vadd.f32 v6, v5;
	v6 =	vmul.f32 v7, v7;
	_ =	sdelay $0x1  }
0x33b: {  	v5 =	vadd.f32 v6, v5;
	_ =	sdelay $0x1  }
0x33c: {  	(xrf2) =	vadd.scan.msk.f32 $0xffff, v5;
	_ =	sdelay $0x1  }
0x33d: {  	s25 =	sadd.s32 $0xFFFFFFFB, s21  }
0x33e: {  	v5 =	vmov s25  }
0x33f: {  	v5 =	vshrl.u32 v5, $0x3  }
0x340: {  	v5 =	vshll.u32 v5, v0  }
0x341: {  	v5 =	vadd.s32 $0x2, v5  }
0x342: {  	v5 =	vbroadcast v5, $0x0;
	_ =	sdelay $0x2  }
0x343: {  	v6, _, _ =	vpop (xrf2)  }
0x344: {  	v6 =	vbroadcast v6, $0xF;
	_ =	sdelay $0x1  }
0x345: {  	[tilespmem:v5+s31+$0x0] =	vst.idx.msk $0x1, v6  }
0x346: {  	v5 =	vld [tilespmem:s22+$0xFFFFFDD0]  }
0x347: {  	v6 =	vld [tilespmem:s22+$0xFFFFFDE0];
	_ =	sdelay $0x1  }
0x348: {  	v7 =	vld [tilespmem:s22+$0xFFFFFDF0];
	_ =	sdelay $0x1  }
0x349: {  	v59 =	vld [tilespmem:s22+$0xFFFFFE00]  }
0x34a: {  	v5 =	vsub.f32 v1, v5;
	v6 =	vsub.f32 v2, v6;
	_ =	sdelay $0x1  }
0x34b: {  	v7 =	vsub.f32 v3, v7;
	v5 =	vmul.f32 v5, v5;
	v6 =	vmul.f32 v6, v6;
	_ =	sdelay $0x1  }
0x34c: {  	v5 =	vadd.f32 v6, v5;
	v6 =	vmul.f32 v7, v7;
	v7 =	vsub.f32 v4, v59;
	_ =	sdelay $0x1  }
0x34d: {  	v5 =	vadd.f32 v6, v5;
	v6 =	vmul.f32 v7, v7;
	_ =	sdelay $0x1  }
0x34e: {  	v5 =	vadd.f32 v6, v5;
	_ =	sdelay $0x1  }
0x34f: {  	(xrf2) =	vadd.scan.msk.f32 $0xffff, v5;
	_ =	sdelay $0x1  }
0x350: {  	s26 =	sadd.s32 $0xFFFFFFFC, s21  }
0x351: {  	v5 =	vmov s26  }
0x352: {  	v5 =	vshrl.u32 v5, $0x3  }
0x353: {  	v5 =	vshll.u32 v5, v0  }
0x354: {  	v5 =	vadd.s32 $0x3, v5  }
0x355: {  	v5 =	vbroadcast v5, $0x0;
	_ =	sdelay $0x2  }
0x356: {  	v6, _, _ =	vpop (xrf2)  }
0x357: {  	v6 =	vbroadcast v6, $0xF;
	_ =	sdelay $0x1  }
0x358: {  	[tilespmem:v5+s31+$0x0] =	vst.idx.msk $0x1, v6  }
0x359: {  	v5 =	vld [tilespmem:s22+$0xFFFFFE50]  }
0x35a: {  	v6 =	vld [tilespmem:s22+$0xFFFFFE60];
	_ =	sdelay $0x1  }
0x35b: {  	v7 =	vld [tilespmem:s22+$0xFFFFFE70];
	_ =	sdelay $0x1  }
0x35c: {  	v60 =	vld [tilespmem:s22+$0xFFFFFE80]  }
0x35d: {  	v5 =	vsub.f32 v1, v5;
	v6 =	vsub.f32 v2, v6;
	_ =	sdelay $0x1  }
0x35e: {  	v7 =	vsub.f32 v3, v7;
	v5 =	vmul.f32 v5, v5;
	v6 =	vmul.f32 v6, v6;
	_ =	sdelay $0x1  }
0x35f: {  	v5 =	vadd.f32 v6, v5;
	v6 =	vmul.f32 v7, v7;
	v7 =	vsub.f32 v4, v60;
	_ =	sdelay $0x1  }
0x360: {  	v5 =	vadd.f32 v6, v5;
	v6 =	vmul.f32 v7, v7;
	_ =	sdelay $0x1  }
0x361: {  	v5 =	vadd.f32 v6, v5;
	_ =	sdelay $0x1  }
0x362: {  	(xrf2) =	vadd.scan.msk.f32 $0xffff, v5;
	_ =	sdelay $0x1  }
0x363: {  	s2 =	sadd.s32 $0xFFFFFFFD, s21  }
0x364: {  	v5 =	vmov s2  }
0x365: {  	v5 =	vshrl.u32 v5, $0x3  }
0x366: {  	v5 =	vshll.u32 v5, v0  }
0x367: {  	v5 =	vadd.s32 $0x4, v5  }
0x368: {  	v5 =	vbroadcast v5, $0x0;
	_ =	sdelay $0x2  }
0x369: {  	v6, _, _ =	vpop (xrf2)  }
0x36a: {  	v6 =	vbroadcast v6, $0xF;
	_ =	sdelay $0x1  }
0x36b: {  	[tilespmem:v5+s31+$0x0] =	vst.idx.msk $0x1, v6  }
0x36c: {  	v5 =	vld [tilespmem:s22+$0xFFFFFED0]  }
0x36d: {  	v6 =	vld [tilespmem:s22+$0xFFFFFEE0];
	_ =	sdelay $0x1  }
0x36e: {  	v7 =	vld [tilespmem:s22+$0xFFFFFEF0];
	_ =	sdelay $0x1  }
0x36f: {  	v61 =	vld [tilespmem:s22+$0xFFFFFF00]  }
0x370: {  	v5 =	vsub.f32 v1, v5;
	v6 =	vsub.f32 v2, v6;
	_ =	sdelay $0x1  }
0x371: {  	v7 =	vsub.f32 v3, v7;
	v5 =	vmul.f32 v5, v5;
	v6 =	vmul.f32 v6, v6;
	_ =	sdelay $0x1  }
0x372: {  	v5 =	vadd.f32 v6, v5;
	v6 =	vmul.f32 v7, v7;
	v7 =	vsub.f32 v4, v61;
	_ =	sdelay $0x1  }
0x373: {  	v5 =	vadd.f32 v6, v5;
	v6 =	vmul.f32 v7, v7;
	_ =	sdelay $0x1  }
0x374: {  	v5 =	vadd.f32 v6, v5;
	_ =	sdelay $0x1  }
0x375: {  	(xrf2) =	vadd.scan.msk.f32 $0xffff, v5;
	_ =	sdelay $0x1  }
0x376: {  	s25 =	sadd.s32 $0xFFFFFFFE, s21  }
0x377: {  	v5 =	vmov s25  }
0x378: {  	v5 =	vshrl.u32 v5, $0x3  }
0x379: {  	v5 =	vshll.u32 v5, v0  }
0x37a: {  	v5 =	vadd.s32 $0x5, v5  }
0x37b: {  	v5 =	vbroadcast v5, $0x0;
	_ =	sdelay $0x2  }
0x37c: {  	v6, _, _ =	vpop (xrf2)  }
0x37d: {  	v6 =	vbroadcast v6, $0xF;
	_ =	sdelay $0x1  }
0x37e: {  	[tilespmem:v5+s31+$0x0] =	vst.idx.msk $0x1, v6  }
0x37f: {  	v5 =	vld [tilespmem:s22+$0xFFFFFF50]  }
0x380: {  	v6 =	vld [tilespmem:s22+$0xFFFFFF60];
	_ =	sdelay $0x1  }
0x381: {  	v7 =	vld [tilespmem:s22+$0xFFFFFF70];
	_ =	sdelay $0x1  }
0x382: {  	v62 =	vld [tilespmem:s22+$0xFFFFFF80]  }
0x383: {  	v5 =	vsub.f32 v1, v5;
	v6 =	vsub.f32 v2, v6;
	_ =	sdelay $0x1  }
0x384: {  	v7 =	vsub.f32 v3, v7;
	v5 =	vmul.f32 v5, v5;
	v6 =	vmul.f32 v6, v6;
	_ =	sdelay $0x1  }
0x385: {  	v5 =	vadd.f32 v6, v5;
	v6 =	vmul.f32 v7, v7;
	v7 =	vsub.f32 v4, v62;
	_ =	sdelay $0x1  }
0x386: {  	v5 =	vadd.f32 v6, v5;
	v6 =	vmul.f32 v7, v7;
	_ =	sdelay $0x1  }
0x387: {  	v5 =	vadd.f32 v6, v5;
	_ =	sdelay $0x1  }
0x388: {  	(xrf2) =	vadd.scan.msk.f32 $0xffff, v5;
	_ =	sdelay $0x1  }
0x389: {  	s26 =	sadd.s32 $0xFFFFFFFF, s21  }
0x38a: {  	v5 =	vmov s26  }
0x38b: {  	v5 =	vshrl.u32 v5, $0x3  }
0x38c: {  	v5 =	vshll.u32 v5, v0  }
0x38d: {  	v5 =	vadd.s32 $0x6, v5  }
0x38e: {  	v5 =	vbroadcast v5, $0x0;
	_ =	sdelay $0x2  }
0x38f: {  	v6, _, _ =	vpop (xrf2)  }
0x390: {  	v6 =	vbroadcast v6, $0xF;
	_ =	sdelay $0x1  }
0x391: {  	[tilespmem:v5+s31+$0x0] =	vst.idx.msk $0x1, v6  }
0x392: {  	v5 =	vld [tilespmem:s22+$0xFFFFFFD0]  }
0x393: {  	v6 =	vld [tilespmem:s22+$0xFFFFFFE0];
	_ =	sdelay $0x1  }
0x394: {  	v7 =	vld [tilespmem:s22+$0xFFFFFFF0];
	_ =	sdelay $0x1  }
0x395: {  	v63 =	vld [tilespmem:s22+$0x0]  }
0x396: {  	v5 =	vsub.f32 v1, v5;
	v6 =	vsub.f32 v2, v6;
	_ =	sdelay $0x1  }
0x397: {  	v7 =	vsub.f32 v3, v7;
	v5 =	vmul.f32 v5, v5;
	v6 =	vmul.f32 v6, v6;
	_ =	sdelay $0x1  }
0x398: {  	v5 =	vadd.f32 v6, v5;
	v6 =	vmul.f32 v7, v7;
	v7 =	vsub.f32 v4, v63;
	_ =	sdelay $0x1  }
0x399: {  	v5 =	vadd.f32 v6, v5;
	v6 =	vmul.f32 v7, v7;
	_ =	sdelay $0x1  }
0x39a: {  	v5 =	vadd.f32 v6, v5;
	_ =	sdelay $0x1  }
0x39b: {  	(xrf2) =	vadd.scan.msk.f32 $0xffff, v5;
	_ =	sdelay $0x2  }
0x39c: {  	v5 =	vmov s21  }
0x39d: {  	v5 =	vshrl.u32 v5, $0x3  }
0x39e: {  	v5 =	vshll.u32 v5, v0  }
0x39f: {  	v5 =	vadd.s32 $0x7, v5  }
0x3a0: {  	v5 =	vbroadcast v5, $0x0  }
0x3a1: {  	p0 =	sne.s32 s21, $0x7F  }
.Ltmp1:
0x3a2: {  	_ = 	snop;
	(pc) =	sbr.rel @p0 .LBB2_5-.Ltmp1, $3  }
0x3a3: {  	v6, _, _ =	vpop (xrf2)  }
0x3a4: {  	v6 =	vbroadcast v6, $0xF;
	_ =	sdelay $0x1  }
0x3a5: {  	s22 =	sadd.s32 $0x800, s22;
	s21 =	sadd.s32 $0x10, s21;
	[tilespmem:v5+s31+$0x0] =	vst.idx.msk $0x1, v6  }
0x3a6: {  	p0 =	seq.s32 s20, $0x1F  }
0x3a7: {  	s21 =	sshll.u32 @!p0 s20, $0xA  }
0x3a8: {  	s22 =	sshrl.u32 @!p0 s21, $0x2  }
0x3a9: {  	s24 =	simm.s32 @!p0 $0x80;
	s25 =	simm.s32 @!p0 $0xE668;
	s22 =	sadd.s32 @!p0 $0x280, s22  }
0x3aa: {  	[tilespmem:s25], [sflag:$0x2] =	stream.indirect.gather @!p0 [hbm4b:s4+s24], $0x80, s22, s24, $0xb8;
	[tilespmem:$0x187E8] =	vst v63  }
0x3ab: {  	v1 =	vld [tilespmem:$0x16668];
	_ =	sdelay $0x4  }
0x3ac: {  	v2 =	vshra.s32 v1, $0x1;
	v3 =	vmul.f32 $5.000000000e-01, v1  }
0x3ad: {  	v2 =	vsub.s32 $0x5F3759DF, v2  }
0x3ae: {  	v4 =	vmul.f32 v2, v3;
	_ =	sdelay $0x1  }
0x3af: {  	v4 =	vmul.f32 v2, v4;
	_ =	sdelay $0x1  }
0x3b0: {  	v4 =	vsub.f32 $1.500000000e+00, v4;
	_ =	sdelay $0x1  }
0x3b1: {  	v2 =	vmul.f32 v2, v4;
	_ =	sdelay $0x1  }
0x3b2: {  	v4 =	vmul.f32 v2, v3;
	_ =	sdelay $0x1  }
0x3b3: {  	v4 =	vmul.f32 v4, v2;
	_ =	sdelay $0x1  }
0x3b4: {  	v4 =	vsub.f32 $1.500000000e+00, v4;
	_ =	sdelay $0x1  }
0x3b5: {  	v2 =	vmul.f32 v4, v2;
	_ =	sdelay $0x1  }
0x3b6: {  	v3 =	vmul.f32 v2, v3;
	_ =	sdelay $0x1  }
0x3b7: {  	v3 =	vmul.f32 v3, v2;
	_ =	sdelay $0x1  }
0x3b8: {  	v3 =	vsub.f32 $1.500000000e+00, v3;
	_ =	sdelay $0x1  }
0x3b9: {  	v2 =	vmul.f32 v3, v2;
	_ =	sdelay $0x1  }
0x3ba: {  	v2 =	vmul.f32 v2, v1  }
0x3bb: {  	s21 =	simm.s32 @p0 $0x7C00;
	vm0 =	vgt.f32 v1, $0.0e+00  }
0x3bc: {  	s2 =	sshrl.u32 s21, $0x2;
	v1 =	vnsel vm0, $0x0, v2  }
0x3bd: {  	[tilespmem:s2+$0x167E8] =	vst v1  }
0x3be: {  	v1 =	vld [tilespmem:$0x16678];
	_ =	sdelay $0x4  }
0x3bf: {  	v2 =	vshra.s32 v1, $0x1;
	v3 =	vmul.f32 $5.000000000e-01, v1  }
0x3c0: {  	v2 =	vsub.s32 $0x5F3759DF, v2  }
0x3c1: {  	v4 =	vmul.f32 v2, v3;
	_ =	sdelay $0x1  }
0x3c2: {  	v4 =	vmul.f32 v2, v4;
	_ =	sdelay $0x1  }
0x3c3: {  	v4 =	vsub.f32 $1.500000000e+00, v4;
	_ =	sdelay $0x1  }
0x3c4: {  	v2 =	vmul.f32 v2, v4;
	_ =	sdelay $0x1  }
0x3c5: {  	v4 =	vmul.f32 v2, v3;
	_ =	sdelay $0x1  }
0x3c6: {  	v4 =	vmul.f32 v4, v2;
	_ =	sdelay $0x1  }
0x3c7: {  	v4 =	vsub.f32 $1.500000000e+00, v4;
	_ =	sdelay $0x1  }
0x3c8: {  	v2 =	vmul.f32 v4, v2;
	_ =	sdelay $0x1  }
0x3c9: {  	v3 =	vmul.f32 v2, v3;
	_ =	sdelay $0x1  }
0x3ca: {  	v3 =	vmul.f32 v3, v2;
	_ =	sdelay $0x1  }
0x3cb: {  	v3 =	vsub.f32 $1.500000000e+00, v3;
	_ =	sdelay $0x1  }
0x3cc: {  	v2 =	vmul.f32 v3, v2;
	_ =	sdelay $0x1  }
0x3cd: {  	v2 =	vmul.f32 v2, v1  }
0x3ce: {  	vm9 =	vgt.f32 v1, $0.0e+00  }
0x3cf: {  	v1 =	vnsel vm9, $0x0, v2  }
0x3d0: {  	[tilespmem:s2+$0x167F8] =	vst v1  }
0x3d1: {  	v1 =	vld [tilespmem:$0x16688];
	_ =	sdelay $0x4  }
0x3d2: {  	v2 =	vshra.s32 v1, $0x1;
	v3 =	vmul.f32 $5.000000000e-01, v1  }
0x3d3: {  	v2 =	vsub.s32 $0x5F3759DF, v2  }
0x3d4: {  	v4 =	vmul.f32 v2, v3;
	_ =	sdelay $0x1  }
0x3d5: {  	v4 =	vmul.f32 v2, v4;
	_ =	sdelay $0x1  }
0x3d6: {  	v4 =	vsub.f32 $1.500000000e+00, v4;
	_ =	sdelay $0x1  }
0x3d7: {  	v2 =	vmul.f32 v2, v4;
	_ =	sdelay $0x1  }
0x3d8: {  	v4 =	vmul.f32 v2, v3;
	_ =	sdelay $0x1  }
0x3d9: {  	v4 =	vmul.f32 v4, v2;
	_ =	sdelay $0x1  }
0x3da: {  	v4 =	vsub.f32 $1.500000000e+00, v4;
	_ =	sdelay $0x1  }
0x3db: {  	v2 =	vmul.f32 v4, v2;
	_ =	sdelay $0x1  }
0x3dc: {  	v3 =	vmul.f32 v2, v3;
	_ =	sdelay $0x1  }
0x3dd: {  	v3 =	vmul.f32 v3, v2;
	_ =	sdelay $0x1  }
0x3de: {  	v3 =	vsub.f32 $1.500000000e+00, v3;
	_ =	sdelay $0x1  }
0x3df: {  	v2 =	vmul.f32 v3, v2;
	_ =	sdelay $0x1  }
0x3e0: {  	v2 =	vmul.f32 v2, v1  }
0x3e1: {  	vm10 =	vgt.f32 v1, $0.0e+00  }
0x3e2: {  	v1 =	vnsel vm10, $0x0, v2  }
0x3e3: {  	[tilespmem:s2+$0x16808] =	vst v1  }
0x3e4: {  	v1 =	vld [tilespmem:$0x16698];
	_ =	sdelay $0x4  }
0x3e5: {  	v2 =	vshra.s32 v1, $0x1;
	v3 =	vmul.f32 $5.000000000e-01, v1  }
0x3e6: {  	v2 =	vsub.s32 $0x5F3759DF, v2  }
0x3e7: {  	v4 =	vmul.f32 v2, v3;
	_ =	sdelay $0x1  }
0x3e8: {  	v4 =	vmul.f32 v2, v4;
	_ =	sdelay $0x1  }
0x3e9: {  	v4 =	vsub.f32 $1.500000000e+00, v4;
	_ =	sdelay $0x1  }
0x3ea: {  	v2 =	vmul.f32 v2, v4;
	_ =	sdelay $0x1  }
0x3eb: {  	v4 =	vmul.f32 v2, v3;
	_ =	sdelay $0x1  }
0x3ec: {  	v4 =	vmul.f32 v4, v2;
	_ =	sdelay $0x1  }
0x3ed: {  	v4 =	vsub.f32 $1.500000000e+00, v4;
	_ =	sdelay $0x1  }
0x3ee: {  	v2 =	vmul.f32 v4, v2;
	_ =	sdelay $0x1  }
0x3ef: {  	v3 =	vmul.f32 v2, v3;
	_ =	sdelay $0x1  }
0x3f0: {  	v3 =	vmul.f32 v3, v2;
	_ =	sdelay $0x1  }
0x3f1: {  	v3 =	vsub.f32 $1.500000000e+00, v3;
	_ =	sdelay $0x1  }
0x3f2: {  	v2 =	vmul.f32 v3, v2;
	_ =	sdelay $0x1  }
0x3f3: {  	v2 =	vmul.f32 v2, v1  }
0x3f4: {  	vm11 =	vgt.f32 v1, $0.0e+00  }
0x3f5: {  	v1 =	vnsel vm11, $0x0, v2  }
0x3f6: {  	[tilespmem:s2+$0x16818] =	vst v1  }
0x3f7: {  	v1 =	vld [tilespmem:$0x166A8];
	_ =	sdelay $0x4  }
0x3f8: {  	v2 =	vshra.s32 v1, $0x1;
	v3 =	vmul.f32 $5.000000000e-01, v1  }
0x3f9: {  	v2 =	vsub.s32 $0x5F3759DF, v2  }
0x3fa: {  	v4 =	vmul.f32 v2, v3;
	_ =	sdelay $0x1  }
0x3fb: {  	v4 =	vmul.f32 v2, v4;
	_ =	sdelay $0x1  }
0x3fc: {  	v4 =	vsub.f32 $1.500000000e+00, v4;
	_ =	sdelay $0x1  }
0x3fd: {  	v2 =	vmul.f32 v2, v4;
	_ =	sdelay $0x1  }
0x3fe: {  	v4 =	vmul.f32 v2, v3;
	_ =	sdelay $0x1  }
0x3ff: {  	v4 =	vmul.f32 v4, v2;
	_ =	sdelay $0x1  }
0x400: {  	v4 =	vsub.f32 $1.500000000e+00, v4;
	_ =	sdelay $0x1  }
0x401: {  	v2 =	vmul.f32 v4, v2;
	_ =	sdelay $0x1  }
0x402: {  	v3 =	vmul.f32 v2, v3;
	_ =	sdelay $0x1  }
0x403: {  	v3 =	vmul.f32 v3, v2;
	_ =	sdelay $0x1  }
0x404: {  	v3 =	vsub.f32 $1.500000000e+00, v3;
	_ =	sdelay $0x1  }
0x405: {  	v2 =	vmul.f32 v3, v2;
	_ =	sdelay $0x1  }
0x406: {  	v2 =	vmul.f32 v2, v1  }
0x407: {  	vm12 =	vgt.f32 v1, $0.0e+00  }
0x408: {  	v1 =	vnsel vm12, $0x0, v2  }
0x409: {  	[tilespmem:s2+$0x16828] =	vst v1  }
0x40a: {  	v1 =	vld [tilespmem:$0x166B8];
	_ =	sdelay $0x4  }
0x40b: {  	v2 =	vshra.s32 v1, $0x1;
	v3 =	vmul.f32 $5.000000000e-01, v1  }
0x40c: {  	v2 =	vsub.s32 $0x5F3759DF, v2  }
0x40d: {  	v4 =	vmul.f32 v2, v3;
	_ =	sdelay $0x1  }
0x40e: {  	v4 =	vmul.f32 v2, v4;
	_ =	sdelay $0x1  }
0x40f: {  	v4 =	vsub.f32 $1.500000000e+00, v4;
	_ =	sdelay $0x1  }
0x410: {  	v2 =	vmul.f32 v2, v4;
	_ =	sdelay $0x1  }
0x411: {  	v4 =	vmul.f32 v2, v3;
	_ =	sdelay $0x1  }
0x412: {  	v4 =	vmul.f32 v4, v2;
	_ =	sdelay $0x1  }
0x413: {  	v4 =	vsub.f32 $1.500000000e+00, v4;
	_ =	sdelay $0x1  }
0x414: {  	v2 =	vmul.f32 v4, v2;
	_ =	sdelay $0x1  }
0x415: {  	v3 =	vmul.f32 v2, v3;
	_ =	sdelay $0x1  }
0x416: {  	v3 =	vmul.f32 v3, v2;
	_ =	sdelay $0x1  }
0x417: {  	v3 =	vsub.f32 $1.500000000e+00, v3;
	_ =	sdelay $0x1  }
0x418: {  	v2 =	vmul.f32 v3, v2;
	_ =	sdelay $0x1  }
0x419: {  	v2 =	vmul.f32 v2, v1  }
0x41a: {  	vm13 =	vgt.f32 v1, $0.0e+00  }
0x41b: {  	v1 =	vnsel vm13, $0x0, v2  }
0x41c: {  	[tilespmem:s2+$0x16838] =	vst v1  }
0x41d: {  	v1 =	vld [tilespmem:$0x166C8];
	_ =	sdelay $0x4  }
0x41e: {  	v2 =	vshra.s32 v1, $0x1;
	v3 =	vmul.f32 $5.000000000e-01, v1  }
0x41f: {  	v2 =	vsub.s32 $0x5F3759DF, v2  }
0x420: {  	v4 =	vmul.f32 v2, v3;
	_ =	sdelay $0x1  }
0x421: {  	v4 =	vmul.f32 v2, v4;
	_ =	sdelay $0x1  }
0x422: {  	v4 =	vsub.f32 $1.500000000e+00, v4;
	_ =	sdelay $0x1  }
0x423: {  	v2 =	vmul.f32 v2, v4;
	_ =	sdelay $0x1  }
0x424: {  	v4 =	vmul.f32 v2, v3;
	_ =	sdelay $0x1  }
0x425: {  	v4 =	vmul.f32 v4, v2;
	_ =	sdelay $0x1  }
0x426: {  	v4 =	vsub.f32 $1.500000000e+00, v4;
	_ =	sdelay $0x1  }
0x427: {  	v2 =	vmul.f32 v4, v2;
	_ =	sdelay $0x1  }
0x428: {  	v3 =	vmul.f32 v2, v3;
	_ =	sdelay $0x1  }
0x429: {  	v3 =	vmul.f32 v3, v2;
	_ =	sdelay $0x1  }
0x42a: {  	v3 =	vsub.f32 $1.500000000e+00, v3;
	_ =	sdelay $0x1  }
0x42b: {  	v2 =	vmul.f32 v3, v2;
	_ =	sdelay $0x1  }
0x42c: {  	v2 =	vmul.f32 v2, v1  }
0x42d: {  	vm14 =	vgt.f32 v1, $0.0e+00  }
0x42e: {  	v1 =	vnsel vm14, $0x0, v2  }
0x42f: {  	[tilespmem:s2+$0x16848] =	vst v1  }
0x430: {  	v1 =	vld [tilespmem:$0x166D8];
	_ =	sdelay $0x4  }
0x431: {  	v2 =	vshra.s32 v1, $0x1;
	v3 =	vmul.f32 $5.000000000e-01, v1  }
0x432: {  	v2 =	vsub.s32 $0x5F3759DF, v2  }
0x433: {  	v4 =	vmul.f32 v2, v3;
	_ =	sdelay $0x1  }
0x434: {  	v4 =	vmul.f32 v2, v4;
	_ =	sdelay $0x1  }
0x435: {  	v4 =	vsub.f32 $1.500000000e+00, v4;
	_ =	sdelay $0x1  }
0x436: {  	v2 =	vmul.f32 v2, v4;
	_ =	sdelay $0x1  }
0x437: {  	v4 =	vmul.f32 v2, v3;
	_ =	sdelay $0x1  }
0x438: {  	v4 =	vmul.f32 v4, v2;
	_ =	sdelay $0x1  }
0x439: {  	v4 =	vsub.f32 $1.500000000e+00, v4;
	_ =	sdelay $0x1  }
0x43a: {  	v2 =	vmul.f32 v4, v2;
	_ =	sdelay $0x1  }
0x43b: {  	v3 =	vmul.f32 v2, v3;
	_ =	sdelay $0x1  }
0x43c: {  	v3 =	vmul.f32 v3, v2;
	_ =	sdelay $0x1  }
0x43d: {  	v3 =	vsub.f32 $1.500000000e+00, v3  }
0x43e: {  	s24 =	sshll.u32 s20, $0x1  }
0x43f: {  	s22 =	sor.u32 $0x1, s24;
	v2 =	vmul.f32 v3, v2  }
0x440: {  	s24 =	sshll.u32 s22, $0x1  }
0x441: {  	v3 =	vmov s24;
	v2 =	vmul.f32 v2, v1  }
0x442: {  	vm15 =	vgt.f32 v1, $0.0e+00;
	v5 =	vbroadcast v3, $0x0  }
0x443: {  	v1 =	vnsel vm15, $0x0, v2  }
0x444: {  	[tilespmem:s2+$0x16858] =	vst v1  }
0x445: {  	_ =	swait.ge [sflag:s0], $0x4000  }
0x446: {  	[sflag:s0] =	ssyncset.done $0x0  }
0x447: {  	[sflag:s0] =	ssyncadd.s32 $0xFFFFC000  }
0x448: {  	s26 =	sshll.u32 s22, $0x8;
	v4 =	vld.idx.msk [tilespmem:v5+s29+$0x0], $0xffff  }
0x449: {  	v1 =	vld [tilespmem:s26+$0x2668]  }
0x44a: {  	v2 =	vld [tilespmem:s26+$0xA668]  }
0x44b: {  	v3 =	vld [tilespmem:s26+$0x2678]  }
0x44c: {  	v6 =	vld [tilespmem:s26+$0xA678]  }
0x44d: {  	v7 =	vld [tilespmem:s26+$0x2688]  }
0x44e: {  	v8 =	vld [tilespmem:s26+$0xA688]  }
0x44f: {  	v9 =	vld [tilespmem:s26+$0xA698]  }
0x450: {  	v10 =	vld [tilespmem:s26+$0x6668]  }
0x451: {  	v11 =	vld [tilespmem:s26+$0x6678]  }
0x452: {  	v12 =	vld [tilespmem:s26+$0x2698];
	v2 =	vmul.f32 v2, v4;
	v6 =	vmul.f32 v6, v4  }
0x453: {  	v13 =	vld [tilespmem:s26+$0x6688];
	v8 =	vmul.f32 v8, v4  }
0x454: {  	v1 =	vadd.f32 v2, v1;
	v2 =	vadd.f32 v6, v3  }
0x455: {  	v4 =	vmul.f32 v9, v4;
	v3 =	vadd.f32 v8, v7;
	v6 =	vld [tilespmem:s26+$0x6698]  }
0x456: {  	v7 =	vsub.f32 v1, v10;
	v61 =	vsub.f32 v2, v11  }
0x457: {  	v4 =	vadd.f32 v4, v12  }
0x458: {  	v62 =	vsub.f32 v3, v13;
	v7 =	vmul.f32 v7, v7;
	v8 =	vmul.f32 v61, v61;
	_ =	sdelay $0x1  }
0x459: {  	v63 =	vmul.f32 v62, v62;
	v6 =	vsub.f32 v4, v6;
	v7 =	vadd.f32 v8, v7;
	_ =	sdelay $0x1  }
0x45a: {  	v6 =	vmul.f32 v6, v6;
	v7 =	vadd.f32 v63, v7;
	_ =	sdelay $0x1  }
0x45b: {  	v6 =	vadd.f32 v6, v7;
	_ =	sdelay $0x1  }
0x45c: {  	(xrf2) =	vadd.scan.msk.f32 $0xffff, v6;
	_ =	sdelay $0x9  }
0x45d: {  	v6, _, _ =	vpop (xrf2)  }
0x45e: {  	v6 =	vbroadcast v6, $0xF;
	_ =	sdelay $0x1  }
0x45f: {  	s25 =	simm.s32 $0xF;
	s26 =	simm.s32 $0x12A68;
	[tilespmem:v5+s30+$0x0] =	vst.idx.msk $0x1, v6  }
.LBB2_7:
0x460: {  	v5 =	vld [tilespmem:s26+$0xFFFFFC00]  }
0x461: {  	v6 =	vld [tilespmem:s26+$0xFFFFFC10];
	_ =	sdelay $0x1  }
0x462: {  	v7 =	vld [tilespmem:s26+$0xFFFFFC20];
	_ =	sdelay $0x1  }
0x463: {  	v8 =	vld [tilespmem:s26+$0xFFFFFC30]  }
0x464: {  	v5 =	vsub.f32 v1, v5;
	v6 =	vsub.f32 v2, v6;
	_ =	sdelay $0x1  }
0x465: {  	v7 =	vsub.f32 v3, v7;
	v5 =	vmul.f32 v5, v5;
	v6 =	vmul.f32 v6, v6;
	_ =	sdelay $0x1  }
0x466: {  	v5 =	vadd.f32 v6, v5;
	v6 =	vmul.f32 v7, v7;
	v7 =	vsub.f32 v4, v8;
	_ =	sdelay $0x1  }
0x467: {  	v5 =	vadd.f32 v6, v5;
	v6 =	vmul.f32 v7, v7;
	_ =	sdelay $0x1  }
0x468: {  	v5 =	vadd.f32 v6, v5;
	_ =	sdelay $0x1  }
0x469: {  	(xrf2) =	vadd.scan.msk.f32 $0xffff, v5;
	_ =	sdelay $0x2  }
0x46a: {  	s2 =	sadd.s32 $0xFFFFFFF1, s25  }
0x46b: {  	v5 =	vmov s2  }
0x46c: {  	v5 =	vshrl.u32 v5, $0x3  }
0x46d: {  	v5 =	vshll.u32 v5, v0  }
0x46e: {  	v5 =	vbroadcast v5, $0x0;
	_ =	sdelay $0x2  }
0x46f: {  	v6, _, _ =	vpop (xrf2)  }
0x470: {  	v6 =	vbroadcast v6, $0xF;
	_ =	sdelay $0x1  }
0x471: {  	[tilespmem:v5+s31+$0x0] =	vst.idx.msk $0x1, v6  }
0x472: {  	v5 =	vld [tilespmem:s26+$0xFFFFFC80]  }
0x473: {  	v6 =	vld [tilespmem:s26+$0xFFFFFC90];
	_ =	sdelay $0x1  }
0x474: {  	v7 =	vld [tilespmem:s26+$0xFFFFFCA0];
	_ =	sdelay $0x1  }
0x475: {  	v49 =	vld [tilespmem:s26+$0xFFFFFCB0]  }
0x476: {  	v5 =	vsub.f32 v1, v5;
	v6 =	vsub.f32 v2, v6;
	_ =	sdelay $0x1  }
0x477: {  	v7 =	vsub.f32 v3, v7;
	v5 =	vmul.f32 v5, v5;
	v6 =	vmul.f32 v6, v6;
	_ =	sdelay $0x1  }
0x478: {  	v5 =	vadd.f32 v6, v5;
	v6 =	vmul.f32 v7, v7;
	v7 =	vsub.f32 v4, v49;
	_ =	sdelay $0x1  }
0x479: {  	v5 =	vadd.f32 v6, v5;
	v6 =	vmul.f32 v7, v7;
	_ =	sdelay $0x1  }
0x47a: {  	v5 =	vadd.f32 v6, v5;
	_ =	sdelay $0x1  }
0x47b: {  	(xrf2) =	vadd.scan.msk.f32 $0xffff, v5;
	_ =	sdelay $0x1  }
0x47c: {  	s2 =	sadd.s32 $0xFFFFFFF2, s25  }
0x47d: {  	v5 =	vmov s2  }
0x47e: {  	v5 =	vshrl.u32 v5, $0x3  }
0x47f: {  	v5 =	vshll.u32 v5, v0  }
0x480: {  	v5 =	vadd.s32 $0x1, v5  }
0x481: {  	v5 =	vbroadcast v5, $0x0;
	_ =	sdelay $0x2  }
0x482: {  	v6, _, _ =	vpop (xrf2)  }
0x483: {  	v6 =	vbroadcast v6, $0xF;
	_ =	sdelay $0x1  }
0x484: {  	[tilespmem:v5+s31+$0x0] =	vst.idx.msk $0x1, v6  }
0x485: {  	v5 =	vld [tilespmem:s26+$0xFFFFFD00]  }
0x486: {  	v6 =	vld [tilespmem:s26+$0xFFFFFD10];
	_ =	sdelay $0x1  }
0x487: {  	v7 =	vld [tilespmem:s26+$0xFFFFFD20];
	_ =	sdelay $0x1  }
0x488: {  	v50 =	vld [tilespmem:s26+$0xFFFFFD30]  }
0x489: {  	v5 =	vsub.f32 v1, v5;
	v6 =	vsub.f32 v2, v6;
	_ =	sdelay $0x1  }
0x48a: {  	v7 =	vsub.f32 v3, v7;
	v5 =	vmul.f32 v5, v5;
	v6 =	vmul.f32 v6, v6;
	_ =	sdelay $0x1  }
0x48b: {  	v5 =	vadd.f32 v6, v5;
	v6 =	vmul.f32 v7, v7;
	v7 =	vsub.f32 v4, v50;
	_ =	sdelay $0x1  }
0x48c: {  	v5 =	vadd.f32 v6, v5;
	v6 =	vmul.f32 v7, v7;
	_ =	sdelay $0x1  }
0x48d: {  	v5 =	vadd.f32 v6, v5;
	_ =	sdelay $0x1  }
0x48e: {  	(xrf2) =	vadd.scan.msk.f32 $0xffff, v5;
	_ =	sdelay $0x1  }
0x48f: {  	s2 =	sadd.s32 $0xFFFFFFF3, s25  }
0x490: {  	v5 =	vmov s2  }
0x491: {  	v5 =	vshrl.u32 v5, $0x3  }
0x492: {  	v5 =	vshll.u32 v5, v0  }
0x493: {  	v5 =	vadd.s32 $0x2, v5  }
0x494: {  	v5 =	vbroadcast v5, $0x0;
	_ =	sdelay $0x2  }
0x495: {  	v6, _, _ =	vpop (xrf2)  }
0x496: {  	v6 =	vbroadcast v6, $0xF;
	_ =	sdelay $0x1  }
0x497: {  	[tilespmem:v5+s31+$0x0] =	vst.idx.msk $0x1, v6  }
0x498: {  	v5 =	vld [tilespmem:s26+$0xFFFFFD80]  }
0x499: {  	v6 =	vld [tilespmem:s26+$0xFFFFFD90];
	_ =	sdelay $0x1  }
0x49a: {  	v7 =	vld [tilespmem:s26+$0xFFFFFDA0];
	_ =	sdelay $0x1  }
0x49b: {  	v51 =	vld [tilespmem:s26+$0xFFFFFDB0]  }
0x49c: {  	v5 =	vsub.f32 v1, v5;
	v6 =	vsub.f32 v2, v6;
	_ =	sdelay $0x1  }
0x49d: {  	v7 =	vsub.f32 v3, v7;
	v5 =	vmul.f32 v5, v5;
	v6 =	vmul.f32 v6, v6;
	_ =	sdelay $0x1  }
0x49e: {  	v5 =	vadd.f32 v6, v5;
	v6 =	vmul.f32 v7, v7;
	v7 =	vsub.f32 v4, v51;
	_ =	sdelay $0x1  }
0x49f: {  	v5 =	vadd.f32 v6, v5;
	v6 =	vmul.f32 v7, v7;
	_ =	sdelay $0x1  }
0x4a0: {  	v5 =	vadd.f32 v6, v5;
	_ =	sdelay $0x1  }
0x4a1: {  	(xrf2) =	vadd.scan.msk.f32 $0xffff, v5;
	_ =	sdelay $0x1  }
0x4a2: {  	s2 =	sadd.s32 $0xFFFFFFF4, s25  }
0x4a3: {  	v5 =	vmov s2  }
0x4a4: {  	v5 =	vshrl.u32 v5, $0x3  }
0x4a5: {  	v5 =	vshll.u32 v5, v0  }
0x4a6: {  	v5 =	vadd.s32 $0x3, v5  }
0x4a7: {  	v5 =	vbroadcast v5, $0x0;
	_ =	sdelay $0x2  }
0x4a8: {  	v6, _, _ =	vpop (xrf2)  }
0x4a9: {  	v6 =	vbroadcast v6, $0xF;
	_ =	sdelay $0x1  }
0x4aa: {  	[tilespmem:v5+s31+$0x0] =	vst.idx.msk $0x1, v6  }
0x4ab: {  	v5 =	vld [tilespmem:s26+$0xFFFFFE00]  }
0x4ac: {  	v6 =	vld [tilespmem:s26+$0xFFFFFE10];
	_ =	sdelay $0x1  }
0x4ad: {  	v7 =	vld [tilespmem:s26+$0xFFFFFE20];
	_ =	sdelay $0x1  }
0x4ae: {  	v52 =	vld [tilespmem:s26+$0xFFFFFE30]  }
0x4af: {  	v5 =	vsub.f32 v1, v5;
	v6 =	vsub.f32 v2, v6;
	_ =	sdelay $0x1  }
0x4b0: {  	v7 =	vsub.f32 v3, v7;
	v5 =	vmul.f32 v5, v5;
	v6 =	vmul.f32 v6, v6;
	_ =	sdelay $0x1  }
0x4b1: {  	v5 =	vadd.f32 v6, v5;
	v6 =	vmul.f32 v7, v7;
	v7 =	vsub.f32 v4, v52;
	_ =	sdelay $0x1  }
0x4b2: {  	v5 =	vadd.f32 v6, v5;
	v6 =	vmul.f32 v7, v7;
	_ =	sdelay $0x1  }
0x4b3: {  	v5 =	vadd.f32 v6, v5;
	_ =	sdelay $0x1  }
0x4b4: {  	(xrf2) =	vadd.scan.msk.f32 $0xffff, v5;
	_ =	sdelay $0x1  }
0x4b5: {  	s2 =	sadd.s32 $0xFFFFFFF5, s25  }
0x4b6: {  	v5 =	vmov s2  }
0x4b7: {  	v5 =	vshrl.u32 v5, $0x3  }
0x4b8: {  	v5 =	vshll.u32 v5, v0  }
0x4b9: {  	v5 =	vadd.s32 $0x4, v5  }
0x4ba: {  	v5 =	vbroadcast v5, $0x0;
	_ =	sdelay $0x2  }
0x4bb: {  	v6, _, _ =	vpop (xrf2)  }
0x4bc: {  	v6 =	vbroadcast v6, $0xF;
	_ =	sdelay $0x1  }
0x4bd: {  	[tilespmem:v5+s31+$0x0] =	vst.idx.msk $0x1, v6  }
0x4be: {  	v5 =	vld [tilespmem:s26+$0xFFFFFE80]  }
0x4bf: {  	v6 =	vld [tilespmem:s26+$0xFFFFFE90];
	_ =	sdelay $0x1  }
0x4c0: {  	v7 =	vld [tilespmem:s26+$0xFFFFFEA0];
	_ =	sdelay $0x1  }
0x4c1: {  	v53 =	vld [tilespmem:s26+$0xFFFFFEB0]  }
0x4c2: {  	v5 =	vsub.f32 v1, v5;
	v6 =	vsub.f32 v2, v6;
	_ =	sdelay $0x1  }
0x4c3: {  	v7 =	vsub.f32 v3, v7;
	v5 =	vmul.f32 v5, v5;
	v6 =	vmul.f32 v6, v6;
	_ =	sdelay $0x1  }
0x4c4: {  	v5 =	vadd.f32 v6, v5;
	v6 =	vmul.f32 v7, v7;
	v7 =	vsub.f32 v4, v53;
	_ =	sdelay $0x1  }
0x4c5: {  	v5 =	vadd.f32 v6, v5;
	v6 =	vmul.f32 v7, v7;
	_ =	sdelay $0x1  }
0x4c6: {  	v5 =	vadd.f32 v6, v5;
	_ =	sdelay $0x1  }
0x4c7: {  	(xrf2) =	vadd.scan.msk.f32 $0xffff, v5;
	_ =	sdelay $0x1  }
0x4c8: {  	s2 =	sadd.s32 $0xFFFFFFF6, s25  }
0x4c9: {  	v5 =	vmov s2  }
0x4ca: {  	v5 =	vshrl.u32 v5, $0x3  }
0x4cb: {  	v5 =	vshll.u32 v5, v0  }
0x4cc: {  	v5 =	vadd.s32 $0x5, v5  }
0x4cd: {  	v5 =	vbroadcast v5, $0x0;
	_ =	sdelay $0x2  }
0x4ce: {  	v6, _, _ =	vpop (xrf2)  }
0x4cf: {  	v6 =	vbroadcast v6, $0xF;
	_ =	sdelay $0x1  }
0x4d0: {  	[tilespmem:v5+s31+$0x0] =	vst.idx.msk $0x1, v6  }
0x4d1: {  	v5 =	vld [tilespmem:s26+$0xFFFFFF00]  }
0x4d2: {  	v6 =	vld [tilespmem:s26+$0xFFFFFF10];
	_ =	sdelay $0x1  }
0x4d3: {  	v7 =	vld [tilespmem:s26+$0xFFFFFF20];
	_ =	sdelay $0x1  }
0x4d4: {  	v54 =	vld [tilespmem:s26+$0xFFFFFF30]  }
0x4d5: {  	v5 =	vsub.f32 v1, v5;
	v6 =	vsub.f32 v2, v6;
	_ =	sdelay $0x1  }
0x4d6: {  	v7 =	vsub.f32 v3, v7;
	v5 =	vmul.f32 v5, v5;
	v6 =	vmul.f32 v6, v6;
	_ =	sdelay $0x1  }
0x4d7: {  	v5 =	vadd.f32 v6, v5;
	v6 =	vmul.f32 v7, v7;
	v7 =	vsub.f32 v4, v54;
	_ =	sdelay $0x1  }
0x4d8: {  	v5 =	vadd.f32 v6, v5;
	v6 =	vmul.f32 v7, v7;
	_ =	sdelay $0x1  }
0x4d9: {  	v5 =	vadd.f32 v6, v5;
	_ =	sdelay $0x1  }
0x4da: {  	(xrf2) =	vadd.scan.msk.f32 $0xffff, v5;
	_ =	sdelay $0x1  }
0x4db: {  	s2 =	sadd.s32 $0xFFFFFFF7, s25  }
0x4dc: {  	v5 =	vmov s2  }
0x4dd: {  	v5 =	vshrl.u32 v5, $0x3  }
0x4de: {  	v5 =	vshll.u32 v5, v0  }
0x4df: {  	v5 =	vadd.s32 $0x6, v5  }
0x4e0: {  	v5 =	vbroadcast v5, $0x0;
	_ =	sdelay $0x2  }
0x4e1: {  	v6, _, _ =	vpop (xrf2)  }
0x4e2: {  	v6 =	vbroadcast v6, $0xF;
	_ =	sdelay $0x1  }
0x4e3: {  	[tilespmem:v5+s31+$0x0] =	vst.idx.msk $0x1, v6  }
0x4e4: {  	v5 =	vld [tilespmem:s26+$0xFFFFFF80]  }
0x4e5: {  	v6 =	vld [tilespmem:s26+$0xFFFFFF90];
	_ =	sdelay $0x1  }
0x4e6: {  	v7 =	vld [tilespmem:s26+$0xFFFFFFA0];
	_ =	sdelay $0x1  }
0x4e7: {  	v55 =	vld [tilespmem:s26+$0xFFFFFFB0]  }
0x4e8: {  	v5 =	vsub.f32 v1, v5;
	v6 =	vsub.f32 v2, v6;
	_ =	sdelay $0x1  }
0x4e9: {  	v7 =	vsub.f32 v3, v7;
	v5 =	vmul.f32 v5, v5;
	v6 =	vmul.f32 v6, v6;
	_ =	sdelay $0x1  }
0x4ea: {  	v5 =	vadd.f32 v6, v5;
	v6 =	vmul.f32 v7, v7;
	v7 =	vsub.f32 v4, v55;
	_ =	sdelay $0x1  }
0x4eb: {  	v5 =	vadd.f32 v6, v5;
	v6 =	vmul.f32 v7, v7;
	_ =	sdelay $0x1  }
0x4ec: {  	v5 =	vadd.f32 v6, v5;
	_ =	sdelay $0x1  }
0x4ed: {  	(xrf2) =	vadd.scan.msk.f32 $0xffff, v5;
	_ =	sdelay $0x1  }
0x4ee: {  	s2 =	sadd.s32 $0xFFFFFFF8, s25  }
0x4ef: {  	v5 =	vmov s2  }
0x4f0: {  	v5 =	vshrl.u32 v5, $0x3  }
0x4f1: {  	v5 =	vshll.u32 v5, v0  }
0x4f2: {  	v5 =	vadd.s32 $0x7, v5  }
0x4f3: {  	v5 =	vbroadcast v5, $0x0;
	_ =	sdelay $0x2  }
0x4f4: {  	v6, _, _ =	vpop (xrf2)  }
0x4f5: {  	v6 =	vbroadcast v6, $0xF;
	_ =	sdelay $0x1  }
0x4f6: {  	[tilespmem:v5+s31+$0x0] =	vst.idx.msk $0x1, v6  }
0x4f7: {  	v5 =	vld [tilespmem:s26+$0x0]  }
0x4f8: {  	v6 =	vld [tilespmem:s26+$0x10];
	_ =	sdelay $0x1  }
0x4f9: {  	v7 =	vld [tilespmem:s26+$0x20];
	_ =	sdelay $0x1  }
0x4fa: {  	v56 =	vld [tilespmem:s26+$0x30]  }
0x4fb: {  	v5 =	vsub.f32 v1, v5;
	v6 =	vsub.f32 v2, v6;
	_ =	sdelay $0x1  }
0x4fc: {  	v7 =	vsub.f32 v3, v7;
	v5 =	vmul.f32 v5, v5;
	v6 =	vmul.f32 v6, v6;
	_ =	sdelay $0x1  }
0x4fd: {  	v5 =	vadd.f32 v6, v5;
	v6 =	vmul.f32 v7, v7;
	v7 =	vsub.f32 v4, v56;
	_ =	sdelay $0x1  }
0x4fe: {  	v5 =	vadd.f32 v6, v5;
	v6 =	vmul.f32 v7, v7;
	_ =	sdelay $0x1  }
0x4ff: {  	v5 =	vadd.f32 v6, v5;
	_ =	sdelay $0x1  }
0x500: {  	(xrf2) =	vadd.scan.msk.f32 $0xffff, v5;
	_ =	sdelay $0x2  }
0x501: {  	s2 =	sadd.s32 $0xFFFFFFF9, s25  }
0x502: {  	v5 =	vmov s2  }
0x503: {  	v5 =	vshrl.u32 v5, $0x3  }
0x504: {  	v5 =	vshll.u32 v5, v0  }
0x505: {  	v5 =	vbroadcast v5, $0x0;
	_ =	sdelay $0x2  }
0x506: {  	v6, _, _ =	vpop (xrf2)  }
0x507: {  	v6 =	vbroadcast v6, $0xF;
	_ =	sdelay $0x1  }
0x508: {  	[tilespmem:v5+s31+$0x0] =	vst.idx.msk $0x1, v6  }
0x509: {  	v5 =	vld [tilespmem:s26+$0x80]  }
0x50a: {  	v6 =	vld [tilespmem:s26+$0x90];
	_ =	sdelay $0x1  }
0x50b: {  	v7 =	vld [tilespmem:s26+$0xA0];
	_ =	sdelay $0x1  }
0x50c: {  	v57 =	vld [tilespmem:s26+$0xB0]  }
0x50d: {  	v5 =	vsub.f32 v1, v5;
	v6 =	vsub.f32 v2, v6;
	_ =	sdelay $0x1  }
0x50e: {  	v7 =	vsub.f32 v3, v7;
	v5 =	vmul.f32 v5, v5;
	v6 =	vmul.f32 v6, v6;
	_ =	sdelay $0x1  }
0x50f: {  	v5 =	vadd.f32 v6, v5;
	v6 =	vmul.f32 v7, v7;
	v7 =	vsub.f32 v4, v57;
	_ =	sdelay $0x1  }
0x510: {  	v5 =	vadd.f32 v6, v5;
	v6 =	vmul.f32 v7, v7;
	_ =	sdelay $0x1  }
0x511: {  	v5 =	vadd.f32 v6, v5;
	_ =	sdelay $0x1  }
0x512: {  	(xrf2) =	vadd.scan.msk.f32 $0xffff, v5;
	_ =	sdelay $0x1  }
0x513: {  	s2 =	sadd.s32 $0xFFFFFFFA, s25  }
0x514: {  	v5 =	vmov s2  }
0x515: {  	v5 =	vshrl.u32 v5, $0x3  }
0x516: {  	v5 =	vshll.u32 v5, v0  }
0x517: {  	v5 =	vadd.s32 $0x1, v5  }
0x518: {  	v5 =	vbroadcast v5, $0x0;
	_ =	sdelay $0x2  }
0x519: {  	v6, _, _ =	vpop (xrf2)  }
0x51a: {  	v6 =	vbroadcast v6, $0xF;
	_ =	sdelay $0x1  }
0x51b: {  	[tilespmem:v5+s31+$0x0] =	vst.idx.msk $0x1, v6  }
0x51c: {  	v5 =	vld [tilespmem:s26+$0x100]  }
0x51d: {  	v6 =	vld [tilespmem:s26+$0x110];
	_ =	sdelay $0x1  }
0x51e: {  	v7 =	vld [tilespmem:s26+$0x120];
	_ =	sdelay $0x1  }
0x51f: {  	v58 =	vld [tilespmem:s26+$0x130]  }
0x520: {  	v5 =	vsub.f32 v1, v5;
	v6 =	vsub.f32 v2, v6;
	_ =	sdelay $0x1  }
0x521: {  	v7 =	vsub.f32 v3, v7;
	v5 =	vmul.f32 v5, v5;
	v6 =	vmul.f32 v6, v6;
	_ =	sdelay $0x1  }
0x522: {  	v5 =	vadd.f32 v6, v5;
	v6 =	vmul.f32 v7, v7;
	v7 =	vsub.f32 v4, v58;
	_ =	sdelay $0x1  }
0x523: {  	v5 =	vadd.f32 v6, v5;
	v6 =	vmul.f32 v7, v7;
	_ =	sdelay $0x1  }
0x524: {  	v5 =	vadd.f32 v6, v5;
	_ =	sdelay $0x1  }
0x525: {  	(xrf2) =	vadd.scan.msk.f32 $0xffff, v5;
	_ =	sdelay $0x1  }
0x526: {  	s2 =	sadd.s32 $0xFFFFFFFB, s25  }
0x527: {  	v5 =	vmov s2  }
0x528: {  	v5 =	vshrl.u32 v5, $0x3  }
0x529: {  	v5 =	vshll.u32 v5, v0  }
0x52a: {  	v5 =	vadd.s32 $0x2, v5  }
0x52b: {  	v5 =	vbroadcast v5, $0x0;
	_ =	sdelay $0x2  }
0x52c: {  	v6, _, _ =	vpop (xrf2)  }
0x52d: {  	v6 =	vbroadcast v6, $0xF;
	_ =	sdelay $0x1  }
0x52e: {  	[tilespmem:v5+s31+$0x0] =	vst.idx.msk $0x1, v6  }
0x52f: {  	v5 =	vld [tilespmem:s26+$0x180]  }
0x530: {  	v6 =	vld [tilespmem:s26+$0x190];
	_ =	sdelay $0x1  }
0x531: {  	v7 =	vld [tilespmem:s26+$0x1A0];
	_ =	sdelay $0x1  }
0x532: {  	v59 =	vld [tilespmem:s26+$0x1B0]  }
0x533: {  	v5 =	vsub.f32 v1, v5;
	v6 =	vsub.f32 v2, v6;
	_ =	sdelay $0x1  }
0x534: {  	v7 =	vsub.f32 v3, v7;
	v5 =	vmul.f32 v5, v5;
	v6 =	vmul.f32 v6, v6;
	_ =	sdelay $0x1  }
0x535: {  	v5 =	vadd.f32 v6, v5;
	v6 =	vmul.f32 v7, v7;
	v7 =	vsub.f32 v4, v59;
	_ =	sdelay $0x1  }
0x536: {  	v5 =	vadd.f32 v6, v5;
	v6 =	vmul.f32 v7, v7;
	_ =	sdelay $0x1  }
0x537: {  	v5 =	vadd.f32 v6, v5;
	_ =	sdelay $0x1  }
0x538: {  	(xrf2) =	vadd.scan.msk.f32 $0xffff, v5;
	_ =	sdelay $0x1  }
0x539: {  	s2 =	sadd.s32 $0xFFFFFFFC, s25  }
0x53a: {  	v5 =	vmov s2  }
0x53b: {  	v5 =	vshrl.u32 v5, $0x3  }
0x53c: {  	v5 =	vshll.u32 v5, v0  }
0x53d: {  	v5 =	vadd.s32 $0x3, v5  }
0x53e: {  	v5 =	vbroadcast v5, $0x0;
	_ =	sdelay $0x2  }
0x53f: {  	v6, _, _ =	vpop (xrf2)  }
0x540: {  	v6 =	vbroadcast v6, $0xF;
	_ =	sdelay $0x1  }
0x541: {  	[tilespmem:v5+s31+$0x0] =	vst.idx.msk $0x1, v6  }
0x542: {  	v5 =	vld [tilespmem:s26+$0x200]  }
0x543: {  	v6 =	vld [tilespmem:s26+$0x210];
	_ =	sdelay $0x1  }
0x544: {  	v7 =	vld [tilespmem:s26+$0x220];
	_ =	sdelay $0x1  }
0x545: {  	v60 =	vld [tilespmem:s26+$0x230]  }
0x546: {  	v5 =	vsub.f32 v1, v5;
	v6 =	vsub.f32 v2, v6;
	_ =	sdelay $0x1  }
0x547: {  	v7 =	vsub.f32 v3, v7;
	v5 =	vmul.f32 v5, v5;
	v6 =	vmul.f32 v6, v6;
	_ =	sdelay $0x1  }
0x548: {  	v5 =	vadd.f32 v6, v5;
	v6 =	vmul.f32 v7, v7;
	v7 =	vsub.f32 v4, v60;
	_ =	sdelay $0x1  }
0x549: {  	v5 =	vadd.f32 v6, v5;
	v6 =	vmul.f32 v7, v7;
	_ =	sdelay $0x1  }
0x54a: {  	v5 =	vadd.f32 v6, v5;
	_ =	sdelay $0x1  }
0x54b: {  	(xrf2) =	vadd.scan.msk.f32 $0xffff, v5;
	_ =	sdelay $0x1  }
0x54c: {  	s2 =	sadd.s32 $0xFFFFFFFD, s25  }
0x54d: {  	v5 =	vmov s2  }
0x54e: {  	v5 =	vshrl.u32 v5, $0x3  }
0x54f: {  	v5 =	vshll.u32 v5, v0  }
0x550: {  	v5 =	vadd.s32 $0x4, v5  }
0x551: {  	v5 =	vbroadcast v5, $0x0;
	_ =	sdelay $0x2  }
0x552: {  	v6, _, _ =	vpop (xrf2)  }
0x553: {  	v6 =	vbroadcast v6, $0xF;
	_ =	sdelay $0x1  }
0x554: {  	[tilespmem:v5+s31+$0x0] =	vst.idx.msk $0x1, v6  }
0x555: {  	v5 =	vld [tilespmem:s26+$0x280]  }
0x556: {  	v6 =	vld [tilespmem:s26+$0x290];
	_ =	sdelay $0x1  }
0x557: {  	v7 =	vld [tilespmem:s26+$0x2A0];
	_ =	sdelay $0x1  }
0x558: {  	v61 =	vld [tilespmem:s26+$0x2B0]  }
0x559: {  	v5 =	vsub.f32 v1, v5;
	v6 =	vsub.f32 v2, v6;
	_ =	sdelay $0x1  }
0x55a: {  	v7 =	vsub.f32 v3, v7;
	v5 =	vmul.f32 v5, v5;
	v6 =	vmul.f32 v6, v6;
	_ =	sdelay $0x1  }
0x55b: {  	v5 =	vadd.f32 v6, v5;
	v6 =	vmul.f32 v7, v7;
	v7 =	vsub.f32 v4, v61;
	_ =	sdelay $0x1  }
0x55c: {  	v5 =	vadd.f32 v6, v5;
	v6 =	vmul.f32 v7, v7;
	_ =	sdelay $0x1  }
0x55d: {  	v5 =	vadd.f32 v6, v5;
	_ =	sdelay $0x1  }
0x55e: {  	(xrf2) =	vadd.scan.msk.f32 $0xffff, v5;
	_ =	sdelay $0x1  }
0x55f: {  	s2 =	sadd.s32 $0xFFFFFFFE, s25  }
0x560: {  	v5 =	vmov s2  }
0x561: {  	v5 =	vshrl.u32 v5, $0x3  }
0x562: {  	v5 =	vshll.u32 v5, v0  }
0x563: {  	v5 =	vadd.s32 $0x5, v5  }
0x564: {  	v5 =	vbroadcast v5, $0x0;
	_ =	sdelay $0x2  }
0x565: {  	v6, _, _ =	vpop (xrf2)  }
0x566: {  	v6 =	vbroadcast v6, $0xF;
	_ =	sdelay $0x1  }
0x567: {  	[tilespmem:v5+s31+$0x0] =	vst.idx.msk $0x1, v6  }
0x568: {  	v5 =	vld [tilespmem:s26+$0x300]  }
0x569: {  	v6 =	vld [tilespmem:s26+$0x310];
	_ =	sdelay $0x1  }
0x56a: {  	v7 =	vld [tilespmem:s26+$0x320];
	_ =	sdelay $0x1  }
0x56b: {  	v62 =	vld [tilespmem:s26+$0x330]  }
0x56c: {  	v5 =	vsub.f32 v1, v5;
	v6 =	vsub.f32 v2, v6;
	_ =	sdelay $0x1  }
0x56d: {  	v7 =	vsub.f32 v3, v7;
	v5 =	vmul.f32 v5, v5;
	v6 =	vmul.f32 v6, v6;
	_ =	sdelay $0x1  }
0x56e: {  	v5 =	vadd.f32 v6, v5;
	v6 =	vmul.f32 v7, v7;
	v7 =	vsub.f32 v4, v62;
	_ =	sdelay $0x1  }
0x56f: {  	v5 =	vadd.f32 v6, v5;
	v6 =	vmul.f32 v7, v7;
	_ =	sdelay $0x1  }
0x570: {  	v5 =	vadd.f32 v6, v5;
	_ =	sdelay $0x1  }
0x571: {  	(xrf2) =	vadd.scan.msk.f32 $0xffff, v5;
	_ =	sdelay $0x1  }
0x572: {  	s2 =	sadd.s32 $0xFFFFFFFF, s25  }
0x573: {  	v5 =	vmov s2  }
0x574: {  	v5 =	vshrl.u32 v5, $0x3  }
0x575: {  	v5 =	vshll.u32 v5, v0  }
0x576: {  	v5 =	vadd.s32 $0x6, v5  }
0x577: {  	v5 =	vbroadcast v5, $0x0;
	_ =	sdelay $0x2  }
0x578: {  	v6, _, _ =	vpop (xrf2)  }
0x579: {  	v6 =	vbroadcast v6, $0xF;
	_ =	sdelay $0x1  }
0x57a: {  	[tilespmem:v5+s31+$0x0] =	vst.idx.msk $0x1, v6  }
0x57b: {  	v5 =	vld [tilespmem:s26+$0x380]  }
0x57c: {  	v6 =	vld [tilespmem:s26+$0x390];
	_ =	sdelay $0x1  }
0x57d: {  	v7 =	vld [tilespmem:s26+$0x3A0];
	_ =	sdelay $0x1  }
0x57e: {  	v63 =	vld [tilespmem:s26+$0x3B0]  }
0x57f: {  	v5 =	vsub.f32 v1, v5;
	v6 =	vsub.f32 v2, v6;
	_ =	sdelay $0x1  }
0x580: {  	v7 =	vsub.f32 v3, v7;
	v5 =	vmul.f32 v5, v5;
	v6 =	vmul.f32 v6, v6;
	_ =	sdelay $0x1  }
0x581: {  	v5 =	vadd.f32 v6, v5;
	v6 =	vmul.f32 v7, v7;
	v7 =	vsub.f32 v4, v63;
	_ =	sdelay $0x1  }
0x582: {  	v5 =	vadd.f32 v6, v5;
	v6 =	vmul.f32 v7, v7;
	_ =	sdelay $0x1  }
0x583: {  	v5 =	vadd.f32 v6, v5;
	_ =	sdelay $0x1  }
0x584: {  	(xrf2) =	vadd.scan.msk.f32 $0xffff, v5;
	_ =	sdelay $0x2  }
0x585: {  	v5 =	vmov s25  }
0x586: {  	v5 =	vshrl.u32 v5, $0x3  }
0x587: {  	v5 =	vshll.u32 v5, v0  }
0x588: {  	v5 =	vadd.s32 $0x7, v5  }
0x589: {  	v5 =	vbroadcast v5, $0x0  }
0x58a: {  	p1 =	sne.s32 s25, $0x3F  }
.Ltmp2:
0x58b: {  	_ = 	snop;
	(pc) =	sbr.rel @p1 .LBB2_7-.Ltmp2, $3  }
0x58c: {  	v6, _, _ =	vpop (xrf2)  }
0x58d: {  	v6 =	vbroadcast v6, $0xF;
	_ =	sdelay $0x1  }
0x58e: {  	s26 =	sadd.s32 $0x800, s26;
	s25 =	sadd.s32 $0x10, s25;
	[tilespmem:v5+s31+$0x0] =	vst.idx.msk $0x1, v6  }
0x58f: {  	s2 =	sor.u32 $0x1, s24  }
0x590: {  	v5 =	vmov s2;
	s2 =	sshll.u32 s2, $0x7  }
0x591: {  	v1 =	vld [tilespmem:s2+$0x2668]  }
0x592: {  	v2 =	vld [tilespmem:s2+$0xA668]  }
0x593: {  	v3 =	vld [tilespmem:s2+$0x2678]  }
0x594: {  	v6 =	vld [tilespmem:s2+$0xA678]  }
0x595: {  	v7 =	vld [tilespmem:s2+$0x2688]  }
0x596: {  	v4 =	vld.idx.msk [tilespmem:v5+s29+$0x0], $0xffff  }
0x597: {  	v8 =	vld [tilespmem:s2+$0xA688]  }
0x598: {  	v9 =	vld [tilespmem:s2+$0xA698]  }
0x599: {  	v10 =	vld [tilespmem:s2+$0x6668]  }
0x59a: {  	v11 =	vld [tilespmem:s2+$0x6678]  }
0x59b: {  	v12 =	vld [tilespmem:s2+$0x2698];
	v2 =	vmul.f32 v2, v4;
	v6 =	vmul.f32 v6, v4  }
0x59c: {  	v13 =	vld [tilespmem:s2+$0x6688];
	v8 =	vmul.f32 v8, v4  }
0x59d: {  	v1 =	vadd.f32 v2, v1;
	v2 =	vadd.f32 v6, v3  }
0x59e: {  	v4 =	vmul.f32 v9, v4;
	v3 =	vadd.f32 v8, v7;
	v6 =	vld [tilespmem:s2+$0x6698]  }
0x59f: {  	v7 =	vsub.f32 v1, v10;
	v61 =	vsub.f32 v2, v11  }
0x5a0: {  	v4 =	vadd.f32 v4, v12  }
0x5a1: {  	v62 =	vsub.f32 v3, v13;
	v7 =	vmul.f32 v7, v7;
	v8 =	vmul.f32 v61, v61;
	_ =	sdelay $0x1  }
0x5a2: {  	v63 =	vmul.f32 v62, v62;
	v6 =	vsub.f32 v4, v6;
	v7 =	vadd.f32 v8, v7;
	_ =	sdelay $0x1  }
0x5a3: {  	v6 =	vmul.f32 v6, v6;
	v7 =	vadd.f32 v63, v7;
	_ =	sdelay $0x1  }
0x5a4: {  	v6 =	vadd.f32 v6, v7;
	_ =	sdelay $0x1  }
0x5a5: {  	(xrf2) =	vadd.scan.msk.f32 $0xffff, v6;
	_ =	sdelay $0x9  }
0x5a6: {  	v6, _, _ =	vpop (xrf2)  }
0x5a7: {  	v6 =	vbroadcast v6, $0xF;
	_ =	sdelay $0x1  }
0x5a8: {  	s24 =	simm.s32 $0x4F;
	s25 =	simm.s32 $0x14E18;
	[tilespmem:v5+s30+$0x0] =	vst.idx.msk $0x1, v6  }
.LBB2_9:
0x5a9: {  	v5 =	vld [tilespmem:s25+$0xFFFFF850]  }
0x5aa: {  	v6 =	vld [tilespmem:s25+$0xFFFFF860];
	_ =	sdelay $0x1  }
0x5ab: {  	v7 =	vld [tilespmem:s25+$0xFFFFF870];
	_ =	sdelay $0x1  }
0x5ac: {  	v8 =	vld [tilespmem:s25+$0xFFFFF880]  }
0x5ad: {  	v5 =	vsub.f32 v1, v5;
	v6 =	vsub.f32 v2, v6;
	_ =	sdelay $0x1  }
0x5ae: {  	v7 =	vsub.f32 v3, v7;
	v5 =	vmul.f32 v5, v5;
	v6 =	vmul.f32 v6, v6;
	_ =	sdelay $0x1  }
0x5af: {  	v5 =	vadd.f32 v6, v5;
	v6 =	vmul.f32 v7, v7;
	v7 =	vsub.f32 v4, v8;
	_ =	sdelay $0x1  }
0x5b0: {  	v5 =	vadd.f32 v6, v5;
	v6 =	vmul.f32 v7, v7;
	_ =	sdelay $0x1  }
0x5b1: {  	v5 =	vadd.f32 v6, v5;
	_ =	sdelay $0x1  }
0x5b2: {  	(xrf2) =	vadd.scan.msk.f32 $0xffff, v5;
	_ =	sdelay $0x2  }
0x5b3: {  	s2 =	sadd.s32 $0xFFFFFFF1, s24  }
0x5b4: {  	v5 =	vmov s2  }
0x5b5: {  	v5 =	vshrl.u32 v5, $0x3  }
0x5b6: {  	v5 =	vshll.u32 v5, v0  }
0x5b7: {  	v5 =	vbroadcast v5, $0x0;
	_ =	sdelay $0x2  }
0x5b8: {  	v6, _, _ =	vpop (xrf2)  }
0x5b9: {  	v6 =	vbroadcast v6, $0xF;
	_ =	sdelay $0x1  }
0x5ba: {  	[tilespmem:v5+s31+$0x0] =	vst.idx.msk $0x1, v6  }
0x5bb: {  	v5 =	vld [tilespmem:s25+$0xFFFFF8D0]  }
0x5bc: {  	v6 =	vld [tilespmem:s25+$0xFFFFF8E0];
	_ =	sdelay $0x1  }
0x5bd: {  	v7 =	vld [tilespmem:s25+$0xFFFFF8F0];
	_ =	sdelay $0x1  }
0x5be: {  	v49 =	vld [tilespmem:s25+$0xFFFFF900]  }
0x5bf: {  	v5 =	vsub.f32 v1, v5;
	v6 =	vsub.f32 v2, v6;
	_ =	sdelay $0x1  }
0x5c0: {  	v7 =	vsub.f32 v3, v7;
	v5 =	vmul.f32 v5, v5;
	v6 =	vmul.f32 v6, v6;
	_ =	sdelay $0x1  }
0x5c1: {  	v5 =	vadd.f32 v6, v5;
	v6 =	vmul.f32 v7, v7;
	v7 =	vsub.f32 v4, v49;
	_ =	sdelay $0x1  }
0x5c2: {  	v5 =	vadd.f32 v6, v5;
	v6 =	vmul.f32 v7, v7;
	_ =	sdelay $0x1  }
0x5c3: {  	v5 =	vadd.f32 v6, v5;
	_ =	sdelay $0x1  }
0x5c4: {  	(xrf2) =	vadd.scan.msk.f32 $0xffff, v5;
	_ =	sdelay $0x1  }
0x5c5: {  	s26 =	sadd.s32 $0xFFFFFFF2, s24  }
0x5c6: {  	v5 =	vmov s26  }
0x5c7: {  	v5 =	vshrl.u32 v5, $0x3  }
0x5c8: {  	v5 =	vshll.u32 v5, v0  }
0x5c9: {  	v5 =	vadd.s32 $0x1, v5  }
0x5ca: {  	v5 =	vbroadcast v5, $0x0;
	_ =	sdelay $0x2  }
0x5cb: {  	v6, _, _ =	vpop (xrf2)  }
0x5cc: {  	v6 =	vbroadcast v6, $0xF;
	_ =	sdelay $0x1  }
0x5cd: {  	[tilespmem:v5+s31+$0x0] =	vst.idx.msk $0x1, v6  }
0x5ce: {  	v5 =	vld [tilespmem:s25+$0xFFFFF950]  }
0x5cf: {  	v6 =	vld [tilespmem:s25+$0xFFFFF960];
	_ =	sdelay $0x1  }
0x5d0: {  	v7 =	vld [tilespmem:s25+$0xFFFFF970];
	_ =	sdelay $0x1  }
0x5d1: {  	v50 =	vld [tilespmem:s25+$0xFFFFF980]  }
0x5d2: {  	v5 =	vsub.f32 v1, v5;
	v6 =	vsub.f32 v2, v6;
	_ =	sdelay $0x1  }
0x5d3: {  	v7 =	vsub.f32 v3, v7;
	v5 =	vmul.f32 v5, v5;
	v6 =	vmul.f32 v6, v6;
	_ =	sdelay $0x1  }
0x5d4: {  	v5 =	vadd.f32 v6, v5;
	v6 =	vmul.f32 v7, v7;
	v7 =	vsub.f32 v4, v50;
	_ =	sdelay $0x1  }
0x5d5: {  	v5 =	vadd.f32 v6, v5;
	v6 =	vmul.f32 v7, v7;
	_ =	sdelay $0x1  }
0x5d6: {  	v5 =	vadd.f32 v6, v5;
	_ =	sdelay $0x1  }
0x5d7: {  	(xrf2) =	vadd.scan.msk.f32 $0xffff, v5;
	_ =	sdelay $0x1  }
0x5d8: {  	s26 =	sadd.s32 $0xFFFFFFF3, s24  }
0x5d9: {  	v5 =	vmov s26  }
0x5da: {  	v5 =	vshrl.u32 v5, $0x3  }
0x5db: {  	v5 =	vshll.u32 v5, v0  }
0x5dc: {  	v5 =	vadd.s32 $0x2, v5  }
0x5dd: {  	v5 =	vbroadcast v5, $0x0;
	_ =	sdelay $0x2  }
0x5de: {  	v6, _, _ =	vpop (xrf2)  }
0x5df: {  	v6 =	vbroadcast v6, $0xF;
	_ =	sdelay $0x1  }
0x5e0: {  	[tilespmem:v5+s31+$0x0] =	vst.idx.msk $0x1, v6  }
0x5e1: {  	v5 =	vld [tilespmem:s25+$0xFFFFF9D0]  }
0x5e2: {  	v6 =	vld [tilespmem:s25+$0xFFFFF9E0];
	_ =	sdelay $0x1  }
0x5e3: {  	v7 =	vld [tilespmem:s25+$0xFFFFF9F0];
	_ =	sdelay $0x1  }
0x5e4: {  	v51 =	vld [tilespmem:s25+$0xFFFFFA00]  }
0x5e5: {  	v5 =	vsub.f32 v1, v5;
	v6 =	vsub.f32 v2, v6;
	_ =	sdelay $0x1  }
0x5e6: {  	v7 =	vsub.f32 v3, v7;
	v5 =	vmul.f32 v5, v5;
	v6 =	vmul.f32 v6, v6;
	_ =	sdelay $0x1  }
0x5e7: {  	v5 =	vadd.f32 v6, v5;
	v6 =	vmul.f32 v7, v7;
	v7 =	vsub.f32 v4, v51;
	_ =	sdelay $0x1  }
0x5e8: {  	v5 =	vadd.f32 v6, v5;
	v6 =	vmul.f32 v7, v7;
	_ =	sdelay $0x1  }
0x5e9: {  	v5 =	vadd.f32 v6, v5;
	_ =	sdelay $0x1  }
0x5ea: {  	(xrf2) =	vadd.scan.msk.f32 $0xffff, v5;
	_ =	sdelay $0x1  }
0x5eb: {  	s26 =	sadd.s32 $0xFFFFFFF4, s24  }
0x5ec: {  	v5 =	vmov s26  }
0x5ed: {  	v5 =	vshrl.u32 v5, $0x3  }
0x5ee: {  	v5 =	vshll.u32 v5, v0  }
0x5ef: {  	v5 =	vadd.s32 $0x3, v5  }
0x5f0: {  	v5 =	vbroadcast v5, $0x0;
	_ =	sdelay $0x2  }
0x5f1: {  	v6, _, _ =	vpop (xrf2)  }
0x5f2: {  	v6 =	vbroadcast v6, $0xF;
	_ =	sdelay $0x1  }
0x5f3: {  	[tilespmem:v5+s31+$0x0] =	vst.idx.msk $0x1, v6  }
0x5f4: {  	v5 =	vld [tilespmem:s25+$0xFFFFFA50]  }
0x5f5: {  	v6 =	vld [tilespmem:s25+$0xFFFFFA60];
	_ =	sdelay $0x1  }
0x5f6: {  	v7 =	vld [tilespmem:s25+$0xFFFFFA70];
	_ =	sdelay $0x1  }
0x5f7: {  	v52 =	vld [tilespmem:s25+$0xFFFFFA80]  }
0x5f8: {  	v5 =	vsub.f32 v1, v5;
	v6 =	vsub.f32 v2, v6;
	_ =	sdelay $0x1  }
0x5f9: {  	v7 =	vsub.f32 v3, v7;
	v5 =	vmul.f32 v5, v5;
	v6 =	vmul.f32 v6, v6;
	_ =	sdelay $0x1  }
0x5fa: {  	v5 =	vadd.f32 v6, v5;
	v6 =	vmul.f32 v7, v7;
	v7 =	vsub.f32 v4, v52;
	_ =	sdelay $0x1  }
0x5fb: {  	v5 =	vadd.f32 v6, v5;
	v6 =	vmul.f32 v7, v7;
	_ =	sdelay $0x1  }
0x5fc: {  	v5 =	vadd.f32 v6, v5;
	_ =	sdelay $0x1  }
0x5fd: {  	(xrf2) =	vadd.scan.msk.f32 $0xffff, v5;
	_ =	sdelay $0x1  }
0x5fe: {  	s26 =	sadd.s32 $0xFFFFFFF5, s24  }
0x5ff: {  	v5 =	vmov s26  }
0x600: {  	v5 =	vshrl.u32 v5, $0x3  }
0x601: {  	v5 =	vshll.u32 v5, v0  }
0x602: {  	v5 =	vadd.s32 $0x4, v5  }
0x603: {  	v5 =	vbroadcast v5, $0x0;
	_ =	sdelay $0x2  }
0x604: {  	v6, _, _ =	vpop (xrf2)  }
0x605: {  	v6 =	vbroadcast v6, $0xF;
	_ =	sdelay $0x1  }
0x606: {  	[tilespmem:v5+s31+$0x0] =	vst.idx.msk $0x1, v6  }
0x607: {  	v5 =	vld [tilespmem:s25+$0xFFFFFAD0]  }
0x608: {  	v6 =	vld [tilespmem:s25+$0xFFFFFAE0];
	_ =	sdelay $0x1  }
0x609: {  	v7 =	vld [tilespmem:s25+$0xFFFFFAF0];
	_ =	sdelay $0x1  }
0x60a: {  	v53 =	vld [tilespmem:s25+$0xFFFFFB00]  }
0x60b: {  	v5 =	vsub.f32 v1, v5;
	v6 =	vsub.f32 v2, v6;
	_ =	sdelay $0x1  }
0x60c: {  	v7 =	vsub.f32 v3, v7;
	v5 =	vmul.f32 v5, v5;
	v6 =	vmul.f32 v6, v6;
	_ =	sdelay $0x1  }
0x60d: {  	v5 =	vadd.f32 v6, v5;
	v6 =	vmul.f32 v7, v7;
	v7 =	vsub.f32 v4, v53;
	_ =	sdelay $0x1  }
0x60e: {  	v5 =	vadd.f32 v6, v5;
	v6 =	vmul.f32 v7, v7;
	_ =	sdelay $0x1  }
0x60f: {  	v5 =	vadd.f32 v6, v5;
	_ =	sdelay $0x1  }
0x610: {  	(xrf2) =	vadd.scan.msk.f32 $0xffff, v5;
	_ =	sdelay $0x1  }
0x611: {  	s26 =	sadd.s32 $0xFFFFFFF6, s24  }
0x612: {  	v5 =	vmov s26  }
0x613: {  	v5 =	vshrl.u32 v5, $0x3  }
0x614: {  	v5 =	vshll.u32 v5, v0  }
0x615: {  	v5 =	vadd.s32 $0x5, v5  }
0x616: {  	v5 =	vbroadcast v5, $0x0;
	_ =	sdelay $0x2  }
0x617: {  	v6, _, _ =	vpop (xrf2)  }
0x618: {  	v6 =	vbroadcast v6, $0xF;
	_ =	sdelay $0x1  }
0x619: {  	[tilespmem:v5+s31+$0x0] =	vst.idx.msk $0x1, v6  }
0x61a: {  	v5 =	vld [tilespmem:s25+$0xFFFFFB50]  }
0x61b: {  	v6 =	vld [tilespmem:s25+$0xFFFFFB60];
	_ =	sdelay $0x1  }
0x61c: {  	v7 =	vld [tilespmem:s25+$0xFFFFFB70];
	_ =	sdelay $0x1  }
0x61d: {  	v54 =	vld [tilespmem:s25+$0xFFFFFB80]  }
0x61e: {  	v5 =	vsub.f32 v1, v5;
	v6 =	vsub.f32 v2, v6;
	_ =	sdelay $0x1  }
0x61f: {  	v7 =	vsub.f32 v3, v7;
	v5 =	vmul.f32 v5, v5;
	v6 =	vmul.f32 v6, v6;
	_ =	sdelay $0x1  }
0x620: {  	v5 =	vadd.f32 v6, v5;
	v6 =	vmul.f32 v7, v7;
	v7 =	vsub.f32 v4, v54;
	_ =	sdelay $0x1  }
0x621: {  	v5 =	vadd.f32 v6, v5;
	v6 =	vmul.f32 v7, v7;
	_ =	sdelay $0x1  }
0x622: {  	v5 =	vadd.f32 v6, v5;
	_ =	sdelay $0x1  }
0x623: {  	(xrf2) =	vadd.scan.msk.f32 $0xffff, v5;
	_ =	sdelay $0x1  }
0x624: {  	s26 =	sadd.s32 $0xFFFFFFF7, s24  }
0x625: {  	v5 =	vmov s26  }
0x626: {  	v5 =	vshrl.u32 v5, $0x3  }
0x627: {  	v5 =	vshll.u32 v5, v0  }
0x628: {  	v5 =	vadd.s32 $0x6, v5  }
0x629: {  	v5 =	vbroadcast v5, $0x0;
	_ =	sdelay $0x2  }
0x62a: {  	v6, _, _ =	vpop (xrf2)  }
0x62b: {  	v6 =	vbroadcast v6, $0xF;
	_ =	sdelay $0x1  }
0x62c: {  	[tilespmem:v5+s31+$0x0] =	vst.idx.msk $0x1, v6  }
0x62d: {  	v5 =	vld [tilespmem:s25+$0xFFFFFBD0]  }
0x62e: {  	v6 =	vld [tilespmem:s25+$0xFFFFFBE0];
	_ =	sdelay $0x1  }
0x62f: {  	v7 =	vld [tilespmem:s25+$0xFFFFFBF0];
	_ =	sdelay $0x1  }
0x630: {  	v55 =	vld [tilespmem:s25+$0xFFFFFC00]  }
0x631: {  	v5 =	vsub.f32 v1, v5;
	v6 =	vsub.f32 v2, v6;
	_ =	sdelay $0x1  }
0x632: {  	v7 =	vsub.f32 v3, v7;
	v5 =	vmul.f32 v5, v5;
	v6 =	vmul.f32 v6, v6;
	_ =	sdelay $0x1  }
0x633: {  	v5 =	vadd.f32 v6, v5;
	v6 =	vmul.f32 v7, v7;
	v7 =	vsub.f32 v4, v55;
	_ =	sdelay $0x1  }
0x634: {  	v5 =	vadd.f32 v6, v5;
	v6 =	vmul.f32 v7, v7;
	_ =	sdelay $0x1  }
0x635: {  	v5 =	vadd.f32 v6, v5;
	_ =	sdelay $0x1  }
0x636: {  	(xrf2) =	vadd.scan.msk.f32 $0xffff, v5;
	_ =	sdelay $0x1  }
0x637: {  	s26 =	sadd.s32 $0xFFFFFFF8, s24  }
0x638: {  	v5 =	vmov s26  }
0x639: {  	v5 =	vshrl.u32 v5, $0x3  }
0x63a: {  	v5 =	vshll.u32 v5, v0  }
0x63b: {  	v5 =	vadd.s32 $0x7, v5  }
0x63c: {  	v5 =	vbroadcast v5, $0x0;
	_ =	sdelay $0x2  }
0x63d: {  	v6, _, _ =	vpop (xrf2)  }
0x63e: {  	v6 =	vbroadcast v6, $0xF;
	_ =	sdelay $0x1  }
0x63f: {  	[tilespmem:v5+s31+$0x0] =	vst.idx.msk $0x1, v6  }
0x640: {  	v5 =	vld [tilespmem:s25+$0xFFFFFC50]  }
0x641: {  	v6 =	vld [tilespmem:s25+$0xFFFFFC60];
	_ =	sdelay $0x1  }
0x642: {  	v7 =	vld [tilespmem:s25+$0xFFFFFC70];
	_ =	sdelay $0x1  }
0x643: {  	v56 =	vld [tilespmem:s25+$0xFFFFFC80]  }
0x644: {  	v5 =	vsub.f32 v1, v5;
	v6 =	vsub.f32 v2, v6;
	_ =	sdelay $0x1  }
0x645: {  	v7 =	vsub.f32 v3, v7;
	v5 =	vmul.f32 v5, v5;
	v6 =	vmul.f32 v6, v6;
	_ =	sdelay $0x1  }
0x646: {  	v5 =	vadd.f32 v6, v5;
	v6 =	vmul.f32 v7, v7;
	v7 =	vsub.f32 v4, v56;
	_ =	sdelay $0x1  }
0x647: {  	v5 =	vadd.f32 v6, v5;
	v6 =	vmul.f32 v7, v7;
	_ =	sdelay $0x1  }
0x648: {  	v5 =	vadd.f32 v6, v5;
	_ =	sdelay $0x1  }
0x649: {  	(xrf2) =	vadd.scan.msk.f32 $0xffff, v5;
	_ =	sdelay $0x2  }
0x64a: {  	s26 =	sadd.s32 $0xFFFFFFF9, s24  }
0x64b: {  	v5 =	vmov s26  }
0x64c: {  	v5 =	vshrl.u32 v5, $0x3  }
0x64d: {  	v5 =	vshll.u32 v5, v0  }
0x64e: {  	v5 =	vbroadcast v5, $0x0;
	_ =	sdelay $0x2  }
0x64f: {  	v6, _, _ =	vpop (xrf2)  }
0x650: {  	v6 =	vbroadcast v6, $0xF;
	_ =	sdelay $0x1  }
0x651: {  	[tilespmem:v5+s31+$0x0] =	vst.idx.msk $0x1, v6  }
0x652: {  	v5 =	vld [tilespmem:s25+$0xFFFFFCD0]  }
0x653: {  	v6 =	vld [tilespmem:s25+$0xFFFFFCE0];
	_ =	sdelay $0x1  }
0x654: {  	v7 =	vld [tilespmem:s25+$0xFFFFFCF0];
	_ =	sdelay $0x1  }
0x655: {  	v57 =	vld [tilespmem:s25+$0xFFFFFD00]  }
0x656: {  	v5 =	vsub.f32 v1, v5;
	v6 =	vsub.f32 v2, v6;
	_ =	sdelay $0x1  }
0x657: {  	v7 =	vsub.f32 v3, v7;
	v5 =	vmul.f32 v5, v5;
	v6 =	vmul.f32 v6, v6;
	_ =	sdelay $0x1  }
0x658: {  	v5 =	vadd.f32 v6, v5;
	v6 =	vmul.f32 v7, v7;
	v7 =	vsub.f32 v4, v57;
	_ =	sdelay $0x1  }
0x659: {  	v5 =	vadd.f32 v6, v5;
	v6 =	vmul.f32 v7, v7;
	_ =	sdelay $0x1  }
0x65a: {  	v5 =	vadd.f32 v6, v5;
	_ =	sdelay $0x1  }
0x65b: {  	(xrf2) =	vadd.scan.msk.f32 $0xffff, v5;
	_ =	sdelay $0x1  }
0x65c: {  	s26 =	sadd.s32 $0xFFFFFFFA, s24  }
0x65d: {  	v5 =	vmov s26  }
0x65e: {  	v5 =	vshrl.u32 v5, $0x3  }
0x65f: {  	v5 =	vshll.u32 v5, v0  }
0x660: {  	v5 =	vadd.s32 $0x1, v5  }
0x661: {  	v5 =	vbroadcast v5, $0x0;
	_ =	sdelay $0x2  }
0x662: {  	v6, _, _ =	vpop (xrf2)  }
0x663: {  	v6 =	vbroadcast v6, $0xF;
	_ =	sdelay $0x1  }
0x664: {  	[tilespmem:v5+s31+$0x0] =	vst.idx.msk $0x1, v6  }
0x665: {  	v5 =	vld [tilespmem:s25+$0xFFFFFD50]  }
0x666: {  	v6 =	vld [tilespmem:s25+$0xFFFFFD60];
	_ =	sdelay $0x1  }
0x667: {  	v7 =	vld [tilespmem:s25+$0xFFFFFD70];
	_ =	sdelay $0x1  }
0x668: {  	v58 =	vld [tilespmem:s25+$0xFFFFFD80]  }
0x669: {  	v5 =	vsub.f32 v1, v5;
	v6 =	vsub.f32 v2, v6;
	_ =	sdelay $0x1  }
0x66a: {  	v7 =	vsub.f32 v3, v7;
	v5 =	vmul.f32 v5, v5;
	v6 =	vmul.f32 v6, v6;
	_ =	sdelay $0x1  }
0x66b: {  	v5 =	vadd.f32 v6, v5;
	v6 =	vmul.f32 v7, v7;
	v7 =	vsub.f32 v4, v58;
	_ =	sdelay $0x1  }
0x66c: {  	v5 =	vadd.f32 v6, v5;
	v6 =	vmul.f32 v7, v7;
	_ =	sdelay $0x1  }
0x66d: {  	v5 =	vadd.f32 v6, v5;
	_ =	sdelay $0x1  }
0x66e: {  	(xrf2) =	vadd.scan.msk.f32 $0xffff, v5;
	_ =	sdelay $0x1  }
0x66f: {  	s26 =	sadd.s32 $0xFFFFFFFB, s24  }
0x670: {  	v5 =	vmov s26  }
0x671: {  	v5 =	vshrl.u32 v5, $0x3  }
0x672: {  	v5 =	vshll.u32 v5, v0  }
0x673: {  	v5 =	vadd.s32 $0x2, v5  }
0x674: {  	v5 =	vbroadcast v5, $0x0;
	_ =	sdelay $0x2  }
0x675: {  	v6, _, _ =	vpop (xrf2)  }
0x676: {  	v6 =	vbroadcast v6, $0xF;
	_ =	sdelay $0x1  }
0x677: {  	[tilespmem:v5+s31+$0x0] =	vst.idx.msk $0x1, v6  }
0x678: {  	v5 =	vld [tilespmem:s25+$0xFFFFFDD0]  }
0x679: {  	v6 =	vld [tilespmem:s25+$0xFFFFFDE0];
	_ =	sdelay $0x1  }
0x67a: {  	v7 =	vld [tilespmem:s25+$0xFFFFFDF0];
	_ =	sdelay $0x1  }
0x67b: {  	v59 =	vld [tilespmem:s25+$0xFFFFFE00]  }
0x67c: {  	v5 =	vsub.f32 v1, v5;
	v6 =	vsub.f32 v2, v6;
	_ =	sdelay $0x1  }
0x67d: {  	v7 =	vsub.f32 v3, v7;
	v5 =	vmul.f32 v5, v5;
	v6 =	vmul.f32 v6, v6;
	_ =	sdelay $0x1  }
0x67e: {  	v5 =	vadd.f32 v6, v5;
	v6 =	vmul.f32 v7, v7;
	v7 =	vsub.f32 v4, v59;
	_ =	sdelay $0x1  }
0x67f: {  	v5 =	vadd.f32 v6, v5;
	v6 =	vmul.f32 v7, v7;
	_ =	sdelay $0x1  }
0x680: {  	v5 =	vadd.f32 v6, v5;
	_ =	sdelay $0x1  }
0x681: {  	(xrf2) =	vadd.scan.msk.f32 $0xffff, v5;
	_ =	sdelay $0x1  }
0x682: {  	s26 =	sadd.s32 $0xFFFFFFFC, s24  }
0x683: {  	v5 =	vmov s26  }
0x684: {  	v5 =	vshrl.u32 v5, $0x3  }
0x685: {  	v5 =	vshll.u32 v5, v0  }
0x686: {  	v5 =	vadd.s32 $0x3, v5  }
0x687: {  	v5 =	vbroadcast v5, $0x0;
	_ =	sdelay $0x2  }
0x688: {  	v6, _, _ =	vpop (xrf2)  }
0x689: {  	v6 =	vbroadcast v6, $0xF;
	_ =	sdelay $0x1  }
0x68a: {  	[tilespmem:v5+s31+$0x0] =	vst.idx.msk $0x1, v6  }
0x68b: {  	v5 =	vld [tilespmem:s25+$0xFFFFFE50]  }
0x68c: {  	v6 =	vld [tilespmem:s25+$0xFFFFFE60];
	_ =	sdelay $0x1  }
0x68d: {  	v7 =	vld [tilespmem:s25+$0xFFFFFE70];
	_ =	sdelay $0x1  }
0x68e: {  	v60 =	vld [tilespmem:s25+$0xFFFFFE80]  }
0x68f: {  	v5 =	vsub.f32 v1, v5;
	v6 =	vsub.f32 v2, v6;
	_ =	sdelay $0x1  }
0x690: {  	v7 =	vsub.f32 v3, v7;
	v5 =	vmul.f32 v5, v5;
	v6 =	vmul.f32 v6, v6;
	_ =	sdelay $0x1  }
0x691: {  	v5 =	vadd.f32 v6, v5;
	v6 =	vmul.f32 v7, v7;
	v7 =	vsub.f32 v4, v60;
	_ =	sdelay $0x1  }
0x692: {  	v5 =	vadd.f32 v6, v5;
	v6 =	vmul.f32 v7, v7;
	_ =	sdelay $0x1  }
0x693: {  	v5 =	vadd.f32 v6, v5;
	_ =	sdelay $0x1  }
0x694: {  	(xrf2) =	vadd.scan.msk.f32 $0xffff, v5;
	_ =	sdelay $0x1  }
0x695: {  	s26 =	sadd.s32 $0xFFFFFFFD, s24  }
0x696: {  	v5 =	vmov s26  }
0x697: {  	v5 =	vshrl.u32 v5, $0x3  }
0x698: {  	v5 =	vshll.u32 v5, v0  }
0x699: {  	v5 =	vadd.s32 $0x4, v5  }
0x69a: {  	v5 =	vbroadcast v5, $0x0;
	_ =	sdelay $0x2  }
0x69b: {  	v6, _, _ =	vpop (xrf2)  }
0x69c: {  	v6 =	vbroadcast v6, $0xF;
	_ =	sdelay $0x1  }
0x69d: {  	[tilespmem:v5+s31+$0x0] =	vst.idx.msk $0x1, v6  }
0x69e: {  	v5 =	vld [tilespmem:s25+$0xFFFFFED0]  }
0x69f: {  	v6 =	vld [tilespmem:s25+$0xFFFFFEE0];
	_ =	sdelay $0x1  }
0x6a0: {  	v7 =	vld [tilespmem:s25+$0xFFFFFEF0];
	_ =	sdelay $0x1  }
0x6a1: {  	v61 =	vld [tilespmem:s25+$0xFFFFFF00]  }
0x6a2: {  	v5 =	vsub.f32 v1, v5;
	v6 =	vsub.f32 v2, v6;
	_ =	sdelay $0x1  }
0x6a3: {  	v7 =	vsub.f32 v3, v7;
	v5 =	vmul.f32 v5, v5;
	v6 =	vmul.f32 v6, v6;
	_ =	sdelay $0x1  }
0x6a4: {  	v5 =	vadd.f32 v6, v5;
	v6 =	vmul.f32 v7, v7;
	v7 =	vsub.f32 v4, v61;
	_ =	sdelay $0x1  }
0x6a5: {  	v5 =	vadd.f32 v6, v5;
	v6 =	vmul.f32 v7, v7;
	_ =	sdelay $0x1  }
0x6a6: {  	v5 =	vadd.f32 v6, v5;
	_ =	sdelay $0x1  }
0x6a7: {  	(xrf2) =	vadd.scan.msk.f32 $0xffff, v5;
	_ =	sdelay $0x1  }
0x6a8: {  	s26 =	sadd.s32 $0xFFFFFFFE, s24  }
0x6a9: {  	v5 =	vmov s26  }
0x6aa: {  	v5 =	vshrl.u32 v5, $0x3  }
0x6ab: {  	v5 =	vshll.u32 v5, v0  }
0x6ac: {  	v5 =	vadd.s32 $0x5, v5  }
0x6ad: {  	v5 =	vbroadcast v5, $0x0;
	_ =	sdelay $0x2  }
0x6ae: {  	v6, _, _ =	vpop (xrf2)  }
0x6af: {  	v6 =	vbroadcast v6, $0xF;
	_ =	sdelay $0x1  }
0x6b0: {  	[tilespmem:v5+s31+$0x0] =	vst.idx.msk $0x1, v6  }
0x6b1: {  	v5 =	vld [tilespmem:s25+$0xFFFFFF50]  }
0x6b2: {  	v6 =	vld [tilespmem:s25+$0xFFFFFF60];
	_ =	sdelay $0x1  }
0x6b3: {  	v7 =	vld [tilespmem:s25+$0xFFFFFF70];
	_ =	sdelay $0x1  }
0x6b4: {  	v62 =	vld [tilespmem:s25+$0xFFFFFF80]  }
0x6b5: {  	v5 =	vsub.f32 v1, v5;
	v6 =	vsub.f32 v2, v6;
	_ =	sdelay $0x1  }
0x6b6: {  	v7 =	vsub.f32 v3, v7;
	v5 =	vmul.f32 v5, v5;
	v6 =	vmul.f32 v6, v6;
	_ =	sdelay $0x1  }
0x6b7: {  	v5 =	vadd.f32 v6, v5;
	v6 =	vmul.f32 v7, v7;
	v7 =	vsub.f32 v4, v62;
	_ =	sdelay $0x1  }
0x6b8: {  	v5 =	vadd.f32 v6, v5;
	v6 =	vmul.f32 v7, v7;
	_ =	sdelay $0x1  }
0x6b9: {  	v5 =	vadd.f32 v6, v5;
	_ =	sdelay $0x1  }
0x6ba: {  	(xrf2) =	vadd.scan.msk.f32 $0xffff, v5;
	_ =	sdelay $0x1  }
0x6bb: {  	s26 =	sadd.s32 $0xFFFFFFFF, s24  }
0x6bc: {  	v5 =	vmov s26  }
0x6bd: {  	v5 =	vshrl.u32 v5, $0x3  }
0x6be: {  	v5 =	vshll.u32 v5, v0  }
0x6bf: {  	v5 =	vadd.s32 $0x6, v5  }
0x6c0: {  	v5 =	vbroadcast v5, $0x0;
	_ =	sdelay $0x2  }
0x6c1: {  	v6, _, _ =	vpop (xrf2)  }
0x6c2: {  	v6 =	vbroadcast v6, $0xF;
	_ =	sdelay $0x1  }
0x6c3: {  	[tilespmem:v5+s31+$0x0] =	vst.idx.msk $0x1, v6  }
0x6c4: {  	v5 =	vld [tilespmem:s25+$0xFFFFFFD0]  }
0x6c5: {  	v6 =	vld [tilespmem:s25+$0xFFFFFFE0];
	_ =	sdelay $0x1  }
0x6c6: {  	v7 =	vld [tilespmem:s25+$0xFFFFFFF0];
	_ =	sdelay $0x1  }
0x6c7: {  	v63 =	vld [tilespmem:s25+$0x0]  }
0x6c8: {  	v5 =	vsub.f32 v1, v5;
	v6 =	vsub.f32 v2, v6;
	_ =	sdelay $0x1  }
0x6c9: {  	v7 =	vsub.f32 v3, v7;
	v5 =	vmul.f32 v5, v5;
	v6 =	vmul.f32 v6, v6;
	_ =	sdelay $0x1  }
0x6ca: {  	v5 =	vadd.f32 v6, v5;
	v6 =	vmul.f32 v7, v7;
	v7 =	vsub.f32 v4, v63;
	_ =	sdelay $0x1  }
0x6cb: {  	v5 =	vadd.f32 v6, v5;
	v6 =	vmul.f32 v7, v7;
	_ =	sdelay $0x1  }
0x6cc: {  	v5 =	vadd.f32 v6, v5;
	_ =	sdelay $0x1  }
0x6cd: {  	(xrf2) =	vadd.scan.msk.f32 $0xffff, v5;
	_ =	sdelay $0x2  }
0x6ce: {  	v5 =	vmov s24  }
0x6cf: {  	v5 =	vshrl.u32 v5, $0x3  }
0x6d0: {  	v5 =	vshll.u32 v5, v0  }
0x6d1: {  	v5 =	vadd.s32 $0x7, v5  }
0x6d2: {  	v5 =	vbroadcast v5, $0x0  }
0x6d3: {  	p1 =	sne.s32 s24, $0x7F  }
.Ltmp3:
0x6d4: {  	_ = 	snop;
	(pc) =	sbr.rel @p1 .LBB2_9-.Ltmp3, $3  }
0x6d5: {  	v6, _, _ =	vpop (xrf2)  }
0x6d6: {  	v6 =	vbroadcast v6, $0xF;
	_ =	sdelay $0x1  }
0x6d7: {  	s25 =	sadd.s32 $0x800, s25;
	s24 =	sadd.s32 $0x10, s24;
	[tilespmem:v5+s31+$0x0] =	vst.idx.msk $0x1, v6  }
0x6d8: {  	s2 =	sshrl.u32 @!p0 s21, $0x2  }
0x6d9: {  	s21 =	simm.s32 @!p0 $0x80;
	s24 =	simm.s32 @!p0 $0x12668;
	s2 =	sadd.s32 @!p0 $0x300, s2  }
0x6da: {  	[tilespmem:s24], [sflag:$0x3] =	stream.indirect.gather @!p0 [hbm4b:s4+s21], $0x80, s2, s21, $0xb8;
	[tilespmem:$0x187E8] =	vst v63  }
0x6db: {  	v1 =	vld [tilespmem:$0x16668];
	_ =	sdelay $0x4  }
0x6dc: {  	v2 =	vshra.s32 v1, $0x1;
	v3 =	vmul.f32 $5.000000000e-01, v1  }
0x6dd: {  	v2 =	vsub.s32 $0x5F3759DF, v2  }
0x6de: {  	v4 =	vmul.f32 v2, v3;
	_ =	sdelay $0x1  }
0x6df: {  	v4 =	vmul.f32 v2, v4;
	_ =	sdelay $0x1  }
0x6e0: {  	v4 =	vsub.f32 $1.500000000e+00, v4;
	_ =	sdelay $0x1  }
0x6e1: {  	v2 =	vmul.f32 v2, v4;
	_ =	sdelay $0x1  }
0x6e2: {  	v4 =	vmul.f32 v2, v3;
	_ =	sdelay $0x1  }
0x6e3: {  	v4 =	vmul.f32 v4, v2;
	_ =	sdelay $0x1  }
0x6e4: {  	v4 =	vsub.f32 $1.500000000e+00, v4;
	_ =	sdelay $0x1  }
0x6e5: {  	v2 =	vmul.f32 v4, v2;
	_ =	sdelay $0x1  }
0x6e6: {  	v3 =	vmul.f32 v2, v3;
	_ =	sdelay $0x1  }
0x6e7: {  	v3 =	vmul.f32 v3, v2;
	_ =	sdelay $0x1  }
0x6e8: {  	v3 =	vsub.f32 $1.500000000e+00, v3;
	_ =	sdelay $0x1  }
0x6e9: {  	v2 =	vmul.f32 v3, v2;
	_ =	sdelay $0x1  }
0x6ea: {  	v2 =	vmul.f32 v2, v1  }
0x6eb: {  	s25 =	sshll.u32 s22, $0x7;
	vm0 =	vgt.f32 v1, $0.0e+00  }
0x6ec: {  	s26 =	sand.u32 $0x3FFFFF80, s25;
	v1 =	vnsel vm0, $0x0, v2  }
0x6ed: {  	[tilespmem:s26+$0x167E8] =	vst v1  }
0x6ee: {  	v1 =	vld [tilespmem:$0x16678];
	_ =	sdelay $0x4  }
0x6ef: {  	v2 =	vshra.s32 v1, $0x1;
	v3 =	vmul.f32 $5.000000000e-01, v1  }
0x6f0: {  	v2 =	vsub.s32 $0x5F3759DF, v2  }
0x6f1: {  	v57 =	vmul.f32 v2, v3;
	_ =	sdelay $0x1  }
0x6f2: {  	v4 =	vmul.f32 v2, v57;
	_ =	sdelay $0x1  }
0x6f3: {  	v4 =	vsub.f32 $1.500000000e+00, v4;
	_ =	sdelay $0x1  }
0x6f4: {  	v2 =	vmul.f32 v2, v4;
	_ =	sdelay $0x1  }
0x6f5: {  	v4 =	vmul.f32 v2, v3;
	_ =	sdelay $0x1  }
0x6f6: {  	v4 =	vmul.f32 v4, v2;
	_ =	sdelay $0x1  }
0x6f7: {  	v4 =	vsub.f32 $1.500000000e+00, v4;
	_ =	sdelay $0x1  }
0x6f8: {  	v2 =	vmul.f32 v4, v2;
	_ =	sdelay $0x1  }
0x6f9: {  	v3 =	vmul.f32 v2, v3;
	_ =	sdelay $0x1  }
0x6fa: {  	v3 =	vmul.f32 v3, v2;
	_ =	sdelay $0x1  }
0x6fb: {  	v3 =	vsub.f32 $1.500000000e+00, v3;
	_ =	sdelay $0x1  }
0x6fc: {  	v2 =	vmul.f32 v3, v2;
	_ =	sdelay $0x1  }
0x6fd: {  	v2 =	vmul.f32 v2, v1  }
0x6fe: {  	vm9 =	vgt.f32 v1, $0.0e+00  }
0x6ff: {  	v1 =	vnsel vm9, $0x0, v2  }
0x700: {  	[tilespmem:s26+$0x167F8] =	vst v1  }
0x701: {  	v1 =	vld [tilespmem:$0x16688];
	_ =	sdelay $0x4  }
0x702: {  	v2 =	vshra.s32 v1, $0x1;
	v3 =	vmul.f32 $5.000000000e-01, v1  }
0x703: {  	v2 =	vsub.s32 $0x5F3759DF, v2  }
0x704: {  	v58 =	vmul.f32 v2, v3;
	_ =	sdelay $0x1  }
0x705: {  	v4 =	vmul.f32 v2, v58;
	_ =	sdelay $0x1  }
0x706: {  	v4 =	vsub.f32 $1.500000000e+00, v4;
	_ =	sdelay $0x1  }
0x707: {  	v2 =	vmul.f32 v2, v4;
	_ =	sdelay $0x1  }
0x708: {  	v4 =	vmul.f32 v2, v3;
	_ =	sdelay $0x1  }
0x709: {  	v4 =	vmul.f32 v4, v2;
	_ =	sdelay $0x1  }
0x70a: {  	v4 =	vsub.f32 $1.500000000e+00, v4;
	_ =	sdelay $0x1  }
0x70b: {  	v2 =	vmul.f32 v4, v2;
	_ =	sdelay $0x1  }
0x70c: {  	v3 =	vmul.f32 v2, v3;
	_ =	sdelay $0x1  }
0x70d: {  	v3 =	vmul.f32 v3, v2;
	_ =	sdelay $0x1  }
0x70e: {  	v3 =	vsub.f32 $1.500000000e+00, v3;
	_ =	sdelay $0x1  }
0x70f: {  	v2 =	vmul.f32 v3, v2;
	_ =	sdelay $0x1  }
0x710: {  	v2 =	vmul.f32 v2, v1  }
0x711: {  	vm10 =	vgt.f32 v1, $0.0e+00  }
0x712: {  	v1 =	vnsel vm10, $0x0, v2  }
0x713: {  	[tilespmem:s26+$0x16808] =	vst v1  }
0x714: {  	v1 =	vld [tilespmem:$0x16698];
	_ =	sdelay $0x4  }
0x715: {  	v2 =	vshra.s32 v1, $0x1;
	v3 =	vmul.f32 $5.000000000e-01, v1  }
0x716: {  	v2 =	vsub.s32 $0x5F3759DF, v2  }
0x717: {  	v59 =	vmul.f32 v2, v3;
	_ =	sdelay $0x1  }
0x718: {  	v4 =	vmul.f32 v2, v59;
	_ =	sdelay $0x1  }
0x719: {  	v4 =	vsub.f32 $1.500000000e+00, v4;
	_ =	sdelay $0x1  }
0x71a: {  	v2 =	vmul.f32 v2, v4;
	_ =	sdelay $0x1  }
0x71b: {  	v4 =	vmul.f32 v2, v3;
	_ =	sdelay $0x1  }
0x71c: {  	v4 =	vmul.f32 v4, v2;
	_ =	sdelay $0x1  }
0x71d: {  	v4 =	vsub.f32 $1.500000000e+00, v4;
	_ =	sdelay $0x1  }
0x71e: {  	v2 =	vmul.f32 v4, v2;
	_ =	sdelay $0x1  }
0x71f: {  	v3 =	vmul.f32 v2, v3;
	_ =	sdelay $0x1  }
0x720: {  	v3 =	vmul.f32 v3, v2;
	_ =	sdelay $0x1  }
0x721: {  	v3 =	vsub.f32 $1.500000000e+00, v3;
	_ =	sdelay $0x1  }
0x722: {  	v2 =	vmul.f32 v3, v2;
	_ =	sdelay $0x1  }
0x723: {  	v2 =	vmul.f32 v2, v1  }
0x724: {  	vm11 =	vgt.f32 v1, $0.0e+00  }
0x725: {  	v1 =	vnsel vm11, $0x0, v2  }
0x726: {  	[tilespmem:s26+$0x16818] =	vst v1  }
0x727: {  	v1 =	vld [tilespmem:$0x166A8];
	_ =	sdelay $0x4  }
0x728: {  	v2 =	vshra.s32 v1, $0x1;
	v3 =	vmul.f32 $5.000000000e-01, v1  }
0x729: {  	v2 =	vsub.s32 $0x5F3759DF, v2  }
0x72a: {  	v60 =	vmul.f32 v2, v3;
	_ =	sdelay $0x1  }
0x72b: {  	v4 =	vmul.f32 v2, v60;
	_ =	sdelay $0x1  }
0x72c: {  	v4 =	vsub.f32 $1.500000000e+00, v4;
	_ =	sdelay $0x1  }
0x72d: {  	v2 =	vmul.f32 v2, v4;
	_ =	sdelay $0x1  }
0x72e: {  	v4 =	vmul.f32 v2, v3;
	_ =	sdelay $0x1  }
0x72f: {  	v4 =	vmul.f32 v4, v2;
	_ =	sdelay $0x1  }
0x730: {  	v4 =	vsub.f32 $1.500000000e+00, v4;
	_ =	sdelay $0x1  }
0x731: {  	v2 =	vmul.f32 v4, v2;
	_ =	sdelay $0x1  }
0x732: {  	v3 =	vmul.f32 v2, v3;
	_ =	sdelay $0x1  }
0x733: {  	v3 =	vmul.f32 v3, v2;
	_ =	sdelay $0x1  }
0x734: {  	v3 =	vsub.f32 $1.500000000e+00, v3;
	_ =	sdelay $0x1  }
0x735: {  	v2 =	vmul.f32 v3, v2;
	_ =	sdelay $0x1  }
0x736: {  	v2 =	vmul.f32 v2, v1  }
0x737: {  	vm12 =	vgt.f32 v1, $0.0e+00  }
0x738: {  	v1 =	vnsel vm12, $0x0, v2  }
0x739: {  	[tilespmem:s26+$0x16828] =	vst v1  }
0x73a: {  	v1 =	vld [tilespmem:$0x166B8];
	_ =	sdelay $0x4  }
0x73b: {  	v2 =	vshra.s32 v1, $0x1;
	v3 =	vmul.f32 $5.000000000e-01, v1  }
0x73c: {  	v2 =	vsub.s32 $0x5F3759DF, v2  }
0x73d: {  	v61 =	vmul.f32 v2, v3;
	_ =	sdelay $0x1  }
0x73e: {  	v4 =	vmul.f32 v2, v61;
	_ =	sdelay $0x1  }
0x73f: {  	v4 =	vsub.f32 $1.500000000e+00, v4;
	_ =	sdelay $0x1  }
0x740: {  	v2 =	vmul.f32 v2, v4;
	_ =	sdelay $0x1  }
0x741: {  	v4 =	vmul.f32 v2, v3;
	_ =	sdelay $0x1  }
0x742: {  	v4 =	vmul.f32 v4, v2;
	_ =	sdelay $0x1  }
0x743: {  	v4 =	vsub.f32 $1.500000000e+00, v4;
	_ =	sdelay $0x1  }
0x744: {  	v2 =	vmul.f32 v4, v2;
	_ =	sdelay $0x1  }
0x745: {  	v3 =	vmul.f32 v2, v3;
	_ =	sdelay $0x1  }
0x746: {  	v3 =	vmul.f32 v3, v2;
	_ =	sdelay $0x1  }
0x747: {  	v3 =	vsub.f32 $1.500000000e+00, v3;
	_ =	sdelay $0x1  }
0x748: {  	v2 =	vmul.f32 v3, v2;
	_ =	sdelay $0x1  }
0x749: {  	v2 =	vmul.f32 v2, v1  }
0x74a: {  	vm13 =	vgt.f32 v1, $0.0e+00  }
0x74b: {  	v1 =	vnsel vm13, $0x0, v2  }
0x74c: {  	[tilespmem:s26+$0x16838] =	vst v1  }
0x74d: {  	v1 =	vld [tilespmem:$0x166C8];
	_ =	sdelay $0x4  }
0x74e: {  	v2 =	vshra.s32 v1, $0x1;
	v3 =	vmul.f32 $5.000000000e-01, v1  }
0x74f: {  	v2 =	vsub.s32 $0x5F3759DF, v2  }
0x750: {  	v62 =	vmul.f32 v2, v3;
	_ =	sdelay $0x1  }
0x751: {  	v4 =	vmul.f32 v2, v62;
	_ =	sdelay $0x1  }
0x752: {  	v4 =	vsub.f32 $1.500000000e+00, v4;
	_ =	sdelay $0x1  }
0x753: {  	v2 =	vmul.f32 v2, v4;
	_ =	sdelay $0x1  }
0x754: {  	v4 =	vmul.f32 v2, v3;
	_ =	sdelay $0x1  }
0x755: {  	v4 =	vmul.f32 v4, v2;
	_ =	sdelay $0x1  }
0x756: {  	v4 =	vsub.f32 $1.500000000e+00, v4;
	_ =	sdelay $0x1  }
0x757: {  	v2 =	vmul.f32 v4, v2;
	_ =	sdelay $0x1  }
0x758: {  	v3 =	vmul.f32 v2, v3;
	_ =	sdelay $0x1  }
0x759: {  	v3 =	vmul.f32 v3, v2;
	_ =	sdelay $0x1  }
0x75a: {  	v3 =	vsub.f32 $1.500000000e+00, v3;
	_ =	sdelay $0x1  }
0x75b: {  	v2 =	vmul.f32 v3, v2;
	_ =	sdelay $0x1  }
0x75c: {  	v2 =	vmul.f32 v2, v1  }
0x75d: {  	vm14 =	vgt.f32 v1, $0.0e+00  }
0x75e: {  	v1 =	vnsel vm14, $0x0, v2  }
0x75f: {  	[tilespmem:s26+$0x16848] =	vst v1  }
0x760: {  	v1 =	vld [tilespmem:$0x166D8];
	_ =	sdelay $0x4  }
0x761: {  	v2 =	vshra.s32 v1, $0x1;
	v3 =	vmul.f32 $5.000000000e-01, v1  }
0x762: {  	v2 =	vsub.s32 $0x5F3759DF, v2  }
0x763: {  	v63 =	vmul.f32 v2, v3;
	_ =	sdelay $0x1  }
0x764: {  	v4 =	vmul.f32 v2, v63;
	_ =	sdelay $0x1  }
0x765: {  	v4 =	vsub.f32 $1.500000000e+00, v4;
	_ =	sdelay $0x1  }
0x766: {  	v2 =	vmul.f32 v2, v4;
	_ =	sdelay $0x1  }
0x767: {  	v4 =	vmul.f32 v2, v3;
	_ =	sdelay $0x1  }
0x768: {  	v4 =	vmul.f32 v4, v2;
	_ =	sdelay $0x1  }
0x769: {  	v4 =	vsub.f32 $1.500000000e+00, v4;
	_ =	sdelay $0x1  }
0x76a: {  	v2 =	vmul.f32 v4, v2;
	_ =	sdelay $0x1  }
0x76b: {  	v3 =	vmul.f32 v2, v3;
	_ =	sdelay $0x1  }
0x76c: {  	v3 =	vmul.f32 v3, v2;
	_ =	sdelay $0x1  }
0x76d: {  	v3 =	vsub.f32 $1.500000000e+00, v3  }
0x76e: {  	s20 =	sadd.s32 $0x1, s20  }
0x76f: {  	p0 =	sne.s32 s20, $0x20;
	v2 =	vmul.f32 v3, v2  }
.Ltmp4:
0x770: {  	_ = 	snop;
	(pc) =	sbr.rel @p0 .LBB2_2-.Ltmp4, $4  }
0x771: {  	v2 =	vmul.f32 v2, v1  }
0x772: {  	vm15 =	vgt.f32 v1, $0.0e+00  }
0x773: {  	v1 =	vnsel vm15, $0x0, v2  }
0x774: {  	[tilespmem:s26+$0x16858] =	vst v1  }
0x775: {  	v2 =	vld [tilespmem:$0x166F8];
	_ =	sdelay $0x3  }
0x776: {  	v1 =	vld [tilespmem:$0x166E8]  }
0x777: {  	v3 =	vld [tilespmem:$0x16708];
	v6 =	vshra.s32 v2, $0x1;
	v7 =	vmul.f32 $5.000000000e-01, v2  }
0x778: {  	v15 =	vld [tilespmem:$0x16738];
	v6 =	vsub.s32 $0x5F3759DF, v6  }
0x779: {  	v9 =	vmul.f32 v6, v7  }
0x77a: {  	v16 =	vld [tilespmem:$0x16748]  }
0x77b: {  	v4 =	vshra.s32 v1, $0x1;
	v9 =	vmul.f32 v6, v9  }
0x77c: {  	v5 =	vmul.f32 $5.000000000e-01, v1;
	v10 =	vshra.s32 v3, $0x1;
	v11 =	vmul.f32 $5.000000000e-01, v3  }
0x77d: {  	v17 =	vshra.s32 v15, $0x1;
	v4 =	vsub.s32 $0x5F3759DF, v4;
	v9 =	vsub.f32 $1.500000000e+00, v9  }
0x77e: {  	v18 =	vmul.f32 $5.000000000e-01, v15;
	v10 =	vsub.s32 $0x5F3759DF, v10;
	v8 =	vmul.f32 v4, v5  }
0x77f: {  	v19 =	vshra.s32 v16, $0x1;
	v12 =	vmul.f32 v10, v11;
	v6 =	vmul.f32 v6, v9  }
0x780: {  	v20 =	vmul.f32 $5.000000000e-01, v16;
	v17 =	vsub.s32 $0x5F3759DF, v17;
	v8 =	vmul.f32 v4, v8  }
0x781: {  	v19 =	vsub.s32 $0x5F3759DF, v19;
	v12 =	vmul.f32 v10, v12;
	v26 =	vmul.f32 v6, v7  }
0x782: {  	v28 =	vld [tilespmem:$0x16718];
	v22 =	vmul.f32 v17, v18;
	v23 =	vmul.f32 v19, v20  }
0x783: {  	v14 =	vld [tilespmem:$0x16728];
	v8 =	vsub.f32 $1.500000000e+00, v8;
	v24 =	vsub.f32 $1.500000000e+00, v12;
	v27 =	vmul.f32 v26, v6  }
0x784: {  	v22 =	vmul.f32 v17, v22;
	v23 =	vmul.f32 v19, v23  }
0x785: {  	v4 =	vmul.f32 v4, v8;
	v8 =	vmul.f32 v10, v24;
	v10 =	vsub.f32 $1.500000000e+00, v27  }
0x786: {  	v38 =	vsub.f32 $1.500000000e+00, v22  }
0x787: {  	v35 =	vld [tilespmem:$0x16758];
	v31 =	vmul.f32 $5.000000000e-01, v28;
	v23 =	vsub.f32 $1.500000000e+00, v23;
	v6 =	vmul.f32 v10, v6  }
0x788: {  	v36 =	vmul.f32 $5.000000000e-01, v14;
	v40 =	vmul.f32 v17, v38  }
0x789: {  	v19 =	vmul.f32 v19, v23;
	v7 =	vmul.f32 v6, v7  }
0x78a: {  	v30 =	vshra.s32 v28, $0x1;
	v25 =	vmul.f32 v4, v5;
	v13 =	vmul.f32 v8, v11  }
0x78b: {  	v34 =	vshra.s32 v14, $0x1;
	v44 =	vmul.f32 v40, v18;
	v7 =	vmul.f32 v7, v6  }
0x78c: {  	v24 =	vshra.s32 v35, $0x1;
	v45 =	vmul.f32 v19, v20;
	v9 =	vmul.f32 v25, v4  }
0x78d: {  	v13 =	vmul.f32 v13, v8;
	v25 =	vmul.f32 $5.000000000e-01, v35;
	v7 =	vsub.f32 $1.500000000e+00, v7  }
0x78e: {  	v23 =	vmul.f32 v44, v40;
	v9 =	vsub.f32 $1.500000000e+00, v9;
	v10 =	vsub.s32 $0x5F3759DF, v30  }
0x78f: {  	v32 =	vmul.f32 v10, v31;
	v33 =	vmul.f32 v7, v6;
	v6 =	vsub.s32 $0x5F3759DF, v34  }
0x790: {  	v24 =	vsub.s32 $0x5F3759DF, v24;
	v46 =	vmul.f32 v45, v19;
	v21 =	vmul.f32 v6, v36  }
0x791: {  	v29 =	vsub.f32 $1.500000000e+00, v13;
	v4 =	vmul.f32 v9, v4;
	v9 =	vmul.f32 v10, v32  }
0x792: {  	v26 =	vmul.f32 v24, v25;
	v49 =	vsub.f32 $1.500000000e+00, v23;
	v21 =	vmul.f32 v6, v21  }
0x793: {  	v50 =	vsub.f32 $1.500000000e+00, v46;
	v8 =	vmul.f32 v29, v8;
	v9 =	vsub.f32 $1.500000000e+00, v9  }
0x794: {  	v26 =	vmul.f32 v24, v26;
	v52 =	vmul.f32 v49, v40;
	v37 =	vsub.f32 $1.500000000e+00, v21  }
0x795: {  	v53 =	vmul.f32 v50, v19;
	v9 =	vmul.f32 v10, v9  }
0x796: {  	v5 =	vmul.f32 v4, v5;
	v6 =	vmul.f32 v6, v37  }
0x797: {  	v11 =	vmul.f32 v8, v11;
	v42 =	vsub.f32 $1.500000000e+00, v26;
	v39 =	vmul.f32 v9, v31  }
0x798: {  	v5 =	vmul.f32 v5, v4;
	v43 =	vmul.f32 v6, v36  }
0x799: {  	vm0 =	vgt.f32 v1, $0.0e+00;
	v41 =	vmul.f32 v39, v9;
	v21 =	vmul.f32 v24, v42  }
0x79a: {  	v55 =	vmul.f32 v52, v18;
	v5 =	vsub.f32 $1.500000000e+00, v5;
	v22 =	vmul.f32 v43, v6  }
0x79b: {  	v56 =	vmul.f32 v53, v20;
	v17 =	vsub.f32 $1.500000000e+00, v41;
	v47 =	vmul.f32 v21, v25  }
0x79c: {  	v11 =	vmul.f32 v11, v8;
	v4 =	vmul.f32 v5, v4;
	v48 =	vsub.f32 $1.500000000e+00, v22  }
0x79d: {  	vm9 =	vgt.f32 v2, $0.0e+00;
	v9 =	vmul.f32 v17, v9;
	v51 =	vmul.f32 v47, v21  }
0x79e: {  	vm10 =	vgt.f32 v3, $0.0e+00;
	v4 =	vmul.f32 v4, v1;
	v1 =	vmul.f32 v48, v6  }
0x79f: {  	v58 =	vmul.f32 v56, v53;
	v13 =	vmul.f32 v9, v31;
	v54 =	vsub.f32 $1.500000000e+00, v51  }
0x7a0: {  	v11 =	vsub.f32 $1.500000000e+00, v11;
	v5 =	vmul.f32 v33, v2;
	v10 =	vmul.f32 v1, v36  }
0x7a1: {  	vm11 =	vgt.f32 v28, $0.0e+00;
	v13 =	vmul.f32 v13, v9;
	v2 =	vmul.f32 v54, v21  }
0x7a2: {  	vm12 =	vgt.f32 v14, $0.0e+00;
	v8 =	vmul.f32 v11, v8;
	v10 =	vmul.f32 v10, v1  }
0x7a3: {  	v17 =	vmul.f32 v55, v52;
	v13 =	vsub.f32 $1.500000000e+00, v13;
	v57 =	vmul.f32 v2, v25  }
0x7a4: {  	v8 =	vmul.f32 v8, v3;
	v4 =	vnsel vm0, $0x0, v4;
	v10 =	vsub.f32 $1.500000000e+00, v10  }
0x7a5: {  	v59 =	vsub.f32 $1.500000000e+00, v17;
	v3 =	vmul.f32 v13, v9;
	v60 =	vmul.f32 v57, v2  }
0x7a6: {  	v5 =	vnsel vm9, $0x0, v5;
	v9 =	vsub.f32 $1.500000000e+00, v58;
	v1 =	vmul.f32 v10, v1  }
0x7a7: {  	[tilespmem:$0x16768] =	vst v4;
	v61 =	vmul.f32 v59, v52;
	v3 =	vmul.f32 v3, v28;
	v62 =	vsub.f32 $1.500000000e+00, v60  }
0x7a8: {  	v8 =	vnsel vm10, $0x0, v8;
	[tilespmem:$0x16778] =	vst v5;
	v63 =	vmul.f32 v9, v53;
	v1 =	vmul.f32 v1, v14  }
0x7a9: {  	[tilespmem:$0x16788] =	vst v8;
	v4 =	vmul.f32 v61, v15;
	v3 =	vnsel vm11, $0x0, v3;
	v2 =	vmul.f32 v62, v2  }
0x7aa: {  	vm13 =	vgt.f32 v15, $0.0e+00;
	[tilespmem:$0x16798] =	vst v3;
	v3 =	vmul.f32 v63, v16;
	v1 =	vnsel vm12, $0x0, v1  }
0x7ab: {  	vm14 =	vgt.f32 v16, $0.0e+00;
	v2 =	vmul.f32 v2, v35;
	[tilespmem:$0x167A8] =	vst v1;
	v1 =	vnsel vm13, $0x0, v4  }
0x7ac: {  	vm15 =	vgt.f32 v35, $0.0e+00;
	[tilespmem:$0x167B8] =	vst v1;
	v1 =	vnsel vm14, $0x0, v3  }
0x7ad: {  	[tilespmem:$0x167C8] =	vst v1;
	v1 =	vnsel vm15, $0x0, v2  }
0x7ae: {  	s2 =	simm.s32 $0x16768;
	[tilespmem:$0x167D8] =	vst v1  }
0x7af: {  	[hbm4b:s11+s3] =	stream.linear.scatter [tilespmem:s2], [sflag:$0x4], $0x80, $0x38;
	[tilespmem:$0x187E8] =	vst v63  }
0x7b0: {  	s18 =	sadd.s32 $0x1, s18;
	_ =	swait.ge [sflag:s14], $0x80  }
0x7b1: {  	p0 =	sne.s32 s18, s13;
	[sflag:s14] =	ssyncset.done $0x0  }
.Ltmp5:
0x7b2: {  	[sflag:s14] =	ssyncadd.s32 $0xFFFFFF80;
	(pc) =	sbr.rel @p0 .LBB2_1-.Ltmp5, $4  }
0x7b3: {  	[hbm4b:s12+s3] =	stream.linear.scatter [tilespmem:s1], [sflag:$0x4], $0x2000, $0x38;
	[tilespmem:$0x187E8] =	vst v63  }
0x7b4: {  	_ =	swait.ge [sflag:s14], $0x2000  }
0x7b5: {  	[sflag:s14] =	ssyncset.done $0x0  }
0x7b6: {  	[sflag:s14] =	ssyncadd.s32 $0xFFFFE000  }
0x7b7: {  	_ =	sfence.sel $0x180000  }
0x7b8: {  	[bflag:$0x0] =	sbarrier.arrive $0xFFFF  }
0x7b9: {  	_ =	strace $0x90000047  }
0x7ba: {  	s0 =	stileid.u32;
	[bflag:$0x2] =	sbarrier.arrive $0xFFFF  }
0x7bb: {  	p0 =	sne.s32 s0, $0x0;
	s0 =	rddreg [dreg:$0x9]  }
0x7bc: {  	s0 =	sadd.s32 @!p0 $0x100000, s0  }
0x7bd: {  	[sflag:s0] =	ssyncadd.tile.s32 @!p0 $0x1;
	_ =	shalt  }
.Lfunc_end2:
_tile_overlayer_lowered:
.L_overlay_start_2:
0x7be: {  	(tag) =	ssettag $0x2  }
0x7bf: {  	s0 =	rddreg [dreg:$0x0];
	s2 =	stileid.u32  }
0x7c0: {  	s1 =	rddreg [dreg:$0x1];
	p0 =	sne.s32 s2, $0x0  }
0x7c1: {  	s3 =	rddreg [dreg:$0x2];
	[bflag:$0x3] =	sbarrier.arrive $0xFFFF;
	s2 =	simm.s32 @!p0 $0x1C04  }
0x7c2: {  	[timem:s3], [sflag:s2] =	dma.local @!p0 [hbm:s0], s1  }
0x7c3: {  	s0 =	simm.s32 @!p0 $0x4  }
0x7c4: {  	_ =	swait.ge @!p0 [sflag:s0], s1  }
0x7c5: {  	s1 =	ssub.s32 @!p0 $0x0, s1;
	[sflag:s0] =	ssyncset.done @!p0 $0x0  }
0x7c6: {  	[sflag:s0] =	ssyncadd.s32 @!p0 s1  }
0x7c7: {  	[bflag:$0x3] =	sbarrier.arrive $0xFFFF  }
0x7c8: {  	_ =	shalt  }

</sc_bundles>
